<compile_context>
chip_gen: v7x
topology: tpu7x:2x2x1
jax: 0.10.2.dev20260603
libtpu: 0.0.44.dev20260713+nightly
codegen_flags: <defaults>
</compile_context>

<pallas_src>
import functools

import jax
import jax.numpy as jnp
from jax import lax
from jax.experimental import pallas as pl
from jax.experimental.pallas import tpu as pltpu
from jax.experimental.pallas import tpu_sc as plsc

VOCAB = 1000000
EMBED = 64
B = 16384
C = 4
K = 20

NC = 2
NS = 16
NW = NC * NS
BPW = B // NW
CH = 64
NCHUNK = BPW // CH
NQ = 4
GMAX = 128
GI = 4


def _sc_body(tgt_hbm, ctx_hbm, noi_hbm, ein_hbm, eout_hbm,
             pos_hbm, neg_hbm,
             tgt_idx, ctx_idx, noi_idx,
             tgt_rows, ctx_rows, noi_rows,
             pos_all, neg_all, sem):
    wid = lax.axis_index("s") * NC + lax.axis_index("c")
    base = wid * BPW
    lanes = lax.iota(jnp.int32, 16)

    def chunk_body(g, _):
        cb = base + g * CH
        ob = g * CH

        pltpu.sync_copy(tgt_hbm.at[pl.ds(cb, CH)], tgt_idx)
        pltpu.sync_copy(ctx_hbm.at[pl.ds(cb * C, CH * C)], ctx_idx)
        pltpu.sync_copy(noi_hbm.at[pl.ds(cb * K, CH * K)], noi_idx)

        cps = []
        for q in range(0, CH, GMAX):
            n = min(GMAX, CH - q)
            cps.append(pltpu.async_copy(
                ein_hbm.at[tgt_idx.at[pl.ds(q, n)]],
                tgt_rows.at[pl.ds(q, n)], sem))
        for q in range(0, CH * C, GMAX):
            n = min(GMAX, CH * C - q)
            cps.append(pltpu.async_copy(
                eout_hbm.at[ctx_idx.at[pl.ds(q, n)]],
                ctx_rows.at[pl.ds(q, n)], sem))
        for q in range(0, CH * K, GMAX):
            n = min(GMAX, CH * K - q)
            cps.append(pltpu.async_copy(
                eout_hbm.at[noi_idx.at[pl.ds(q, n)]],
                noi_rows.at[pl.ds(q, n)], sem))
        for cp in cps:
            cp.wait()

        def group_body(g4, _):
            i0 = g4 * GI
            t = [[tgt_rows[i0 + ii, pl.ds(16 * q, 16)] for q in range(NQ)]
                 for ii in range(GI)]

            def score(rows_ref, rowbase, r, per_item):
                it = r // per_item
                rw = rowbase + r
                rv = [rows_ref[rw, pl.ds(16 * q, 16)] for q in range(NQ)]
                p = (t[it][0] * rv[0] + t[it][1] * rv[1]) + \
                    (t[it][2] * rv[2] + t[it][3] * rv[3])
                return jnp.full((16,), jnp.sum(p), jnp.float32)

            acc = jnp.zeros((16,), jnp.float32)
            for r in range(GI * C):
                acc = jnp.where(lanes == r, score(ctx_rows, i0 * C, r, C), acc)
            pos_all[pl.ds((ob + i0) * C, 16)] = acc

            for a in range(GI * K // 16):
                acc = jnp.zeros((16,), jnp.float32)
                for rr in range(16):
                    r = a * 16 + rr
                    acc = jnp.where(lanes == rr,
                                    score(noi_rows, i0 * K, r, K), acc)
                neg_all[pl.ds((ob + i0) * K + a * 16, 16)] = acc
            return 0

        lax.fori_loop(0, CH // GI, group_body, 0)
        return 0

    lax.fori_loop(0, NCHUNK, chunk_body, 0)

    pltpu.sync_copy(pos_all, pos_hbm.at[pl.ds(base * C, BPW * C)])
    pltpu.sync_copy(neg_all, neg_hbm.at[pl.ds(base * K, BPW * K)])


@jax.jit
def _sc_call(tgt, ctx_flat, noi_flat, ein, eout):
    mesh = plsc.VectorSubcoreMesh(core_axis_name="c", subcore_axis_name="s")
    kfn = functools.partial(
        pl.kernel,
        mesh=mesh,
        compiler_params=pltpu.CompilerParams(
            needs_layout_passes=False, use_tc_tiling_on_sc=False),
        out_type=(
            jax.ShapeDtypeStruct((B * C,), jnp.float32),
            jax.ShapeDtypeStruct((B * K,), jnp.float32),
        ),
        scratch_types=[
            pltpu.VMEM((CH,), jnp.int32),
            pltpu.VMEM((CH * C,), jnp.int32),
            pltpu.VMEM((CH * K,), jnp.int32),
            pltpu.VMEM((CH, EMBED), jnp.float32),
            pltpu.VMEM((CH * C, EMBED), jnp.float32),
            pltpu.VMEM((CH * K, EMBED), jnp.float32),
            pltpu.VMEM((BPW * C,), jnp.float32),
            pltpu.VMEM((BPW * K,), jnp.float32),
            pltpu.SemaphoreType.DMA,
        ],
    )(_sc_body)
    return kfn(tgt, ctx_flat, noi_flat, ein, eout)


def kernel(target, context, noise, emb_in, emb_out):
    tgt = target.astype(jnp.int32)
    ctx_flat = context.astype(jnp.int32).reshape(-1)
    noi_flat = noise.astype(jnp.int32).reshape(-1)
    pos_flat, neg_flat = _sc_call(tgt, ctx_flat, noi_flat, emb_in, emb_out)
    return pos_flat.reshape(B, C), neg_flat.reshape(B, K)

# --- scband reference (transcript-rebuilt; emitter-appended) ---
"""Pipeline reference for scband-skip-gram-embeddings-63797444215624 (READ-ONLY COPY).

The authoritative reference and input builder live on the scoring server;
editing this copy changes nothing except your own understanding.
"""

import jax, jax.numpy as jnp
import numpy as np

VOCAB = 1000000
EMBED = 64
B = 16384
C = 4
K = 20

def setup_inputs(seed: int = 0) -> dict:
    key = jax.random.key(seed)
    k1, k2, k3, k4, k5 = jax.random.split(key, 5)
    target = jax.random.randint(k1, (B,), 0, VOCAB, dtype=jnp.int64 if jax.config.jax_enable_x64 else jnp.int32)
    context = jax.random.randint(k2, (B, C), 0, VOCAB, dtype=jnp.int64 if jax.config.jax_enable_x64 else jnp.int32)
    noise = jax.random.randint(k3, (B, K), 0, VOCAB, dtype=jnp.int64 if jax.config.jax_enable_x64 else jnp.int32)
    emb_in = jax.random.normal(k4, (VOCAB, EMBED), dtype=jnp.float32)
    emb_out = jax.random.normal(k5, (VOCAB, EMBED), dtype=jnp.float32)
    return {"target": target, "context": context, "noise": noise, "emb_in": emb_in, "emb_out": emb_out}

def reference(target, context, noise, emb_in, emb_out):
    # emb_target: [B, 1, d]
    emb_target = jnp.take(emb_in, target, axis=0)[:, None, :]
    # emb_context: [B, C, d]; emb_noise: [B, K, d]
    emb_context = jnp.take(emb_out, context, axis=0)
    emb_noise = jnp.take(emb_out, noise, axis=0)
    pos_scores = jnp.sum(emb_target * emb_context, axis=2)
    neg_scores = jnp.sum(emb_target * emb_noise, axis=2)
    return (pos_scores, neg_scores)

if __name__ == "__main__":
    import jax
    _d = setup_inputs()
    print(jax.jit(kernel)(*tuple(_d.values())))

</pallas_src>

<mosaic_0001>
#map = affine_map<(d0, d1) -> (0)>
#map1 = affine_map<(d0, d1) -> (0, 0)>
module attributes {stable_mosaic.version = 14 : i64} {
  func.func @_sc_body(%arg0: i32, %arg1: i32, %arg2: memref<16384xi32, #tpu.memory_space<hbm>>, %arg3: memref<65536xi32, #tpu.memory_space<hbm>>, %arg4: memref<327680xi32, #tpu.memory_space<hbm>>, %arg5: memref<1000000x64xf32, #tpu.memory_space<hbm>>, %arg6: memref<1000000x64xf32, #tpu.memory_space<hbm>>, %arg7: memref<65536xf32, #tpu.memory_space<hbm>>, %arg8: memref<327680xf32, #tpu.memory_space<hbm>>, %arg9: memref<64xi32, #tpu.memory_space<vmem>>, %arg10: memref<256xi32, #tpu.memory_space<vmem>>, %arg11: memref<1280xi32, #tpu.memory_space<vmem>>, %arg12: memref<64x64xf32, #tpu.memory_space<vmem>>, %arg13: memref<256x64xf32, #tpu.memory_space<vmem>>, %arg14: memref<1280x64xf32, #tpu.memory_space<vmem>>, %arg15: memref<2048xf32, #tpu.memory_space<vmem>>, %arg16: memref<10240xf32, #tpu.memory_space<vmem>>, %arg17: memref<!tpu.dma_semaphore, #tpu.memory_space<semaphore_mem>>) attributes {dimension_semantics = [#tpu.dimension_semantics<core_parallel>, #tpu.dimension_semantics<subcore_parallel>], iteration_bounds = array<i64: 2, 16>, scalar_prefetch = 0 : i64, scratch_operands = 9 : i64, tpu.core_type = #tpu.core_type<sc_vector_subcore>, window_params = [{transform_indices = #map}, {transform_indices = #map}, {transform_indices = #map}, {transform_indices = #map1}, {transform_indices = #map1}, {transform_indices = #map}, {transform_indices = #map}]} {
    %mul3A = arith.constant 2 : i32
    %mul3A_0 = arith.muli %arg1, %mul3A : i32
    %add3A = arith.addi %mul3A_0, %arg0 : i32
    %mul3A_1 = arith.constant 512 : i32
    %mul3A_2 = arith.muli %add3A, %mul3A_1 : i32
    %iota3A = tpu.iota {dimensions = array<i32: 0>} : vector<16xi32>
    %scan3A = arith.constant 0 : i32
    %scan3A_3 = arith.constant 0 : i32
    %scan3A_4 = arith.constant 8 : i32
    %scan3A_5 = arith.addi %scan3A_3, %scan3A_4 : i32
    %scan3A_6 = arith.constant 1 : i32
    %scan3A_7 = scf.for %scan3A_13 = %scan3A_3 to %scan3A_5 step %scan3A_6 iter_args(%scan3A_14 = %scan3A) -> (i32)  : i32 {
      %mul3A_15 = arith.constant 64 : i32
      %mul3A_16 = arith.muli %scan3A_13, %mul3A_15 : i32
      %add3A_17 = arith.addi %mul3A_2, %mul3A_16 : i32
      %mul3A_18 = arith.constant 64 : i32
      %mul3A_19 = arith.muli %scan3A_13, %mul3A_18 : i32
      "tpu.region"() ({
        %run_scoped3A = tpu.sem_alloc : memref<!tpu.dma_semaphore, #tpu.memory_space<semaphore_mem>>
        %dma_start3A_238 = tpu.memref_slice %arg2[%add3A_17] : memref<16384xi32, #tpu.memory_space<hbm>> -> memref<64xi32, #tpu.memory_space<hbm>>
        %dma_start3A_239 = tpu.memref_slice %arg2[%add3A_17] : memref<16384xi32, #tpu.memory_space<hbm>> -> memref<64xi32, #tpu.memory_space<hbm>>
        tpu.enqueue_dma source(%dma_start3A_239 : memref<64xi32, #tpu.memory_space<hbm>>) target(%arg9 : memref<64xi32, #tpu.memory_space<vmem>>) target_semaphore(%run_scoped3A : memref<!tpu.dma_semaphore, #tpu.memory_space<semaphore_mem>>)
        %dma_wait3A_240 = tpu.memref_slice %arg2[%add3A_17] : memref<16384xi32, #tpu.memory_space<hbm>> -> memref<64xi32, #tpu.memory_space<hbm>>
        %dma_wait3A_241 = tpu.memref_slice %arg2[%add3A_17] : memref<16384xi32, #tpu.memory_space<hbm>> -> memref<64xi32, #tpu.memory_space<hbm>>
        tpu.wait_dma2 semaphore(%run_scoped3A : memref<!tpu.dma_semaphore, #tpu.memory_space<semaphore_mem>>) src(%dma_wait3A_241 : memref<64xi32, #tpu.memory_space<hbm>>) dst(%arg9 : memref<64xi32, #tpu.memory_space<vmem>>)
        tpu.yield
      }) : () -> ()
      %mul3A_20 = arith.constant 4 : i32
      %mul3A_21 = arith.muli %add3A_17, %mul3A_20 : i32
      "tpu.region"() ({
        %run_scoped3A = tpu.sem_alloc : memref<!tpu.dma_semaphore, #tpu.memory_space<semaphore_mem>>
        %dma_start3A_238 = tpu.memref_slice %arg3[%mul3A_21] : memref<65536xi32, #tpu.memory_space<hbm>> -> memref<256xi32, #tpu.memory_space<hbm>>
        %dma_start3A_239 = tpu.memref_slice %arg3[%mul3A_21] : memref<65536xi32, #tpu.memory_space<hbm>> -> memref<256xi32, #tpu.memory_space<hbm>>
        tpu.enqueue_dma source(%dma_start3A_239 : memref<256xi32, #tpu.memory_space<hbm>>) target(%arg10 : memref<256xi32, #tpu.memory_space<vmem>>) target_semaphore(%run_scoped3A : memref<!tpu.dma_semaphore, #tpu.memory_space<semaphore_mem>>)
        %dma_wait3A_240 = tpu.memref_slice %arg3[%mul3A_21] : memref<65536xi32, #tpu.memory_space<hbm>> -> memref<256xi32, #tpu.memory_space<hbm>>
        %dma_wait3A_241 = tpu.memref_slice %arg3[%mul3A_21] : memref<65536xi32, #tpu.memory_space<hbm>> -> memref<256xi32, #tpu.memory_space<hbm>>
        tpu.wait_dma2 semaphore(%run_scoped3A : memref<!tpu.dma_semaphore, #tpu.memory_space<semaphore_mem>>) src(%dma_wait3A_241 : memref<256xi32, #tpu.memory_space<hbm>>) dst(%arg10 : memref<256xi32, #tpu.memory_space<vmem>>)
        tpu.yield
      }) : () -> ()
      %mul3A_22 = arith.constant 20 : i32
      %mul3A_23 = arith.muli %add3A_17, %mul3A_22 : i32
      "tpu.region"() ({
        %run_scoped3A = tpu.sem_alloc : memref<!tpu.dma_semaphore, #tpu.memory_space<semaphore_mem>>
        %dma_start3A_238 = tpu.memref_slice %arg4[%mul3A_23] : memref<327680xi32, #tpu.memory_space<hbm>> -> memref<1280xi32, #tpu.memory_space<hbm>>
        %dma_start3A_239 = tpu.memref_slice %arg4[%mul3A_23] : memref<327680xi32, #tpu.memory_space<hbm>> -> memref<1280xi32, #tpu.memory_space<hbm>>
        tpu.enqueue_dma source(%dma_start3A_239 : memref<1280xi32, #tpu.memory_space<hbm>>) target(%arg11 : memref<1280xi32, #tpu.memory_space<vmem>>) target_semaphore(%run_scoped3A : memref<!tpu.dma_semaphore, #tpu.memory_space<semaphore_mem>>)
        %dma_wait3A_240 = tpu.memref_slice %arg4[%mul3A_23] : memref<327680xi32, #tpu.memory_space<hbm>> -> memref<1280xi32, #tpu.memory_space<hbm>>
        %dma_wait3A_241 = tpu.memref_slice %arg4[%mul3A_23] : memref<327680xi32, #tpu.memory_space<hbm>> -> memref<1280xi32, #tpu.memory_space<hbm>>
        tpu.wait_dma2 semaphore(%run_scoped3A : memref<!tpu.dma_semaphore, #tpu.memory_space<semaphore_mem>>) src(%dma_wait3A_241 : memref<1280xi32, #tpu.memory_space<hbm>>) dst(%arg11 : memref<1280xi32, #tpu.memory_space<vmem>>)
        tpu.yield
      }) : () -> ()
      %dma_start3A = arith.constant 0 : i32
      %dma_start3A_24 = arith.constant 0 : i32
      %dma_start3A_25 = tpu.memref_slice %arg12[%dma_start3A, %dma_start3A_24] : memref<64x64xf32, #tpu.memory_space<vmem>> -> memref<64x64xf32, #tpu.memory_space<vmem>>
      %dma_start3A_26 = arith.constant 0 : i32
      %dma_start3A_27 = tpu.memref_slice %arg9[%dma_start3A_26] : memref<64xi32, #tpu.memory_space<vmem>> -> memref<64xi32, #tpu.memory_space<vmem>>
      %dma_start3A_28 = arith.constant 0 : i32
      %dma_start3A_29 = arith.constant 0 : i32
      %dma_start3A_30 = tpu.memref_slice %arg5[%dma_start3A_28, %dma_start3A_29] : memref<1000000x64xf32, #tpu.memory_space<hbm>> -> memref<1000000x64xf32, #tpu.memory_space<hbm>>
      tpu.enqueue_indirect_dma source(%dma_start3A_30 : memref<1000000x64xf32, #tpu.memory_space<hbm>>) target(%dma_start3A_25 : memref<64x64xf32, #tpu.memory_space<vmem>>) offsets(%dma_start3A_27 : memref<64xi32, #tpu.memory_space<vmem>>) semaphore(%arg17 : memref<!tpu.dma_semaphore, #tpu.memory_space<semaphore_mem>>)
      %dma_start3A_31 = arith.constant 0 : i32
      %dma_start3A_32 = arith.constant 0 : i32
      %dma_start3A_33 = tpu.memref_slice %arg13[%dma_start3A_31, %dma_start3A_32] : memref<256x64xf32, #tpu.memory_space<vmem>> -> memref<128x64xf32, #tpu.memory_space<vmem>>
      %dma_start3A_34 = arith.constant 0 : i32
      %dma_start3A_35 = tpu.memref_slice %arg10[%dma_start3A_34] : memref<256xi32, #tpu.memory_space<vmem>> -> memref<128xi32, #tpu.memory_space<vmem>>
      %dma_start3A_36 = arith.constant 0 : i32
      %dma_start3A_37 = arith.constant 0 : i32
      %dma_start3A_38 = tpu.memref_slice %arg6[%dma_start3A_36, %dma_start3A_37] : memref<1000000x64xf32, #tpu.memory_space<hbm>> -> memref<1000000x64xf32, #tpu.memory_space<hbm>>
      tpu.enqueue_indirect_dma source(%dma_start3A_38 : memref<1000000x64xf32, #tpu.memory_space<hbm>>) target(%dma_start3A_33 : memref<128x64xf32, #tpu.memory_space<vmem>>) offsets(%dma_start3A_35 : memref<128xi32, #tpu.memory_space<vmem>>) semaphore(%arg17 : memref<!tpu.dma_semaphore, #tpu.memory_space<semaphore_mem>>)
      %dma_start3A_39 = arith.constant 128 : i32
      %dma_start3A_40 = arith.constant 0 : i32
      %dma_start3A_41 = tpu.memref_slice %arg13[%dma_start3A_39, %dma_start3A_40] : memref<256x64xf32, #tpu.memory_space<vmem>> -> memref<128x64xf32, #tpu.memory_space<vmem>>
      %dma_start3A_42 = arith.constant 128 : i32
      %dma_start3A_43 = tpu.memref_slice %arg10[%dma_start3A_42] : memref<256xi32, #tpu.memory_space<vmem>> -> memref<128xi32, #tpu.memory_space<vmem>>
      %dma_start3A_44 = arith.constant 0 : i32
      %dma_start3A_45 = arith.constant 0 : i32
      %dma_start3A_46 = tpu.memref_slice %arg6[%dma_start3A_44, %dma_start3A_45] : memref<1000000x64xf32, #tpu.memory_space<hbm>> -> memref<1000000x64xf32, #tpu.memory_space<hbm>>
      tpu.enqueue_indirect_dma source(%dma_start3A_46 : memref<1000000x64xf32, #tpu.memory_space<hbm>>) target(%dma_start3A_41 : memref<128x64xf32, #tpu.memory_space<vmem>>) offsets(%dma_start3A_43 : memref<128xi32, #tpu.memory_space<vmem>>) semaphore(%arg17 : memref<!tpu.dma_semaphore, #tpu.memory_space<semaphore_mem>>)
      %dma_start3A_47 = arith.constant 0 : i32
      %dma_start3A_48 = arith.constant 0 : i32
      %dma_start3A_49 = tpu.memref_slice %arg14[%dma_start3A_47, %dma_start3A_48] : memref<1280x64xf32, #tpu.memory_space<vmem>> -> memref<128x64xf32, #tpu.memory_space<vmem>>
      %dma_start3A_50 = arith.constant 0 : i32
      %dma_start3A_51 = tpu.memref_slice %arg11[%dma_start3A_50] : memref<1280xi32, #tpu.memory_space<vmem>> -> memref<128xi32, #tpu.memory_space<vmem>>
      %dma_start3A_52 = arith.constant 0 : i32
      %dma_start3A_53 = arith.constant 0 : i32
      %dma_start3A_54 = tpu.memref_slice %arg6[%dma_start3A_52, %dma_start3A_53] : memref<1000000x64xf32, #tpu.memory_space<hbm>> -> memref<1000000x64xf32, #tpu.memory_space<hbm>>
      tpu.enqueue_indirect_dma source(%dma_start3A_54 : memref<1000000x64xf32, #tpu.memory_space<hbm>>) target(%dma_start3A_49 : memref<128x64xf32, #tpu.memory_space<vmem>>) offsets(%dma_start3A_51 : memref<128xi32, #tpu.memory_space<vmem>>) semaphore(%arg17 : memref<!tpu.dma_semaphore, #tpu.memory_space<semaphore_mem>>)
      %dma_start3A_55 = arith.constant 128 : i32
      %dma_start3A_56 = arith.constant 0 : i32
      %dma_start3A_57 = tpu.memref_slice %arg14[%dma_start3A_55, %dma_start3A_56] : memref<1280x64xf32, #tpu.memory_space<vmem>> -> memref<128x64xf32, #tpu.memory_space<vmem>>
      %dma_start3A_58 = arith.constant 128 : i32
      %dma_start3A_59 = tpu.memref_slice %arg11[%dma_start3A_58] : memref<1280xi32, #tpu.memory_space<vmem>> -> memref<128xi32, #tpu.memory_space<vmem>>
      %dma_start3A_60 = arith.constant 0 : i32
      %dma_start3A_61 = arith.constant 0 : i32
      %dma_start3A_62 = tpu.memref_slice %arg6[%dma_start3A_60, %dma_start3A_61] : memref<1000000x64xf32, #tpu.memory_space<hbm>> -> memref<1000000x64xf32, #tpu.memory_space<hbm>>
      tpu.enqueue_indirect_dma source(%dma_start3A_62 : memref<1000000x64xf32, #tpu.memory_space<hbm>>) target(%dma_start3A_57 : memref<128x64xf32, #tpu.memory_space<vmem>>) offsets(%dma_start3A_59 : memref<128xi32, #tpu.memory_space<vmem>>) semaphore(%arg17 : memref<!tpu.dma_semaphore, #tpu.memory_space<semaphore_mem>>)
      %dma_start3A_63 = arith.constant 256 : i32
      %dma_start3A_64 = arith.constant 0 : i32
      %dma_start3A_65 = tpu.memref_slice %arg14[%dma_start3A_63, %dma_start3A_64] : memref<1280x64xf32, #tpu.memory_space<vmem>> -> memref<128x64xf32, #tpu.memory_space<vmem>>
      %dma_start3A_66 = arith.constant 256 : i32
      %dma_start3A_67 = tpu.memref_slice %arg11[%dma_start3A_66] : memref<1280xi32, #tpu.memory_space<vmem>> -> memref<128xi32, #tpu.memory_space<vmem>>
      %dma_start3A_68 = arith.constant 0 : i32
      %dma_start3A_69 = arith.constant 0 : i32
      %dma_start3A_70 = tpu.memref_slice %arg6[%dma_start3A_68, %dma_start3A_69] : memref<1000000x64xf32, #tpu.memory_space<hbm>> -> memref<1000000x64xf32, #tpu.memory_space<hbm>>
      tpu.enqueue_indirect_dma source(%dma_start3A_70 : memref<1000000x64xf32, #tpu.memory_space<hbm>>) target(%dma_start3A_65 : memref<128x64xf32, #tpu.memory_space<vmem>>) offsets(%dma_start3A_67 : memref<128xi32, #tpu.memory_space<vmem>>) semaphore(%arg17 : memref<!tpu.dma_semaphore, #tpu.memory_space<semaphore_mem>>)
      %dma_start3A_71 = arith.constant 384 : i32
      %dma_start3A_72 = arith.constant 0 : i32
      %dma_start3A_73 = tpu.memref_slice %arg14[%dma_start3A_71, %dma_start3A_72] : memref<1280x64xf32, #tpu.memory_space<vmem>> -> memref<128x64xf32, #tpu.memory_space<vmem>>
      %dma_start3A_74 = arith.constant 384 : i32
      %dma_start3A_75 = tpu.memref_slice %arg11[%dma_start3A_74] : memref<1280xi32, #tpu.memory_space<vmem>> -> memref<128xi32, #tpu.memory_space<vmem>>
      %dma_start3A_76 = arith.constant 0 : i32
      %dma_start3A_77 = arith.constant 0 : i32
      %dma_start3A_78 = tpu.memref_slice %arg6[%dma_start3A_76, %dma_start3A_77] : memref<1000000x64xf32, #tpu.memory_space<hbm>> -> memref<1000000x64xf32, #tpu.memory_space<hbm>>
      tpu.enqueue_indirect_dma source(%dma_start3A_78 : memref<1000000x64xf32, #tpu.memory_space<hbm>>) target(%dma_start3A_73 : memref<128x64xf32, #tpu.memory_space<vmem>>) offsets(%dma_start3A_75 : memref<128xi32, #tpu.memory_space<vmem>>) semaphore(%arg17 : memref<!tpu.dma_semaphore, #tpu.memory_space<semaphore_mem>>)
      %dma_start3A_79 = arith.constant 512 : i32
      %dma_start3A_80 = arith.constant 0 : i32
      %dma_start3A_81 = tpu.memref_slice %arg14[%dma_start3A_79, %dma_start3A_80] : memref<1280x64xf32, #tpu.memory_space<vmem>> -> memref<128x64xf32, #tpu.memory_space<vmem>>
      %dma_start3A_82 = arith.constant 512 : i32
      %dma_start3A_83 = tpu.memref_slice %arg11[%dma_start3A_82] : memref<1280xi32, #tpu.memory_space<vmem>> -> memref<128xi32, #tpu.memory_space<vmem>>
      %dma_start3A_84 = arith.constant 0 : i32
      %dma_start3A_85 = arith.constant 0 : i32
      %dma_start3A_86 = tpu.memref_slice %arg6[%dma_start3A_84, %dma_start3A_85] : memref<1000000x64xf32, #tpu.memory_space<hbm>> -> memref<1000000x64xf32, #tpu.memory_space<hbm>>
      tpu.enqueue_indirect_dma source(%dma_start3A_86 : memref<1000000x64xf32, #tpu.memory_space<hbm>>) target(%dma_start3A_81 : memref<128x64xf32, #tpu.memory_space<vmem>>) offsets(%dma_start3A_83 : memref<128xi32, #tpu.memory_space<vmem>>) semaphore(%arg17 : memref<!tpu.dma_semaphore, #tpu.memory_space<semaphore_mem>>)
      %dma_start3A_87 = arith.constant 640 : i32
      %dma_start3A_88 = arith.constant 0 : i32
      %dma_start3A_89 = tpu.memref_slice %arg14[%dma_start3A_87, %dma_start3A_88] : memref<1280x64xf32, #tpu.memory_space<vmem>> -> memref<128x64xf32, #tpu.memory_space<vmem>>
      %dma_start3A_90 = arith.constant 640 : i32
      %dma_start3A_91 = tpu.memref_slice %arg11[%dma_start3A_90] : memref<1280xi32, #tpu.memory_space<vmem>> -> memref<128xi32, #tpu.memory_space<vmem>>
      %dma_start3A_92 = arith.constant 0 : i32
      %dma_start3A_93 = arith.constant 0 : i32
      %dma_start3A_94 = tpu.memref_slice %arg6[%dma_start3A_92, %dma_start3A_93] : memref<1000000x64xf32, #tpu.memory_space<hbm>> -> memref<1000000x64xf32, #tpu.memory_space<hbm>>
      tpu.enqueue_indirect_dma source(%dma_start3A_94 : memref<1000000x64xf32, #tpu.memory_space<hbm>>) target(%dma_start3A_89 : memref<128x64xf32, #tpu.memory_space<vmem>>) offsets(%dma_start3A_91 : memref<128xi32, #tpu.memory_space<vmem>>) semaphore(%arg17 : memref<!tpu.dma_semaphore, #tpu.memory_space<semaphore_mem>>)
      %dma_start3A_95 = arith.constant 768 : i32
      %dma_start3A_96 = arith.constant 0 : i32
      %dma_start3A_97 = tpu.memref_slice %arg14[%dma_start3A_95, %dma_start3A_96] : memref<1280x64xf32, #tpu.memory_space<vmem>> -> memref<128x64xf32, #tpu.memory_space<vmem>>
      %dma_start3A_98 = arith.constant 768 : i32
      %dma_start3A_99 = tpu.memref_slice %arg11[%dma_start3A_98] : memref<1280xi32, #tpu.memory_space<vmem>> -> memref<128xi32, #tpu.memory_space<vmem>>
      %dma_start3A_100 = arith.constant 0 : i32
      %dma_start3A_101 = arith.constant 0 : i32
      %dma_start3A_102 = tpu.memref_slice %arg6[%dma_start3A_100, %dma_start3A_101] : memref<1000000x64xf32, #tpu.memory_space<hbm>> -> memref<1000000x64xf32, #tpu.memory_space<hbm>>
      tpu.enqueue_indirect_dma source(%dma_start3A_102 : memref<1000000x64xf32, #tpu.memory_space<hbm>>) target(%dma_start3A_97 : memref<128x64xf32, #tpu.memory_space<vmem>>) offsets(%dma_start3A_99 : memref<128xi32, #tpu.memory_space<vmem>>) semaphore(%arg17 : memref<!tpu.dma_semaphore, #tpu.memory_space<semaphore_mem>>)
      %dma_start3A_103 = arith.constant 896 : i32
      %dma_start3A_104 = arith.constant 0 : i32
      %dma_start3A_105 = tpu.memref_slice %arg14[%dma_start3A_103, %dma_start3A_104] : memref<1280x64xf32, #tpu.memory_space<vmem>> -> memref<128x64xf32, #tpu.memory_space<vmem>>
      %dma_start3A_106 = arith.constant 896 : i32
      %dma_start3A_107 = tpu.memref_slice %arg11[%dma_start3A_106] : memref<1280xi32, #tpu.memory_space<vmem>> -> memref<128xi32, #tpu.memory_space<vmem>>
      %dma_start3A_108 = arith.constant 0 : i32
      %dma_start3A_109 = arith.constant 0 : i32
      %dma_start3A_110 = tpu.memref_slice %arg6[%dma_start3A_108, %dma_start3A_109] : memref<1000000x64xf32, #tpu.memory_space<hbm>> -> memref<1000000x64xf32, #tpu.memory_space<hbm>>
      tpu.enqueue_indirect_dma source(%dma_start3A_110 : memref<1000000x64xf32, #tpu.memory_space<hbm>>) target(%dma_start3A_105 : memref<128x64xf32, #tpu.memory_space<vmem>>) offsets(%dma_start3A_107 : memref<128xi32, #tpu.memory_space<vmem>>) semaphore(%arg17 : memref<!tpu.dma_semaphore, #tpu.memory_space<semaphore_mem>>)
      %dma_start3A_111 = arith.constant 1024 : i32
      %dma_start3A_112 = arith.constant 0 : i32
      %dma_start3A_113 = tpu.memref_slice %arg14[%dma_start3A_111, %dma_start3A_112] : memref<1280x64xf32, #tpu.memory_space<vmem>> -> memref<128x64xf32, #tpu.memory_space<vmem>>
      %dma_start3A_114 = arith.constant 1024 : i32
      %dma_start3A_115 = tpu.memref_slice %arg11[%dma_start3A_114] : memref<1280xi32, #tpu.memory_space<vmem>> -> memref<128xi32, #tpu.memory_space<vmem>>
      %dma_start3A_116 = arith.constant 0 : i32
      %dma_start3A_117 = arith.constant 0 : i32
      %dma_start3A_118 = tpu.memref_slice %arg6[%dma_start3A_116, %dma_start3A_117] : memref<1000000x64xf32, #tpu.memory_space<hbm>> -> memref<1000000x64xf32, #tpu.memory_space<hbm>>
      tpu.enqueue_indirect_dma source(%dma_start3A_118 : memref<1000000x64xf32, #tpu.memory_space<hbm>>) target(%dma_start3A_113 : memref<128x64xf32, #tpu.memory_space<vmem>>) offsets(%dma_start3A_115 : memref<128xi32, #tpu.memory_space<vmem>>) semaphore(%arg17 : memref<!tpu.dma_semaphore, #tpu.memory_space<semaphore_mem>>)
      %dma_start3A_119 = arith.constant 1152 : i32
      %dma_start3A_120 = arith.constant 0 : i32
      %dma_start3A_121 = tpu.memref_slice %arg14[%dma_start3A_119, %dma_start3A_120] : memref<1280x64xf32, #tpu.memory_space<vmem>> -> memref<128x64xf32, #tpu.memory_space<vmem>>
      %dma_start3A_122 = arith.constant 1152 : i32
      %dma_start3A_123 = tpu.memref_slice %arg11[%dma_start3A_122] : memref<1280xi32, #tpu.memory_space<vmem>> -> memref<128xi32, #tpu.memory_space<vmem>>
      %dma_start3A_124 = arith.constant 0 : i32
      %dma_start3A_125 = arith.constant 0 : i32
      %dma_start3A_126 = tpu.memref_slice %arg6[%dma_start3A_124, %dma_start3A_125] : memref<1000000x64xf32, #tpu.memory_space<hbm>> -> memref<1000000x64xf32, #tpu.memory_space<hbm>>
      tpu.enqueue_indirect_dma source(%dma_start3A_126 : memref<1000000x64xf32, #tpu.memory_space<hbm>>) target(%dma_start3A_121 : memref<128x64xf32, #tpu.memory_space<vmem>>) offsets(%dma_start3A_123 : memref<128xi32, #tpu.memory_space<vmem>>) semaphore(%arg17 : memref<!tpu.dma_semaphore, #tpu.memory_space<semaphore_mem>>)
      %dma_wait3A = arith.constant 0 : i32
      %dma_wait3A_127 = arith.constant 0 : i32
      %dma_wait3A_128 = tpu.memref_slice %arg12[%dma_wait3A, %dma_wait3A_127] : memref<64x64xf32, #tpu.memory_space<vmem>> -> memref<64x64xf32, #tpu.memory_space<vmem>>
      %dma_wait3A_129 = arith.constant 0 : i32
      %dma_wait3A_130 = tpu.memref_slice %arg9[%dma_wait3A_129] : memref<64xi32, #tpu.memory_space<vmem>> -> memref<64xi32, #tpu.memory_space<vmem>>
      %dma_wait3A_131 = arith.constant 0 : i32
      %dma_wait3A_132 = arith.constant 0 : i32
      %dma_wait3A_133 = tpu.memref_slice %arg5[%dma_wait3A_131, %dma_wait3A_132] : memref<1000000x64xf32, #tpu.memory_space<hbm>> -> memref<1000000x64xf32, #tpu.memory_space<hbm>>
      tpu.wait_indirect_dma semaphore(%arg17 : memref<!tpu.dma_semaphore, #tpu.memory_space<semaphore_mem>>) src(%dma_wait3A_133 : memref<1000000x64xf32, #tpu.memory_space<hbm>>) dst(%dma_wait3A_128 : memref<64x64xf32, #tpu.memory_space<vmem>>)
      %dma_wait3A_134 = arith.constant 0 : i32
      %dma_wait3A_135 = arith.constant 0 : i32
      %dma_wait3A_136 = tpu.memref_slice %arg13[%dma_wait3A_134, %dma_wait3A_135] : memref<256x64xf32, #tpu.memory_space<vmem>> -> memref<128x64xf32, #tpu.memory_space<vmem>>
      %dma_wait3A_137 = arith.constant 0 : i32
      %dma_wait3A_138 = tpu.memref_slice %arg10[%dma_wait3A_137] : memref<256xi32, #tpu.memory_space<vmem>> -> memref<128xi32, #tpu.memory_space<vmem>>
      %dma_wait3A_139 = arith.constant 0 : i32
      %dma_wait3A_140 = arith.constant 0 : i32
      %dma_wait3A_141 = tpu.memref_slice %arg6[%dma_wait3A_139, %dma_wait3A_140] : memref<1000000x64xf32, #tpu.memory_space<hbm>> -> memref<1000000x64xf32, #tpu.memory_space<hbm>>
      tpu.wait_indirect_dma semaphore(%arg17 : memref<!tpu.dma_semaphore, #tpu.memory_space<semaphore_mem>>) src(%dma_wait3A_141 : memref<1000000x64xf32, #tpu.memory_space<hbm>>) dst(%dma_wait3A_136 : memref<128x64xf32, #tpu.memory_space<vmem>>)
      %dma_wait3A_142 = arith.constant 128 : i32
      %dma_wait3A_143 = arith.constant 0 : i32
      %dma_wait3A_144 = tpu.memref_slice %arg13[%dma_wait3A_142, %dma_wait3A_143] : memref<256x64xf32, #tpu.memory_space<vmem>> -> memref<128x64xf32, #tpu.memory_space<vmem>>
      %dma_wait3A_145 = arith.constant 128 : i32
      %dma_wait3A_146 = tpu.memref_slice %arg10[%dma_wait3A_145] : memref<256xi32, #tpu.memory_space<vmem>> -> memref<128xi32, #tpu.memory_space<vmem>>
      %dma_wait3A_147 = arith.constant 0 : i32
      %dma_wait3A_148 = arith.constant 0 : i32
      %dma_wait3A_149 = tpu.memref_slice %arg6[%dma_wait3A_147, %dma_wait3A_148] : memref<1000000x64xf32, #tpu.memory_space<hbm>> -> memref<1000000x64xf32, #tpu.memory_space<hbm>>
      tpu.wait_indirect_dma semaphore(%arg17 : memref<!tpu.dma_semaphore, #tpu.memory_space<semaphore_mem>>) src(%dma_wait3A_149 : memref<1000000x64xf32, #tpu.memory_space<hbm>>) dst(%dma_wait3A_144 : memref<128x64xf32, #tpu.memory_space<vmem>>)
      %dma_wait3A_150 = arith.constant 0 : i32
      %dma_wait3A_151 = arith.constant 0 : i32
      %dma_wait3A_152 = tpu.memref_slice %arg14[%dma_wait3A_150, %dma_wait3A_151] : memref<1280x64xf32, #tpu.memory_space<vmem>> -> memref<128x64xf32, #tpu.memory_space<vmem>>
      %dma_wait3A_153 = arith.constant 0 : i32
      %dma_wait3A_154 = tpu.memref_slice %arg11[%dma_wait3A_153] : memref<1280xi32, #tpu.memory_space<vmem>> -> memref<128xi32, #tpu.memory_space<vmem>>
      %dma_wait3A_155 = arith.constant 0 : i32
      %dma_wait3A_156 = arith.constant 0 : i32
      %dma_wait3A_157 = tpu.memref_slice %arg6[%dma_wait3A_155, %dma_wait3A_156] : memref<1000000x64xf32, #tpu.memory_space<hbm>> -> memref<1000000x64xf32, #tpu.memory_space<hbm>>
      tpu.wait_indirect_dma semaphore(%arg17 : memref<!tpu.dma_semaphore, #tpu.memory_space<semaphore_mem>>) src(%dma_wait3A_157 : memref<1000000x64xf32, #tpu.memory_space<hbm>>) dst(%dma_wait3A_152 : memref<128x64xf32, #tpu.memory_space<vmem>>)
      %dma_wait3A_158 = arith.constant 128 : i32
      %dma_wait3A_159 = arith.constant 0 : i32
      %dma_wait3A_160 = tpu.memref_slice %arg14[%dma_wait3A_158, %dma_wait3A_159] : memref<1280x64xf32, #tpu.memory_space<vmem>> -> memref<128x64xf32, #tpu.memory_space<vmem>>
      %dma_wait3A_161 = arith.constant 128 : i32
      %dma_wait3A_162 = tpu.memref_slice %arg11[%dma_wait3A_161] : memref<1280xi32, #tpu.memory_space<vmem>> -> memref<128xi32, #tpu.memory_space<vmem>>
      %dma_wait3A_163 = arith.constant 0 : i32
      %dma_wait3A_164 = arith.constant 0 : i32
      %dma_wait3A_165 = tpu.memref_slice %arg6[%dma_wait3A_163, %dma_wait3A_164] : memref<1000000x64xf32, #tpu.memory_space<hbm>> -> memref<1000000x64xf32, #tpu.memory_space<hbm>>
      tpu.wait_indirect_dma semaphore(%arg17 : memref<!tpu.dma_semaphore, #tpu.memory_space<semaphore_mem>>) src(%dma_wait3A_165 : memref<1000000x64xf32, #tpu.memory_space<hbm>>) dst(%dma_wait3A_160 : memref<128x64xf32, #tpu.memory_space<vmem>>)
      %dma_wait3A_166 = arith.constant 256 : i32
      %dma_wait3A_167 = arith.constant 0 : i32
      %dma_wait3A_168 = tpu.memref_slice %arg14[%dma_wait3A_166, %dma_wait3A_167] : memref<1280x64xf32, #tpu.memory_space<vmem>> -> memref<128x64xf32, #tpu.memory_space<vmem>>
      %dma_wait3A_169 = arith.constant 256 : i32
      %dma_wait3A_170 = tpu.memref_slice %arg11[%dma_wait3A_169] : memref<1280xi32, #tpu.memory_space<vmem>> -> memref<128xi32, #tpu.memory_space<vmem>>
      %dma_wait3A_171 = arith.constant 0 : i32
      %dma_wait3A_172 = arith.constant 0 : i32
      %dma_wait3A_173 = tpu.memref_slice %arg6[%dma_wait3A_171, %dma_wait3A_172] : memref<1000000x64xf32, #tpu.memory_space<hbm>> -> memref<1000000x64xf32, #tpu.memory_space<hbm>>
      tpu.wait_indirect_dma semaphore(%arg17 : memref<!tpu.dma_semaphore, #tpu.memory_space<semaphore_mem>>) src(%dma_wait3A_173 : memref<1000000x64xf32, #tpu.memory_space<hbm>>) dst(%dma_wait3A_168 : memref<128x64xf32, #tpu.memory_space<vmem>>)
      %dma_wait3A_174 = arith.constant 384 : i32
      %dma_wait3A_175 = arith.constant 0 : i32
      %dma_wait3A_176 = tpu.memref_slice %arg14[%dma_wait3A_174, %dma_wait3A_175] : memref<1280x64xf32, #tpu.memory_space<vmem>> -> memref<128x64xf32, #tpu.memory_space<vmem>>
      %dma_wait3A_177 = arith.constant 384 : i32
      %dma_wait3A_178 = tpu.memref_slice %arg11[%dma_wait3A_177] : memref<1280xi32, #tpu.memory_space<vmem>> -> memref<128xi32, #tpu.memory_space<vmem>>
      %dma_wait3A_179 = arith.constant 0 : i32
      %dma_wait3A_180 = arith.constant 0 : i32
      %dma_wait3A_181 = tpu.memref_slice %arg6[%dma_wait3A_179, %dma_wait3A_180] : memref<1000000x64xf32, #tpu.memory_space<hbm>> -> memref<1000000x64xf32, #tpu.memory_space<hbm>>
      tpu.wait_indirect_dma semaphore(%arg17 : memref<!tpu.dma_semaphore, #tpu.memory_space<semaphore_mem>>) src(%dma_wait3A_181 : memref<1000000x64xf32, #tpu.memory_space<hbm>>) dst(%dma_wait3A_176 : memref<128x64xf32, #tpu.memory_space<vmem>>)
      %dma_wait3A_182 = arith.constant 512 : i32
      %dma_wait3A_183 = arith.constant 0 : i32
      %dma_wait3A_184 = tpu.memref_slice %arg14[%dma_wait3A_182, %dma_wait3A_183] : memref<1280x64xf32, #tpu.memory_space<vmem>> -> memref<128x64xf32, #tpu.memory_space<vmem>>
      %dma_wait3A_185 = arith.constant 512 : i32
      %dma_wait3A_186 = tpu.memref_slice %arg11[%dma_wait3A_185] : memref<1280xi32, #tpu.memory_space<vmem>> -> memref<128xi32, #tpu.memory_space<vmem>>
      %dma_wait3A_187 = arith.constant 0 : i32
      %dma_wait3A_188 = arith.constant 0 : i32
      %dma_wait3A_189 = tpu.memref_slice %arg6[%dma_wait3A_187, %dma_wait3A_188] : memref<1000000x64xf32, #tpu.memory_space<hbm>> -> memref<1000000x64xf32, #tpu.memory_space<hbm>>
      tpu.wait_indirect_dma semaphore(%arg17 : memref<!tpu.dma_semaphore, #tpu.memory_space<semaphore_mem>>) src(%dma_wait3A_189 : memref<1000000x64xf32, #tpu.memory_space<hbm>>) dst(%dma_wait3A_184 : memref<128x64xf32, #tpu.memory_space<vmem>>)
      %dma_wait3A_190 = arith.constant 640 : i32
      %dma_wait3A_191 = arith.constant 0 : i32
      %dma_wait3A_192 = tpu.memref_slice %arg14[%dma_wait3A_190, %dma_wait3A_191] : memref<1280x64xf32, #tpu.memory_space<vmem>> -> memref<128x64xf32, #tpu.memory_space<vmem>>
      %dma_wait3A_193 = arith.constant 640 : i32
      %dma_wait3A_194 = tpu.memref_slice %arg11[%dma_wait3A_193] : memref<1280xi32, #tpu.memory_space<vmem>> -> memref<128xi32, #tpu.memory_space<vmem>>
      %dma_wait3A_195 = arith.constant 0 : i32
      %dma_wait3A_196 = arith.constant 0 : i32
      %dma_wait3A_197 = tpu.memref_slice %arg6[%dma_wait3A_195, %dma_wait3A_196] : memref<1000000x64xf32, #tpu.memory_space<hbm>> -> memref<1000000x64xf32, #tpu.memory_space<hbm>>
      tpu.wait_indirect_dma semaphore(%arg17 : memref<!tpu.dma_semaphore, #tpu.memory_space<semaphore_mem>>) src(%dma_wait3A_197 : memref<1000000x64xf32, #tpu.memory_space<hbm>>) dst(%dma_wait3A_192 : memref<128x64xf32, #tpu.memory_space<vmem>>)
      %dma_wait3A_198 = arith.constant 768 : i32
      %dma_wait3A_199 = arith.constant 0 : i32
      %dma_wait3A_200 = tpu.memref_slice %arg14[%dma_wait3A_198, %dma_wait3A_199] : memref<1280x64xf32, #tpu.memory_space<vmem>> -> memref<128x64xf32, #tpu.memory_space<vmem>>
      %dma_wait3A_201 = arith.constant 768 : i32
      %dma_wait3A_202 = tpu.memref_slice %arg11[%dma_wait3A_201] : memref<1280xi32, #tpu.memory_space<vmem>> -> memref<128xi32, #tpu.memory_space<vmem>>
      %dma_wait3A_203 = arith.constant 0 : i32
      %dma_wait3A_204 = arith.constant 0 : i32
      %dma_wait3A_205 = tpu.memref_slice %arg6[%dma_wait3A_203, %dma_wait3A_204] : memref<1000000x64xf32, #tpu.memory_space<hbm>> -> memref<1000000x64xf32, #tpu.memory_space<hbm>>
      tpu.wait_indirect_dma semaphore(%arg17 : memref<!tpu.dma_semaphore, #tpu.memory_space<semaphore_mem>>) src(%dma_wait3A_205 : memref<1000000x64xf32, #tpu.memory_space<hbm>>) dst(%dma_wait3A_200 : memref<128x64xf32, #tpu.memory_space<vmem>>)
      %dma_wait3A_206 = arith.constant 896 : i32
      %dma_wait3A_207 = arith.constant 0 : i32
      %dma_wait3A_208 = tpu.memref_slice %arg14[%dma_wait3A_206, %dma_wait3A_207] : memref<1280x64xf32, #tpu.memory_space<vmem>> -> memref<128x64xf32, #tpu.memory_space<vmem>>
      %dma_wait3A_209 = arith.constant 896 : i32
      %dma_wait3A_210 = tpu.memref_slice %arg11[%dma_wait3A_209] : memref<1280xi32, #tpu.memory_space<vmem>> -> memref<128xi32, #tpu.memory_space<vmem>>
      %dma_wait3A_211 = arith.constant 0 : i32
      %dma_wait3A_212 = arith.constant 0 : i32
      %dma_wait3A_213 = tpu.memref_slice %arg6[%dma_wait3A_211, %dma_wait3A_212] : memref<1000000x64xf32, #tpu.memory_space<hbm>> -> memref<1000000x64xf32, #tpu.memory_space<hbm>>
      tpu.wait_indirect_dma semaphore(%arg17 : memref<!tpu.dma_semaphore, #tpu.memory_space<semaphore_mem>>) src(%dma_wait3A_213 : memref<1000000x64xf32, #tpu.memory_space<hbm>>) dst(%dma_wait3A_208 : memref<128x64xf32, #tpu.memory_space<vmem>>)
      %dma_wait3A_214 = arith.constant 1024 : i32
      %dma_wait3A_215 = arith.constant 0 : i32
      %dma_wait3A_216 = tpu.memref_slice %arg14[%dma_wait3A_214, %dma_wait3A_215] : memref<1280x64xf32, #tpu.memory_space<vmem>> -> memref<128x64xf32, #tpu.memory_space<vmem>>
      %dma_wait3A_217 = arith.constant 1024 : i32
      %dma_wait3A_218 = tpu.memref_slice %arg11[%dma_wait3A_217] : memref<1280xi32, #tpu.memory_space<vmem>> -> memref<128xi32, #tpu.memory_space<vmem>>
      %dma_wait3A_219 = arith.constant 0 : i32
      %dma_wait3A_220 = arith.constant 0 : i32
      %dma_wait3A_221 = tpu.memref_slice %arg6[%dma_wait3A_219, %dma_wait3A_220] : memref<1000000x64xf32, #tpu.memory_space<hbm>> -> memref<1000000x64xf32, #tpu.memory_space<hbm>>
      tpu.wait_indirect_dma semaphore(%arg17 : memref<!tpu.dma_semaphore, #tpu.memory_space<semaphore_mem>>) src(%dma_wait3A_221 : memref<1000000x64xf32, #tpu.memory_space<hbm>>) dst(%dma_wait3A_216 : memref<128x64xf32, #tpu.memory_space<vmem>>)
      %dma_wait3A_222 = arith.constant 1152 : i32
      %dma_wait3A_223 = arith.constant 0 : i32
      %dma_wait3A_224 = tpu.memref_slice %arg14[%dma_wait3A_222, %dma_wait3A_223] : memref<1280x64xf32, #tpu.memory_space<vmem>> -> memref<128x64xf32, #tpu.memory_space<vmem>>
      %dma_wait3A_225 = arith.constant 1152 : i32
      %dma_wait3A_226 = tpu.memref_slice %arg11[%dma_wait3A_225] : memref<1280xi32, #tpu.memory_space<vmem>> -> memref<128xi32, #tpu.memory_space<vmem>>
      %dma_wait3A_227 = arith.constant 0 : i32
      %dma_wait3A_228 = arith.constant 0 : i32
      %dma_wait3A_229 = tpu.memref_slice %arg6[%dma_wait3A_227, %dma_wait3A_228] : memref<1000000x64xf32, #tpu.memory_space<hbm>> -> memref<1000000x64xf32, #tpu.memory_space<hbm>>
      tpu.wait_indirect_dma semaphore(%arg17 : memref<!tpu.dma_semaphore, #tpu.memory_space<semaphore_mem>>) src(%dma_wait3A_229 : memref<1000000x64xf32, #tpu.memory_space<hbm>>) dst(%dma_wait3A_224 : memref<128x64xf32, #tpu.memory_space<vmem>>)
      %scan3A_230 = arith.constant 0 : i32
      %scan3A_231 = arith.constant 0 : i32
      %scan3A_232 = arith.constant 16 : i32
      %scan3A_233 = arith.addi %scan3A_231, %scan3A_232 : i32
      %scan3A_234 = arith.constant 1 : i32
      %scan3A_235 = scf.for %scan3A_238 = %scan3A_231 to %scan3A_233 step %scan3A_234 iter_args(%scan3A_239 = %scan3A_230) -> (i32)  : i32 {
        %mul3A_240 = arith.constant 4 : i32
        %mul3A_241 = arith.muli %scan3A_238, %mul3A_240 : i32
        %add3A_242 = arith.constant 0 : i32
        %add3A_243 = arith.addi %mul3A_241, %add3A_242 : i32
        %get3A = arith.index_cast %add3A_243 : i32 to index
        %get3A_244 = arith.constant 0 : index
        %get3A_245 = tpu.vector_load %arg12[%get3A, %get3A_244] {strides = array<i32>} : memref<64x64xf32, #tpu.memory_space<vmem>>, vector<16xf32>,
        %add3A_246 = arith.constant 0 : i32
        %add3A_247 = arith.addi %mul3A_241, %add3A_246 : i32
        %get3A_248 = arith.index_cast %add3A_247 : i32 to index
        %get3A_249 = arith.constant 16 : index
        %get3A_250 = tpu.vector_load %arg12[%get3A_248, %get3A_249] {strides = array<i32>} : memref<64x64xf32, #tpu.memory_space<vmem>>, vector<16xf32>,
        %add3A_251 = arith.constant 0 : i32
        %add3A_252 = arith.addi %mul3A_241, %add3A_251 : i32
        %get3A_253 = arith.index_cast %add3A_252 : i32 to index
        %get3A_254 = arith.constant 32 : index
        %get3A_255 = tpu.vector_load %arg12[%get3A_253, %get3A_254] {strides = array<i32>} : memref<64x64xf32, #tpu.memory_space<vmem>>, vector<16xf32>,
        %add3A_256 = arith.constant 0 : i32
        %add3A_257 = arith.addi %mul3A_241, %add3A_256 : i32
        %get3A_258 = arith.index_cast %add3A_257 : i32 to index
        %get3A_259 = arith.constant 48 : index
        %get3A_260 = tpu.vector_load %arg12[%get3A_258, %get3A_259] {strides = array<i32>} : memref<64x64xf32, #tpu.memory_space<vmem>>, vector<16xf32>,
        %add3A_261 = arith.constant 1 : i32
        %add3A_262 = arith.addi %mul3A_241, %add3A_261 : i32
        %get3A_263 = arith.index_cast %add3A_262 : i32 to index
        %get3A_264 = arith.constant 0 : index
        %get3A_265 = tpu.vector_load %arg12[%get3A_263, %get3A_264] {strides = array<i32>} : memref<64x64xf32, #tpu.memory_space<vmem>>, vector<16xf32>,
        %add3A_266 = arith.constant 1 : i32
        %add3A_267 = arith.addi %mul3A_241, %add3A_266 : i32
        %get3A_268 = arith.index_cast %add3A_267 : i32 to index
        %get3A_269 = arith.constant 16 : index
        %get3A_270 = tpu.vector_load %arg12[%get3A_268, %get3A_269] {strides = array<i32>} : memref<64x64xf32, #tpu.memory_space<vmem>>, vector<16xf32>,
        %add3A_271 = arith.constant 1 : i32
        %add3A_272 = arith.addi %mul3A_241, %add3A_271 : i32
        %get3A_273 = arith.index_cast %add3A_272 : i32 to index
        %get3A_274 = arith.constant 32 : index
        %get3A_275 = tpu.vector_load %arg12[%get3A_273, %get3A_274] {strides = array<i32>} : memref<64x64xf32, #tpu.memory_space<vmem>>, vector<16xf32>,
        %add3A_276 = arith.constant 1 : i32
        %add3A_277 = arith.addi %mul3A_241, %add3A_276 : i32
        %get3A_278 = arith.index_cast %add3A_277 : i32 to index
        %get3A_279 = arith.constant 48 : index
        %get3A_280 = tpu.vector_load %arg12[%get3A_278, %get3A_279] {strides = array<i32>} : memref<64x64xf32, #tpu.memory_space<vmem>>, vector<16xf32>,
        %add3A_281 = arith.constant 2 : i32
        %add3A_282 = arith.addi %mul3A_241, %add3A_281 : i32
        %get3A_283 = arith.index_cast %add3A_282 : i32 to index
        %get3A_284 = arith.constant 0 : index
        %get3A_285 = tpu.vector_load %arg12[%get3A_283, %get3A_284] {strides = array<i32>} : memref<64x64xf32, #tpu.memory_space<vmem>>, vector<16xf32>,
        %add3A_286 = arith.constant 2 : i32
        %add3A_287 = arith.addi %mul3A_241, %add3A_286 : i32
        %get3A_288 = arith.index_cast %add3A_287 : i32 to index
        %get3A_289 = arith.constant 16 : index
        %get3A_290 = tpu.vector_load %arg12[%get3A_288, %get3A_289] {strides = array<i32>} : memref<64x64xf32, #tpu.memory_space<vmem>>, vector<16xf32>,
        %add3A_291 = arith.constant 2 : i32
        %add3A_292 = arith.addi %mul3A_241, %add3A_291 : i32
        %get3A_293 = arith.index_cast %add3A_292 : i32 to index
        %get3A_294 = arith.constant 32 : index
        %get3A_295 = tpu.vector_load %arg12[%get3A_293, %get3A_294] {strides = array<i32>} : memref<64x64xf32, #tpu.memory_space<vmem>>, vector<16xf32>,
        %add3A_296 = arith.constant 2 : i32
        %add3A_297 = arith.addi %mul3A_241, %add3A_296 : i32
        %get3A_298 = arith.index_cast %add3A_297 : i32 to index
        %get3A_299 = arith.constant 48 : index
        %get3A_300 = tpu.vector_load %arg12[%get3A_298, %get3A_299] {strides = array<i32>} : memref<64x64xf32, #tpu.memory_space<vmem>>, vector<16xf32>,
        %add3A_301 = arith.constant 3 : i32
        %add3A_302 = arith.addi %mul3A_241, %add3A_301 : i32
        %get3A_303 = arith.index_cast %add3A_302 : i32 to index
        %get3A_304 = arith.constant 0 : index
        %get3A_305 = tpu.vector_load %arg12[%get3A_303, %get3A_304] {strides = array<i32>} : memref<64x64xf32, #tpu.memory_space<vmem>>, vector<16xf32>,
        %add3A_306 = arith.constant 3 : i32
        %add3A_307 = arith.addi %mul3A_241, %add3A_306 : i32
        %get3A_308 = arith.index_cast %add3A_307 : i32 to index
        %get3A_309 = arith.constant 16 : index
        %get3A_310 = tpu.vector_load %arg12[%get3A_308, %get3A_309] {strides = array<i32>} : memref<64x64xf32, #tpu.memory_space<vmem>>, vector<16xf32>,
        %add3A_311 = arith.constant 3 : i32
        %add3A_312 = arith.addi %mul3A_241, %add3A_311 : i32
        %get3A_313 = arith.index_cast %add3A_312 : i32 to index
        %get3A_314 = arith.constant 32 : index
        %get3A_315 = tpu.vector_load %arg12[%get3A_313, %get3A_314] {strides = array<i32>} : memref<64x64xf32, #tpu.memory_space<vmem>>, vector<16xf32>,
        %add3A_316 = arith.constant 3 : i32
        %add3A_317 = arith.addi %mul3A_241, %add3A_316 : i32
        %get3A_318 = arith.index_cast %add3A_317 : i32 to index
        %get3A_319 = arith.constant 48 : index
        %get3A_320 = tpu.vector_load %arg12[%get3A_318, %get3A_319] {strides = array<i32>} : memref<64x64xf32, #tpu.memory_space<vmem>>, vector<16xf32>,
        %broadcast_in_dim3A = arith.constant 0.000000e+00 : f32
        %broadcast_in_dim3A_321 = vector.broadcast %broadcast_in_dim3A : f32 to vector<16xf32>
        %eq3A = arith.constant 0 : i32
        %eq3A_322 = vector.broadcast %eq3A : i32 to vector<16xi32>
        %eq3A_323 = arith.cmpi eq, %iota3A, %eq3A_322 : vector<16xi32>
        %mul3A_324 = arith.constant 4 : i32
        %mul3A_325 = arith.muli %mul3A_241, %mul3A_324 : i32
        %add3A_326 = arith.constant 0 : i32
        %add3A_327 = arith.addi %mul3A_325, %add3A_326 : i32
        %get3A_328 = arith.index_cast %add3A_327 : i32 to index
        %get3A_329 = arith.constant 0 : index
        %get3A_330 = tpu.vector_load %arg13[%get3A_328, %get3A_329] {strides = array<i32>} : memref<256x64xf32, #tpu.memory_space<vmem>>, vector<16xf32>,
        %get3A_331 = arith.index_cast %add3A_327 : i32 to index
        %get3A_332 = arith.constant 16 : index
        %get3A_333 = tpu.vector_load %arg13[%get3A_331, %get3A_332] {strides = array<i32>} : memref<256x64xf32, #tpu.memory_space<vmem>>, vector<16xf32>,
        %get3A_334 = arith.index_cast %add3A_327 : i32 to index
        %get3A_335 = arith.constant 32 : index
        %get3A_336 = tpu.vector_load %arg13[%get3A_334, %get3A_335] {strides = array<i32>} : memref<256x64xf32, #tpu.memory_space<vmem>>, vector<16xf32>,
        %get3A_337 = arith.index_cast %add3A_327 : i32 to index
        %get3A_338 = arith.constant 48 : index
        %get3A_339 = tpu.vector_load %arg13[%get3A_337, %get3A_338] {strides = array<i32>} : memref<256x64xf32, #tpu.memory_space<vmem>>, vector<16xf32>,
        %mul3A_340 = arith.mulf %get3A_245, %get3A_330 : vector<16xf32>
        %mul3A_341 = arith.mulf %get3A_250, %get3A_333 : vector<16xf32>
        %add3A_342 = arith.addf %mul3A_340, %mul3A_341 : vector<16xf32>
        %mul3A_343 = arith.mulf %get3A_255, %get3A_336 : vector<16xf32>
        %mul3A_344 = arith.mulf %get3A_260, %get3A_339 : vector<16xf32>
        %add3A_345 = arith.addf %mul3A_343, %mul3A_344 : vector<16xf32>
        %add3A_346 = arith.addf %add3A_342, %add3A_345 : vector<16xf32>
        %reduce_sum3A = arith.constant true
        %reduce_sum3A_347 = vector.broadcast %reduce_sum3A : i1 to vector<16xi1>
        %reduce_sum3A_348 = tpu.scan <sum>, %add3A_346 masked %reduce_sum3A_347 : vector<16xf32>, vector<16xi1> -> vector<16xf32>
        %reduce_sum3A_349 = vector.extract %reduce_sum3A_348[15] : f32 from vector<16xf32>
        %broadcast_in_dim3A_350 = vector.broadcast %reduce_sum3A_349 : f32 to vector<16xf32>
        %select_n3A = arith.select %eq3A_323, %broadcast_in_dim3A_350, %broadcast_in_dim3A_321 : vector<16xi1>, vector<16xf32>
        %eq3A_351 = arith.constant 1 : i32
        %eq3A_352 = vector.broadcast %eq3A_351 : i32 to vector<16xi32>
        %eq3A_353 = arith.cmpi eq, %iota3A, %eq3A_352 : vector<16xi32>
        %mul3A_354 = arith.constant 4 : i32
        %mul3A_355 = arith.muli %mul3A_241, %mul3A_354 : i32
        %add3A_356 = arith.constant 1 : i32
        %add3A_357 = arith.addi %mul3A_355, %add3A_356 : i32
        %get3A_358 = arith.index_cast %add3A_357 : i32 to index
        %get3A_359 = arith.constant 0 : index
        %get3A_360 = tpu.vector_load %arg13[%get3A_358, %get3A_359] {strides = array<i32>} : memref<256x64xf32, #tpu.memory_space<vmem>>, vector<16xf32>,
        %get3A_361 = arith.index_cast %add3A_357 : i32 to index
        %get3A_362 = arith.constant 16 : index
        %get3A_363 = tpu.vector_load %arg13[%get3A_361, %get3A_362] {strides = array<i32>} : memref<256x64xf32, #tpu.memory_space<vmem>>, vector<16xf32>,
        %get3A_364 = arith.index_cast %add3A_357 : i32 to index
        %get3A_365 = arith.constant 32 : index
        %get3A_366 = tpu.vector_load %arg13[%get3A_364, %get3A_365] {strides = array<i32>} : memref<256x64xf32, #tpu.memory_space<vmem>>, vector<16xf32>,
        %get3A_367 = arith.index_cast %add3A_357 : i32 to index
        %get3A_368 = arith.constant 48 : index
        %get3A_369 = tpu.vector_load %arg13[%get3A_367, %get3A_368] {strides = array<i32>} : memref<256x64xf32, #tpu.memory_space<vmem>>, vector<16xf32>,
        %mul3A_370 = arith.mulf %get3A_245, %get3A_360 : vector<16xf32>
        %mul3A_371 = arith.mulf %get3A_250, %get3A_363 : vector<16xf32>
        %add3A_372 = arith.addf %mul3A_370, %mul3A_371 : vector<16xf32>
        %mul3A_373 = arith.mulf %get3A_255, %get3A_366 : vector<16xf32>
        %mul3A_374 = arith.mulf %get3A_260, %get3A_369 : vector<16xf32>
        %add3A_375 = arith.addf %mul3A_373, %mul3A_374 : vector<16xf32>
        %add3A_376 = arith.addf %add3A_372, %add3A_375 : vector<16xf32>
        %reduce_sum3A_377 = arith.constant true
        %reduce_sum3A_378 = vector.broadcast %reduce_sum3A_377 : i1 to vector<16xi1>
        %reduce_sum3A_379 = tpu.scan <sum>, %add3A_376 masked %reduce_sum3A_378 : vector<16xf32>, vector<16xi1> -> vector<16xf32>
        %reduce_sum3A_380 = vector.extract %reduce_sum3A_379[15] : f32 from vector<16xf32>
        %broadcast_in_dim3A_381 = vector.broadcast %reduce_sum3A_380 : f32 to vector<16xf32>
        %select_n3A_382 = arith.select %eq3A_353, %broadcast_in_dim3A_381, %select_n3A : vector<16xi1>, vector<16xf32>
        %eq3A_383 = arith.constant 2 : i32
        %eq3A_384 = vector.broadcast %eq3A_383 : i32 to vector<16xi32>
        %eq3A_385 = arith.cmpi eq, %iota3A, %eq3A_384 : vector<16xi32>
        %mul3A_386 = arith.constant 4 : i32
        %mul3A_387 = arith.muli %mul3A_241, %mul3A_386 : i32
        %add3A_388 = arith.constant 2 : i32
        %add3A_389 = arith.addi %mul3A_387, %add3A_388 : i32
        %get3A_390 = arith.index_cast %add3A_389 : i32 to index
        %get3A_391 = arith.constant 0 : index
        %get3A_392 = tpu.vector_load %arg13[%get3A_390, %get3A_391] {strides = array<i32>} : memref<256x64xf32, #tpu.memory_space<vmem>>, vector<16xf32>,
        %get3A_393 = arith.index_cast %add3A_389 : i32 to index
        %get3A_394 = arith.constant 16 : index
        %get3A_395 = tpu.vector_load %arg13[%get3A_393, %get3A_394] {strides = array<i32>} : memref<256x64xf32, #tpu.memory_space<vmem>>, vector<16xf32>,
        %get3A_396 = arith.index_cast %add3A_389 : i32 to index
        %get3A_397 = arith.constant 32 : index
        %get3A_398 = tpu.vector_load %arg13[%get3A_396, %get3A_397] {strides = array<i32>} : memref<256x64xf32, #tpu.memory_space<vmem>>, vector<16xf32>,
        %get3A_399 = arith.index_cast %add3A_389 : i32 to index
        %get3A_400 = arith.constant 48 : index
        %get3A_401 = tpu.vector_load %arg13[%get3A_399, %get3A_400] {strides = array<i32>} : memref<256x64xf32, #tpu.memory_space<vmem>>, vector<16xf32>,
        %mul3A_402 = arith.mulf %get3A_245, %get3A_392 : vector<16xf32>
        %mul3A_403 = arith.mulf %get3A_250, %get3A_395 : vector<16xf32>
        %add3A_404 = arith.addf %mul3A_402, %mul3A_403 : vector<16xf32>
        %mul3A_405 = arith.mulf %get3A_255, %get3A_398 : vector<16xf32>
        %mul3A_406 = arith.mulf %get3A_260, %get3A_401 : vector<16xf32>
        %add3A_407 = arith.addf %mul3A_405, %mul3A_406 : vector<16xf32>
        %add3A_408 = arith.addf %add3A_404, %add3A_407 : vector<16xf32>
        %reduce_sum3A_409 = arith.constant true
        %reduce_sum3A_410 = vector.broadcast %reduce_sum3A_409 : i1 to vector<16xi1>
        %reduce_sum3A_411 = tpu.scan <sum>, %add3A_408 masked %reduce_sum3A_410 : vector<16xf32>, vector<16xi1> -> vector<16xf32>
        %reduce_sum3A_412 = vector.extract %reduce_sum3A_411[15] : f32 from vector<16xf32>
        %broadcast_in_dim3A_413 = vector.broadcast %reduce_sum3A_412 : f32 to vector<16xf32>
        %select_n3A_414 = arith.select %eq3A_385, %broadcast_in_dim3A_413, %select_n3A_382 : vector<16xi1>, vector<16xf32>
        %eq3A_415 = arith.constant 3 : i32
        %eq3A_416 = vector.broadcast %eq3A_415 : i32 to vector<16xi32>
        %eq3A_417 = arith.cmpi eq, %iota3A, %eq3A_416 : vector<16xi32>
        %mul3A_418 = arith.constant 4 : i32
        %mul3A_419 = arith.muli %mul3A_241, %mul3A_418 : i32
        %add3A_420 = arith.constant 3 : i32
        %add3A_421 = arith.addi %mul3A_419, %add3A_420 : i32
        %get3A_422 = arith.index_cast %add3A_421 : i32 to index
        %get3A_423 = arith.constant 0 : index
        %get3A_424 = tpu.vector_load %arg13[%get3A_422, %get3A_423] {strides = array<i32>} : memref<256x64xf32, #tpu.memory_space<vmem>>, vector<16xf32>,
        %get3A_425 = arith.index_cast %add3A_421 : i32 to index
        %get3A_426 = arith.constant 16 : index
        %get3A_427 = tpu.vector_load %arg13[%get3A_425, %get3A_426] {strides = array<i32>} : memref<256x64xf32, #tpu.memory_space<vmem>>, vector<16xf32>,
        %get3A_428 = arith.index_cast %add3A_421 : i32 to index
        %get3A_429 = arith.constant 32 : index
        %get3A_430 = tpu.vector_load %arg13[%get3A_428, %get3A_429] {strides = array<i32>} : memref<256x64xf32, #tpu.memory_space<vmem>>, vector<16xf32>,
        %get3A_431 = arith.index_cast %add3A_421 : i32 to index
        %get3A_432 = arith.constant 48 : index
        %get3A_433 = tpu.vector_load %arg13[%get3A_431, %get3A_432] {strides = array<i32>} : memref<256x64xf32, #tpu.memory_space<vmem>>, vector<16xf32>,
        %mul3A_434 = arith.mulf %get3A_245, %get3A_424 : vector<16xf32>
        %mul3A_435 = arith.mulf %get3A_250, %get3A_427 : vector<16xf32>
        %add3A_436 = arith.addf %mul3A_434, %mul3A_435 : vector<16xf32>
        %mul3A_437 = arith.mulf %get3A_255, %get3A_430 : vector<16xf32>
        %mul3A_438 = arith.mulf %get3A_260, %get3A_433 : vector<16xf32>
        %add3A_439 = arith.addf %mul3A_437, %mul3A_438 : vector<16xf32>
        %add3A_440 = arith.addf %add3A_436, %add3A_439 : vector<16xf32>
        %reduce_sum3A_441 = arith.constant true
        %reduce_sum3A_442 = vector.broadcast %reduce_sum3A_441 : i1 to vector<16xi1>
        %reduce_sum3A_443 = tpu.scan <sum>, %add3A_440 masked %reduce_sum3A_442 : vector<16xf32>, vector<16xi1> -> vector<16xf32>
        %reduce_sum3A_444 = vector.extract %reduce_sum3A_443[15] : f32 from vector<16xf32>
        %broadcast_in_dim3A_445 = vector.broadcast %reduce_sum3A_444 : f32 to vector<16xf32>
        %select_n3A_446 = arith.select %eq3A_417, %broadcast_in_dim3A_445, %select_n3A_414 : vector<16xi1>, vector<16xf32>
        %eq3A_447 = arith.constant 4 : i32
        %eq3A_448 = vector.broadcast %eq3A_447 : i32 to vector<16xi32>
        %eq3A_449 = arith.cmpi eq, %iota3A, %eq3A_448 : vector<16xi32>
        %mul3A_450 = arith.constant 4 : i32
        %mul3A_451 = arith.muli %mul3A_241, %mul3A_450 : i32
        %add3A_452 = arith.constant 4 : i32
        %add3A_453 = arith.addi %mul3A_451, %add3A_452 : i32
        %get3A_454 = arith.index_cast %add3A_453 : i32 to index
        %get3A_455 = arith.constant 0 : index
        %get3A_456 = tpu.vector_load %arg13[%get3A_454, %get3A_455] {strides = array<i32>} : memref<256x64xf32, #tpu.memory_space<vmem>>, vector<16xf32>,
        %get3A_457 = arith.index_cast %add3A_453 : i32 to index
        %get3A_458 = arith.constant 16 : index
        %get3A_459 = tpu.vector_load %arg13[%get3A_457, %get3A_458] {strides = array<i32>} : memref<256x64xf32, #tpu.memory_space<vmem>>, vector<16xf32>,
        %get3A_460 = arith.index_cast %add3A_453 : i32 to index
        %get3A_461 = arith.constant 32 : index
        %get3A_462 = tpu.vector_load %arg13[%get3A_460, %get3A_461] {strides = array<i32>} : memref<256x64xf32, #tpu.memory_space<vmem>>, vector<16xf32>,
        %get3A_463 = arith.index_cast %add3A_453 : i32 to index
        %get3A_464 = arith.constant 48 : index
        %get3A_465 = tpu.vector_load %arg13[%get3A_463, %get3A_464] {strides = array<i32>} : memref<256x64xf32, #tpu.memory_space<vmem>>, vector<16xf32>,
        %mul3A_466 = arith.mulf %get3A_265, %get3A_456 : vector<16xf32>
        %mul3A_467 = arith.mulf %get3A_270, %get3A_459 : vector<16xf32>
        %add3A_468 = arith.addf %mul3A_466, %mul3A_467 : vector<16xf32>
        %mul3A_469 = arith.mulf %get3A_275, %get3A_462 : vector<16xf32>
        %mul3A_470 = arith.mulf %get3A_280, %get3A_465 : vector<16xf32>
        %add3A_471 = arith.addf %mul3A_469, %mul3A_470 : vector<16xf32>
        %add3A_472 = arith.addf %add3A_468, %add3A_471 : vector<16xf32>
        %reduce_sum3A_473 = arith.constant true
        %reduce_sum3A_474 = vector.broadcast %reduce_sum3A_473 : i1 to vector<16xi1>
        %reduce_sum3A_475 = tpu.scan <sum>, %add3A_472 masked %reduce_sum3A_474 : vector<16xf32>, vector<16xi1> -> vector<16xf32>
        %reduce_sum3A_476 = vector.extract %reduce_sum3A_475[15] : f32 from vector<16xf32>
        %broadcast_in_dim3A_477 = vector.broadcast %reduce_sum3A_476 : f32 to vector<16xf32>
        %select_n3A_478 = arith.select %eq3A_449, %broadcast_in_dim3A_477, %select_n3A_446 : vector<16xi1>, vector<16xf32>
        %eq3A_479 = arith.constant 5 : i32
        %eq3A_480 = vector.broadcast %eq3A_479 : i32 to vector<16xi32>
        %eq3A_481 = arith.cmpi eq, %iota3A, %eq3A_480 : vector<16xi32>
        %mul3A_482 = arith.constant 4 : i32
        %mul3A_483 = arith.muli %mul3A_241, %mul3A_482 : i32
        %add3A_484 = arith.constant 5 : i32
        %add3A_485 = arith.addi %mul3A_483, %add3A_484 : i32
        %get3A_486 = arith.index_cast %add3A_485 : i32 to index
        %get3A_487 = arith.constant 0 : index
        %get3A_488 = tpu.vector_load %arg13[%get3A_486, %get3A_487] {strides = array<i32>} : memref<256x64xf32, #tpu.memory_space<vmem>>, vector<16xf32>,
        %get3A_489 = arith.index_cast %add3A_485 : i32 to index
        %get3A_490 = arith.constant 16 : index
        %get3A_491 = tpu.vector_load %arg13[%get3A_489, %get3A_490] {strides = array<i32>} : memref<256x64xf32, #tpu.memory_space<vmem>>, vector<16xf32>,
        %get3A_492 = arith.index_cast %add3A_485 : i32 to index
        %get3A_493 = arith.constant 32 : index
        %get3A_494 = tpu.vector_load %arg13[%get3A_492, %get3A_493] {strides = array<i32>} : memref<256x64xf32, #tpu.memory_space<vmem>>, vector<16xf32>,
        %get3A_495 = arith.index_cast %add3A_485 : i32 to index
        %get3A_496 = arith.constant 48 : index
        %get3A_497 = tpu.vector_load %arg13[%get3A_495, %get3A_496] {strides = array<i32>} : memref<256x64xf32, #tpu.memory_space<vmem>>, vector<16xf32>,
        %mul3A_498 = arith.mulf %get3A_265, %get3A_488 : vector<16xf32>
        %mul3A_499 = arith.mulf %get3A_270, %get3A_491 : vector<16xf32>
        %add3A_500 = arith.addf %mul3A_498, %mul3A_499 : vector<16xf32>
        %mul3A_501 = arith.mulf %get3A_275, %get3A_494 : vector<16xf32>
        %mul3A_502 = arith.mulf %get3A_280, %get3A_497 : vector<16xf32>
        %add3A_503 = arith.addf %mul3A_501, %mul3A_502 : vector<16xf32>
        %add3A_504 = arith.addf %add3A_500, %add3A_503 : vector<16xf32>
        %reduce_sum3A_505 = arith.constant true
        %reduce_sum3A_506 = vector.broadcast %reduce_sum3A_505 : i1 to vector<16xi1>
        %reduce_sum3A_507 = tpu.scan <sum>, %add3A_504 masked %reduce_sum3A_506 : vector<16xf32>, vector<16xi1> -> vector<16xf32>
        %reduce_sum3A_508 = vector.extract %reduce_sum3A_507[15] : f32 from vector<16xf32>
        %broadcast_in_dim3A_509 = vector.broadcast %reduce_sum3A_508 : f32 to vector<16xf32>
        %select_n3A_510 = arith.select %eq3A_481, %broadcast_in_dim3A_509, %select_n3A_478 : vector<16xi1>, vector<16xf32>
        %eq3A_511 = arith.constant 6 : i32
        %eq3A_512 = vector.broadcast %eq3A_511 : i32 to vector<16xi32>
        %eq3A_513 = arith.cmpi eq, %iota3A, %eq3A_512 : vector<16xi32>
        %mul3A_514 = arith.constant 4 : i32
        %mul3A_515 = arith.muli %mul3A_241, %mul3A_514 : i32
        %add3A_516 = arith.constant 6 : i32
        %add3A_517 = arith.addi %mul3A_515, %add3A_516 : i32
        %get3A_518 = arith.index_cast %add3A_517 : i32 to index
        %get3A_519 = arith.constant 0 : index
        %get3A_520 = tpu.vector_load %arg13[%get3A_518, %get3A_519] {strides = array<i32>} : memref<256x64xf32, #tpu.memory_space<vmem>>, vector<16xf32>,
        %get3A_521 = arith.index_cast %add3A_517 : i32 to index
        %get3A_522 = arith.constant 16 : index
        %get3A_523 = tpu.vector_load %arg13[%get3A_521, %get3A_522] {strides = array<i32>} : memref<256x64xf32, #tpu.memory_space<vmem>>, vector<16xf32>,
        %get3A_524 = arith.index_cast %add3A_517 : i32 to index
        %get3A_525 = arith.constant 32 : index
        %get3A_526 = tpu.vector_load %arg13[%get3A_524, %get3A_525] {strides = array<i32>} : memref<256x64xf32, #tpu.memory_space<vmem>>, vector<16xf32>,
        %get3A_527 = arith.index_cast %add3A_517 : i32 to index
        %get3A_528 = arith.constant 48 : index
        %get3A_529 = tpu.vector_load %arg13[%get3A_527, %get3A_528] {strides = array<i32>} : memref<256x64xf32, #tpu.memory_space<vmem>>, vector<16xf32>,
        %mul3A_530 = arith.mulf %get3A_265, %get3A_520 : vector<16xf32>
        %mul3A_531 = arith.mulf %get3A_270, %get3A_523 : vector<16xf32>
        %add3A_532 = arith.addf %mul3A_530, %mul3A_531 : vector<16xf32>
        %mul3A_533 = arith.mulf %get3A_275, %get3A_526 : vector<16xf32>
        %mul3A_534 = arith.mulf %get3A_280, %get3A_529 : vector<16xf32>
        %add3A_535 = arith.addf %mul3A_533, %mul3A_534 : vector<16xf32>
        %add3A_536 = arith.addf %add3A_532, %add3A_535 : vector<16xf32>
        %reduce_sum3A_537 = arith.constant true
        %reduce_sum3A_538 = vector.broadcast %reduce_sum3A_537 : i1 to vector<16xi1>
        %reduce_sum3A_539 = tpu.scan <sum>, %add3A_536 masked %reduce_sum3A_538 : vector<16xf32>, vector<16xi1> -> vector<16xf32>
        %reduce_sum3A_540 = vector.extract %reduce_sum3A_539[15] : f32 from vector<16xf32>
        %broadcast_in_dim3A_541 = vector.broadcast %reduce_sum3A_540 : f32 to vector<16xf32>
        %select_n3A_542 = arith.select %eq3A_513, %broadcast_in_dim3A_541, %select_n3A_510 : vector<16xi1>, vector<16xf32>
        %eq3A_543 = arith.constant 7 : i32
        %eq3A_544 = vector.broadcast %eq3A_543 : i32 to vector<16xi32>
        %eq3A_545 = arith.cmpi eq, %iota3A, %eq3A_544 : vector<16xi32>
        %mul3A_546 = arith.constant 4 : i32
        %mul3A_547 = arith.muli %mul3A_241, %mul3A_546 : i32
        %add3A_548 = arith.constant 7 : i32
        %add3A_549 = arith.addi %mul3A_547, %add3A_548 : i32
        %get3A_550 = arith.index_cast %add3A_549 : i32 to index
        %get3A_551 = arith.constant 0 : index
        %get3A_552 = tpu.vector_load %arg13[%get3A_550, %get3A_551] {strides = array<i32>} : memref<256x64xf32, #tpu.memory_space<vmem>>, vector<16xf32>,
        %get3A_553 = arith.index_cast %add3A_549 : i32 to index
        %get3A_554 = arith.constant 16 : index
        %get3A_555 = tpu.vector_load %arg13[%get3A_553, %get3A_554] {strides = array<i32>} : memref<256x64xf32, #tpu.memory_space<vmem>>, vector<16xf32>,
        %get3A_556 = arith.index_cast %add3A_549 : i32 to index
        %get3A_557 = arith.constant 32 : index
        %get3A_558 = tpu.vector_load %arg13[%get3A_556, %get3A_557] {strides = array<i32>} : memref<256x64xf32, #tpu.memory_space<vmem>>, vector<16xf32>,
        %get3A_559 = arith.index_cast %add3A_549 : i32 to index
        %get3A_560 = arith.constant 48 : index
        %get3A_561 = tpu.vector_load %arg13[%get3A_559, %get3A_560] {strides = array<i32>} : memref<256x64xf32, #tpu.memory_space<vmem>>, vector<16xf32>,
        %mul3A_562 = arith.mulf %get3A_265, %get3A_552 : vector<16xf32>
        %mul3A_563 = arith.mulf %get3A_270, %get3A_555 : vector<16xf32>
        %add3A_564 = arith.addf %mul3A_562, %mul3A_563 : vector<16xf32>
        %mul3A_565 = arith.mulf %get3A_275, %get3A_558 : vector<16xf32>
        %mul3A_566 = arith.mulf %get3A_280, %get3A_561 : vector<16xf32>
        %add3A_567 = arith.addf %mul3A_565, %mul3A_566 : vector<16xf32>
        %add3A_568 = arith.addf %add3A_564, %add3A_567 : vector<16xf32>
        %reduce_sum3A_569 = arith.constant true
        %reduce_sum3A_570 = vector.broadcast %reduce_sum3A_569 : i1 to vector<16xi1>
        %reduce_sum3A_571 = tpu.scan <sum>, %add3A_568 masked %reduce_sum3A_570 : vector<16xf32>, vector<16xi1> -> vector<16xf32>
        %reduce_sum3A_572 = vector.extract %reduce_sum3A_571[15] : f32 from vector<16xf32>
        %broadcast_in_dim3A_573 = vector.broadcast %reduce_sum3A_572 : f32 to vector<16xf32>
        %select_n3A_574 = arith.select %eq3A_545, %broadcast_in_dim3A_573, %select_n3A_542 : vector<16xi1>, vector<16xf32>
        %eq3A_575 = arith.constant 8 : i32
        %eq3A_576 = vector.broadcast %eq3A_575 : i32 to vector<16xi32>
        %eq3A_577 = arith.cmpi eq, %iota3A, %eq3A_576 : vector<16xi32>
        %mul3A_578 = arith.constant 4 : i32
        %mul3A_579 = arith.muli %mul3A_241, %mul3A_578 : i32
        %add3A_580 = arith.constant 8 : i32
        %add3A_581 = arith.addi %mul3A_579, %add3A_580 : i32
        %get3A_582 = arith.index_cast %add3A_581 : i32 to index
        %get3A_583 = arith.constant 0 : index
        %get3A_584 = tpu.vector_load %arg13[%get3A_582, %get3A_583] {strides = array<i32>} : memref<256x64xf32, #tpu.memory_space<vmem>>, vector<16xf32>,
        %get3A_585 = arith.index_cast %add3A_581 : i32 to index
        %get3A_586 = arith.constant 16 : index
        %get3A_587 = tpu.vector_load %arg13[%get3A_585, %get3A_586] {strides = array<i32>} : memref<256x64xf32, #tpu.memory_space<vmem>>, vector<16xf32>,
        %get3A_588 = arith.index_cast %add3A_581 : i32 to index
        %get3A_589 = arith.constant 32 : index
        %get3A_590 = tpu.vector_load %arg13[%get3A_588, %get3A_589] {strides = array<i32>} : memref<256x64xf32, #tpu.memory_space<vmem>>, vector<16xf32>,
        %get3A_591 = arith.index_cast %add3A_581 : i32 to index
        %get3A_592 = arith.constant 48 : index
        %get3A_593 = tpu.vector_load %arg13[%get3A_591, %get3A_592] {strides = array<i32>} : memref<256x64xf32, #tpu.memory_space<vmem>>, vector<16xf32>,
        %mul3A_594 = arith.mulf %get3A_285, %get3A_584 : vector<16xf32>
        %mul3A_595 = arith.mulf %get3A_290, %get3A_587 : vector<16xf32>
        %add3A_596 = arith.addf %mul3A_594, %mul3A_595 : vector<16xf32>
        %mul3A_597 = arith.mulf %get3A_295, %get3A_590 : vector<16xf32>
        %mul3A_598 = arith.mulf %get3A_300, %get3A_593 : vector<16xf32>
        %add3A_599 = arith.addf %mul3A_597, %mul3A_598 : vector<16xf32>
        %add3A_600 = arith.addf %add3A_596, %add3A_599 : vector<16xf32>
        %reduce_sum3A_601 = arith.constant true
        %reduce_sum3A_602 = vector.broadcast %reduce_sum3A_601 : i1 to vector<16xi1>
        %reduce_sum3A_603 = tpu.scan <sum>, %add3A_600 masked %reduce_sum3A_602 : vector<16xf32>, vector<16xi1> -> vector<16xf32>
        %reduce_sum3A_604 = vector.extract %reduce_sum3A_603[15] : f32 from vector<16xf32>
        %broadcast_in_dim3A_605 = vector.broadcast %reduce_sum3A_604 : f32 to vector<16xf32>
        %select_n3A_606 = arith.select %eq3A_577, %broadcast_in_dim3A_605, %select_n3A_574 : vector<16xi1>, vector<16xf32>
        %eq3A_607 = arith.constant 9 : i32
        %eq3A_608 = vector.broadcast %eq3A_607 : i32 to vector<16xi32>
        %eq3A_609 = arith.cmpi eq, %iota3A, %eq3A_608 : vector<16xi32>
        %mul3A_610 = arith.constant 4 : i32
        %mul3A_611 = arith.muli %mul3A_241, %mul3A_610 : i32
        %add3A_612 = arith.constant 9 : i32
        %add3A_613 = arith.addi %mul3A_611, %add3A_612 : i32
        %get3A_614 = arith.index_cast %add3A_613 : i32 to index
        %get3A_615 = arith.constant 0 : index
        %get3A_616 = tpu.vector_load %arg13[%get3A_614, %get3A_615] {strides = array<i32>} : memref<256x64xf32, #tpu.memory_space<vmem>>, vector<16xf32>,
        %get3A_617 = arith.index_cast %add3A_613 : i32 to index
        %get3A_618 = arith.constant 16 : index
        %get3A_619 = tpu.vector_load %arg13[%get3A_617, %get3A_618] {strides = array<i32>} : memref<256x64xf32, #tpu.memory_space<vmem>>, vector<16xf32>,
        %get3A_620 = arith.index_cast %add3A_613 : i32 to index
        %get3A_621 = arith.constant 32 : index
        %get3A_622 = tpu.vector_load %arg13[%get3A_620, %get3A_621] {strides = array<i32>} : memref<256x64xf32, #tpu.memory_space<vmem>>, vector<16xf32>,
        %get3A_623 = arith.index_cast %add3A_613 : i32 to index
        %get3A_624 = arith.constant 48 : index
        %get3A_625 = tpu.vector_load %arg13[%get3A_623, %get3A_624] {strides = array<i32>} : memref<256x64xf32, #tpu.memory_space<vmem>>, vector<16xf32>,
        %mul3A_626 = arith.mulf %get3A_285, %get3A_616 : vector<16xf32>
        %mul3A_627 = arith.mulf %get3A_290, %get3A_619 : vector<16xf32>
        %add3A_628 = arith.addf %mul3A_626, %mul3A_627 : vector<16xf32>
        %mul3A_629 = arith.mulf %get3A_295, %get3A_622 : vector<16xf32>
        %mul3A_630 = arith.mulf %get3A_300, %get3A_625 : vector<16xf32>
        %add3A_631 = arith.addf %mul3A_629, %mul3A_630 : vector<16xf32>
        %add3A_632 = arith.addf %add3A_628, %add3A_631 : vector<16xf32>
        %reduce_sum3A_633 = arith.constant true
        %reduce_sum3A_634 = vector.broadcast %reduce_sum3A_633 : i1 to vector<16xi1>
        %reduce_sum3A_635 = tpu.scan <sum>, %add3A_632 masked %reduce_sum3A_634 : vector<16xf32>, vector<16xi1> -> vector<16xf32>
        %reduce_sum3A_636 = vector.extract %reduce_sum3A_635[15] : f32 from vector<16xf32>
        %broadcast_in_dim3A_637 = vector.broadcast %reduce_sum3A_636 : f32 to vector<16xf32>
        %select_n3A_638 = arith.select %eq3A_609, %broadcast_in_dim3A_637, %select_n3A_606 : vector<16xi1>, vector<16xf32>
        %eq3A_639 = arith.constant 10 : i32
        %eq3A_640 = vector.broadcast %eq3A_639 : i32 to vector<16xi32>
        %eq3A_641 = arith.cmpi eq, %iota3A, %eq3A_640 : vector<16xi32>
        %mul3A_642 = arith.constant 4 : i32
        %mul3A_643 = arith.muli %mul3A_241, %mul3A_642 : i32
        %add3A_644 = arith.constant 10 : i32
        %add3A_645 = arith.addi %mul3A_643, %add3A_644 : i32
        %get3A_646 = arith.index_cast %add3A_645 : i32 to index
        %get3A_647 = arith.constant 0 : index
        %get3A_648 = tpu.vector_load %arg13[%get3A_646, %get3A_647] {strides = array<i32>} : memref<256x64xf32, #tpu.memory_space<vmem>>, vector<16xf32>,
        %get3A_649 = arith.index_cast %add3A_645 : i32 to index
        %get3A_650 = arith.constant 16 : index
        %get3A_651 = tpu.vector_load %arg13[%get3A_649, %get3A_650] {strides = array<i32>} : memref<256x64xf32, #tpu.memory_space<vmem>>, vector<16xf32>,
        %get3A_652 = arith.index_cast %add3A_645 : i32 to index
        %get3A_653 = arith.constant 32 : index
        %get3A_654 = tpu.vector_load %arg13[%get3A_652, %get3A_653] {strides = array<i32>} : memref<256x64xf32, #tpu.memory_space<vmem>>, vector<16xf32>,
        %get3A_655 = arith.index_cast %add3A_645 : i32 to index
        %get3A_656 = arith.constant 48 : index
        %get3A_657 = tpu.vector_load %arg13[%get3A_655, %get3A_656] {strides = array<i32>} : memref<256x64xf32, #tpu.memory_space<vmem>>, vector<16xf32>,
        %mul3A_658 = arith.mulf %get3A_285, %get3A_648 : vector<16xf32>
        %mul3A_659 = arith.mulf %get3A_290, %get3A_651 : vector<16xf32>
        %add3A_660 = arith.addf %mul3A_658, %mul3A_659 : vector<16xf32>
        %mul3A_661 = arith.mulf %get3A_295, %get3A_654 : vector<16xf32>
        %mul3A_662 = arith.mulf %get3A_300, %get3A_657 : vector<16xf32>
        %add3A_663 = arith.addf %mul3A_661, %mul3A_662 : vector<16xf32>
        %add3A_664 = arith.addf %add3A_660, %add3A_663 : vector<16xf32>
        %reduce_sum3A_665 = arith.constant true
        %reduce_sum3A_666 = vector.broadcast %reduce_sum3A_665 : i1 to vector<16xi1>
        %reduce_sum3A_667 = tpu.scan <sum>, %add3A_664 masked %reduce_sum3A_666 : vector<16xf32>, vector<16xi1> -> vector<16xf32>
        %reduce_sum3A_668 = vector.extract %reduce_sum3A_667[15] : f32 from vector<16xf32>
        %broadcast_in_dim3A_669 = vector.broadcast %reduce_sum3A_668 : f32 to vector<16xf32>
        %select_n3A_670 = arith.select %eq3A_641, %broadcast_in_dim3A_669, %select_n3A_638 : vector<16xi1>, vector<16xf32>
        %eq3A_671 = arith.constant 11 : i32
        %eq3A_672 = vector.broadcast %eq3A_671 : i32 to vector<16xi32>
        %eq3A_673 = arith.cmpi eq, %iota3A, %eq3A_672 : vector<16xi32>
        %mul3A_674 = arith.constant 4 : i32
        %mul3A_675 = arith.muli %mul3A_241, %mul3A_674 : i32
        %add3A_676 = arith.constant 11 : i32
        %add3A_677 = arith.addi %mul3A_675, %add3A_676 : i32
        %get3A_678 = arith.index_cast %add3A_677 : i32 to index
        %get3A_679 = arith.constant 0 : index
        %get3A_680 = tpu.vector_load %arg13[%get3A_678, %get3A_679] {strides = array<i32>} : memref<256x64xf32, #tpu.memory_space<vmem>>, vector<16xf32>,
        %get3A_681 = arith.index_cast %add3A_677 : i32 to index
        %get3A_682 = arith.constant 16 : index
        %get3A_683 = tpu.vector_load %arg13[%get3A_681, %get3A_682] {strides = array<i32>} : memref<256x64xf32, #tpu.memory_space<vmem>>, vector<16xf32>,
        %get3A_684 = arith.index_cast %add3A_677 : i32 to index
        %get3A_685 = arith.constant 32 : index
        %get3A_686 = tpu.vector_load %arg13[%get3A_684, %get3A_685] {strides = array<i32>} : memref<256x64xf32, #tpu.memory_space<vmem>>, vector<16xf32>,
        %get3A_687 = arith.index_cast %add3A_677 : i32 to index
        %get3A_688 = arith.constant 48 : index
        %get3A_689 = tpu.vector_load %arg13[%get3A_687, %get3A_688] {strides = array<i32>} : memref<256x64xf32, #tpu.memory_space<vmem>>, vector<16xf32>,
        %mul3A_690 = arith.mulf %get3A_285, %get3A_680 : vector<16xf32>
        %mul3A_691 = arith.mulf %get3A_290, %get3A_683 : vector<16xf32>
        %add3A_692 = arith.addf %mul3A_690, %mul3A_691 : vector<16xf32>
        %mul3A_693 = arith.mulf %get3A_295, %get3A_686 : vector<16xf32>
        %mul3A_694 = arith.mulf %get3A_300, %get3A_689 : vector<16xf32>
        %add3A_695 = arith.addf %mul3A_693, %mul3A_694 : vector<16xf32>
        %add3A_696 = arith.addf %add3A_692, %add3A_695 : vector<16xf32>
        %reduce_sum3A_697 = arith.constant true
        %reduce_sum3A_698 = vector.broadcast %reduce_sum3A_697 : i1 to vector<16xi1>
        %reduce_sum3A_699 = tpu.scan <sum>, %add3A_696 masked %reduce_sum3A_698 : vector<16xf32>, vector<16xi1> -> vector<16xf32>
        %reduce_sum3A_700 = vector.extract %reduce_sum3A_699[15] : f32 from vector<16xf32>
        %broadcast_in_dim3A_701 = vector.broadcast %reduce_sum3A_700 : f32 to vector<16xf32>
        %select_n3A_702 = arith.select %eq3A_673, %broadcast_in_dim3A_701, %select_n3A_670 : vector<16xi1>, vector<16xf32>
        %eq3A_703 = arith.constant 12 : i32
        %eq3A_704 = vector.broadcast %eq3A_703 : i32 to vector<16xi32>
        %eq3A_705 = arith.cmpi eq, %iota3A, %eq3A_704 : vector<16xi32>
        %mul3A_706 = arith.constant 4 : i32
        %mul3A_707 = arith.muli %mul3A_241, %mul3A_706 : i32
        %add3A_708 = arith.constant 12 : i32
        %add3A_709 = arith.addi %mul3A_707, %add3A_708 : i32
        %get3A_710 = arith.index_cast %add3A_709 : i32 to index
        %get3A_711 = arith.constant 0 : index
        %get3A_712 = tpu.vector_load %arg13[%get3A_710, %get3A_711] {strides = array<i32>} : memref<256x64xf32, #tpu.memory_space<vmem>>, vector<16xf32>,
        %get3A_713 = arith.index_cast %add3A_709 : i32 to index
        %get3A_714 = arith.constant 16 : index
        %get3A_715 = tpu.vector_load %arg13[%get3A_713, %get3A_714] {strides = array<i32>} : memref<256x64xf32, #tpu.memory_space<vmem>>, vector<16xf32>,
        %get3A_716 = arith.index_cast %add3A_709 : i32 to index
        %get3A_717 = arith.constant 32 : index
        %get3A_718 = tpu.vector_load %arg13[%get3A_716, %get3A_717] {strides = array<i32>} : memref<256x64xf32, #tpu.memory_space<vmem>>, vector<16xf32>,
        %get3A_719 = arith.index_cast %add3A_709 : i32 to index
        %get3A_720 = arith.constant 48 : index
        %get3A_721 = tpu.vector_load %arg13[%get3A_719, %get3A_720] {strides = array<i32>} : memref<256x64xf32, #tpu.memory_space<vmem>>, vector<16xf32>,
        %mul3A_722 = arith.mulf %get3A_305, %get3A_712 : vector<16xf32>
        %mul3A_723 = arith.mulf %get3A_310, %get3A_715 : vector<16xf32>
        %add3A_724 = arith.addf %mul3A_722, %mul3A_723 : vector<16xf32>
        %mul3A_725 = arith.mulf %get3A_315, %get3A_718 : vector<16xf32>
        %mul3A_726 = arith.mulf %get3A_320, %get3A_721 : vector<16xf32>
        %add3A_727 = arith.addf %mul3A_725, %mul3A_726 : vector<16xf32>
        %add3A_728 = arith.addf %add3A_724, %add3A_727 : vector<16xf32>
        %reduce_sum3A_729 = arith.constant true
        %reduce_sum3A_730 = vector.broadcast %reduce_sum3A_729 : i1 to vector<16xi1>
        %reduce_sum3A_731 = tpu.scan <sum>, %add3A_728 masked %reduce_sum3A_730 : vector<16xf32>, vector<16xi1> -> vector<16xf32>
        %reduce_sum3A_732 = vector.extract %reduce_sum3A_731[15] : f32 from vector<16xf32>
        %broadcast_in_dim3A_733 = vector.broadcast %reduce_sum3A_732 : f32 to vector<16xf32>
        %select_n3A_734 = arith.select %eq3A_705, %broadcast_in_dim3A_733, %select_n3A_702 : vector<16xi1>, vector<16xf32>
        %eq3A_735 = arith.constant 13 : i32
        %eq3A_736 = vector.broadcast %eq3A_735 : i32 to vector<16xi32>
        %eq3A_737 = arith.cmpi eq, %iota3A, %eq3A_736 : vector<16xi32>
        %mul3A_738 = arith.constant 4 : i32
        %mul3A_739 = arith.muli %mul3A_241, %mul3A_738 : i32
        %add3A_740 = arith.constant 13 : i32
        %add3A_741 = arith.addi %mul3A_739, %add3A_740 : i32
        %get3A_742 = arith.index_cast %add3A_741 : i32 to index
        %get3A_743 = arith.constant 0 : index
        %get3A_744 = tpu.vector_load %arg13[%get3A_742, %get3A_743] {strides = array<i32>} : memref<256x64xf32, #tpu.memory_space<vmem>>, vector<16xf32>,
        %get3A_745 = arith.index_cast %add3A_741 : i32 to index
        %get3A_746 = arith.constant 16 : index
        %get3A_747 = tpu.vector_load %arg13[%get3A_745, %get3A_746] {strides = array<i32>} : memref<256x64xf32, #tpu.memory_space<vmem>>, vector<16xf32>,
        %get3A_748 = arith.index_cast %add3A_741 : i32 to index
        %get3A_749 = arith.constant 32 : index
        %get3A_750 = tpu.vector_load %arg13[%get3A_748, %get3A_749] {strides = array<i32>} : memref<256x64xf32, #tpu.memory_space<vmem>>, vector<16xf32>,
        %get3A_751 = arith.index_cast %add3A_741 : i32 to index
        %get3A_752 = arith.constant 48 : index
        %get3A_753 = tpu.vector_load %arg13[%get3A_751, %get3A_752] {strides = array<i32>} : memref<256x64xf32, #tpu.memory_space<vmem>>, vector<16xf32>,
        %mul3A_754 = arith.mulf %get3A_305, %get3A_744 : vector<16xf32>
        %mul3A_755 = arith.mulf %get3A_310, %get3A_747 : vector<16xf32>
        %add3A_756 = arith.addf %mul3A_754, %mul3A_755 : vector<16xf32>
        %mul3A_757 = arith.mulf %get3A_315, %get3A_750 : vector<16xf32>
        %mul3A_758 = arith.mulf %get3A_320, %get3A_753 : vector<16xf32>
        %add3A_759 = arith.addf %mul3A_757, %mul3A_758 : vector<16xf32>
        %add3A_760 = arith.addf %add3A_756, %add3A_759 : vector<16xf32>
        %reduce_sum3A_761 = arith.constant true
        %reduce_sum3A_762 = vector.broadcast %reduce_sum3A_761 : i1 to vector<16xi1>
        %reduce_sum3A_763 = tpu.scan <sum>, %add3A_760 masked %reduce_sum3A_762 : vector<16xf32>, vector<16xi1> -> vector<16xf32>
        %reduce_sum3A_764 = vector.extract %reduce_sum3A_763[15] : f32 from vector<16xf32>
        %broadcast_in_dim3A_765 = vector.broadcast %reduce_sum3A_764 : f32 to vector<16xf32>
        %select_n3A_766 = arith.select %eq3A_737, %broadcast_in_dim3A_765, %select_n3A_734 : vector<16xi1>, vector<16xf32>
        %eq3A_767 = arith.constant 14 : i32
        %eq3A_768 = vector.broadcast %eq3A_767 : i32 to vector<16xi32>
        %eq3A_769 = arith.cmpi eq, %iota3A, %eq3A_768 : vector<16xi32>
        %mul3A_770 = arith.constant 4 : i32
        %mul3A_771 = arith.muli %mul3A_241, %mul3A_770 : i32
        %add3A_772 = arith.constant 14 : i32
        %add3A_773 = arith.addi %mul3A_771, %add3A_772 : i32
        %get3A_774 = arith.index_cast %add3A_773 : i32 to index
        %get3A_775 = arith.constant 0 : index
        %get3A_776 = tpu.vector_load %arg13[%get3A_774, %get3A_775] {strides = array<i32>} : memref<256x64xf32, #tpu.memory_space<vmem>>, vector<16xf32>,
        %get3A_777 = arith.index_cast %add3A_773 : i32 to index
        %get3A_778 = arith.constant 16 : index
        %get3A_779 = tpu.vector_load %arg13[%get3A_777, %get3A_778] {strides = array<i32>} : memref<256x64xf32, #tpu.memory_space<vmem>>, vector<16xf32>,
        %get3A_780 = arith.index_cast %add3A_773 : i32 to index
        %get3A_781 = arith.constant 32 : index
        %get3A_782 = tpu.vector_load %arg13[%get3A_780, %get3A_781] {strides = array<i32>} : memref<256x64xf32, #tpu.memory_space<vmem>>, vector<16xf32>,
        %get3A_783 = arith.index_cast %add3A_773 : i32 to index
        %get3A_784 = arith.constant 48 : index
        %get3A_785 = tpu.vector_load %arg13[%get3A_783, %get3A_784] {strides = array<i32>} : memref<256x64xf32, #tpu.memory_space<vmem>>, vector<16xf32>,
        %mul3A_786 = arith.mulf %get3A_305, %get3A_776 : vector<16xf32>
        %mul3A_787 = arith.mulf %get3A_310, %get3A_779 : vector<16xf32>
        %add3A_788 = arith.addf %mul3A_786, %mul3A_787 : vector<16xf32>
        %mul3A_789 = arith.mulf %get3A_315, %get3A_782 : vector<16xf32>
        %mul3A_790 = arith.mulf %get3A_320, %get3A_785 : vector<16xf32>
        %add3A_791 = arith.addf %mul3A_789, %mul3A_790 : vector<16xf32>
        %add3A_792 = arith.addf %add3A_788, %add3A_791 : vector<16xf32>
        %reduce_sum3A_793 = arith.constant true
        %reduce_sum3A_794 = vector.broadcast %reduce_sum3A_793 : i1 to vector<16xi1>
        %reduce_sum3A_795 = tpu.scan <sum>, %add3A_792 masked %reduce_sum3A_794 : vector<16xf32>, vector<16xi1> -> vector<16xf32>
        %reduce_sum3A_796 = vector.extract %reduce_sum3A_795[15] : f32 from vector<16xf32>
        %broadcast_in_dim3A_797 = vector.broadcast %reduce_sum3A_796 : f32 to vector<16xf32>
        %select_n3A_798 = arith.select %eq3A_769, %broadcast_in_dim3A_797, %select_n3A_766 : vector<16xi1>, vector<16xf32>
        %eq3A_799 = arith.constant 15 : i32
        %eq3A_800 = vector.broadcast %eq3A_799 : i32 to vector<16xi32>
        %eq3A_801 = arith.cmpi eq, %iota3A, %eq3A_800 : vector<16xi32>
        %mul3A_802 = arith.constant 4 : i32
        %mul3A_803 = arith.muli %mul3A_241, %mul3A_802 : i32
        %add3A_804 = arith.constant 15 : i32
        %add3A_805 = arith.addi %mul3A_803, %add3A_804 : i32
        %get3A_806 = arith.index_cast %add3A_805 : i32 to index
        %get3A_807 = arith.constant 0 : index
        %get3A_808 = tpu.vector_load %arg13[%get3A_806, %get3A_807] {strides = array<i32>} : memref<256x64xf32, #tpu.memory_space<vmem>>, vector<16xf32>,
        %get3A_809 = arith.index_cast %add3A_805 : i32 to index
        %get3A_810 = arith.constant 16 : index
        %get3A_811 = tpu.vector_load %arg13[%get3A_809, %get3A_810] {strides = array<i32>} : memref<256x64xf32, #tpu.memory_space<vmem>>, vector<16xf32>,
        %get3A_812 = arith.index_cast %add3A_805 : i32 to index
        %get3A_813 = arith.constant 32 : index
        %get3A_814 = tpu.vector_load %arg13[%get3A_812, %get3A_813] {strides = array<i32>} : memref<256x64xf32, #tpu.memory_space<vmem>>, vector<16xf32>,
        %get3A_815 = arith.index_cast %add3A_805 : i32 to index
        %get3A_816 = arith.constant 48 : index
        %get3A_817 = tpu.vector_load %arg13[%get3A_815, %get3A_816] {strides = array<i32>} : memref<256x64xf32, #tpu.memory_space<vmem>>, vector<16xf32>,
        %mul3A_818 = arith.mulf %get3A_305, %get3A_808 : vector<16xf32>
        %mul3A_819 = arith.mulf %get3A_310, %get3A_811 : vector<16xf32>
        %add3A_820 = arith.addf %mul3A_818, %mul3A_819 : vector<16xf32>
        %mul3A_821 = arith.mulf %get3A_315, %get3A_814 : vector<16xf32>
        %mul3A_822 = arith.mulf %get3A_320, %get3A_817 : vector<16xf32>
        %add3A_823 = arith.addf %mul3A_821, %mul3A_822 : vector<16xf32>
        %add3A_824 = arith.addf %add3A_820, %add3A_823 : vector<16xf32>
        %reduce_sum3A_825 = arith.constant true
        %reduce_sum3A_826 = vector.broadcast %reduce_sum3A_825 : i1 to vector<16xi1>
        %reduce_sum3A_827 = tpu.scan <sum>, %add3A_824 masked %reduce_sum3A_826 : vector<16xf32>, vector<16xi1> -> vector<16xf32>
        %reduce_sum3A_828 = vector.extract %reduce_sum3A_827[15] : f32 from vector<16xf32>
        %broadcast_in_dim3A_829 = vector.broadcast %reduce_sum3A_828 : f32 to vector<16xf32>
        %select_n3A_830 = arith.select %eq3A_801, %broadcast_in_dim3A_829, %select_n3A_798 : vector<16xi1>, vector<16xf32>
        %add3A_831 = arith.addi %mul3A_19, %mul3A_241 : i32
        %mul3A_832 = arith.constant 4 : i32
        %mul3A_833 = arith.muli %add3A_831, %mul3A_832 : i32
        %swap3A = arith.index_cast %mul3A_833 : i32 to index
        %swap3A_834 = tpu.vector_load %arg15[%swap3A] {strides = array<i32>} : memref<2048xf32, #tpu.memory_space<vmem>>, vector<16xf32>,
        tpu.vector_store %arg15[%swap3A], %select_n3A_830 {strides = array<i32>} : memref<2048xf32, #tpu.memory_space<vmem>>, vector<16xf32>,
        %broadcast_in_dim3A_835 = arith.constant 0.000000e+00 : f32
        %broadcast_in_dim3A_836 = vector.broadcast %broadcast_in_dim3A_835 : f32 to vector<16xf32>
        %eq3A_837 = arith.constant 0 : i32
        %eq3A_838 = vector.broadcast %eq3A_837 : i32 to vector<16xi32>
        %eq3A_839 = arith.cmpi eq, %iota3A, %eq3A_838 : vector<16xi32>
        %mul3A_840 = arith.constant 20 : i32
        %mul3A_841 = arith.muli %mul3A_241, %mul3A_840 : i32
        %add3A_842 = arith.constant 0 : i32
        %add3A_843 = arith.addi %mul3A_841, %add3A_842 : i32
        %get3A_844 = arith.index_cast %add3A_843 : i32 to index
        %get3A_845 = arith.constant 0 : index
        %get3A_846 = tpu.vector_load %arg14[%get3A_844, %get3A_845] {strides = array<i32>} : memref<1280x64xf32, #tpu.memory_space<vmem>>, vector<16xf32>,
        %get3A_847 = arith.index_cast %add3A_843 : i32 to index
        %get3A_848 = arith.constant 16 : index
        %get3A_849 = tpu.vector_load %arg14[%get3A_847, %get3A_848] {strides = array<i32>} : memref<1280x64xf32, #tpu.memory_space<vmem>>, vector<16xf32>,
        %get3A_850 = arith.index_cast %add3A_843 : i32 to index
        %get3A_851 = arith.constant 32 : index
        %get3A_852 = tpu.vector_load %arg14[%get3A_850, %get3A_851] {strides = array<i32>} : memref<1280x64xf32, #tpu.memory_space<vmem>>, vector<16xf32>,
        %get3A_853 = arith.index_cast %add3A_843 : i32 to index
        %get3A_854 = arith.constant 48 : index
        %get3A_855 = tpu.vector_load %arg14[%get3A_853, %get3A_854] {strides = array<i32>} : memref<1280x64xf32, #tpu.memory_space<vmem>>, vector<16xf32>,
        %mul3A_856 = arith.mulf %get3A_245, %get3A_846 : vector<16xf32>
        %mul3A_857 = arith.mulf %get3A_250, %get3A_849 : vector<16xf32>
        %add3A_858 = arith.addf %mul3A_856, %mul3A_857 : vector<16xf32>
        %mul3A_859 = arith.mulf %get3A_255, %get3A_852 : vector<16xf32>
        %mul3A_860 = arith.mulf %get3A_260, %get3A_855 : vector<16xf32>
        %add3A_861 = arith.addf %mul3A_859, %mul3A_860 : vector<16xf32>
        %add3A_862 = arith.addf %add3A_858, %add3A_861 : vector<16xf32>
        %reduce_sum3A_863 = arith.constant true
        %reduce_sum3A_864 = vector.broadcast %reduce_sum3A_863 : i1 to vector<16xi1>
        %reduce_sum3A_865 = tpu.scan <sum>, %add3A_862 masked %reduce_sum3A_864 : vector<16xf32>, vector<16xi1> -> vector<16xf32>
        %reduce_sum3A_866 = vector.extract %reduce_sum3A_865[15] : f32 from vector<16xf32>
        %broadcast_in_dim3A_867 = vector.broadcast %reduce_sum3A_866 : f32 to vector<16xf32>
        %select_n3A_868 = arith.select %eq3A_839, %broadcast_in_dim3A_867, %broadcast_in_dim3A_836 : vector<16xi1>, vector<16xf32>
        %eq3A_869 = arith.constant 1 : i32
        %eq3A_870 = vector.broadcast %eq3A_869 : i32 to vector<16xi32>
        %eq3A_871 = arith.cmpi eq, %iota3A, %eq3A_870 : vector<16xi32>
        %mul3A_872 = arith.constant 20 : i32
        %mul3A_873 = arith.muli %mul3A_241, %mul3A_872 : i32
        %add3A_874 = arith.constant 1 : i32
        %add3A_875 = arith.addi %mul3A_873, %add3A_874 : i32
        %get3A_876 = arith.index_cast %add3A_875 : i32 to index
        %get3A_877 = arith.constant 0 : index
        %get3A_878 = tpu.vector_load %arg14[%get3A_876, %get3A_877] {strides = array<i32>} : memref<1280x64xf32, #tpu.memory_space<vmem>>, vector<16xf32>,
        %get3A_879 = arith.index_cast %add3A_875 : i32 to index
        %get3A_880 = arith.constant 16 : index
        %get3A_881 = tpu.vector_load %arg14[%get3A_879, %get3A_880] {strides = array<i32>} : memref<1280x64xf32, #tpu.memory_space<vmem>>, vector<16xf32>,
        %get3A_882 = arith.index_cast %add3A_875 : i32 to index
        %get3A_883 = arith.constant 32 : index
        %get3A_884 = tpu.vector_load %arg14[%get3A_882, %get3A_883] {strides = array<i32>} : memref<1280x64xf32, #tpu.memory_space<vmem>>, vector<16xf32>,
        %get3A_885 = arith.index_cast %add3A_875 : i32 to index
        %get3A_886 = arith.constant 48 : index
        %get3A_887 = tpu.vector_load %arg14[%get3A_885, %get3A_886] {strides = array<i32>} : memref<1280x64xf32, #tpu.memory_space<vmem>>, vector<16xf32>,
        %mul3A_888 = arith.mulf %get3A_245, %get3A_878 : vector<16xf32>
        %mul3A_889 = arith.mulf %get3A_250, %get3A_881 : vector<16xf32>
        %add3A_890 = arith.addf %mul3A_888, %mul3A_889 : vector<16xf32>
        %mul3A_891 = arith.mulf %get3A_255, %get3A_884 : vector<16xf32>
        %mul3A_892 = arith.mulf %get3A_260, %get3A_887 : vector<16xf32>
        %add3A_893 = arith.addf %mul3A_891, %mul3A_892 : vector<16xf32>
        %add3A_894 = arith.addf %add3A_890, %add3A_893 : vector<16xf32>
        %reduce_sum3A_895 = arith.constant true
        %reduce_sum3A_896 = vector.broadcast %reduce_sum3A_895 : i1 to vector<16xi1>
        %reduce_sum3A_897 = tpu.scan <sum>, %add3A_894 masked %reduce_sum3A_896 : vector<16xf32>, vector<16xi1> -> vector<16xf32>
        %reduce_sum3A_898 = vector.extract %reduce_sum3A_897[15] : f32 from vector<16xf32>
        %broadcast_in_dim3A_899 = vector.broadcast %reduce_sum3A_898 : f32 to vector<16xf32>
        %select_n3A_900 = arith.select %eq3A_871, %broadcast_in_dim3A_899, %select_n3A_868 : vector<16xi1>, vector<16xf32>
        %eq3A_901 = arith.constant 2 : i32
        %eq3A_902 = vector.broadcast %eq3A_901 : i32 to vector<16xi32>
        %eq3A_903 = arith.cmpi eq, %iota3A, %eq3A_902 : vector<16xi32>
        %mul3A_904 = arith.constant 20 : i32
        %mul3A_905 = arith.muli %mul3A_241, %mul3A_904 : i32
        %add3A_906 = arith.constant 2 : i32
        %add3A_907 = arith.addi %mul3A_905, %add3A_906 : i32
        %get3A_908 = arith.index_cast %add3A_907 : i32 to index
        %get3A_909 = arith.constant 0 : index
        %get3A_910 = tpu.vector_load %arg14[%get3A_908, %get3A_909] {strides = array<i32>} : memref<1280x64xf32, #tpu.memory_space<vmem>>, vector<16xf32>,
        %get3A_911 = arith.index_cast %add3A_907 : i32 to index
        %get3A_912 = arith.constant 16 : index
        %get3A_913 = tpu.vector_load %arg14[%get3A_911, %get3A_912] {strides = array<i32>} : memref<1280x64xf32, #tpu.memory_space<vmem>>, vector<16xf32>,
        %get3A_914 = arith.index_cast %add3A_907 : i32 to index
        %get3A_915 = arith.constant 32 : index
        %get3A_916 = tpu.vector_load %arg14[%get3A_914, %get3A_915] {strides = array<i32>} : memref<1280x64xf32, #tpu.memory_space<vmem>>, vector<16xf32>,
        %get3A_917 = arith.index_cast %add3A_907 : i32 to index
        %get3A_918 = arith.constant 48 : index
        %get3A_919 = tpu.vector_load %arg14[%get3A_917, %get3A_918] {strides = array<i32>} : memref<1280x64xf32, #tpu.memory_space<vmem>>, vector<16xf32>,
        %mul3A_920 = arith.mulf %get3A_245, %get3A_910 : vector<16xf32>
        %mul3A_921 = arith.mulf %get3A_250, %get3A_913 : vector<16xf32>
        %add3A_922 = arith.addf %mul3A_920, %mul3A_921 : vector<16xf32>
        %mul3A_923 = arith.mulf %get3A_255, %get3A_916 : vector<16xf32>
        %mul3A_924 = arith.mulf %get3A_260, %get3A_919 : vector<16xf32>
        %add3A_925 = arith.addf %mul3A_923, %mul3A_924 : vector<16xf32>
        %add3A_926 = arith.addf %add3A_922, %add3A_925 : vector<16xf32>
        %reduce_sum3A_927 = arith.constant true
        %reduce_sum3A_928 = vector.broadcast %reduce_sum3A_927 : i1 to vector<16xi1>
        %reduce_sum3A_929 = tpu.scan <sum>, %add3A_926 masked %reduce_sum3A_928 : vector<16xf32>, vector<16xi1> -> vector<16xf32>
        %reduce_sum3A_930 = vector.extract %reduce_sum3A_929[15] : f32 from vector<16xf32>
        %broadcast_in_dim3A_931 = vector.broadcast %reduce_sum3A_930 : f32 to vector<16xf32>
        %select_n3A_932 = arith.select %eq3A_903, %broadcast_in_dim3A_931, %select_n3A_900 : vector<16xi1>, vector<16xf32>
        %eq3A_933 = arith.constant 3 : i32
        %eq3A_934 = vector.broadcast %eq3A_933 : i32 to vector<16xi32>
        %eq3A_935 = arith.cmpi eq, %iota3A, %eq3A_934 : vector<16xi32>
        %mul3A_936 = arith.constant 20 : i32
        %mul3A_937 = arith.muli %mul3A_241, %mul3A_936 : i32
        %add3A_938 = arith.constant 3 : i32
        %add3A_939 = arith.addi %mul3A_937, %add3A_938 : i32
        %get3A_940 = arith.index_cast %add3A_939 : i32 to index
        %get3A_941 = arith.constant 0 : index
        %get3A_942 = tpu.vector_load %arg14[%get3A_940, %get3A_941] {strides = array<i32>} : memref<1280x64xf32, #tpu.memory_space<vmem>>, vector<16xf32>,
        %get3A_943 = arith.index_cast %add3A_939 : i32 to index
        %get3A_944 = arith.constant 16 : index
        %get3A_945 = tpu.vector_load %arg14[%get3A_943, %get3A_944] {strides = array<i32>} : memref<1280x64xf32, #tpu.memory_space<vmem>>, vector<16xf32>,
        %get3A_946 = arith.index_cast %add3A_939 : i32 to index
        %get3A_947 = arith.constant 32 : index
        %get3A_948 = tpu.vector_load %arg14[%get3A_946, %get3A_947] {strides = array<i32>} : memref<1280x64xf32, #tpu.memory_space<vmem>>, vector<16xf32>,
        %get3A_949 = arith.index_cast %add3A_939 : i32 to index
        %get3A_950 = arith.constant 48 : index
        %get3A_951 = tpu.vector_load %arg14[%get3A_949, %get3A_950] {strides = array<i32>} : memref<1280x64xf32, #tpu.memory_space<vmem>>, vector<16xf32>,
        %mul3A_952 = arith.mulf %get3A_245, %get3A_942 : vector<16xf32>
        %mul3A_953 = arith.mulf %get3A_250, %get3A_945 : vector<16xf32>
        %add3A_954 = arith.addf %mul3A_952, %mul3A_953 : vector<16xf32>
        %mul3A_955 = arith.mulf %get3A_255, %get3A_948 : vector<16xf32>
        %mul3A_956 = arith.mulf %get3A_260, %get3A_951 : vector<16xf32>
        %add3A_957 = arith.addf %mul3A_955, %mul3A_956 : vector<16xf32>
        %add3A_958 = arith.addf %add3A_954, %add3A_957 : vector<16xf32>
        %reduce_sum3A_959 = arith.constant true
        %reduce_sum3A_960 = vector.broadcast %reduce_sum3A_959 : i1 to vector<16xi1>
        %reduce_sum3A_961 = tpu.scan <sum>, %add3A_958 masked %reduce_sum3A_960 : vector<16xf32>, vector<16xi1> -> vector<16xf32>
        %reduce_sum3A_962 = vector.extract %reduce_sum3A_961[15] : f32 from vector<16xf32>
        %broadcast_in_dim3A_963 = vector.broadcast %reduce_sum3A_962 : f32 to vector<16xf32>
        %select_n3A_964 = arith.select %eq3A_935, %broadcast_in_dim3A_963, %select_n3A_932 : vector<16xi1>, vector<16xf32>
        %eq3A_965 = arith.constant 4 : i32
        %eq3A_966 = vector.broadcast %eq3A_965 : i32 to vector<16xi32>
        %eq3A_967 = arith.cmpi eq, %iota3A, %eq3A_966 : vector<16xi32>
        %mul3A_968 = arith.constant 20 : i32
        %mul3A_969 = arith.muli %mul3A_241, %mul3A_968 : i32
        %add3A_970 = arith.constant 4 : i32
        %add3A_971 = arith.addi %mul3A_969, %add3A_970 : i32
        %get3A_972 = arith.index_cast %add3A_971 : i32 to index
        %get3A_973 = arith.constant 0 : index
        %get3A_974 = tpu.vector_load %arg14[%get3A_972, %get3A_973] {strides = array<i32>} : memref<1280x64xf32, #tpu.memory_space<vmem>>, vector<16xf32>,
        %get3A_975 = arith.index_cast %add3A_971 : i32 to index
        %get3A_976 = arith.constant 16 : index
        %get3A_977 = tpu.vector_load %arg14[%get3A_975, %get3A_976] {strides = array<i32>} : memref<1280x64xf32, #tpu.memory_space<vmem>>, vector<16xf32>,
        %get3A_978 = arith.index_cast %add3A_971 : i32 to index
        %get3A_979 = arith.constant 32 : index
        %get3A_980 = tpu.vector_load %arg14[%get3A_978, %get3A_979] {strides = array<i32>} : memref<1280x64xf32, #tpu.memory_space<vmem>>, vector<16xf32>,
        %get3A_981 = arith.index_cast %add3A_971 : i32 to index
        %get3A_982 = arith.constant 48 : index
        %get3A_983 = tpu.vector_load %arg14[%get3A_981, %get3A_982] {strides = array<i32>} : memref<1280x64xf32, #tpu.memory_space<vmem>>, vector<16xf32>,
        %mul3A_984 = arith.mulf %get3A_245, %get3A_974 : vector<16xf32>
        %mul3A_985 = arith.mulf %get3A_250, %get3A_977 : vector<16xf32>
        %add3A_986 = arith.addf %mul3A_984, %mul3A_985 : vector<16xf32>
        %mul3A_987 = arith.mulf %get3A_255, %get3A_980 : vector<16xf32>
        %mul3A_988 = arith.mulf %get3A_260, %get3A_983 : vector<16xf32>
        %add3A_989 = arith.addf %mul3A_987, %mul3A_988 : vector<16xf32>
        %add3A_990 = arith.addf %add3A_986, %add3A_989 : vector<16xf32>
        %reduce_sum3A_991 = arith.constant true
        %reduce_sum3A_992 = vector.broadcast %reduce_sum3A_991 : i1 to vector<16xi1>
        %reduce_sum3A_993 = tpu.scan <sum>, %add3A_990 masked %reduce_sum3A_992 : vector<16xf32>, vector<16xi1> -> vector<16xf32>
        %reduce_sum3A_994 = vector.extract %reduce_sum3A_993[15] : f32 from vector<16xf32>
        %broadcast_in_dim3A_995 = vector.broadcast %reduce_sum3A_994 : f32 to vector<16xf32>
        %select_n3A_996 = arith.select %eq3A_967, %broadcast_in_dim3A_995, %select_n3A_964 : vector<16xi1>, vector<16xf32>
        %eq3A_997 = arith.constant 5 : i32
        %eq3A_998 = vector.broadcast %eq3A_997 : i32 to vector<16xi32>
        %eq3A_999 = arith.cmpi eq, %iota3A, %eq3A_998 : vector<16xi32>
        %mul3A_1000 = arith.constant 20 : i32
        %mul3A_1001 = arith.muli %mul3A_241, %mul3A_1000 : i32
        %add3A_1002 = arith.constant 5 : i32
        %add3A_1003 = arith.addi %mul3A_1001, %add3A_1002 : i32
        %get3A_1004 = arith.index_cast %add3A_1003 : i32 to index
        %get3A_1005 = arith.constant 0 : index
        %get3A_1006 = tpu.vector_load %arg14[%get3A_1004, %get3A_1005] {strides = array<i32>} : memref<1280x64xf32, #tpu.memory_space<vmem>>, vector<16xf32>,
        %get3A_1007 = arith.index_cast %add3A_1003 : i32 to index
        %get3A_1008 = arith.constant 16 : index
        %get3A_1009 = tpu.vector_load %arg14[%get3A_1007, %get3A_1008] {strides = array<i32>} : memref<1280x64xf32, #tpu.memory_space<vmem>>, vector<16xf32>,
        %get3A_1010 = arith.index_cast %add3A_1003 : i32 to index
        %get3A_1011 = arith.constant 32 : index
        %get3A_1012 = tpu.vector_load %arg14[%get3A_1010, %get3A_1011] {strides = array<i32>} : memref<1280x64xf32, #tpu.memory_space<vmem>>, vector<16xf32>,
        %get3A_1013 = arith.index_cast %add3A_1003 : i32 to index
        %get3A_1014 = arith.constant 48 : index
        %get3A_1015 = tpu.vector_load %arg14[%get3A_1013, %get3A_1014] {strides = array<i32>} : memref<1280x64xf32, #tpu.memory_space<vmem>>, vector<16xf32>,
        %mul3A_1016 = arith.mulf %get3A_245, %get3A_1006 : vector<16xf32>
        %mul3A_1017 = arith.mulf %get3A_250, %get3A_1009 : vector<16xf32>
        %add3A_1018 = arith.addf %mul3A_1016, %mul3A_1017 : vector<16xf32>
        %mul3A_1019 = arith.mulf %get3A_255, %get3A_1012 : vector<16xf32>
        %mul3A_1020 = arith.mulf %get3A_260, %get3A_1015 : vector<16xf32>
        %add3A_1021 = arith.addf %mul3A_1019, %mul3A_1020 : vector<16xf32>
        %add3A_1022 = arith.addf %add3A_1018, %add3A_1021 : vector<16xf32>
        %reduce_sum3A_1023 = arith.constant true
        %reduce_sum3A_1024 = vector.broadcast %reduce_sum3A_1023 : i1 to vector<16xi1>
        %reduce_sum3A_1025 = tpu.scan <sum>, %add3A_1022 masked %reduce_sum3A_1024 : vector<16xf32>, vector<16xi1> -> vector<16xf32>
        %reduce_sum3A_1026 = vector.extract %reduce_sum3A_1025[15] : f32 from vector<16xf32>
        %broadcast_in_dim3A_1027 = vector.broadcast %reduce_sum3A_1026 : f32 to vector<16xf32>
        %select_n3A_1028 = arith.select %eq3A_999, %broadcast_in_dim3A_1027, %select_n3A_996 : vector<16xi1>, vector<16xf32>
        %eq3A_1029 = arith.constant 6 : i32
        %eq3A_1030 = vector.broadcast %eq3A_1029 : i32 to vector<16xi32>
        %eq3A_1031 = arith.cmpi eq, %iota3A, %eq3A_1030 : vector<16xi32>
        %mul3A_1032 = arith.constant 20 : i32
        %mul3A_1033 = arith.muli %mul3A_241, %mul3A_1032 : i32
        %add3A_1034 = arith.constant 6 : i32
        %add3A_1035 = arith.addi %mul3A_1033, %add3A_1034 : i32
        %get3A_1036 = arith.index_cast %add3A_1035 : i32 to index
        %get3A_1037 = arith.constant 0 : index
        %get3A_1038 = tpu.vector_load %arg14[%get3A_1036, %get3A_1037] {strides = array<i32>} : memref<1280x64xf32, #tpu.memory_space<vmem>>, vector<16xf32>,
        %get3A_1039 = arith.index_cast %add3A_1035 : i32 to index
        %get3A_1040 = arith.constant 16 : index
        %get3A_1041 = tpu.vector_load %arg14[%get3A_1039, %get3A_1040] {strides = array<i32>} : memref<1280x64xf32, #tpu.memory_space<vmem>>, vector<16xf32>,
        %get3A_1042 = arith.index_cast %add3A_1035 : i32 to index
        %get3A_1043 = arith.constant 32 : index
        %get3A_1044 = tpu.vector_load %arg14[%get3A_1042, %get3A_1043] {strides = array<i32>} : memref<1280x64xf32, #tpu.memory_space<vmem>>, vector<16xf32>,
        %get3A_1045 = arith.index_cast %add3A_1035 : i32 to index
        %get3A_1046 = arith.constant 48 : index
        %get3A_1047 = tpu.vector_load %arg14[%get3A_1045, %get3A_1046] {strides = array<i32>} : memref<1280x64xf32, #tpu.memory_space<vmem>>, vector<16xf32>,
        %mul3A_1048 = arith.mulf %get3A_245, %get3A_1038 : vector<16xf32>
        %mul3A_1049 = arith.mulf %get3A_250, %get3A_1041 : vector<16xf32>
        %add3A_1050 = arith.addf %mul3A_1048, %mul3A_1049 : vector<16xf32>
        %mul3A_1051 = arith.mulf %get3A_255, %get3A_1044 : vector<16xf32>
        %mul3A_1052 = arith.mulf %get3A_260, %get3A_1047 : vector<16xf32>
        %add3A_1053 = arith.addf %mul3A_1051, %mul3A_1052 : vector<16xf32>
        %add3A_1054 = arith.addf %add3A_1050, %add3A_1053 : vector<16xf32>
        %reduce_sum3A_1055 = arith.constant true
        %reduce_sum3A_1056 = vector.broadcast %reduce_sum3A_1055 : i1 to vector<16xi1>
        %reduce_sum3A_1057 = tpu.scan <sum>, %add3A_1054 masked %reduce_sum3A_1056 : vector<16xf32>, vector<16xi1> -> vector<16xf32>
        %reduce_sum3A_1058 = vector.extract %reduce_sum3A_1057[15] : f32 from vector<16xf32>
        %broadcast_in_dim3A_1059 = vector.broadcast %reduce_sum3A_1058 : f32 to vector<16xf32>
        %select_n3A_1060 = arith.select %eq3A_1031, %broadcast_in_dim3A_1059, %select_n3A_1028 : vector<16xi1>, vector<16xf32>
        %eq3A_1061 = arith.constant 7 : i32
        %eq3A_1062 = vector.broadcast %eq3A_1061 : i32 to vector<16xi32>
        %eq3A_1063 = arith.cmpi eq, %iota3A, %eq3A_1062 : vector<16xi32>
        %mul3A_1064 = arith.constant 20 : i32
        %mul3A_1065 = arith.muli %mul3A_241, %mul3A_1064 : i32
        %add3A_1066 = arith.constant 7 : i32
        %add3A_1067 = arith.addi %mul3A_1065, %add3A_1066 : i32
        %get3A_1068 = arith.index_cast %add3A_1067 : i32 to index
        %get3A_1069 = arith.constant 0 : index
        %get3A_1070 = tpu.vector_load %arg14[%get3A_1068, %get3A_1069] {strides = array<i32>} : memref<1280x64xf32, #tpu.memory_space<vmem>>, vector<16xf32>,
        %get3A_1071 = arith.index_cast %add3A_1067 : i32 to index
        %get3A_1072 = arith.constant 16 : index
        %get3A_1073 = tpu.vector_load %arg14[%get3A_1071, %get3A_1072] {strides = array<i32>} : memref<1280x64xf32, #tpu.memory_space<vmem>>, vector<16xf32>,
        %get3A_1074 = arith.index_cast %add3A_1067 : i32 to index
        %get3A_1075 = arith.constant 32 : index
        %get3A_1076 = tpu.vector_load %arg14[%get3A_1074, %get3A_1075] {strides = array<i32>} : memref<1280x64xf32, #tpu.memory_space<vmem>>, vector<16xf32>,
        %get3A_1077 = arith.index_cast %add3A_1067 : i32 to index
        %get3A_1078 = arith.constant 48 : index
        %get3A_1079 = tpu.vector_load %arg14[%get3A_1077, %get3A_1078] {strides = array<i32>} : memref<1280x64xf32, #tpu.memory_space<vmem>>, vector<16xf32>,
        %mul3A_1080 = arith.mulf %get3A_245, %get3A_1070 : vector<16xf32>
        %mul3A_1081 = arith.mulf %get3A_250, %get3A_1073 : vector<16xf32>
        %add3A_1082 = arith.addf %mul3A_1080, %mul3A_1081 : vector<16xf32>
        %mul3A_1083 = arith.mulf %get3A_255, %get3A_1076 : vector<16xf32>
        %mul3A_1084 = arith.mulf %get3A_260, %get3A_1079 : vector<16xf32>
        %add3A_1085 = arith.addf %mul3A_1083, %mul3A_1084 : vector<16xf32>
        %add3A_1086 = arith.addf %add3A_1082, %add3A_1085 : vector<16xf32>
        %reduce_sum3A_1087 = arith.constant true
        %reduce_sum3A_1088 = vector.broadcast %reduce_sum3A_1087 : i1 to vector<16xi1>
        %reduce_sum3A_1089 = tpu.scan <sum>, %add3A_1086 masked %reduce_sum3A_1088 : vector<16xf32>, vector<16xi1> -> vector<16xf32>
        %reduce_sum3A_1090 = vector.extract %reduce_sum3A_1089[15] : f32 from vector<16xf32>
        %broadcast_in_dim3A_1091 = vector.broadcast %reduce_sum3A_1090 : f32 to vector<16xf32>
        %select_n3A_1092 = arith.select %eq3A_1063, %broadcast_in_dim3A_1091, %select_n3A_1060 : vector<16xi1>, vector<16xf32>
        %eq3A_1093 = arith.constant 8 : i32
        %eq3A_1094 = vector.broadcast %eq3A_1093 : i32 to vector<16xi32>
        %eq3A_1095 = arith.cmpi eq, %iota3A, %eq3A_1094 : vector<16xi32>
        %mul3A_1096 = arith.constant 20 : i32
        %mul3A_1097 = arith.muli %mul3A_241, %mul3A_1096 : i32
        %add3A_1098 = arith.constant 8 : i32
        %add3A_1099 = arith.addi %mul3A_1097, %add3A_1098 : i32
        %get3A_1100 = arith.index_cast %add3A_1099 : i32 to index
        %get3A_1101 = arith.constant 0 : index
        %get3A_1102 = tpu.vector_load %arg14[%get3A_1100, %get3A_1101] {strides = array<i32>} : memref<1280x64xf32, #tpu.memory_space<vmem>>, vector<16xf32>,
        %get3A_1103 = arith.index_cast %add3A_1099 : i32 to index
        %get3A_1104 = arith.constant 16 : index
        %get3A_1105 = tpu.vector_load %arg14[%get3A_1103, %get3A_1104] {strides = array<i32>} : memref<1280x64xf32, #tpu.memory_space<vmem>>, vector<16xf32>,
        %get3A_1106 = arith.index_cast %add3A_1099 : i32 to index
        %get3A_1107 = arith.constant 32 : index
        %get3A_1108 = tpu.vector_load %arg14[%get3A_1106, %get3A_1107] {strides = array<i32>} : memref<1280x64xf32, #tpu.memory_space<vmem>>, vector<16xf32>,
        %get3A_1109 = arith.index_cast %add3A_1099 : i32 to index
        %get3A_1110 = arith.constant 48 : index
        %get3A_1111 = tpu.vector_load %arg14[%get3A_1109, %get3A_1110] {strides = array<i32>} : memref<1280x64xf32, #tpu.memory_space<vmem>>, vector<16xf32>,
        %mul3A_1112 = arith.mulf %get3A_245, %get3A_1102 : vector<16xf32>
        %mul3A_1113 = arith.mulf %get3A_250, %get3A_1105 : vector<16xf32>
        %add3A_1114 = arith.addf %mul3A_1112, %mul3A_1113 : vector<16xf32>
        %mul3A_1115 = arith.mulf %get3A_255, %get3A_1108 : vector<16xf32>
        %mul3A_1116 = arith.mulf %get3A_260, %get3A_1111 : vector<16xf32>
        %add3A_1117 = arith.addf %mul3A_1115, %mul3A_1116 : vector<16xf32>
        %add3A_1118 = arith.addf %add3A_1114, %add3A_1117 : vector<16xf32>
        %reduce_sum3A_1119 = arith.constant true
        %reduce_sum3A_1120 = vector.broadcast %reduce_sum3A_1119 : i1 to vector<16xi1>
        %reduce_sum3A_1121 = tpu.scan <sum>, %add3A_1118 masked %reduce_sum3A_1120 : vector<16xf32>, vector<16xi1> -> vector<16xf32>
        %reduce_sum3A_1122 = vector.extract %reduce_sum3A_1121[15] : f32 from vector<16xf32>
        %broadcast_in_dim3A_1123 = vector.broadcast %reduce_sum3A_1122 : f32 to vector<16xf32>
        %select_n3A_1124 = arith.select %eq3A_1095, %broadcast_in_dim3A_1123, %select_n3A_1092 : vector<16xi1>, vector<16xf32>
        %eq3A_1125 = arith.constant 9 : i32
        %eq3A_1126 = vector.broadcast %eq3A_1125 : i32 to vector<16xi32>
        %eq3A_1127 = arith.cmpi eq, %iota3A, %eq3A_1126 : vector<16xi32>
        %mul3A_1128 = arith.constant 20 : i32
        %mul3A_1129 = arith.muli %mul3A_241, %mul3A_1128 : i32
        %add3A_1130 = arith.constant 9 : i32
        %add3A_1131 = arith.addi %mul3A_1129, %add3A_1130 : i32
        %get3A_1132 = arith.index_cast %add3A_1131 : i32 to index
        %get3A_1133 = arith.constant 0 : index
        %get3A_1134 = tpu.vector_load %arg14[%get3A_1132, %get3A_1133] {strides = array<i32>} : memref<1280x64xf32, #tpu.memory_space<vmem>>, vector<16xf32>,
        %get3A_1135 = arith.index_cast %add3A_1131 : i32 to index
        %get3A_1136 = arith.constant 16 : index
        %get3A_1137 = tpu.vector_load %arg14[%get3A_1135, %get3A_1136] {strides = array<i32>} : memref<1280x64xf32, #tpu.memory_space<vmem>>, vector<16xf32>,
        %get3A_1138 = arith.index_cast %add3A_1131 : i32 to index
        %get3A_1139 = arith.constant 32 : index
        %get3A_1140 = tpu.vector_load %arg14[%get3A_1138, %get3A_1139] {strides = array<i32>} : memref<1280x64xf32, #tpu.memory_space<vmem>>, vector<16xf32>,
        %get3A_1141 = arith.index_cast %add3A_1131 : i32 to index
        %get3A_1142 = arith.constant 48 : index
        %get3A_1143 = tpu.vector_load %arg14[%get3A_1141, %get3A_1142] {strides = array<i32>} : memref<1280x64xf32, #tpu.memory_space<vmem>>, vector<16xf32>,
        %mul3A_1144 = arith.mulf %get3A_245, %get3A_1134 : vector<16xf32>
        %mul3A_1145 = arith.mulf %get3A_250, %get3A_1137 : vector<16xf32>
        %add3A_1146 = arith.addf %mul3A_1144, %mul3A_1145 : vector<16xf32>
        %mul3A_1147 = arith.mulf %get3A_255, %get3A_1140 : vector<16xf32>
        %mul3A_1148 = arith.mulf %get3A_260, %get3A_1143 : vector<16xf32>
        %add3A_1149 = arith.addf %mul3A_1147, %mul3A_1148 : vector<16xf32>
        %add3A_1150 = arith.addf %add3A_1146, %add3A_1149 : vector<16xf32>
        %reduce_sum3A_1151 = arith.constant true
        %reduce_sum3A_1152 = vector.broadcast %reduce_sum3A_1151 : i1 to vector<16xi1>
        %reduce_sum3A_1153 = tpu.scan <sum>, %add3A_1150 masked %reduce_sum3A_1152 : vector<16xf32>, vector<16xi1> -> vector<16xf32>
        %reduce_sum3A_1154 = vector.extract %reduce_sum3A_1153[15] : f32 from vector<16xf32>
        %broadcast_in_dim3A_1155 = vector.broadcast %reduce_sum3A_1154 : f32 to vector<16xf32>
        %select_n3A_1156 = arith.select %eq3A_1127, %broadcast_in_dim3A_1155, %select_n3A_1124 : vector<16xi1>, vector<16xf32>
        %eq3A_1157 = arith.constant 10 : i32
        %eq3A_1158 = vector.broadcast %eq3A_1157 : i32 to vector<16xi32>
        %eq3A_1159 = arith.cmpi eq, %iota3A, %eq3A_1158 : vector<16xi32>
        %mul3A_1160 = arith.constant 20 : i32
        %mul3A_1161 = arith.muli %mul3A_241, %mul3A_1160 : i32
        %add3A_1162 = arith.constant 10 : i32
        %add3A_1163 = arith.addi %mul3A_1161, %add3A_1162 : i32
        %get3A_1164 = arith.index_cast %add3A_1163 : i32 to index
        %get3A_1165 = arith.constant 0 : index
        %get3A_1166 = tpu.vector_load %arg14[%get3A_1164, %get3A_1165] {strides = array<i32>} : memref<1280x64xf32, #tpu.memory_space<vmem>>, vector<16xf32>,
        %get3A_1167 = arith.index_cast %add3A_1163 : i32 to index
        %get3A_1168 = arith.constant 16 : index
        %get3A_1169 = tpu.vector_load %arg14[%get3A_1167, %get3A_1168] {strides = array<i32>} : memref<1280x64xf32, #tpu.memory_space<vmem>>, vector<16xf32>,
        %get3A_1170 = arith.index_cast %add3A_1163 : i32 to index
        %get3A_1171 = arith.constant 32 : index
        %get3A_1172 = tpu.vector_load %arg14[%get3A_1170, %get3A_1171] {strides = array<i32>} : memref<1280x64xf32, #tpu.memory_space<vmem>>, vector<16xf32>,
        %get3A_1173 = arith.index_cast %add3A_1163 : i32 to index
        %get3A_1174 = arith.constant 48 : index
        %get3A_1175 = tpu.vector_load %arg14[%get3A_1173, %get3A_1174] {strides = array<i32>} : memref<1280x64xf32, #tpu.memory_space<vmem>>, vector<16xf32>,
        %mul3A_1176 = arith.mulf %get3A_245, %get3A_1166 : vector<16xf32>
        %mul3A_1177 = arith.mulf %get3A_250, %get3A_1169 : vector<16xf32>
        %add3A_1178 = arith.addf %mul3A_1176, %mul3A_1177 : vector<16xf32>
        %mul3A_1179 = arith.mulf %get3A_255, %get3A_1172 : vector<16xf32>
        %mul3A_1180 = arith.mulf %get3A_260, %get3A_1175 : vector<16xf32>
        %add3A_1181 = arith.addf %mul3A_1179, %mul3A_1180 : vector<16xf32>
        %add3A_1182 = arith.addf %add3A_1178, %add3A_1181 : vector<16xf32>
        %reduce_sum3A_1183 = arith.constant true
        %reduce_sum3A_1184 = vector.broadcast %reduce_sum3A_1183 : i1 to vector<16xi1>
        %reduce_sum3A_1185 = tpu.scan <sum>, %add3A_1182 masked %reduce_sum3A_1184 : vector<16xf32>, vector<16xi1> -> vector<16xf32>
        %reduce_sum3A_1186 = vector.extract %reduce_sum3A_1185[15] : f32 from vector<16xf32>
        %broadcast_in_dim3A_1187 = vector.broadcast %reduce_sum3A_1186 : f32 to vector<16xf32>
        %select_n3A_1188 = arith.select %eq3A_1159, %broadcast_in_dim3A_1187, %select_n3A_1156 : vector<16xi1>, vector<16xf32>
        %eq3A_1189 = arith.constant 11 : i32
        %eq3A_1190 = vector.broadcast %eq3A_1189 : i32 to vector<16xi32>
        %eq3A_1191 = arith.cmpi eq, %iota3A, %eq3A_1190 : vector<16xi32>
        %mul3A_1192 = arith.constant 20 : i32
        %mul3A_1193 = arith.muli %mul3A_241, %mul3A_1192 : i32
        %add3A_1194 = arith.constant 11 : i32
        %add3A_1195 = arith.addi %mul3A_1193, %add3A_1194 : i32
        %get3A_1196 = arith.index_cast %add3A_1195 : i32 to index
        %get3A_1197 = arith.constant 0 : index
        %get3A_1198 = tpu.vector_load %arg14[%get3A_1196, %get3A_1197] {strides = array<i32>} : memref<1280x64xf32, #tpu.memory_space<vmem>>, vector<16xf32>,
        %get3A_1199 = arith.index_cast %add3A_1195 : i32 to index
        %get3A_1200 = arith.constant 16 : index
        %get3A_1201 = tpu.vector_load %arg14[%get3A_1199, %get3A_1200] {strides = array<i32>} : memref<1280x64xf32, #tpu.memory_space<vmem>>, vector<16xf32>,
        %get3A_1202 = arith.index_cast %add3A_1195 : i32 to index
        %get3A_1203 = arith.constant 32 : index
        %get3A_1204 = tpu.vector_load %arg14[%get3A_1202, %get3A_1203] {strides = array<i32>} : memref<1280x64xf32, #tpu.memory_space<vmem>>, vector<16xf32>,
        %get3A_1205 = arith.index_cast %add3A_1195 : i32 to index
        %get3A_1206 = arith.constant 48 : index
        %get3A_1207 = tpu.vector_load %arg14[%get3A_1205, %get3A_1206] {strides = array<i32>} : memref<1280x64xf32, #tpu.memory_space<vmem>>, vector<16xf32>,
        %mul3A_1208 = arith.mulf %get3A_245, %get3A_1198 : vector<16xf32>
        %mul3A_1209 = arith.mulf %get3A_250, %get3A_1201 : vector<16xf32>
        %add3A_1210 = arith.addf %mul3A_1208, %mul3A_1209 : vector<16xf32>
        %mul3A_1211 = arith.mulf %get3A_255, %get3A_1204 : vector<16xf32>
        %mul3A_1212 = arith.mulf %get3A_260, %get3A_1207 : vector<16xf32>
        %add3A_1213 = arith.addf %mul3A_1211, %mul3A_1212 : vector<16xf32>
        %add3A_1214 = arith.addf %add3A_1210, %add3A_1213 : vector<16xf32>
        %reduce_sum3A_1215 = arith.constant true
        %reduce_sum3A_1216 = vector.broadcast %reduce_sum3A_1215 : i1 to vector<16xi1>
        %reduce_sum3A_1217 = tpu.scan <sum>, %add3A_1214 masked %reduce_sum3A_1216 : vector<16xf32>, vector<16xi1> -> vector<16xf32>
        %reduce_sum3A_1218 = vector.extract %reduce_sum3A_1217[15] : f32 from vector<16xf32>
        %broadcast_in_dim3A_1219 = vector.broadcast %reduce_sum3A_1218 : f32 to vector<16xf32>
        %select_n3A_1220 = arith.select %eq3A_1191, %broadcast_in_dim3A_1219, %select_n3A_1188 : vector<16xi1>, vector<16xf32>
        %eq3A_1221 = arith.constant 12 : i32
        %eq3A_1222 = vector.broadcast %eq3A_1221 : i32 to vector<16xi32>
        %eq3A_1223 = arith.cmpi eq, %iota3A, %eq3A_1222 : vector<16xi32>
        %mul3A_1224 = arith.constant 20 : i32
        %mul3A_1225 = arith.muli %mul3A_241, %mul3A_1224 : i32
        %add3A_1226 = arith.constant 12 : i32
        %add3A_1227 = arith.addi %mul3A_1225, %add3A_1226 : i32
        %get3A_1228 = arith.index_cast %add3A_1227 : i32 to index
        %get3A_1229 = arith.constant 0 : index
        %get3A_1230 = tpu.vector_load %arg14[%get3A_1228, %get3A_1229] {strides = array<i32>} : memref<1280x64xf32, #tpu.memory_space<vmem>>, vector<16xf32>,
        %get3A_1231 = arith.index_cast %add3A_1227 : i32 to index
        %get3A_1232 = arith.constant 16 : index
        %get3A_1233 = tpu.vector_load %arg14[%get3A_1231, %get3A_1232] {strides = array<i32>} : memref<1280x64xf32, #tpu.memory_space<vmem>>, vector<16xf32>,
        %get3A_1234 = arith.index_cast %add3A_1227 : i32 to index
        %get3A_1235 = arith.constant 32 : index
        %get3A_1236 = tpu.vector_load %arg14[%get3A_1234, %get3A_1235] {strides = array<i32>} : memref<1280x64xf32, #tpu.memory_space<vmem>>, vector<16xf32>,
        %get3A_1237 = arith.index_cast %add3A_1227 : i32 to index
        %get3A_1238 = arith.constant 48 : index
        %get3A_1239 = tpu.vector_load %arg14[%get3A_1237, %get3A_1238] {strides = array<i32>} : memref<1280x64xf32, #tpu.memory_space<vmem>>, vector<16xf32>,
        %mul3A_1240 = arith.mulf %get3A_245, %get3A_1230 : vector<16xf32>
        %mul3A_1241 = arith.mulf %get3A_250, %get3A_1233 : vector<16xf32>
        %add3A_1242 = arith.addf %mul3A_1240, %mul3A_1241 : vector<16xf32>
        %mul3A_1243 = arith.mulf %get3A_255, %get3A_1236 : vector<16xf32>
        %mul3A_1244 = arith.mulf %get3A_260, %get3A_1239 : vector<16xf32>
        %add3A_1245 = arith.addf %mul3A_1243, %mul3A_1244 : vector<16xf32>
        %add3A_1246 = arith.addf %add3A_1242, %add3A_1245 : vector<16xf32>
        %reduce_sum3A_1247 = arith.constant true
        %reduce_sum3A_1248 = vector.broadcast %reduce_sum3A_1247 : i1 to vector<16xi1>
        %reduce_sum3A_1249 = tpu.scan <sum>, %add3A_1246 masked %reduce_sum3A_1248 : vector<16xf32>, vector<16xi1> -> vector<16xf32>
        %reduce_sum3A_1250 = vector.extract %reduce_sum3A_1249[15] : f32 from vector<16xf32>
        %broadcast_in_dim3A_1251 = vector.broadcast %reduce_sum3A_1250 : f32 to vector<16xf32>
        %select_n3A_1252 = arith.select %eq3A_1223, %broadcast_in_dim3A_1251, %select_n3A_1220 : vector<16xi1>, vector<16xf32>
        %eq3A_1253 = arith.constant 13 : i32
        %eq3A_1254 = vector.broadcast %eq3A_1253 : i32 to vector<16xi32>
        %eq3A_1255 = arith.cmpi eq, %iota3A, %eq3A_1254 : vector<16xi32>
        %mul3A_1256 = arith.constant 20 : i32
        %mul3A_1257 = arith.muli %mul3A_241, %mul3A_1256 : i32
        %add3A_1258 = arith.constant 13 : i32
        %add3A_1259 = arith.addi %mul3A_1257, %add3A_1258 : i32
        %get3A_1260 = arith.index_cast %add3A_1259 : i32 to index
        %get3A_1261 = arith.constant 0 : index
        %get3A_1262 = tpu.vector_load %arg14[%get3A_1260, %get3A_1261] {strides = array<i32>} : memref<1280x64xf32, #tpu.memory_space<vmem>>, vector<16xf32>,
        %get3A_1263 = arith.index_cast %add3A_1259 : i32 to index
        %get3A_1264 = arith.constant 16 : index
        %get3A_1265 = tpu.vector_load %arg14[%get3A_1263, %get3A_1264] {strides = array<i32>} : memref<1280x64xf32, #tpu.memory_space<vmem>>, vector<16xf32>,
        %get3A_1266 = arith.index_cast %add3A_1259 : i32 to index
        %get3A_1267 = arith.constant 32 : index
        %get3A_1268 = tpu.vector_load %arg14[%get3A_1266, %get3A_1267] {strides = array<i32>} : memref<1280x64xf32, #tpu.memory_space<vmem>>, vector<16xf32>,
        %get3A_1269 = arith.index_cast %add3A_1259 : i32 to index
        %get3A_1270 = arith.constant 48 : index
        %get3A_1271 = tpu.vector_load %arg14[%get3A_1269, %get3A_1270] {strides = array<i32>} : memref<1280x64xf32, #tpu.memory_space<vmem>>, vector<16xf32>,
        %mul3A_1272 = arith.mulf %get3A_245, %get3A_1262 : vector<16xf32>
        %mul3A_1273 = arith.mulf %get3A_250, %get3A_1265 : vector<16xf32>
        %add3A_1274 = arith.addf %mul3A_1272, %mul3A_1273 : vector<16xf32>
        %mul3A_1275 = arith.mulf %get3A_255, %get3A_1268 : vector<16xf32>
        %mul3A_1276 = arith.mulf %get3A_260, %get3A_1271 : vector<16xf32>
        %add3A_1277 = arith.addf %mul3A_1275, %mul3A_1276 : vector<16xf32>
        %add3A_1278 = arith.addf %add3A_1274, %add3A_1277 : vector<16xf32>
        %reduce_sum3A_1279 = arith.constant true
        %reduce_sum3A_1280 = vector.broadcast %reduce_sum3A_1279 : i1 to vector<16xi1>
        %reduce_sum3A_1281 = tpu.scan <sum>, %add3A_1278 masked %reduce_sum3A_1280 : vector<16xf32>, vector<16xi1> -> vector<16xf32>
        %reduce_sum3A_1282 = vector.extract %reduce_sum3A_1281[15] : f32 from vector<16xf32>
        %broadcast_in_dim3A_1283 = vector.broadcast %reduce_sum3A_1282 : f32 to vector<16xf32>
        %select_n3A_1284 = arith.select %eq3A_1255, %broadcast_in_dim3A_1283, %select_n3A_1252 : vector<16xi1>, vector<16xf32>
        %eq3A_1285 = arith.constant 14 : i32
        %eq3A_1286 = vector.broadcast %eq3A_1285 : i32 to vector<16xi32>
        %eq3A_1287 = arith.cmpi eq, %iota3A, %eq3A_1286 : vector<16xi32>
        %mul3A_1288 = arith.constant 20 : i32
        %mul3A_1289 = arith.muli %mul3A_241, %mul3A_1288 : i32
        %add3A_1290 = arith.constant 14 : i32
        %add3A_1291 = arith.addi %mul3A_1289, %add3A_1290 : i32
        %get3A_1292 = arith.index_cast %add3A_1291 : i32 to index
        %get3A_1293 = arith.constant 0 : index
        %get3A_1294 = tpu.vector_load %arg14[%get3A_1292, %get3A_1293] {strides = array<i32>} : memref<1280x64xf32, #tpu.memory_space<vmem>>, vector<16xf32>,
        %get3A_1295 = arith.index_cast %add3A_1291 : i32 to index
        %get3A_1296 = arith.constant 16 : index
        %get3A_1297 = tpu.vector_load %arg14[%get3A_1295, %get3A_1296] {strides = array<i32>} : memref<1280x64xf32, #tpu.memory_space<vmem>>, vector<16xf32>,
        %get3A_1298 = arith.index_cast %add3A_1291 : i32 to index
        %get3A_1299 = arith.constant 32 : index
        %get3A_1300 = tpu.vector_load %arg14[%get3A_1298, %get3A_1299] {strides = array<i32>} : memref<1280x64xf32, #tpu.memory_space<vmem>>, vector<16xf32>,
        %get3A_1301 = arith.index_cast %add3A_1291 : i32 to index
        %get3A_1302 = arith.constant 48 : index
        %get3A_1303 = tpu.vector_load %arg14[%get3A_1301, %get3A_1302] {strides = array<i32>} : memref<1280x64xf32, #tpu.memory_space<vmem>>, vector<16xf32>,
        %mul3A_1304 = arith.mulf %get3A_245, %get3A_1294 : vector<16xf32>
        %mul3A_1305 = arith.mulf %get3A_250, %get3A_1297 : vector<16xf32>
        %add3A_1306 = arith.addf %mul3A_1304, %mul3A_1305 : vector<16xf32>
        %mul3A_1307 = arith.mulf %get3A_255, %get3A_1300 : vector<16xf32>
        %mul3A_1308 = arith.mulf %get3A_260, %get3A_1303 : vector<16xf32>
        %add3A_1309 = arith.addf %mul3A_1307, %mul3A_1308 : vector<16xf32>
        %add3A_1310 = arith.addf %add3A_1306, %add3A_1309 : vector<16xf32>
        %reduce_sum3A_1311 = arith.constant true
        %reduce_sum3A_1312 = vector.broadcast %reduce_sum3A_1311 : i1 to vector<16xi1>
        %reduce_sum3A_1313 = tpu.scan <sum>, %add3A_1310 masked %reduce_sum3A_1312 : vector<16xf32>, vector<16xi1> -> vector<16xf32>
        %reduce_sum3A_1314 = vector.extract %reduce_sum3A_1313[15] : f32 from vector<16xf32>
        %broadcast_in_dim3A_1315 = vector.broadcast %reduce_sum3A_1314 : f32 to vector<16xf32>
        %select_n3A_1316 = arith.select %eq3A_1287, %broadcast_in_dim3A_1315, %select_n3A_1284 : vector<16xi1>, vector<16xf32>
        %eq3A_1317 = arith.constant 15 : i32
        %eq3A_1318 = vector.broadcast %eq3A_1317 : i32 to vector<16xi32>
        %eq3A_1319 = arith.cmpi eq, %iota3A, %eq3A_1318 : vector<16xi32>
        %mul3A_1320 = arith.constant 20 : i32
        %mul3A_1321 = arith.muli %mul3A_241, %mul3A_1320 : i32
        %add3A_1322 = arith.constant 15 : i32
        %add3A_1323 = arith.addi %mul3A_1321, %add3A_1322 : i32
        %get3A_1324 = arith.index_cast %add3A_1323 : i32 to index
        %get3A_1325 = arith.constant 0 : index
        %get3A_1326 = tpu.vector_load %arg14[%get3A_1324, %get3A_1325] {strides = array<i32>} : memref<1280x64xf32, #tpu.memory_space<vmem>>, vector<16xf32>,
        %get3A_1327 = arith.index_cast %add3A_1323 : i32 to index
        %get3A_1328 = arith.constant 16 : index
        %get3A_1329 = tpu.vector_load %arg14[%get3A_1327, %get3A_1328] {strides = array<i32>} : memref<1280x64xf32, #tpu.memory_space<vmem>>, vector<16xf32>,
        %get3A_1330 = arith.index_cast %add3A_1323 : i32 to index
        %get3A_1331 = arith.constant 32 : index
        %get3A_1332 = tpu.vector_load %arg14[%get3A_1330, %get3A_1331] {strides = array<i32>} : memref<1280x64xf32, #tpu.memory_space<vmem>>, vector<16xf32>,
        %get3A_1333 = arith.index_cast %add3A_1323 : i32 to index
        %get3A_1334 = arith.constant 48 : index
        %get3A_1335 = tpu.vector_load %arg14[%get3A_1333, %get3A_1334] {strides = array<i32>} : memref<1280x64xf32, #tpu.memory_space<vmem>>, vector<16xf32>,
        %mul3A_1336 = arith.mulf %get3A_245, %get3A_1326 : vector<16xf32>
        %mul3A_1337 = arith.mulf %get3A_250, %get3A_1329 : vector<16xf32>
        %add3A_1338 = arith.addf %mul3A_1336, %mul3A_1337 : vector<16xf32>
        %mul3A_1339 = arith.mulf %get3A_255, %get3A_1332 : vector<16xf32>
        %mul3A_1340 = arith.mulf %get3A_260, %get3A_1335 : vector<16xf32>
        %add3A_1341 = arith.addf %mul3A_1339, %mul3A_1340 : vector<16xf32>
        %add3A_1342 = arith.addf %add3A_1338, %add3A_1341 : vector<16xf32>
        %reduce_sum3A_1343 = arith.constant true
        %reduce_sum3A_1344 = vector.broadcast %reduce_sum3A_1343 : i1 to vector<16xi1>
        %reduce_sum3A_1345 = tpu.scan <sum>, %add3A_1342 masked %reduce_sum3A_1344 : vector<16xf32>, vector<16xi1> -> vector<16xf32>
        %reduce_sum3A_1346 = vector.extract %reduce_sum3A_1345[15] : f32 from vector<16xf32>
        %broadcast_in_dim3A_1347 = vector.broadcast %reduce_sum3A_1346 : f32 to vector<16xf32>
        %select_n3A_1348 = arith.select %eq3A_1319, %broadcast_in_dim3A_1347, %select_n3A_1316 : vector<16xi1>, vector<16xf32>
        %add3A_1349 = arith.addi %mul3A_19, %mul3A_241 : i32
        %mul3A_1350 = arith.constant 20 : i32
        %mul3A_1351 = arith.muli %add3A_1349, %mul3A_1350 : i32
        %add3A_1352 = arith.constant 0 : i32
        %add3A_1353 = arith.addi %mul3A_1351, %add3A_1352 : i32
        %swap3A_1354 = arith.index_cast %add3A_1353 : i32 to index
        %swap3A_1355 = tpu.vector_load %arg16[%swap3A_1354] {strides = array<i32>} : memref<10240xf32, #tpu.memory_space<vmem>>, vector<16xf32>,
        tpu.vector_store %arg16[%swap3A_1354], %select_n3A_1348 {strides = array<i32>} : memref<10240xf32, #tpu.memory_space<vmem>>, vector<16xf32>,
        %broadcast_in_dim3A_1356 = arith.constant 0.000000e+00 : f32
        %broadcast_in_dim3A_1357 = vector.broadcast %broadcast_in_dim3A_1356 : f32 to vector<16xf32>
        %eq3A_1358 = arith.constant 0 : i32
        %eq3A_1359 = vector.broadcast %eq3A_1358 : i32 to vector<16xi32>
        %eq3A_1360 = arith.cmpi eq, %iota3A, %eq3A_1359 : vector<16xi32>
        %mul3A_1361 = arith.constant 20 : i32
        %mul3A_1362 = arith.muli %mul3A_241, %mul3A_1361 : i32
        %add3A_1363 = arith.constant 16 : i32
        %add3A_1364 = arith.addi %mul3A_1362, %add3A_1363 : i32
        %get3A_1365 = arith.index_cast %add3A_1364 : i32 to index
        %get3A_1366 = arith.constant 0 : index
        %get3A_1367 = tpu.vector_load %arg14[%get3A_1365, %get3A_1366] {strides = array<i32>} : memref<1280x64xf32, #tpu.memory_space<vmem>>, vector<16xf32>,
        %get3A_1368 = arith.index_cast %add3A_1364 : i32 to index
        %get3A_1369 = arith.constant 16 : index
        %get3A_1370 = tpu.vector_load %arg14[%get3A_1368, %get3A_1369] {strides = array<i32>} : memref<1280x64xf32, #tpu.memory_space<vmem>>, vector<16xf32>,
        %get3A_1371 = arith.index_cast %add3A_1364 : i32 to index
        %get3A_1372 = arith.constant 32 : index
        %get3A_1373 = tpu.vector_load %arg14[%get3A_1371, %get3A_1372] {strides = array<i32>} : memref<1280x64xf32, #tpu.memory_space<vmem>>, vector<16xf32>,
        %get3A_1374 = arith.index_cast %add3A_1364 : i32 to index
        %get3A_1375 = arith.constant 48 : index
        %get3A_1376 = tpu.vector_load %arg14[%get3A_1374, %get3A_1375] {strides = array<i32>} : memref<1280x64xf32, #tpu.memory_space<vmem>>, vector<16xf32>,
        %mul3A_1377 = arith.mulf %get3A_245, %get3A_1367 : vector<16xf32>
        %mul3A_1378 = arith.mulf %get3A_250, %get3A_1370 : vector<16xf32>
        %add3A_1379 = arith.addf %mul3A_1377, %mul3A_1378 : vector<16xf32>
        %mul3A_1380 = arith.mulf %get3A_255, %get3A_1373 : vector<16xf32>
        %mul3A_1381 = arith.mulf %get3A_260, %get3A_1376 : vector<16xf32>
        %add3A_1382 = arith.addf %mul3A_1380, %mul3A_1381 : vector<16xf32>
        %add3A_1383 = arith.addf %add3A_1379, %add3A_1382 : vector<16xf32>
        %reduce_sum3A_1384 = arith.constant true
        %reduce_sum3A_1385 = vector.broadcast %reduce_sum3A_1384 : i1 to vector<16xi1>
        %reduce_sum3A_1386 = tpu.scan <sum>, %add3A_1383 masked %reduce_sum3A_1385 : vector<16xf32>, vector<16xi1> -> vector<16xf32>
        %reduce_sum3A_1387 = vector.extract %reduce_sum3A_1386[15] : f32 from vector<16xf32>
        %broadcast_in_dim3A_1388 = vector.broadcast %reduce_sum3A_1387 : f32 to vector<16xf32>
        %select_n3A_1389 = arith.select %eq3A_1360, %broadcast_in_dim3A_1388, %broadcast_in_dim3A_1357 : vector<16xi1>, vector<16xf32>
        %eq3A_1390 = arith.constant 1 : i32
        %eq3A_1391 = vector.broadcast %eq3A_1390 : i32 to vector<16xi32>
        %eq3A_1392 = arith.cmpi eq, %iota3A, %eq3A_1391 : vector<16xi32>
        %mul3A_1393 = arith.constant 20 : i32
        %mul3A_1394 = arith.muli %mul3A_241, %mul3A_1393 : i32
        %add3A_1395 = arith.constant 17 : i32
        %add3A_1396 = arith.addi %mul3A_1394, %add3A_1395 : i32
        %get3A_1397 = arith.index_cast %add3A_1396 : i32 to index
        %get3A_1398 = arith.constant 0 : index
        %get3A_1399 = tpu.vector_load %arg14[%get3A_1397, %get3A_1398] {strides = array<i32>} : memref<1280x64xf32, #tpu.memory_space<vmem>>, vector<16xf32>,
        %get3A_1400 = arith.index_cast %add3A_1396 : i32 to index
        %get3A_1401 = arith.constant 16 : index
        %get3A_1402 = tpu.vector_load %arg14[%get3A_1400, %get3A_1401] {strides = array<i32>} : memref<1280x64xf32, #tpu.memory_space<vmem>>, vector<16xf32>,
        %get3A_1403 = arith.index_cast %add3A_1396 : i32 to index
        %get3A_1404 = arith.constant 32 : index
        %get3A_1405 = tpu.vector_load %arg14[%get3A_1403, %get3A_1404] {strides = array<i32>} : memref<1280x64xf32, #tpu.memory_space<vmem>>, vector<16xf32>,
        %get3A_1406 = arith.index_cast %add3A_1396 : i32 to index
        %get3A_1407 = arith.constant 48 : index
        %get3A_1408 = tpu.vector_load %arg14[%get3A_1406, %get3A_1407] {strides = array<i32>} : memref<1280x64xf32, #tpu.memory_space<vmem>>, vector<16xf32>,
        %mul3A_1409 = arith.mulf %get3A_245, %get3A_1399 : vector<16xf32>
        %mul3A_1410 = arith.mulf %get3A_250, %get3A_1402 : vector<16xf32>
        %add3A_1411 = arith.addf %mul3A_1409, %mul3A_1410 : vector<16xf32>
        %mul3A_1412 = arith.mulf %get3A_255, %get3A_1405 : vector<16xf32>
        %mul3A_1413 = arith.mulf %get3A_260, %get3A_1408 : vector<16xf32>
        %add3A_1414 = arith.addf %mul3A_1412, %mul3A_1413 : vector<16xf32>
        %add3A_1415 = arith.addf %add3A_1411, %add3A_1414 : vector<16xf32>
        %reduce_sum3A_1416 = arith.constant true
        %reduce_sum3A_1417 = vector.broadcast %reduce_sum3A_1416 : i1 to vector<16xi1>
        %reduce_sum3A_1418 = tpu.scan <sum>, %add3A_1415 masked %reduce_sum3A_1417 : vector<16xf32>, vector<16xi1> -> vector<16xf32>
        %reduce_sum3A_1419 = vector.extract %reduce_sum3A_1418[15] : f32 from vector<16xf32>
        %broadcast_in_dim3A_1420 = vector.broadcast %reduce_sum3A_1419 : f32 to vector<16xf32>
        %select_n3A_1421 = arith.select %eq3A_1392, %broadcast_in_dim3A_1420, %select_n3A_1389 : vector<16xi1>, vector<16xf32>
        %eq3A_1422 = arith.constant 2 : i32
        %eq3A_1423 = vector.broadcast %eq3A_1422 : i32 to vector<16xi32>
        %eq3A_1424 = arith.cmpi eq, %iota3A, %eq3A_1423 : vector<16xi32>
        %mul3A_1425 = arith.constant 20 : i32
        %mul3A_1426 = arith.muli %mul3A_241, %mul3A_1425 : i32
        %add3A_1427 = arith.constant 18 : i32
        %add3A_1428 = arith.addi %mul3A_1426, %add3A_1427 : i32
        %get3A_1429 = arith.index_cast %add3A_1428 : i32 to index
        %get3A_1430 = arith.constant 0 : index
        %get3A_1431 = tpu.vector_load %arg14[%get3A_1429, %get3A_1430] {strides = array<i32>} : memref<1280x64xf32, #tpu.memory_space<vmem>>, vector<16xf32>,
        %get3A_1432 = arith.index_cast %add3A_1428 : i32 to index
        %get3A_1433 = arith.constant 16 : index
        %get3A_1434 = tpu.vector_load %arg14[%get3A_1432, %get3A_1433] {strides = array<i32>} : memref<1280x64xf32, #tpu.memory_space<vmem>>, vector<16xf32>,
        %get3A_1435 = arith.index_cast %add3A_1428 : i32 to index
        %get3A_1436 = arith.constant 32 : index
        %get3A_1437 = tpu.vector_load %arg14[%get3A_1435, %get3A_1436] {strides = array<i32>} : memref<1280x64xf32, #tpu.memory_space<vmem>>, vector<16xf32>,
        %get3A_1438 = arith.index_cast %add3A_1428 : i32 to index
        %get3A_1439 = arith.constant 48 : index
        %get3A_1440 = tpu.vector_load %arg14[%get3A_1438, %get3A_1439] {strides = array<i32>} : memref<1280x64xf32, #tpu.memory_space<vmem>>, vector<16xf32>,
        %mul3A_1441 = arith.mulf %get3A_245, %get3A_1431 : vector<16xf32>
        %mul3A_1442 = arith.mulf %get3A_250, %get3A_1434 : vector<16xf32>
        %add3A_1443 = arith.addf %mul3A_1441, %mul3A_1442 : vector<16xf32>
        %mul3A_1444 = arith.mulf %get3A_255, %get3A_1437 : vector<16xf32>
        %mul3A_1445 = arith.mulf %get3A_260, %get3A_1440 : vector<16xf32>
        %add3A_1446 = arith.addf %mul3A_1444, %mul3A_1445 : vector<16xf32>
        %add3A_1447 = arith.addf %add3A_1443, %add3A_1446 : vector<16xf32>
        %reduce_sum3A_1448 = arith.constant true
        %reduce_sum3A_1449 = vector.broadcast %reduce_sum3A_1448 : i1 to vector<16xi1>
        %reduce_sum3A_1450 = tpu.scan <sum>, %add3A_1447 masked %reduce_sum3A_1449 : vector<16xf32>, vector<16xi1> -> vector<16xf32>
        %reduce_sum3A_1451 = vector.extract %reduce_sum3A_1450[15] : f32 from vector<16xf32>
        %broadcast_in_dim3A_1452 = vector.broadcast %reduce_sum3A_1451 : f32 to vector<16xf32>
        %select_n3A_1453 = arith.select %eq3A_1424, %broadcast_in_dim3A_1452, %select_n3A_1421 : vector<16xi1>, vector<16xf32>
        %eq3A_1454 = arith.constant 3 : i32
        %eq3A_1455 = vector.broadcast %eq3A_1454 : i32 to vector<16xi32>
        %eq3A_1456 = arith.cmpi eq, %iota3A, %eq3A_1455 : vector<16xi32>
        %mul3A_1457 = arith.constant 20 : i32
        %mul3A_1458 = arith.muli %mul3A_241, %mul3A_1457 : i32
        %add3A_1459 = arith.constant 19 : i32
        %add3A_1460 = arith.addi %mul3A_1458, %add3A_1459 : i32
        %get3A_1461 = arith.index_cast %add3A_1460 : i32 to index
        %get3A_1462 = arith.constant 0 : index
        %get3A_1463 = tpu.vector_load %arg14[%get3A_1461, %get3A_1462] {strides = array<i32>} : memref<1280x64xf32, #tpu.memory_space<vmem>>, vector<16xf32>,
        %get3A_1464 = arith.index_cast %add3A_1460 : i32 to index
        %get3A_1465 = arith.constant 16 : index
        %get3A_1466 = tpu.vector_load %arg14[%get3A_1464, %get3A_1465] {strides = array<i32>} : memref<1280x64xf32, #tpu.memory_space<vmem>>, vector<16xf32>,
        %get3A_1467 = arith.index_cast %add3A_1460 : i32 to index
        %get3A_1468 = arith.constant 32 : index
        %get3A_1469 = tpu.vector_load %arg14[%get3A_1467, %get3A_1468] {strides = array<i32>} : memref<1280x64xf32, #tpu.memory_space<vmem>>, vector<16xf32>,
        %get3A_1470 = arith.index_cast %add3A_1460 : i32 to index
        %get3A_1471 = arith.constant 48 : index
        %get3A_1472 = tpu.vector_load %arg14[%get3A_1470, %get3A_1471] {strides = array<i32>} : memref<1280x64xf32, #tpu.memory_space<vmem>>, vector<16xf32>,
        %mul3A_1473 = arith.mulf %get3A_245, %get3A_1463 : vector<16xf32>
        %mul3A_1474 = arith.mulf %get3A_250, %get3A_1466 : vector<16xf32>
        %add3A_1475 = arith.addf %mul3A_1473, %mul3A_1474 : vector<16xf32>
        %mul3A_1476 = arith.mulf %get3A_255, %get3A_1469 : vector<16xf32>
        %mul3A_1477 = arith.mulf %get3A_260, %get3A_1472 : vector<16xf32>
        %add3A_1478 = arith.addf %mul3A_1476, %mul3A_1477 : vector<16xf32>
        %add3A_1479 = arith.addf %add3A_1475, %add3A_1478 : vector<16xf32>
        %reduce_sum3A_1480 = arith.constant true
        %reduce_sum3A_1481 = vector.broadcast %reduce_sum3A_1480 : i1 to vector<16xi1>
        %reduce_sum3A_1482 = tpu.scan <sum>, %add3A_1479 masked %reduce_sum3A_1481 : vector<16xf32>, vector<16xi1> -> vector<16xf32>
        %reduce_sum3A_1483 = vector.extract %reduce_sum3A_1482[15] : f32 from vector<16xf32>
        %broadcast_in_dim3A_1484 = vector.broadcast %reduce_sum3A_1483 : f32 to vector<16xf32>
        %select_n3A_1485 = arith.select %eq3A_1456, %broadcast_in_dim3A_1484, %select_n3A_1453 : vector<16xi1>, vector<16xf32>
        %eq3A_1486 = arith.constant 4 : i32
        %eq3A_1487 = vector.broadcast %eq3A_1486 : i32 to vector<16xi32>
        %eq3A_1488 = arith.cmpi eq, %iota3A, %eq3A_1487 : vector<16xi32>
        %mul3A_1489 = arith.constant 20 : i32
        %mul3A_1490 = arith.muli %mul3A_241, %mul3A_1489 : i32
        %add3A_1491 = arith.constant 20 : i32
        %add3A_1492 = arith.addi %mul3A_1490, %add3A_1491 : i32
        %get3A_1493 = arith.index_cast %add3A_1492 : i32 to index
        %get3A_1494 = arith.constant 0 : index
        %get3A_1495 = tpu.vector_load %arg14[%get3A_1493, %get3A_1494] {strides = array<i32>} : memref<1280x64xf32, #tpu.memory_space<vmem>>, vector<16xf32>,
        %get3A_1496 = arith.index_cast %add3A_1492 : i32 to index
        %get3A_1497 = arith.constant 16 : index
        %get3A_1498 = tpu.vector_load %arg14[%get3A_1496, %get3A_1497] {strides = array<i32>} : memref<1280x64xf32, #tpu.memory_space<vmem>>, vector<16xf32>,
        %get3A_1499 = arith.index_cast %add3A_1492 : i32 to index
        %get3A_1500 = arith.constant 32 : index
        %get3A_1501 = tpu.vector_load %arg14[%get3A_1499, %get3A_1500] {strides = array<i32>} : memref<1280x64xf32, #tpu.memory_space<vmem>>, vector<16xf32>,
        %get3A_1502 = arith.index_cast %add3A_1492 : i32 to index
        %get3A_1503 = arith.constant 48 : index
        %get3A_1504 = tpu.vector_load %arg14[%get3A_1502, %get3A_1503] {strides = array<i32>} : memref<1280x64xf32, #tpu.memory_space<vmem>>, vector<16xf32>,
        %mul3A_1505 = arith.mulf %get3A_265, %get3A_1495 : vector<16xf32>
        %mul3A_1506 = arith.mulf %get3A_270, %get3A_1498 : vector<16xf32>
        %add3A_1507 = arith.addf %mul3A_1505, %mul3A_1506 : vector<16xf32>
        %mul3A_1508 = arith.mulf %get3A_275, %get3A_1501 : vector<16xf32>
        %mul3A_1509 = arith.mulf %get3A_280, %get3A_1504 : vector<16xf32>
        %add3A_1510 = arith.addf %mul3A_1508, %mul3A_1509 : vector<16xf32>
        %add3A_1511 = arith.addf %add3A_1507, %add3A_1510 : vector<16xf32>
        %reduce_sum3A_1512 = arith.constant true
        %reduce_sum3A_1513 = vector.broadcast %reduce_sum3A_1512 : i1 to vector<16xi1>
        %reduce_sum3A_1514 = tpu.scan <sum>, %add3A_1511 masked %reduce_sum3A_1513 : vector<16xf32>, vector<16xi1> -> vector<16xf32>
        %reduce_sum3A_1515 = vector.extract %reduce_sum3A_1514[15] : f32 from vector<16xf32>
        %broadcast_in_dim3A_1516 = vector.broadcast %reduce_sum3A_1515 : f32 to vector<16xf32>
        %select_n3A_1517 = arith.select %eq3A_1488, %broadcast_in_dim3A_1516, %select_n3A_1485 : vector<16xi1>, vector<16xf32>
        %eq3A_1518 = arith.constant 5 : i32
        %eq3A_1519 = vector.broadcast %eq3A_1518 : i32 to vector<16xi32>
        %eq3A_1520 = arith.cmpi eq, %iota3A, %eq3A_1519 : vector<16xi32>
        %mul3A_1521 = arith.constant 20 : i32
        %mul3A_1522 = arith.muli %mul3A_241, %mul3A_1521 : i32
        %add3A_1523 = arith.constant 21 : i32
        %add3A_1524 = arith.addi %mul3A_1522, %add3A_1523 : i32
        %get3A_1525 = arith.index_cast %add3A_1524 : i32 to index
        %get3A_1526 = arith.constant 0 : index
        %get3A_1527 = tpu.vector_load %arg14[%get3A_1525, %get3A_1526] {strides = array<i32>} : memref<1280x64xf32, #tpu.memory_space<vmem>>, vector<16xf32>,
        %get3A_1528 = arith.index_cast %add3A_1524 : i32 to index
        %get3A_1529 = arith.constant 16 : index
        %get3A_1530 = tpu.vector_load %arg14[%get3A_1528, %get3A_1529] {strides = array<i32>} : memref<1280x64xf32, #tpu.memory_space<vmem>>, vector<16xf32>,
        %get3A_1531 = arith.index_cast %add3A_1524 : i32 to index
        %get3A_1532 = arith.constant 32 : index
        %get3A_1533 = tpu.vector_load %arg14[%get3A_1531, %get3A_1532] {strides = array<i32>} : memref<1280x64xf32, #tpu.memory_space<vmem>>, vector<16xf32>,
        %get3A_1534 = arith.index_cast %add3A_1524 : i32 to index
        %get3A_1535 = arith.constant 48 : index
        %get3A_1536 = tpu.vector_load %arg14[%get3A_1534, %get3A_1535] {strides = array<i32>} : memref<1280x64xf32, #tpu.memory_space<vmem>>, vector<16xf32>,
        %mul3A_1537 = arith.mulf %get3A_265, %get3A_1527 : vector<16xf32>
        %mul3A_1538 = arith.mulf %get3A_270, %get3A_1530 : vector<16xf32>
        %add3A_1539 = arith.addf %mul3A_1537, %mul3A_1538 : vector<16xf32>
        %mul3A_1540 = arith.mulf %get3A_275, %get3A_1533 : vector<16xf32>
        %mul3A_1541 = arith.mulf %get3A_280, %get3A_1536 : vector<16xf32>
        %add3A_1542 = arith.addf %mul3A_1540, %mul3A_1541 : vector<16xf32>
        %add3A_1543 = arith.addf %add3A_1539, %add3A_1542 : vector<16xf32>
        %reduce_sum3A_1544 = arith.constant true
        %reduce_sum3A_1545 = vector.broadcast %reduce_sum3A_1544 : i1 to vector<16xi1>
        %reduce_sum3A_1546 = tpu.scan <sum>, %add3A_1543 masked %reduce_sum3A_1545 : vector<16xf32>, vector<16xi1> -> vector<16xf32>
        %reduce_sum3A_1547 = vector.extract %reduce_sum3A_1546[15] : f32 from vector<16xf32>
        %broadcast_in_dim3A_1548 = vector.broadcast %reduce_sum3A_1547 : f32 to vector<16xf32>
        %select_n3A_1549 = arith.select %eq3A_1520, %broadcast_in_dim3A_1548, %select_n3A_1517 : vector<16xi1>, vector<16xf32>
        %eq3A_1550 = arith.constant 6 : i32
        %eq3A_1551 = vector.broadcast %eq3A_1550 : i32 to vector<16xi32>
        %eq3A_1552 = arith.cmpi eq, %iota3A, %eq3A_1551 : vector<16xi32>
        %mul3A_1553 = arith.constant 20 : i32
        %mul3A_1554 = arith.muli %mul3A_241, %mul3A_1553 : i32
        %add3A_1555 = arith.constant 22 : i32
        %add3A_1556 = arith.addi %mul3A_1554, %add3A_1555 : i32
        %get3A_1557 = arith.index_cast %add3A_1556 : i32 to index
        %get3A_1558 = arith.constant 0 : index
        %get3A_1559 = tpu.vector_load %arg14[%get3A_1557, %get3A_1558] {strides = array<i32>} : memref<1280x64xf32, #tpu.memory_space<vmem>>, vector<16xf32>,
        %get3A_1560 = arith.index_cast %add3A_1556 : i32 to index
        %get3A_1561 = arith.constant 16 : index
        %get3A_1562 = tpu.vector_load %arg14[%get3A_1560, %get3A_1561] {strides = array<i32>} : memref<1280x64xf32, #tpu.memory_space<vmem>>, vector<16xf32>,
        %get3A_1563 = arith.index_cast %add3A_1556 : i32 to index
        %get3A_1564 = arith.constant 32 : index
        %get3A_1565 = tpu.vector_load %arg14[%get3A_1563, %get3A_1564] {strides = array<i32>} : memref<1280x64xf32, #tpu.memory_space<vmem>>, vector<16xf32>,
        %get3A_1566 = arith.index_cast %add3A_1556 : i32 to index
        %get3A_1567 = arith.constant 48 : index
        %get3A_1568 = tpu.vector_load %arg14[%get3A_1566, %get3A_1567] {strides = array<i32>} : memref<1280x64xf32, #tpu.memory_space<vmem>>, vector<16xf32>,
        %mul3A_1569 = arith.mulf %get3A_265, %get3A_1559 : vector<16xf32>
        %mul3A_1570 = arith.mulf %get3A_270, %get3A_1562 : vector<16xf32>
        %add3A_1571 = arith.addf %mul3A_1569, %mul3A_1570 : vector<16xf32>
        %mul3A_1572 = arith.mulf %get3A_275, %get3A_1565 : vector<16xf32>
        %mul3A_1573 = arith.mulf %get3A_280, %get3A_1568 : vector<16xf32>
        %add3A_1574 = arith.addf %mul3A_1572, %mul3A_1573 : vector<16xf32>
        %add3A_1575 = arith.addf %add3A_1571, %add3A_1574 : vector<16xf32>
        %reduce_sum3A_1576 = arith.constant true
        %reduce_sum3A_1577 = vector.broadcast %reduce_sum3A_1576 : i1 to vector<16xi1>
        %reduce_sum3A_1578 = tpu.scan <sum>, %add3A_1575 masked %reduce_sum3A_1577 : vector<16xf32>, vector<16xi1> -> vector<16xf32>
        %reduce_sum3A_1579 = vector.extract %reduce_sum3A_1578[15] : f32 from vector<16xf32>
        %broadcast_in_dim3A_1580 = vector.broadcast %reduce_sum3A_1579 : f32 to vector<16xf32>
        %select_n3A_1581 = arith.select %eq3A_1552, %broadcast_in_dim3A_1580, %select_n3A_1549 : vector<16xi1>, vector<16xf32>
        %eq3A_1582 = arith.constant 7 : i32
        %eq3A_1583 = vector.broadcast %eq3A_1582 : i32 to vector<16xi32>
        %eq3A_1584 = arith.cmpi eq, %iota3A, %eq3A_1583 : vector<16xi32>
        %mul3A_1585 = arith.constant 20 : i32
        %mul3A_1586 = arith.muli %mul3A_241, %mul3A_1585 : i32
        %add3A_1587 = arith.constant 23 : i32
        %add3A_1588 = arith.addi %mul3A_1586, %add3A_1587 : i32
        %get3A_1589 = arith.index_cast %add3A_1588 : i32 to index
        %get3A_1590 = arith.constant 0 : index
        %get3A_1591 = tpu.vector_load %arg14[%get3A_1589, %get3A_1590] {strides = array<i32>} : memref<1280x64xf32, #tpu.memory_space<vmem>>, vector<16xf32>,
        %get3A_1592 = arith.index_cast %add3A_1588 : i32 to index
        %get3A_1593 = arith.constant 16 : index
        %get3A_1594 = tpu.vector_load %arg14[%get3A_1592, %get3A_1593] {strides = array<i32>} : memref<1280x64xf32, #tpu.memory_space<vmem>>, vector<16xf32>,
        %get3A_1595 = arith.index_cast %add3A_1588 : i32 to index
        %get3A_1596 = arith.constant 32 : index
        %get3A_1597 = tpu.vector_load %arg14[%get3A_1595, %get3A_1596] {strides = array<i32>} : memref<1280x64xf32, #tpu.memory_space<vmem>>, vector<16xf32>,
        %get3A_1598 = arith.index_cast %add3A_1588 : i32 to index
        %get3A_1599 = arith.constant 48 : index
        %get3A_1600 = tpu.vector_load %arg14[%get3A_1598, %get3A_1599] {strides = array<i32>} : memref<1280x64xf32, #tpu.memory_space<vmem>>, vector<16xf32>,
        %mul3A_1601 = arith.mulf %get3A_265, %get3A_1591 : vector<16xf32>
        %mul3A_1602 = arith.mulf %get3A_270, %get3A_1594 : vector<16xf32>
        %add3A_1603 = arith.addf %mul3A_1601, %mul3A_1602 : vector<16xf32>
        %mul3A_1604 = arith.mulf %get3A_275, %get3A_1597 : vector<16xf32>
        %mul3A_1605 = arith.mulf %get3A_280, %get3A_1600 : vector<16xf32>
        %add3A_1606 = arith.addf %mul3A_1604, %mul3A_1605 : vector<16xf32>
        %add3A_1607 = arith.addf %add3A_1603, %add3A_1606 : vector<16xf32>
        %reduce_sum3A_1608 = arith.constant true
        %reduce_sum3A_1609 = vector.broadcast %reduce_sum3A_1608 : i1 to vector<16xi1>
        %reduce_sum3A_1610 = tpu.scan <sum>, %add3A_1607 masked %reduce_sum3A_1609 : vector<16xf32>, vector<16xi1> -> vector<16xf32>
        %reduce_sum3A_1611 = vector.extract %reduce_sum3A_1610[15] : f32 from vector<16xf32>
        %broadcast_in_dim3A_1612 = vector.broadcast %reduce_sum3A_1611 : f32 to vector<16xf32>
        %select_n3A_1613 = arith.select %eq3A_1584, %broadcast_in_dim3A_1612, %select_n3A_1581 : vector<16xi1>, vector<16xf32>
        %eq3A_1614 = arith.constant 8 : i32
        %eq3A_1615 = vector.broadcast %eq3A_1614 : i32 to vector<16xi32>
        %eq3A_1616 = arith.cmpi eq, %iota3A, %eq3A_1615 : vector<16xi32>
        %mul3A_1617 = arith.constant 20 : i32
        %mul3A_1618 = arith.muli %mul3A_241, %mul3A_1617 : i32
        %add3A_1619 = arith.constant 24 : i32
        %add3A_1620 = arith.addi %mul3A_1618, %add3A_1619 : i32
        %get3A_1621 = arith.index_cast %add3A_1620 : i32 to index
        %get3A_1622 = arith.constant 0 : index
        %get3A_1623 = tpu.vector_load %arg14[%get3A_1621, %get3A_1622] {strides = array<i32>} : memref<1280x64xf32, #tpu.memory_space<vmem>>, vector<16xf32>,
        %get3A_1624 = arith.index_cast %add3A_1620 : i32 to index
        %get3A_1625 = arith.constant 16 : index
        %get3A_1626 = tpu.vector_load %arg14[%get3A_1624, %get3A_1625] {strides = array<i32>} : memref<1280x64xf32, #tpu.memory_space<vmem>>, vector<16xf32>,
        %get3A_1627 = arith.index_cast %add3A_1620 : i32 to index
        %get3A_1628 = arith.constant 32 : index
        %get3A_1629 = tpu.vector_load %arg14[%get3A_1627, %get3A_1628] {strides = array<i32>} : memref<1280x64xf32, #tpu.memory_space<vmem>>, vector<16xf32>,
        %get3A_1630 = arith.index_cast %add3A_1620 : i32 to index
        %get3A_1631 = arith.constant 48 : index
        %get3A_1632 = tpu.vector_load %arg14[%get3A_1630, %get3A_1631] {strides = array<i32>} : memref<1280x64xf32, #tpu.memory_space<vmem>>, vector<16xf32>,
        %mul3A_1633 = arith.mulf %get3A_265, %get3A_1623 : vector<16xf32>
        %mul3A_1634 = arith.mulf %get3A_270, %get3A_1626 : vector<16xf32>
        %add3A_1635 = arith.addf %mul3A_1633, %mul3A_1634 : vector<16xf32>
        %mul3A_1636 = arith.mulf %get3A_275, %get3A_1629 : vector<16xf32>
        %mul3A_1637 = arith.mulf %get3A_280, %get3A_1632 : vector<16xf32>
        %add3A_1638 = arith.addf %mul3A_1636, %mul3A_1637 : vector<16xf32>
        %add3A_1639 = arith.addf %add3A_1635, %add3A_1638 : vector<16xf32>
        %reduce_sum3A_1640 = arith.constant true
        %reduce_sum3A_1641 = vector.broadcast %reduce_sum3A_1640 : i1 to vector<16xi1>
        %reduce_sum3A_1642 = tpu.scan <sum>, %add3A_1639 masked %reduce_sum3A_1641 : vector<16xf32>, vector<16xi1> -> vector<16xf32>
        %reduce_sum3A_1643 = vector.extract %reduce_sum3A_1642[15] : f32 from vector<16xf32>
        %broadcast_in_dim3A_1644 = vector.broadcast %reduce_sum3A_1643 : f32 to vector<16xf32>
        %select_n3A_1645 = arith.select %eq3A_1616, %broadcast_in_dim3A_1644, %select_n3A_1613 : vector<16xi1>, vector<16xf32>
        %eq3A_1646 = arith.constant 9 : i32
        %eq3A_1647 = vector.broadcast %eq3A_1646 : i32 to vector<16xi32>
        %eq3A_1648 = arith.cmpi eq, %iota3A, %eq3A_1647 : vector<16xi32>
        %mul3A_1649 = arith.constant 20 : i32
        %mul3A_1650 = arith.muli %mul3A_241, %mul3A_1649 : i32
        %add3A_1651 = arith.constant 25 : i32
        %add3A_1652 = arith.addi %mul3A_1650, %add3A_1651 : i32
        %get3A_1653 = arith.index_cast %add3A_1652 : i32 to index
        %get3A_1654 = arith.constant 0 : index
        %get3A_1655 = tpu.vector_load %arg14[%get3A_1653, %get3A_1654] {strides = array<i32>} : memref<1280x64xf32, #tpu.memory_space<vmem>>, vector<16xf32>,
        %get3A_1656 = arith.index_cast %add3A_1652 : i32 to index
        %get3A_1657 = arith.constant 16 : index
        %get3A_1658 = tpu.vector_load %arg14[%get3A_1656, %get3A_1657] {strides = array<i32>} : memref<1280x64xf32, #tpu.memory_space<vmem>>, vector<16xf32>,
        %get3A_1659 = arith.index_cast %add3A_1652 : i32 to index
        %get3A_1660 = arith.constant 32 : index
        %get3A_1661 = tpu.vector_load %arg14[%get3A_1659, %get3A_1660] {strides = array<i32>} : memref<1280x64xf32, #tpu.memory_space<vmem>>, vector<16xf32>,
        %get3A_1662 = arith.index_cast %add3A_1652 : i32 to index
        %get3A_1663 = arith.constant 48 : index
        %get3A_1664 = tpu.vector_load %arg14[%get3A_1662, %get3A_1663] {strides = array<i32>} : memref<1280x64xf32, #tpu.memory_space<vmem>>, vector<16xf32>,
        %mul3A_1665 = arith.mulf %get3A_265, %get3A_1655 : vector<16xf32>
        %mul3A_1666 = arith.mulf %get3A_270, %get3A_1658 : vector<16xf32>
        %add3A_1667 = arith.addf %mul3A_1665, %mul3A_1666 : vector<16xf32>
        %mul3A_1668 = arith.mulf %get3A_275, %get3A_1661 : vector<16xf32>
        %mul3A_1669 = arith.mulf %get3A_280, %get3A_1664 : vector<16xf32>
        %add3A_1670 = arith.addf %mul3A_1668, %mul3A_1669 : vector<16xf32>
        %add3A_1671 = arith.addf %add3A_1667, %add3A_1670 : vector<16xf32>
        %reduce_sum3A_1672 = arith.constant true
        %reduce_sum3A_1673 = vector.broadcast %reduce_sum3A_1672 : i1 to vector<16xi1>
        %reduce_sum3A_1674 = tpu.scan <sum>, %add3A_1671 masked %reduce_sum3A_1673 : vector<16xf32>, vector<16xi1> -> vector<16xf32>
        %reduce_sum3A_1675 = vector.extract %reduce_sum3A_1674[15] : f32 from vector<16xf32>
        %broadcast_in_dim3A_1676 = vector.broadcast %reduce_sum3A_1675 : f32 to vector<16xf32>
        %select_n3A_1677 = arith.select %eq3A_1648, %broadcast_in_dim3A_1676, %select_n3A_1645 : vector<16xi1>, vector<16xf32>
        %eq3A_1678 = arith.constant 10 : i32
        %eq3A_1679 = vector.broadcast %eq3A_1678 : i32 to vector<16xi32>
        %eq3A_1680 = arith.cmpi eq, %iota3A, %eq3A_1679 : vector<16xi32>
        %mul3A_1681 = arith.constant 20 : i32
        %mul3A_1682 = arith.muli %mul3A_241, %mul3A_1681 : i32
        %add3A_1683 = arith.constant 26 : i32
        %add3A_1684 = arith.addi %mul3A_1682, %add3A_1683 : i32
        %get3A_1685 = arith.index_cast %add3A_1684 : i32 to index
        %get3A_1686 = arith.constant 0 : index
        %get3A_1687 = tpu.vector_load %arg14[%get3A_1685, %get3A_1686] {strides = array<i32>} : memref<1280x64xf32, #tpu.memory_space<vmem>>, vector<16xf32>,
        %get3A_1688 = arith.index_cast %add3A_1684 : i32 to index
        %get3A_1689 = arith.constant 16 : index
        %get3A_1690 = tpu.vector_load %arg14[%get3A_1688, %get3A_1689] {strides = array<i32>} : memref<1280x64xf32, #tpu.memory_space<vmem>>, vector<16xf32>,
        %get3A_1691 = arith.index_cast %add3A_1684 : i32 to index
        %get3A_1692 = arith.constant 32 : index
        %get3A_1693 = tpu.vector_load %arg14[%get3A_1691, %get3A_1692] {strides = array<i32>} : memref<1280x64xf32, #tpu.memory_space<vmem>>, vector<16xf32>,
        %get3A_1694 = arith.index_cast %add3A_1684 : i32 to index
        %get3A_1695 = arith.constant 48 : index
        %get3A_1696 = tpu.vector_load %arg14[%get3A_1694, %get3A_1695] {strides = array<i32>} : memref<1280x64xf32, #tpu.memory_space<vmem>>, vector<16xf32>,
        %mul3A_1697 = arith.mulf %get3A_265, %get3A_1687 : vector<16xf32>
        %mul3A_1698 = arith.mulf %get3A_270, %get3A_1690 : vector<16xf32>
        %add3A_1699 = arith.addf %mul3A_1697, %mul3A_1698 : vector<16xf32>
        %mul3A_1700 = arith.mulf %get3A_275, %get3A_1693 : vector<16xf32>
        %mul3A_1701 = arith.mulf %get3A_280, %get3A_1696 : vector<16xf32>
        %add3A_1702 = arith.addf %mul3A_1700, %mul3A_1701 : vector<16xf32>
        %add3A_1703 = arith.addf %add3A_1699, %add3A_1702 : vector<16xf32>
        %reduce_sum3A_1704 = arith.constant true
        %reduce_sum3A_1705 = vector.broadcast %reduce_sum3A_1704 : i1 to vector<16xi1>
        %reduce_sum3A_1706 = tpu.scan <sum>, %add3A_1703 masked %reduce_sum3A_1705 : vector<16xf32>, vector<16xi1> -> vector<16xf32>
        %reduce_sum3A_1707 = vector.extract %reduce_sum3A_1706[15] : f32 from vector<16xf32>
        %broadcast_in_dim3A_1708 = vector.broadcast %reduce_sum3A_1707 : f32 to vector<16xf32>
        %select_n3A_1709 = arith.select %eq3A_1680, %broadcast_in_dim3A_1708, %select_n3A_1677 : vector<16xi1>, vector<16xf32>
        %eq3A_1710 = arith.constant 11 : i32
        %eq3A_1711 = vector.broadcast %eq3A_1710 : i32 to vector<16xi32>
        %eq3A_1712 = arith.cmpi eq, %iota3A, %eq3A_1711 : vector<16xi32>
        %mul3A_1713 = arith.constant 20 : i32
        %mul3A_1714 = arith.muli %mul3A_241, %mul3A_1713 : i32
        %add3A_1715 = arith.constant 27 : i32
        %add3A_1716 = arith.addi %mul3A_1714, %add3A_1715 : i32
        %get3A_1717 = arith.index_cast %add3A_1716 : i32 to index
        %get3A_1718 = arith.constant 0 : index
        %get3A_1719 = tpu.vector_load %arg14[%get3A_1717, %get3A_1718] {strides = array<i32>} : memref<1280x64xf32, #tpu.memory_space<vmem>>, vector<16xf32>,
        %get3A_1720 = arith.index_cast %add3A_1716 : i32 to index
        %get3A_1721 = arith.constant 16 : index
        %get3A_1722 = tpu.vector_load %arg14[%get3A_1720, %get3A_1721] {strides = array<i32>} : memref<1280x64xf32, #tpu.memory_space<vmem>>, vector<16xf32>,
        %get3A_1723 = arith.index_cast %add3A_1716 : i32 to index
        %get3A_1724 = arith.constant 32 : index
        %get3A_1725 = tpu.vector_load %arg14[%get3A_1723, %get3A_1724] {strides = array<i32>} : memref<1280x64xf32, #tpu.memory_space<vmem>>, vector<16xf32>,
        %get3A_1726 = arith.index_cast %add3A_1716 : i32 to index
        %get3A_1727 = arith.constant 48 : index
        %get3A_1728 = tpu.vector_load %arg14[%get3A_1726, %get3A_1727] {strides = array<i32>} : memref<1280x64xf32, #tpu.memory_space<vmem>>, vector<16xf32>,
        %mul3A_1729 = arith.mulf %get3A_265, %get3A_1719 : vector<16xf32>
        %mul3A_1730 = arith.mulf %get3A_270, %get3A_1722 : vector<16xf32>
        %add3A_1731 = arith.addf %mul3A_1729, %mul3A_1730 : vector<16xf32>
        %mul3A_1732 = arith.mulf %get3A_275, %get3A_1725 : vector<16xf32>
        %mul3A_1733 = arith.mulf %get3A_280, %get3A_1728 : vector<16xf32>
        %add3A_1734 = arith.addf %mul3A_1732, %mul3A_1733 : vector<16xf32>
        %add3A_1735 = arith.addf %add3A_1731, %add3A_1734 : vector<16xf32>
        %reduce_sum3A_1736 = arith.constant true
        %reduce_sum3A_1737 = vector.broadcast %reduce_sum3A_1736 : i1 to vector<16xi1>
        %reduce_sum3A_1738 = tpu.scan <sum>, %add3A_1735 masked %reduce_sum3A_1737 : vector<16xf32>, vector<16xi1> -> vector<16xf32>
        %reduce_sum3A_1739 = vector.extract %reduce_sum3A_1738[15] : f32 from vector<16xf32>
        %broadcast_in_dim3A_1740 = vector.broadcast %reduce_sum3A_1739 : f32 to vector<16xf32>
        %select_n3A_1741 = arith.select %eq3A_1712, %broadcast_in_dim3A_1740, %select_n3A_1709 : vector<16xi1>, vector<16xf32>
        %eq3A_1742 = arith.constant 12 : i32
        %eq3A_1743 = vector.broadcast %eq3A_1742 : i32 to vector<16xi32>
        %eq3A_1744 = arith.cmpi eq, %iota3A, %eq3A_1743 : vector<16xi32>
        %mul3A_1745 = arith.constant 20 : i32
        %mul3A_1746 = arith.muli %mul3A_241, %mul3A_1745 : i32
        %add3A_1747 = arith.constant 28 : i32
        %add3A_1748 = arith.addi %mul3A_1746, %add3A_1747 : i32
        %get3A_1749 = arith.index_cast %add3A_1748 : i32 to index
        %get3A_1750 = arith.constant 0 : index
        %get3A_1751 = tpu.vector_load %arg14[%get3A_1749, %get3A_1750] {strides = array<i32>} : memref<1280x64xf32, #tpu.memory_space<vmem>>, vector<16xf32>,
        %get3A_1752 = arith.index_cast %add3A_1748 : i32 to index
        %get3A_1753 = arith.constant 16 : index
        %get3A_1754 = tpu.vector_load %arg14[%get3A_1752, %get3A_1753] {strides = array<i32>} : memref<1280x64xf32, #tpu.memory_space<vmem>>, vector<16xf32>,
        %get3A_1755 = arith.index_cast %add3A_1748 : i32 to index
        %get3A_1756 = arith.constant 32 : index
        %get3A_1757 = tpu.vector_load %arg14[%get3A_1755, %get3A_1756] {strides = array<i32>} : memref<1280x64xf32, #tpu.memory_space<vmem>>, vector<16xf32>,
        %get3A_1758 = arith.index_cast %add3A_1748 : i32 to index
        %get3A_1759 = arith.constant 48 : index
        %get3A_1760 = tpu.vector_load %arg14[%get3A_1758, %get3A_1759] {strides = array<i32>} : memref<1280x64xf32, #tpu.memory_space<vmem>>, vector<16xf32>,
        %mul3A_1761 = arith.mulf %get3A_265, %get3A_1751 : vector<16xf32>
        %mul3A_1762 = arith.mulf %get3A_270, %get3A_1754 : vector<16xf32>
        %add3A_1763 = arith.addf %mul3A_1761, %mul3A_1762 : vector<16xf32>
        %mul3A_1764 = arith.mulf %get3A_275, %get3A_1757 : vector<16xf32>
        %mul3A_1765 = arith.mulf %get3A_280, %get3A_1760 : vector<16xf32>
        %add3A_1766 = arith.addf %mul3A_1764, %mul3A_1765 : vector<16xf32>
        %add3A_1767 = arith.addf %add3A_1763, %add3A_1766 : vector<16xf32>
        %reduce_sum3A_1768 = arith.constant true
        %reduce_sum3A_1769 = vector.broadcast %reduce_sum3A_1768 : i1 to vector<16xi1>
        %reduce_sum3A_1770 = tpu.scan <sum>, %add3A_1767 masked %reduce_sum3A_1769 : vector<16xf32>, vector<16xi1> -> vector<16xf32>
        %reduce_sum3A_1771 = vector.extract %reduce_sum3A_1770[15] : f32 from vector<16xf32>
        %broadcast_in_dim3A_1772 = vector.broadcast %reduce_sum3A_1771 : f32 to vector<16xf32>
        %select_n3A_1773 = arith.select %eq3A_1744, %broadcast_in_dim3A_1772, %select_n3A_1741 : vector<16xi1>, vector<16xf32>
        %eq3A_1774 = arith.constant 13 : i32
        %eq3A_1775 = vector.broadcast %eq3A_1774 : i32 to vector<16xi32>
        %eq3A_1776 = arith.cmpi eq, %iota3A, %eq3A_1775 : vector<16xi32>
        %mul3A_1777 = arith.constant 20 : i32
        %mul3A_1778 = arith.muli %mul3A_241, %mul3A_1777 : i32
        %add3A_1779 = arith.constant 29 : i32
        %add3A_1780 = arith.addi %mul3A_1778, %add3A_1779 : i32
        %get3A_1781 = arith.index_cast %add3A_1780 : i32 to index
        %get3A_1782 = arith.constant 0 : index
        %get3A_1783 = tpu.vector_load %arg14[%get3A_1781, %get3A_1782] {strides = array<i32>} : memref<1280x64xf32, #tpu.memory_space<vmem>>, vector<16xf32>,
        %get3A_1784 = arith.index_cast %add3A_1780 : i32 to index
        %get3A_1785 = arith.constant 16 : index
        %get3A_1786 = tpu.vector_load %arg14[%get3A_1784, %get3A_1785] {strides = array<i32>} : memref<1280x64xf32, #tpu.memory_space<vmem>>, vector<16xf32>,
        %get3A_1787 = arith.index_cast %add3A_1780 : i32 to index
        %get3A_1788 = arith.constant 32 : index
        %get3A_1789 = tpu.vector_load %arg14[%get3A_1787, %get3A_1788] {strides = array<i32>} : memref<1280x64xf32, #tpu.memory_space<vmem>>, vector<16xf32>,
        %get3A_1790 = arith.index_cast %add3A_1780 : i32 to index
        %get3A_1791 = arith.constant 48 : index
        %get3A_1792 = tpu.vector_load %arg14[%get3A_1790, %get3A_1791] {strides = array<i32>} : memref<1280x64xf32, #tpu.memory_space<vmem>>, vector<16xf32>,
        %mul3A_1793 = arith.mulf %get3A_265, %get3A_1783 : vector<16xf32>
        %mul3A_1794 = arith.mulf %get3A_270, %get3A_1786 : vector<16xf32>
        %add3A_1795 = arith.addf %mul3A_1793, %mul3A_1794 : vector<16xf32>
        %mul3A_1796 = arith.mulf %get3A_275, %get3A_1789 : vector<16xf32>
        %mul3A_1797 = arith.mulf %get3A_280, %get3A_1792 : vector<16xf32>
        %add3A_1798 = arith.addf %mul3A_1796, %mul3A_1797 : vector<16xf32>
        %add3A_1799 = arith.addf %add3A_1795, %add3A_1798 : vector<16xf32>
        %reduce_sum3A_1800 = arith.constant true
        %reduce_sum3A_1801 = vector.broadcast %reduce_sum3A_1800 : i1 to vector<16xi1>
        %reduce_sum3A_1802 = tpu.scan <sum>, %add3A_1799 masked %reduce_sum3A_1801 : vector<16xf32>, vector<16xi1> -> vector<16xf32>
        %reduce_sum3A_1803 = vector.extract %reduce_sum3A_1802[15] : f32 from vector<16xf32>
        %broadcast_in_dim3A_1804 = vector.broadcast %reduce_sum3A_1803 : f32 to vector<16xf32>
        %select_n3A_1805 = arith.select %eq3A_1776, %broadcast_in_dim3A_1804, %select_n3A_1773 : vector<16xi1>, vector<16xf32>
        %eq3A_1806 = arith.constant 14 : i32
        %eq3A_1807 = vector.broadcast %eq3A_1806 : i32 to vector<16xi32>
        %eq3A_1808 = arith.cmpi eq, %iota3A, %eq3A_1807 : vector<16xi32>
        %mul3A_1809 = arith.constant 20 : i32
        %mul3A_1810 = arith.muli %mul3A_241, %mul3A_1809 : i32
        %add3A_1811 = arith.constant 30 : i32
        %add3A_1812 = arith.addi %mul3A_1810, %add3A_1811 : i32
        %get3A_1813 = arith.index_cast %add3A_1812 : i32 to index
        %get3A_1814 = arith.constant 0 : index
        %get3A_1815 = tpu.vector_load %arg14[%get3A_1813, %get3A_1814] {strides = array<i32>} : memref<1280x64xf32, #tpu.memory_space<vmem>>, vector<16xf32>,
        %get3A_1816 = arith.index_cast %add3A_1812 : i32 to index
        %get3A_1817 = arith.constant 16 : index
        %get3A_1818 = tpu.vector_load %arg14[%get3A_1816, %get3A_1817] {strides = array<i32>} : memref<1280x64xf32, #tpu.memory_space<vmem>>, vector<16xf32>,
        %get3A_1819 = arith.index_cast %add3A_1812 : i32 to index
        %get3A_1820 = arith.constant 32 : index
        %get3A_1821 = tpu.vector_load %arg14[%get3A_1819, %get3A_1820] {strides = array<i32>} : memref<1280x64xf32, #tpu.memory_space<vmem>>, vector<16xf32>,
        %get3A_1822 = arith.index_cast %add3A_1812 : i32 to index
        %get3A_1823 = arith.constant 48 : index
        %get3A_1824 = tpu.vector_load %arg14[%get3A_1822, %get3A_1823] {strides = array<i32>} : memref<1280x64xf32, #tpu.memory_space<vmem>>, vector<16xf32>,
        %mul3A_1825 = arith.mulf %get3A_265, %get3A_1815 : vector<16xf32>
        %mul3A_1826 = arith.mulf %get3A_270, %get3A_1818 : vector<16xf32>
        %add3A_1827 = arith.addf %mul3A_1825, %mul3A_1826 : vector<16xf32>
        %mul3A_1828 = arith.mulf %get3A_275, %get3A_1821 : vector<16xf32>
        %mul3A_1829 = arith.mulf %get3A_280, %get3A_1824 : vector<16xf32>
        %add3A_1830 = arith.addf %mul3A_1828, %mul3A_1829 : vector<16xf32>
        %add3A_1831 = arith.addf %add3A_1827, %add3A_1830 : vector<16xf32>
        %reduce_sum3A_1832 = arith.constant true
        %reduce_sum3A_1833 = vector.broadcast %reduce_sum3A_1832 : i1 to vector<16xi1>
        %reduce_sum3A_1834 = tpu.scan <sum>, %add3A_1831 masked %reduce_sum3A_1833 : vector<16xf32>, vector<16xi1> -> vector<16xf32>
        %reduce_sum3A_1835 = vector.extract %reduce_sum3A_1834[15] : f32 from vector<16xf32>
        %broadcast_in_dim3A_1836 = vector.broadcast %reduce_sum3A_1835 : f32 to vector<16xf32>
        %select_n3A_1837 = arith.select %eq3A_1808, %broadcast_in_dim3A_1836, %select_n3A_1805 : vector<16xi1>, vector<16xf32>
        %eq3A_1838 = arith.constant 15 : i32
        %eq3A_1839 = vector.broadcast %eq3A_1838 : i32 to vector<16xi32>
        %eq3A_1840 = arith.cmpi eq, %iota3A, %eq3A_1839 : vector<16xi32>
        %mul3A_1841 = arith.constant 20 : i32
        %mul3A_1842 = arith.muli %mul3A_241, %mul3A_1841 : i32
        %add3A_1843 = arith.constant 31 : i32
        %add3A_1844 = arith.addi %mul3A_1842, %add3A_1843 : i32
        %get3A_1845 = arith.index_cast %add3A_1844 : i32 to index
        %get3A_1846 = arith.constant 0 : index
        %get3A_1847 = tpu.vector_load %arg14[%get3A_1845, %get3A_1846] {strides = array<i32>} : memref<1280x64xf32, #tpu.memory_space<vmem>>, vector<16xf32>,
        %get3A_1848 = arith.index_cast %add3A_1844 : i32 to index
        %get3A_1849 = arith.constant 16 : index
        %get3A_1850 = tpu.vector_load %arg14[%get3A_1848, %get3A_1849] {strides = array<i32>} : memref<1280x64xf32, #tpu.memory_space<vmem>>, vector<16xf32>,
        %get3A_1851 = arith.index_cast %add3A_1844 : i32 to index
        %get3A_1852 = arith.constant 32 : index
        %get3A_1853 = tpu.vector_load %arg14[%get3A_1851, %get3A_1852] {strides = array<i32>} : memref<1280x64xf32, #tpu.memory_space<vmem>>, vector<16xf32>,
        %get3A_1854 = arith.index_cast %add3A_1844 : i32 to index
        %get3A_1855 = arith.constant 48 : index
        %get3A_1856 = tpu.vector_load %arg14[%get3A_1854, %get3A_1855] {strides = array<i32>} : memref<1280x64xf32, #tpu.memory_space<vmem>>, vector<16xf32>,
        %mul3A_1857 = arith.mulf %get3A_265, %get3A_1847 : vector<16xf32>
        %mul3A_1858 = arith.mulf %get3A_270, %get3A_1850 : vector<16xf32>
        %add3A_1859 = arith.addf %mul3A_1857, %mul3A_1858 : vector<16xf32>
        %mul3A_1860 = arith.mulf %get3A_275, %get3A_1853 : vector<16xf32>
        %mul3A_1861 = arith.mulf %get3A_280, %get3A_1856 : vector<16xf32>
        %add3A_1862 = arith.addf %mul3A_1860, %mul3A_1861 : vector<16xf32>
        %add3A_1863 = arith.addf %add3A_1859, %add3A_1862 : vector<16xf32>
        %reduce_sum3A_1864 = arith.constant true
        %reduce_sum3A_1865 = vector.broadcast %reduce_sum3A_1864 : i1 to vector<16xi1>
        %reduce_sum3A_1866 = tpu.scan <sum>, %add3A_1863 masked %reduce_sum3A_1865 : vector<16xf32>, vector<16xi1> -> vector<16xf32>
        %reduce_sum3A_1867 = vector.extract %reduce_sum3A_1866[15] : f32 from vector<16xf32>
        %broadcast_in_dim3A_1868 = vector.broadcast %reduce_sum3A_1867 : f32 to vector<16xf32>
        %select_n3A_1869 = arith.select %eq3A_1840, %broadcast_in_dim3A_1868, %select_n3A_1837 : vector<16xi1>, vector<16xf32>
        %add3A_1870 = arith.addi %mul3A_19, %mul3A_241 : i32
        %mul3A_1871 = arith.constant 20 : i32
        %mul3A_1872 = arith.muli %add3A_1870, %mul3A_1871 : i32
        %add3A_1873 = arith.constant 16 : i32
        %add3A_1874 = arith.addi %mul3A_1872, %add3A_1873 : i32
        %swap3A_1875 = arith.index_cast %add3A_1874 : i32 to index
        %swap3A_1876 = tpu.vector_load %arg16[%swap3A_1875] {strides = array<i32>} : memref<10240xf32, #tpu.memory_space<vmem>>, vector<16xf32>,
        tpu.vector_store %arg16[%swap3A_1875], %select_n3A_1869 {strides = array<i32>} : memref<10240xf32, #tpu.memory_space<vmem>>, vector<16xf32>,
        %broadcast_in_dim3A_1877 = arith.constant 0.000000e+00 : f32
        %broadcast_in_dim3A_1878 = vector.broadcast %broadcast_in_dim3A_1877 : f32 to vector<16xf32>
        %eq3A_1879 = arith.constant 0 : i32
        %eq3A_1880 = vector.broadcast %eq3A_1879 : i32 to vector<16xi32>
        %eq3A_1881 = arith.cmpi eq, %iota3A, %eq3A_1880 : vector<16xi32>
        %mul3A_1882 = arith.constant 20 : i32
        %mul3A_1883 = arith.muli %mul3A_241, %mul3A_1882 : i32
        %add3A_1884 = arith.constant 32 : i32
        %add3A_1885 = arith.addi %mul3A_1883, %add3A_1884 : i32
        %get3A_1886 = arith.index_cast %add3A_1885 : i32 to index
        %get3A_1887 = arith.constant 0 : index
        %get3A_1888 = tpu.vector_load %arg14[%get3A_1886, %get3A_1887] {strides = array<i32>} : memref<1280x64xf32, #tpu.memory_space<vmem>>, vector<16xf32>,
        %get3A_1889 = arith.index_cast %add3A_1885 : i32 to index
        %get3A_1890 = arith.constant 16 : index
        %get3A_1891 = tpu.vector_load %arg14[%get3A_1889, %get3A_1890] {strides = array<i32>} : memref<1280x64xf32, #tpu.memory_space<vmem>>, vector<16xf32>,
        %get3A_1892 = arith.index_cast %add3A_1885 : i32 to index
        %get3A_1893 = arith.constant 32 : index
        %get3A_1894 = tpu.vector_load %arg14[%get3A_1892, %get3A_1893] {strides = array<i32>} : memref<1280x64xf32, #tpu.memory_space<vmem>>, vector<16xf32>,
        %get3A_1895 = arith.index_cast %add3A_1885 : i32 to index
        %get3A_1896 = arith.constant 48 : index
        %get3A_1897 = tpu.vector_load %arg14[%get3A_1895, %get3A_1896] {strides = array<i32>} : memref<1280x64xf32, #tpu.memory_space<vmem>>, vector<16xf32>,
        %mul3A_1898 = arith.mulf %get3A_265, %get3A_1888 : vector<16xf32>
        %mul3A_1899 = arith.mulf %get3A_270, %get3A_1891 : vector<16xf32>
        %add3A_1900 = arith.addf %mul3A_1898, %mul3A_1899 : vector<16xf32>
        %mul3A_1901 = arith.mulf %get3A_275, %get3A_1894 : vector<16xf32>
        %mul3A_1902 = arith.mulf %get3A_280, %get3A_1897 : vector<16xf32>
        %add3A_1903 = arith.addf %mul3A_1901, %mul3A_1902 : vector<16xf32>
        %add3A_1904 = arith.addf %add3A_1900, %add3A_1903 : vector<16xf32>
        %reduce_sum3A_1905 = arith.constant true
        %reduce_sum3A_1906 = vector.broadcast %reduce_sum3A_1905 : i1 to vector<16xi1>
        %reduce_sum3A_1907 = tpu.scan <sum>, %add3A_1904 masked %reduce_sum3A_1906 : vector<16xf32>, vector<16xi1> -> vector<16xf32>
        %reduce_sum3A_1908 = vector.extract %reduce_sum3A_1907[15] : f32 from vector<16xf32>
        %broadcast_in_dim3A_1909 = vector.broadcast %reduce_sum3A_1908 : f32 to vector<16xf32>
        %select_n3A_1910 = arith.select %eq3A_1881, %broadcast_in_dim3A_1909, %broadcast_in_dim3A_1878 : vector<16xi1>, vector<16xf32>
        %eq3A_1911 = arith.constant 1 : i32
        %eq3A_1912 = vector.broadcast %eq3A_1911 : i32 to vector<16xi32>
        %eq3A_1913 = arith.cmpi eq, %iota3A, %eq3A_1912 : vector<16xi32>
        %mul3A_1914 = arith.constant 20 : i32
        %mul3A_1915 = arith.muli %mul3A_241, %mul3A_1914 : i32
        %add3A_1916 = arith.constant 33 : i32
        %add3A_1917 = arith.addi %mul3A_1915, %add3A_1916 : i32
        %get3A_1918 = arith.index_cast %add3A_1917 : i32 to index
        %get3A_1919 = arith.constant 0 : index
        %get3A_1920 = tpu.vector_load %arg14[%get3A_1918, %get3A_1919] {strides = array<i32>} : memref<1280x64xf32, #tpu.memory_space<vmem>>, vector<16xf32>,
        %get3A_1921 = arith.index_cast %add3A_1917 : i32 to index
        %get3A_1922 = arith.constant 16 : index
        %get3A_1923 = tpu.vector_load %arg14[%get3A_1921, %get3A_1922] {strides = array<i32>} : memref<1280x64xf32, #tpu.memory_space<vmem>>, vector<16xf32>,
        %get3A_1924 = arith.index_cast %add3A_1917 : i32 to index
        %get3A_1925 = arith.constant 32 : index
        %get3A_1926 = tpu.vector_load %arg14[%get3A_1924, %get3A_1925] {strides = array<i32>} : memref<1280x64xf32, #tpu.memory_space<vmem>>, vector<16xf32>,
        %get3A_1927 = arith.index_cast %add3A_1917 : i32 to index
        %get3A_1928 = arith.constant 48 : index
        %get3A_1929 = tpu.vector_load %arg14[%get3A_1927, %get3A_1928] {strides = array<i32>} : memref<1280x64xf32, #tpu.memory_space<vmem>>, vector<16xf32>,
        %mul3A_1930 = arith.mulf %get3A_265, %get3A_1920 : vector<16xf32>
        %mul3A_1931 = arith.mulf %get3A_270, %get3A_1923 : vector<16xf32>
        %add3A_1932 = arith.addf %mul3A_1930, %mul3A_1931 : vector<16xf32>
        %mul3A_1933 = arith.mulf %get3A_275, %get3A_1926 : vector<16xf32>
        %mul3A_1934 = arith.mulf %get3A_280, %get3A_1929 : vector<16xf32>
        %add3A_1935 = arith.addf %mul3A_1933, %mul3A_1934 : vector<16xf32>
        %add3A_1936 = arith.addf %add3A_1932, %add3A_1935 : vector<16xf32>
        %reduce_sum3A_1937 = arith.constant true
        %reduce_sum3A_1938 = vector.broadcast %reduce_sum3A_1937 : i1 to vector<16xi1>
        %reduce_sum3A_1939 = tpu.scan <sum>, %add3A_1936 masked %reduce_sum3A_1938 : vector<16xf32>, vector<16xi1> -> vector<16xf32>
        %reduce_sum3A_1940 = vector.extract %reduce_sum3A_1939[15] : f32 from vector<16xf32>
        %broadcast_in_dim3A_1941 = vector.broadcast %reduce_sum3A_1940 : f32 to vector<16xf32>
        %select_n3A_1942 = arith.select %eq3A_1913, %broadcast_in_dim3A_1941, %select_n3A_1910 : vector<16xi1>, vector<16xf32>
        %eq3A_1943 = arith.constant 2 : i32
        %eq3A_1944 = vector.broadcast %eq3A_1943 : i32 to vector<16xi32>
        %eq3A_1945 = arith.cmpi eq, %iota3A, %eq3A_1944 : vector<16xi32>
        %mul3A_1946 = arith.constant 20 : i32
        %mul3A_1947 = arith.muli %mul3A_241, %mul3A_1946 : i32
        %add3A_1948 = arith.constant 34 : i32
        %add3A_1949 = arith.addi %mul3A_1947, %add3A_1948 : i32
        %get3A_1950 = arith.index_cast %add3A_1949 : i32 to index
        %get3A_1951 = arith.constant 0 : index
        %get3A_1952 = tpu.vector_load %arg14[%get3A_1950, %get3A_1951] {strides = array<i32>} : memref<1280x64xf32, #tpu.memory_space<vmem>>, vector<16xf32>,
        %get3A_1953 = arith.index_cast %add3A_1949 : i32 to index
        %get3A_1954 = arith.constant 16 : index
        %get3A_1955 = tpu.vector_load %arg14[%get3A_1953, %get3A_1954] {strides = array<i32>} : memref<1280x64xf32, #tpu.memory_space<vmem>>, vector<16xf32>,
        %get3A_1956 = arith.index_cast %add3A_1949 : i32 to index
        %get3A_1957 = arith.constant 32 : index
        %get3A_1958 = tpu.vector_load %arg14[%get3A_1956, %get3A_1957] {strides = array<i32>} : memref<1280x64xf32, #tpu.memory_space<vmem>>, vector<16xf32>,
        %get3A_1959 = arith.index_cast %add3A_1949 : i32 to index
        %get3A_1960 = arith.constant 48 : index
        %get3A_1961 = tpu.vector_load %arg14[%get3A_1959, %get3A_1960] {strides = array<i32>} : memref<1280x64xf32, #tpu.memory_space<vmem>>, vector<16xf32>,
        %mul3A_1962 = arith.mulf %get3A_265, %get3A_1952 : vector<16xf32>
        %mul3A_1963 = arith.mulf %get3A_270, %get3A_1955 : vector<16xf32>
        %add3A_1964 = arith.addf %mul3A_1962, %mul3A_1963 : vector<16xf32>
        %mul3A_1965 = arith.mulf %get3A_275, %get3A_1958 : vector<16xf32>
        %mul3A_1966 = arith.mulf %get3A_280, %get3A_1961 : vector<16xf32>
        %add3A_1967 = arith.addf %mul3A_1965, %mul3A_1966 : vector<16xf32>
        %add3A_1968 = arith.addf %add3A_1964, %add3A_1967 : vector<16xf32>
        %reduce_sum3A_1969 = arith.constant true
        %reduce_sum3A_1970 = vector.broadcast %reduce_sum3A_1969 : i1 to vector<16xi1>
        %reduce_sum3A_1971 = tpu.scan <sum>, %add3A_1968 masked %reduce_sum3A_1970 : vector<16xf32>, vector<16xi1> -> vector<16xf32>
        %reduce_sum3A_1972 = vector.extract %reduce_sum3A_1971[15] : f32 from vector<16xf32>
        %broadcast_in_dim3A_1973 = vector.broadcast %reduce_sum3A_1972 : f32 to vector<16xf32>
        %select_n3A_1974 = arith.select %eq3A_1945, %broadcast_in_dim3A_1973, %select_n3A_1942 : vector<16xi1>, vector<16xf32>
        %eq3A_1975 = arith.constant 3 : i32
        %eq3A_1976 = vector.broadcast %eq3A_1975 : i32 to vector<16xi32>
        %eq3A_1977 = arith.cmpi eq, %iota3A, %eq3A_1976 : vector<16xi32>
        %mul3A_1978 = arith.constant 20 : i32
        %mul3A_1979 = arith.muli %mul3A_241, %mul3A_1978 : i32
        %add3A_1980 = arith.constant 35 : i32
        %add3A_1981 = arith.addi %mul3A_1979, %add3A_1980 : i32
        %get3A_1982 = arith.index_cast %add3A_1981 : i32 to index
        %get3A_1983 = arith.constant 0 : index
        %get3A_1984 = tpu.vector_load %arg14[%get3A_1982, %get3A_1983] {strides = array<i32>} : memref<1280x64xf32, #tpu.memory_space<vmem>>, vector<16xf32>,
        %get3A_1985 = arith.index_cast %add3A_1981 : i32 to index
        %get3A_1986 = arith.constant 16 : index
        %get3A_1987 = tpu.vector_load %arg14[%get3A_1985, %get3A_1986] {strides = array<i32>} : memref<1280x64xf32, #tpu.memory_space<vmem>>, vector<16xf32>,
        %get3A_1988 = arith.index_cast %add3A_1981 : i32 to index
        %get3A_1989 = arith.constant 32 : index
        %get3A_1990 = tpu.vector_load %arg14[%get3A_1988, %get3A_1989] {strides = array<i32>} : memref<1280x64xf32, #tpu.memory_space<vmem>>, vector<16xf32>,
        %get3A_1991 = arith.index_cast %add3A_1981 : i32 to index
        %get3A_1992 = arith.constant 48 : index
        %get3A_1993 = tpu.vector_load %arg14[%get3A_1991, %get3A_1992] {strides = array<i32>} : memref<1280x64xf32, #tpu.memory_space<vmem>>, vector<16xf32>,
        %mul3A_1994 = arith.mulf %get3A_265, %get3A_1984 : vector<16xf32>
        %mul3A_1995 = arith.mulf %get3A_270, %get3A_1987 : vector<16xf32>
        %add3A_1996 = arith.addf %mul3A_1994, %mul3A_1995 : vector<16xf32>
        %mul3A_1997 = arith.mulf %get3A_275, %get3A_1990 : vector<16xf32>
        %mul3A_1998 = arith.mulf %get3A_280, %get3A_1993 : vector<16xf32>
        %add3A_1999 = arith.addf %mul3A_1997, %mul3A_1998 : vector<16xf32>
        %add3A_2000 = arith.addf %add3A_1996, %add3A_1999 : vector<16xf32>
        %reduce_sum3A_2001 = arith.constant true
        %reduce_sum3A_2002 = vector.broadcast %reduce_sum3A_2001 : i1 to vector<16xi1>
        %reduce_sum3A_2003 = tpu.scan <sum>, %add3A_2000 masked %reduce_sum3A_2002 : vector<16xf32>, vector<16xi1> -> vector<16xf32>
        %reduce_sum3A_2004 = vector.extract %reduce_sum3A_2003[15] : f32 from vector<16xf32>
        %broadcast_in_dim3A_2005 = vector.broadcast %reduce_sum3A_2004 : f32 to vector<16xf32>
        %select_n3A_2006 = arith.select %eq3A_1977, %broadcast_in_dim3A_2005, %select_n3A_1974 : vector<16xi1>, vector<16xf32>
        %eq3A_2007 = arith.constant 4 : i32
        %eq3A_2008 = vector.broadcast %eq3A_2007 : i32 to vector<16xi32>
        %eq3A_2009 = arith.cmpi eq, %iota3A, %eq3A_2008 : vector<16xi32>
        %mul3A_2010 = arith.constant 20 : i32
        %mul3A_2011 = arith.muli %mul3A_241, %mul3A_2010 : i32
        %add3A_2012 = arith.constant 36 : i32
        %add3A_2013 = arith.addi %mul3A_2011, %add3A_2012 : i32
        %get3A_2014 = arith.index_cast %add3A_2013 : i32 to index
        %get3A_2015 = arith.constant 0 : index
        %get3A_2016 = tpu.vector_load %arg14[%get3A_2014, %get3A_2015] {strides = array<i32>} : memref<1280x64xf32, #tpu.memory_space<vmem>>, vector<16xf32>,
        %get3A_2017 = arith.index_cast %add3A_2013 : i32 to index
        %get3A_2018 = arith.constant 16 : index
        %get3A_2019 = tpu.vector_load %arg14[%get3A_2017, %get3A_2018] {strides = array<i32>} : memref<1280x64xf32, #tpu.memory_space<vmem>>, vector<16xf32>,
        %get3A_2020 = arith.index_cast %add3A_2013 : i32 to index
        %get3A_2021 = arith.constant 32 : index
        %get3A_2022 = tpu.vector_load %arg14[%get3A_2020, %get3A_2021] {strides = array<i32>} : memref<1280x64xf32, #tpu.memory_space<vmem>>, vector<16xf32>,
        %get3A_2023 = arith.index_cast %add3A_2013 : i32 to index
        %get3A_2024 = arith.constant 48 : index
        %get3A_2025 = tpu.vector_load %arg14[%get3A_2023, %get3A_2024] {strides = array<i32>} : memref<1280x64xf32, #tpu.memory_space<vmem>>, vector<16xf32>,
        %mul3A_2026 = arith.mulf %get3A_265, %get3A_2016 : vector<16xf32>
        %mul3A_2027 = arith.mulf %get3A_270, %get3A_2019 : vector<16xf32>
        %add3A_2028 = arith.addf %mul3A_2026, %mul3A_2027 : vector<16xf32>
        %mul3A_2029 = arith.mulf %get3A_275, %get3A_2022 : vector<16xf32>
        %mul3A_2030 = arith.mulf %get3A_280, %get3A_2025 : vector<16xf32>
        %add3A_2031 = arith.addf %mul3A_2029, %mul3A_2030 : vector<16xf32>
        %add3A_2032 = arith.addf %add3A_2028, %add3A_2031 : vector<16xf32>
        %reduce_sum3A_2033 = arith.constant true
        %reduce_sum3A_2034 = vector.broadcast %reduce_sum3A_2033 : i1 to vector<16xi1>
        %reduce_sum3A_2035 = tpu.scan <sum>, %add3A_2032 masked %reduce_sum3A_2034 : vector<16xf32>, vector<16xi1> -> vector<16xf32>
        %reduce_sum3A_2036 = vector.extract %reduce_sum3A_2035[15] : f32 from vector<16xf32>
        %broadcast_in_dim3A_2037 = vector.broadcast %reduce_sum3A_2036 : f32 to vector<16xf32>
        %select_n3A_2038 = arith.select %eq3A_2009, %broadcast_in_dim3A_2037, %select_n3A_2006 : vector<16xi1>, vector<16xf32>
        %eq3A_2039 = arith.constant 5 : i32
        %eq3A_2040 = vector.broadcast %eq3A_2039 : i32 to vector<16xi32>
        %eq3A_2041 = arith.cmpi eq, %iota3A, %eq3A_2040 : vector<16xi32>
        %mul3A_2042 = arith.constant 20 : i32
        %mul3A_2043 = arith.muli %mul3A_241, %mul3A_2042 : i32
        %add3A_2044 = arith.constant 37 : i32
        %add3A_2045 = arith.addi %mul3A_2043, %add3A_2044 : i32
        %get3A_2046 = arith.index_cast %add3A_2045 : i32 to index
        %get3A_2047 = arith.constant 0 : index
        %get3A_2048 = tpu.vector_load %arg14[%get3A_2046, %get3A_2047] {strides = array<i32>} : memref<1280x64xf32, #tpu.memory_space<vmem>>, vector<16xf32>,
        %get3A_2049 = arith.index_cast %add3A_2045 : i32 to index
        %get3A_2050 = arith.constant 16 : index
        %get3A_2051 = tpu.vector_load %arg14[%get3A_2049, %get3A_2050] {strides = array<i32>} : memref<1280x64xf32, #tpu.memory_space<vmem>>, vector<16xf32>,
        %get3A_2052 = arith.index_cast %add3A_2045 : i32 to index
        %get3A_2053 = arith.constant 32 : index
        %get3A_2054 = tpu.vector_load %arg14[%get3A_2052, %get3A_2053] {strides = array<i32>} : memref<1280x64xf32, #tpu.memory_space<vmem>>, vector<16xf32>,
        %get3A_2055 = arith.index_cast %add3A_2045 : i32 to index
        %get3A_2056 = arith.constant 48 : index
        %get3A_2057 = tpu.vector_load %arg14[%get3A_2055, %get3A_2056] {strides = array<i32>} : memref<1280x64xf32, #tpu.memory_space<vmem>>, vector<16xf32>,
        %mul3A_2058 = arith.mulf %get3A_265, %get3A_2048 : vector<16xf32>
        %mul3A_2059 = arith.mulf %get3A_270, %get3A_2051 : vector<16xf32>
        %add3A_2060 = arith.addf %mul3A_2058, %mul3A_2059 : vector<16xf32>
        %mul3A_2061 = arith.mulf %get3A_275, %get3A_2054 : vector<16xf32>
        %mul3A_2062 = arith.mulf %get3A_280, %get3A_2057 : vector<16xf32>
        %add3A_2063 = arith.addf %mul3A_2061, %mul3A_2062 : vector<16xf32>
        %add3A_2064 = arith.addf %add3A_2060, %add3A_2063 : vector<16xf32>
        %reduce_sum3A_2065 = arith.constant true
        %reduce_sum3A_2066 = vector.broadcast %reduce_sum3A_2065 : i1 to vector<16xi1>
        %reduce_sum3A_2067 = tpu.scan <sum>, %add3A_2064 masked %reduce_sum3A_2066 : vector<16xf32>, vector<16xi1> -> vector<16xf32>
        %reduce_sum3A_2068 = vector.extract %reduce_sum3A_2067[15] : f32 from vector<16xf32>
        %broadcast_in_dim3A_2069 = vector.broadcast %reduce_sum3A_2068 : f32 to vector<16xf32>
        %select_n3A_2070 = arith.select %eq3A_2041, %broadcast_in_dim3A_2069, %select_n3A_2038 : vector<16xi1>, vector<16xf32>
        %eq3A_2071 = arith.constant 6 : i32
        %eq3A_2072 = vector.broadcast %eq3A_2071 : i32 to vector<16xi32>
        %eq3A_2073 = arith.cmpi eq, %iota3A, %eq3A_2072 : vector<16xi32>
        %mul3A_2074 = arith.constant 20 : i32
        %mul3A_2075 = arith.muli %mul3A_241, %mul3A_2074 : i32
        %add3A_2076 = arith.constant 38 : i32
        %add3A_2077 = arith.addi %mul3A_2075, %add3A_2076 : i32
        %get3A_2078 = arith.index_cast %add3A_2077 : i32 to index
        %get3A_2079 = arith.constant 0 : index
        %get3A_2080 = tpu.vector_load %arg14[%get3A_2078, %get3A_2079] {strides = array<i32>} : memref<1280x64xf32, #tpu.memory_space<vmem>>, vector<16xf32>,
        %get3A_2081 = arith.index_cast %add3A_2077 : i32 to index
        %get3A_2082 = arith.constant 16 : index
        %get3A_2083 = tpu.vector_load %arg14[%get3A_2081, %get3A_2082] {strides = array<i32>} : memref<1280x64xf32, #tpu.memory_space<vmem>>, vector<16xf32>,
        %get3A_2084 = arith.index_cast %add3A_2077 : i32 to index
        %get3A_2085 = arith.constant 32 : index
        %get3A_2086 = tpu.vector_load %arg14[%get3A_2084, %get3A_2085] {strides = array<i32>} : memref<1280x64xf32, #tpu.memory_space<vmem>>, vector<16xf32>,
        %get3A_2087 = arith.index_cast %add3A_2077 : i32 to index
        %get3A_2088 = arith.constant 48 : index
        %get3A_2089 = tpu.vector_load %arg14[%get3A_2087, %get3A_2088] {strides = array<i32>} : memref<1280x64xf32, #tpu.memory_space<vmem>>, vector<16xf32>,
        %mul3A_2090 = arith.mulf %get3A_265, %get3A_2080 : vector<16xf32>
        %mul3A_2091 = arith.mulf %get3A_270, %get3A_2083 : vector<16xf32>
        %add3A_2092 = arith.addf %mul3A_2090, %mul3A_2091 : vector<16xf32>
        %mul3A_2093 = arith.mulf %get3A_275, %get3A_2086 : vector<16xf32>
        %mul3A_2094 = arith.mulf %get3A_280, %get3A_2089 : vector<16xf32>
        %add3A_2095 = arith.addf %mul3A_2093, %mul3A_2094 : vector<16xf32>
        %add3A_2096 = arith.addf %add3A_2092, %add3A_2095 : vector<16xf32>
        %reduce_sum3A_2097 = arith.constant true
        %reduce_sum3A_2098 = vector.broadcast %reduce_sum3A_2097 : i1 to vector<16xi1>
        %reduce_sum3A_2099 = tpu.scan <sum>, %add3A_2096 masked %reduce_sum3A_2098 : vector<16xf32>, vector<16xi1> -> vector<16xf32>
        %reduce_sum3A_2100 = vector.extract %reduce_sum3A_2099[15] : f32 from vector<16xf32>
        %broadcast_in_dim3A_2101 = vector.broadcast %reduce_sum3A_2100 : f32 to vector<16xf32>
        %select_n3A_2102 = arith.select %eq3A_2073, %broadcast_in_dim3A_2101, %select_n3A_2070 : vector<16xi1>, vector<16xf32>
        %eq3A_2103 = arith.constant 7 : i32
        %eq3A_2104 = vector.broadcast %eq3A_2103 : i32 to vector<16xi32>
        %eq3A_2105 = arith.cmpi eq, %iota3A, %eq3A_2104 : vector<16xi32>
        %mul3A_2106 = arith.constant 20 : i32
        %mul3A_2107 = arith.muli %mul3A_241, %mul3A_2106 : i32
        %add3A_2108 = arith.constant 39 : i32
        %add3A_2109 = arith.addi %mul3A_2107, %add3A_2108 : i32
        %get3A_2110 = arith.index_cast %add3A_2109 : i32 to index
        %get3A_2111 = arith.constant 0 : index
        %get3A_2112 = tpu.vector_load %arg14[%get3A_2110, %get3A_2111] {strides = array<i32>} : memref<1280x64xf32, #tpu.memory_space<vmem>>, vector<16xf32>,
        %get3A_2113 = arith.index_cast %add3A_2109 : i32 to index
        %get3A_2114 = arith.constant 16 : index
        %get3A_2115 = tpu.vector_load %arg14[%get3A_2113, %get3A_2114] {strides = array<i32>} : memref<1280x64xf32, #tpu.memory_space<vmem>>, vector<16xf32>,
        %get3A_2116 = arith.index_cast %add3A_2109 : i32 to index
        %get3A_2117 = arith.constant 32 : index
        %get3A_2118 = tpu.vector_load %arg14[%get3A_2116, %get3A_2117] {strides = array<i32>} : memref<1280x64xf32, #tpu.memory_space<vmem>>, vector<16xf32>,
        %get3A_2119 = arith.index_cast %add3A_2109 : i32 to index
        %get3A_2120 = arith.constant 48 : index
        %get3A_2121 = tpu.vector_load %arg14[%get3A_2119, %get3A_2120] {strides = array<i32>} : memref<1280x64xf32, #tpu.memory_space<vmem>>, vector<16xf32>,
        %mul3A_2122 = arith.mulf %get3A_265, %get3A_2112 : vector<16xf32>
        %mul3A_2123 = arith.mulf %get3A_270, %get3A_2115 : vector<16xf32>
        %add3A_2124 = arith.addf %mul3A_2122, %mul3A_2123 : vector<16xf32>
        %mul3A_2125 = arith.mulf %get3A_275, %get3A_2118 : vector<16xf32>
        %mul3A_2126 = arith.mulf %get3A_280, %get3A_2121 : vector<16xf32>
        %add3A_2127 = arith.addf %mul3A_2125, %mul3A_2126 : vector<16xf32>
        %add3A_2128 = arith.addf %add3A_2124, %add3A_2127 : vector<16xf32>
        %reduce_sum3A_2129 = arith.constant true
        %reduce_sum3A_2130 = vector.broadcast %reduce_sum3A_2129 : i1 to vector<16xi1>
        %reduce_sum3A_2131 = tpu.scan <sum>, %add3A_2128 masked %reduce_sum3A_2130 : vector<16xf32>, vector<16xi1> -> vector<16xf32>
        %reduce_sum3A_2132 = vector.extract %reduce_sum3A_2131[15] : f32 from vector<16xf32>
        %broadcast_in_dim3A_2133 = vector.broadcast %reduce_sum3A_2132 : f32 to vector<16xf32>
        %select_n3A_2134 = arith.select %eq3A_2105, %broadcast_in_dim3A_2133, %select_n3A_2102 : vector<16xi1>, vector<16xf32>
        %eq3A_2135 = arith.constant 8 : i32
        %eq3A_2136 = vector.broadcast %eq3A_2135 : i32 to vector<16xi32>
        %eq3A_2137 = arith.cmpi eq, %iota3A, %eq3A_2136 : vector<16xi32>
        %mul3A_2138 = arith.constant 20 : i32
        %mul3A_2139 = arith.muli %mul3A_241, %mul3A_2138 : i32
        %add3A_2140 = arith.constant 40 : i32
        %add3A_2141 = arith.addi %mul3A_2139, %add3A_2140 : i32
        %get3A_2142 = arith.index_cast %add3A_2141 : i32 to index
        %get3A_2143 = arith.constant 0 : index
        %get3A_2144 = tpu.vector_load %arg14[%get3A_2142, %get3A_2143] {strides = array<i32>} : memref<1280x64xf32, #tpu.memory_space<vmem>>, vector<16xf32>,
        %get3A_2145 = arith.index_cast %add3A_2141 : i32 to index
        %get3A_2146 = arith.constant 16 : index
        %get3A_2147 = tpu.vector_load %arg14[%get3A_2145, %get3A_2146] {strides = array<i32>} : memref<1280x64xf32, #tpu.memory_space<vmem>>, vector<16xf32>,
        %get3A_2148 = arith.index_cast %add3A_2141 : i32 to index
        %get3A_2149 = arith.constant 32 : index
        %get3A_2150 = tpu.vector_load %arg14[%get3A_2148, %get3A_2149] {strides = array<i32>} : memref<1280x64xf32, #tpu.memory_space<vmem>>, vector<16xf32>,
        %get3A_2151 = arith.index_cast %add3A_2141 : i32 to index
        %get3A_2152 = arith.constant 48 : index
        %get3A_2153 = tpu.vector_load %arg14[%get3A_2151, %get3A_2152] {strides = array<i32>} : memref<1280x64xf32, #tpu.memory_space<vmem>>, vector<16xf32>,
        %mul3A_2154 = arith.mulf %get3A_285, %get3A_2144 : vector<16xf32>
        %mul3A_2155 = arith.mulf %get3A_290, %get3A_2147 : vector<16xf32>
        %add3A_2156 = arith.addf %mul3A_2154, %mul3A_2155 : vector<16xf32>
        %mul3A_2157 = arith.mulf %get3A_295, %get3A_2150 : vector<16xf32>
        %mul3A_2158 = arith.mulf %get3A_300, %get3A_2153 : vector<16xf32>
        %add3A_2159 = arith.addf %mul3A_2157, %mul3A_2158 : vector<16xf32>
        %add3A_2160 = arith.addf %add3A_2156, %add3A_2159 : vector<16xf32>
        %reduce_sum3A_2161 = arith.constant true
        %reduce_sum3A_2162 = vector.broadcast %reduce_sum3A_2161 : i1 to vector<16xi1>
        %reduce_sum3A_2163 = tpu.scan <sum>, %add3A_2160 masked %reduce_sum3A_2162 : vector<16xf32>, vector<16xi1> -> vector<16xf32>
        %reduce_sum3A_2164 = vector.extract %reduce_sum3A_2163[15] : f32 from vector<16xf32>
        %broadcast_in_dim3A_2165 = vector.broadcast %reduce_sum3A_2164 : f32 to vector<16xf32>
        %select_n3A_2166 = arith.select %eq3A_2137, %broadcast_in_dim3A_2165, %select_n3A_2134 : vector<16xi1>, vector<16xf32>
        %eq3A_2167 = arith.constant 9 : i32
        %eq3A_2168 = vector.broadcast %eq3A_2167 : i32 to vector<16xi32>
        %eq3A_2169 = arith.cmpi eq, %iota3A, %eq3A_2168 : vector<16xi32>
        %mul3A_2170 = arith.constant 20 : i32
        %mul3A_2171 = arith.muli %mul3A_241, %mul3A_2170 : i32
        %add3A_2172 = arith.constant 41 : i32
        %add3A_2173 = arith.addi %mul3A_2171, %add3A_2172 : i32
        %get3A_2174 = arith.index_cast %add3A_2173 : i32 to index
        %get3A_2175 = arith.constant 0 : index
        %get3A_2176 = tpu.vector_load %arg14[%get3A_2174, %get3A_2175] {strides = array<i32>} : memref<1280x64xf32, #tpu.memory_space<vmem>>, vector<16xf32>,
        %get3A_2177 = arith.index_cast %add3A_2173 : i32 to index
        %get3A_2178 = arith.constant 16 : index
        %get3A_2179 = tpu.vector_load %arg14[%get3A_2177, %get3A_2178] {strides = array<i32>} : memref<1280x64xf32, #tpu.memory_space<vmem>>, vector<16xf32>,
        %get3A_2180 = arith.index_cast %add3A_2173 : i32 to index
        %get3A_2181 = arith.constant 32 : index
        %get3A_2182 = tpu.vector_load %arg14[%get3A_2180, %get3A_2181] {strides = array<i32>} : memref<1280x64xf32, #tpu.memory_space<vmem>>, vector<16xf32>,
        %get3A_2183 = arith.index_cast %add3A_2173 : i32 to index
        %get3A_2184 = arith.constant 48 : index
        %get3A_2185 = tpu.vector_load %arg14[%get3A_2183, %get3A_2184] {strides = array<i32>} : memref<1280x64xf32, #tpu.memory_space<vmem>>, vector<16xf32>,
        %mul3A_2186 = arith.mulf %get3A_285, %get3A_2176 : vector<16xf32>
        %mul3A_2187 = arith.mulf %get3A_290, %get3A_2179 : vector<16xf32>
        %add3A_2188 = arith.addf %mul3A_2186, %mul3A_2187 : vector<16xf32>
        %mul3A_2189 = arith.mulf %get3A_295, %get3A_2182 : vector<16xf32>
        %mul3A_2190 = arith.mulf %get3A_300, %get3A_2185 : vector<16xf32>
        %add3A_2191 = arith.addf %mul3A_2189, %mul3A_2190 : vector<16xf32>
        %add3A_2192 = arith.addf %add3A_2188, %add3A_2191 : vector<16xf32>
        %reduce_sum3A_2193 = arith.constant true
        %reduce_sum3A_2194 = vector.broadcast %reduce_sum3A_2193 : i1 to vector<16xi1>
        %reduce_sum3A_2195 = tpu.scan <sum>, %add3A_2192 masked %reduce_sum3A_2194 : vector<16xf32>, vector<16xi1> -> vector<16xf32>
        %reduce_sum3A_2196 = vector.extract %reduce_sum3A_2195[15] : f32 from vector<16xf32>
        %broadcast_in_dim3A_2197 = vector.broadcast %reduce_sum3A_2196 : f32 to vector<16xf32>
        %select_n3A_2198 = arith.select %eq3A_2169, %broadcast_in_dim3A_2197, %select_n3A_2166 : vector<16xi1>, vector<16xf32>
        %eq3A_2199 = arith.constant 10 : i32
        %eq3A_2200 = vector.broadcast %eq3A_2199 : i32 to vector<16xi32>
        %eq3A_2201 = arith.cmpi eq, %iota3A, %eq3A_2200 : vector<16xi32>
        %mul3A_2202 = arith.constant 20 : i32
        %mul3A_2203 = arith.muli %mul3A_241, %mul3A_2202 : i32
        %add3A_2204 = arith.constant 42 : i32
        %add3A_2205 = arith.addi %mul3A_2203, %add3A_2204 : i32
        %get3A_2206 = arith.index_cast %add3A_2205 : i32 to index
        %get3A_2207 = arith.constant 0 : index
        %get3A_2208 = tpu.vector_load %arg14[%get3A_2206, %get3A_2207] {strides = array<i32>} : memref<1280x64xf32, #tpu.memory_space<vmem>>, vector<16xf32>,
        %get3A_2209 = arith.index_cast %add3A_2205 : i32 to index
        %get3A_2210 = arith.constant 16 : index
        %get3A_2211 = tpu.vector_load %arg14[%get3A_2209, %get3A_2210] {strides = array<i32>} : memref<1280x64xf32, #tpu.memory_space<vmem>>, vector<16xf32>,
        %get3A_2212 = arith.index_cast %add3A_2205 : i32 to index
        %get3A_2213 = arith.constant 32 : index
        %get3A_2214 = tpu.vector_load %arg14[%get3A_2212, %get3A_2213] {strides = array<i32>} : memref<1280x64xf32, #tpu.memory_space<vmem>>, vector<16xf32>,
        %get3A_2215 = arith.index_cast %add3A_2205 : i32 to index
        %get3A_2216 = arith.constant 48 : index
        %get3A_2217 = tpu.vector_load %arg14[%get3A_2215, %get3A_2216] {strides = array<i32>} : memref<1280x64xf32, #tpu.memory_space<vmem>>, vector<16xf32>,
        %mul3A_2218 = arith.mulf %get3A_285, %get3A_2208 : vector<16xf32>
        %mul3A_2219 = arith.mulf %get3A_290, %get3A_2211 : vector<16xf32>
        %add3A_2220 = arith.addf %mul3A_2218, %mul3A_2219 : vector<16xf32>
        %mul3A_2221 = arith.mulf %get3A_295, %get3A_2214 : vector<16xf32>
        %mul3A_2222 = arith.mulf %get3A_300, %get3A_2217 : vector<16xf32>
        %add3A_2223 = arith.addf %mul3A_2221, %mul3A_2222 : vector<16xf32>
        %add3A_2224 = arith.addf %add3A_2220, %add3A_2223 : vector<16xf32>
        %reduce_sum3A_2225 = arith.constant true
        %reduce_sum3A_2226 = vector.broadcast %reduce_sum3A_2225 : i1 to vector<16xi1>
        %reduce_sum3A_2227 = tpu.scan <sum>, %add3A_2224 masked %reduce_sum3A_2226 : vector<16xf32>, vector<16xi1> -> vector<16xf32>
        %reduce_sum3A_2228 = vector.extract %reduce_sum3A_2227[15] : f32 from vector<16xf32>
        %broadcast_in_dim3A_2229 = vector.broadcast %reduce_sum3A_2228 : f32 to vector<16xf32>
        %select_n3A_2230 = arith.select %eq3A_2201, %broadcast_in_dim3A_2229, %select_n3A_2198 : vector<16xi1>, vector<16xf32>
        %eq3A_2231 = arith.constant 11 : i32
        %eq3A_2232 = vector.broadcast %eq3A_2231 : i32 to vector<16xi32>
        %eq3A_2233 = arith.cmpi eq, %iota3A, %eq3A_2232 : vector<16xi32>
        %mul3A_2234 = arith.constant 20 : i32
        %mul3A_2235 = arith.muli %mul3A_241, %mul3A_2234 : i32
        %add3A_2236 = arith.constant 43 : i32
        %add3A_2237 = arith.addi %mul3A_2235, %add3A_2236 : i32
        %get3A_2238 = arith.index_cast %add3A_2237 : i32 to index
        %get3A_2239 = arith.constant 0 : index
        %get3A_2240 = tpu.vector_load %arg14[%get3A_2238, %get3A_2239] {strides = array<i32>} : memref<1280x64xf32, #tpu.memory_space<vmem>>, vector<16xf32>,
        %get3A_2241 = arith.index_cast %add3A_2237 : i32 to index
        %get3A_2242 = arith.constant 16 : index
        %get3A_2243 = tpu.vector_load %arg14[%get3A_2241, %get3A_2242] {strides = array<i32>} : memref<1280x64xf32, #tpu.memory_space<vmem>>, vector<16xf32>,
        %get3A_2244 = arith.index_cast %add3A_2237 : i32 to index
        %get3A_2245 = arith.constant 32 : index
        %get3A_2246 = tpu.vector_load %arg14[%get3A_2244, %get3A_2245] {strides = array<i32>} : memref<1280x64xf32, #tpu.memory_space<vmem>>, vector<16xf32>,
        %get3A_2247 = arith.index_cast %add3A_2237 : i32 to index
        %get3A_2248 = arith.constant 48 : index
        %get3A_2249 = tpu.vector_load %arg14[%get3A_2247, %get3A_2248] {strides = array<i32>} : memref<1280x64xf32, #tpu.memory_space<vmem>>, vector<16xf32>,
        %mul3A_2250 = arith.mulf %get3A_285, %get3A_2240 : vector<16xf32>
        %mul3A_2251 = arith.mulf %get3A_290, %get3A_2243 : vector<16xf32>
        %add3A_2252 = arith.addf %mul3A_2250, %mul3A_2251 : vector<16xf32>
        %mul3A_2253 = arith.mulf %get3A_295, %get3A_2246 : vector<16xf32>
        %mul3A_2254 = arith.mulf %get3A_300, %get3A_2249 : vector<16xf32>
        %add3A_2255 = arith.addf %mul3A_2253, %mul3A_2254 : vector<16xf32>
        %add3A_2256 = arith.addf %add3A_2252, %add3A_2255 : vector<16xf32>
        %reduce_sum3A_2257 = arith.constant true
        %reduce_sum3A_2258 = vector.broadcast %reduce_sum3A_2257 : i1 to vector<16xi1>
        %reduce_sum3A_2259 = tpu.scan <sum>, %add3A_2256 masked %reduce_sum3A_2258 : vector<16xf32>, vector<16xi1> -> vector<16xf32>
        %reduce_sum3A_2260 = vector.extract %reduce_sum3A_2259[15] : f32 from vector<16xf32>
        %broadcast_in_dim3A_2261 = vector.broadcast %reduce_sum3A_2260 : f32 to vector<16xf32>
        %select_n3A_2262 = arith.select %eq3A_2233, %broadcast_in_dim3A_2261, %select_n3A_2230 : vector<16xi1>, vector<16xf32>
        %eq3A_2263 = arith.constant 12 : i32
        %eq3A_2264 = vector.broadcast %eq3A_2263 : i32 to vector<16xi32>
        %eq3A_2265 = arith.cmpi eq, %iota3A, %eq3A_2264 : vector<16xi32>
        %mul3A_2266 = arith.constant 20 : i32
        %mul3A_2267 = arith.muli %mul3A_241, %mul3A_2266 : i32
        %add3A_2268 = arith.constant 44 : i32
        %add3A_2269 = arith.addi %mul3A_2267, %add3A_2268 : i32
        %get3A_2270 = arith.index_cast %add3A_2269 : i32 to index
        %get3A_2271 = arith.constant 0 : index
        %get3A_2272 = tpu.vector_load %arg14[%get3A_2270, %get3A_2271] {strides = array<i32>} : memref<1280x64xf32, #tpu.memory_space<vmem>>, vector<16xf32>,
        %get3A_2273 = arith.index_cast %add3A_2269 : i32 to index
        %get3A_2274 = arith.constant 16 : index
        %get3A_2275 = tpu.vector_load %arg14[%get3A_2273, %get3A_2274] {strides = array<i32>} : memref<1280x64xf32, #tpu.memory_space<vmem>>, vector<16xf32>,
        %get3A_2276 = arith.index_cast %add3A_2269 : i32 to index
        %get3A_2277 = arith.constant 32 : index
        %get3A_2278 = tpu.vector_load %arg14[%get3A_2276, %get3A_2277] {strides = array<i32>} : memref<1280x64xf32, #tpu.memory_space<vmem>>, vector<16xf32>,
        %get3A_2279 = arith.index_cast %add3A_2269 : i32 to index
        %get3A_2280 = arith.constant 48 : index
        %get3A_2281 = tpu.vector_load %arg14[%get3A_2279, %get3A_2280] {strides = array<i32>} : memref<1280x64xf32, #tpu.memory_space<vmem>>, vector<16xf32>,
        %mul3A_2282 = arith.mulf %get3A_285, %get3A_2272 : vector<16xf32>
        %mul3A_2283 = arith.mulf %get3A_290, %get3A_2275 : vector<16xf32>
        %add3A_2284 = arith.addf %mul3A_2282, %mul3A_2283 : vector<16xf32>
        %mul3A_2285 = arith.mulf %get3A_295, %get3A_2278 : vector<16xf32>
        %mul3A_2286 = arith.mulf %get3A_300, %get3A_2281 : vector<16xf32>
        %add3A_2287 = arith.addf %mul3A_2285, %mul3A_2286 : vector<16xf32>
        %add3A_2288 = arith.addf %add3A_2284, %add3A_2287 : vector<16xf32>
        %reduce_sum3A_2289 = arith.constant true
        %reduce_sum3A_2290 = vector.broadcast %reduce_sum3A_2289 : i1 to vector<16xi1>
        %reduce_sum3A_2291 = tpu.scan <sum>, %add3A_2288 masked %reduce_sum3A_2290 : vector<16xf32>, vector<16xi1> -> vector<16xf32>
        %reduce_sum3A_2292 = vector.extract %reduce_sum3A_2291[15] : f32 from vector<16xf32>
        %broadcast_in_dim3A_2293 = vector.broadcast %reduce_sum3A_2292 : f32 to vector<16xf32>
        %select_n3A_2294 = arith.select %eq3A_2265, %broadcast_in_dim3A_2293, %select_n3A_2262 : vector<16xi1>, vector<16xf32>
        %eq3A_2295 = arith.constant 13 : i32
        %eq3A_2296 = vector.broadcast %eq3A_2295 : i32 to vector<16xi32>
        %eq3A_2297 = arith.cmpi eq, %iota3A, %eq3A_2296 : vector<16xi32>
        %mul3A_2298 = arith.constant 20 : i32
        %mul3A_2299 = arith.muli %mul3A_241, %mul3A_2298 : i32
        %add3A_2300 = arith.constant 45 : i32
        %add3A_2301 = arith.addi %mul3A_2299, %add3A_2300 : i32
        %get3A_2302 = arith.index_cast %add3A_2301 : i32 to index
        %get3A_2303 = arith.constant 0 : index
        %get3A_2304 = tpu.vector_load %arg14[%get3A_2302, %get3A_2303] {strides = array<i32>} : memref<1280x64xf32, #tpu.memory_space<vmem>>, vector<16xf32>,
        %get3A_2305 = arith.index_cast %add3A_2301 : i32 to index
        %get3A_2306 = arith.constant 16 : index
        %get3A_2307 = tpu.vector_load %arg14[%get3A_2305, %get3A_2306] {strides = array<i32>} : memref<1280x64xf32, #tpu.memory_space<vmem>>, vector<16xf32>,
        %get3A_2308 = arith.index_cast %add3A_2301 : i32 to index
        %get3A_2309 = arith.constant 32 : index
        %get3A_2310 = tpu.vector_load %arg14[%get3A_2308, %get3A_2309] {strides = array<i32>} : memref<1280x64xf32, #tpu.memory_space<vmem>>, vector<16xf32>,
        %get3A_2311 = arith.index_cast %add3A_2301 : i32 to index
        %get3A_2312 = arith.constant 48 : index
        %get3A_2313 = tpu.vector_load %arg14[%get3A_2311, %get3A_2312] {strides = array<i32>} : memref<1280x64xf32, #tpu.memory_space<vmem>>, vector<16xf32>,
        %mul3A_2314 = arith.mulf %get3A_285, %get3A_2304 : vector<16xf32>
        %mul3A_2315 = arith.mulf %get3A_290, %get3A_2307 : vector<16xf32>
        %add3A_2316 = arith.addf %mul3A_2314, %mul3A_2315 : vector<16xf32>
        %mul3A_2317 = arith.mulf %get3A_295, %get3A_2310 : vector<16xf32>
        %mul3A_2318 = arith.mulf %get3A_300, %get3A_2313 : vector<16xf32>
        %add3A_2319 = arith.addf %mul3A_2317, %mul3A_2318 : vector<16xf32>
        %add3A_2320 = arith.addf %add3A_2316, %add3A_2319 : vector<16xf32>
        %reduce_sum3A_2321 = arith.constant true
        %reduce_sum3A_2322 = vector.broadcast %reduce_sum3A_2321 : i1 to vector<16xi1>
        %reduce_sum3A_2323 = tpu.scan <sum>, %add3A_2320 masked %reduce_sum3A_2322 : vector<16xf32>, vector<16xi1> -> vector<16xf32>
        %reduce_sum3A_2324 = vector.extract %reduce_sum3A_2323[15] : f32 from vector<16xf32>
        %broadcast_in_dim3A_2325 = vector.broadcast %reduce_sum3A_2324 : f32 to vector<16xf32>
        %select_n3A_2326 = arith.select %eq3A_2297, %broadcast_in_dim3A_2325, %select_n3A_2294 : vector<16xi1>, vector<16xf32>
        %eq3A_2327 = arith.constant 14 : i32
        %eq3A_2328 = vector.broadcast %eq3A_2327 : i32 to vector<16xi32>
        %eq3A_2329 = arith.cmpi eq, %iota3A, %eq3A_2328 : vector<16xi32>
        %mul3A_2330 = arith.constant 20 : i32
        %mul3A_2331 = arith.muli %mul3A_241, %mul3A_2330 : i32
        %add3A_2332 = arith.constant 46 : i32
        %add3A_2333 = arith.addi %mul3A_2331, %add3A_2332 : i32
        %get3A_2334 = arith.index_cast %add3A_2333 : i32 to index
        %get3A_2335 = arith.constant 0 : index
        %get3A_2336 = tpu.vector_load %arg14[%get3A_2334, %get3A_2335] {strides = array<i32>} : memref<1280x64xf32, #tpu.memory_space<vmem>>, vector<16xf32>,
        %get3A_2337 = arith.index_cast %add3A_2333 : i32 to index
        %get3A_2338 = arith.constant 16 : index
        %get3A_2339 = tpu.vector_load %arg14[%get3A_2337, %get3A_2338] {strides = array<i32>} : memref<1280x64xf32, #tpu.memory_space<vmem>>, vector<16xf32>,
        %get3A_2340 = arith.index_cast %add3A_2333 : i32 to index
        %get3A_2341 = arith.constant 32 : index
        %get3A_2342 = tpu.vector_load %arg14[%get3A_2340, %get3A_2341] {strides = array<i32>} : memref<1280x64xf32, #tpu.memory_space<vmem>>, vector<16xf32>,
        %get3A_2343 = arith.index_cast %add3A_2333 : i32 to index
        %get3A_2344 = arith.constant 48 : index
        %get3A_2345 = tpu.vector_load %arg14[%get3A_2343, %get3A_2344] {strides = array<i32>} : memref<1280x64xf32, #tpu.memory_space<vmem>>, vector<16xf32>,
        %mul3A_2346 = arith.mulf %get3A_285, %get3A_2336 : vector<16xf32>
        %mul3A_2347 = arith.mulf %get3A_290, %get3A_2339 : vector<16xf32>
        %add3A_2348 = arith.addf %mul3A_2346, %mul3A_2347 : vector<16xf32>
        %mul3A_2349 = arith.mulf %get3A_295, %get3A_2342 : vector<16xf32>
        %mul3A_2350 = arith.mulf %get3A_300, %get3A_2345 : vector<16xf32>
        %add3A_2351 = arith.addf %mul3A_2349, %mul3A_2350 : vector<16xf32>
        %add3A_2352 = arith.addf %add3A_2348, %add3A_2351 : vector<16xf32>
        %reduce_sum3A_2353 = arith.constant true
        %reduce_sum3A_2354 = vector.broadcast %reduce_sum3A_2353 : i1 to vector<16xi1>
        %reduce_sum3A_2355 = tpu.scan <sum>, %add3A_2352 masked %reduce_sum3A_2354 : vector<16xf32>, vector<16xi1> -> vector<16xf32>
        %reduce_sum3A_2356 = vector.extract %reduce_sum3A_2355[15] : f32 from vector<16xf32>
        %broadcast_in_dim3A_2357 = vector.broadcast %reduce_sum3A_2356 : f32 to vector<16xf32>
        %select_n3A_2358 = arith.select %eq3A_2329, %broadcast_in_dim3A_2357, %select_n3A_2326 : vector<16xi1>, vector<16xf32>
        %eq3A_2359 = arith.constant 15 : i32
        %eq3A_2360 = vector.broadcast %eq3A_2359 : i32 to vector<16xi32>
        %eq3A_2361 = arith.cmpi eq, %iota3A, %eq3A_2360 : vector<16xi32>
        %mul3A_2362 = arith.constant 20 : i32
        %mul3A_2363 = arith.muli %mul3A_241, %mul3A_2362 : i32
        %add3A_2364 = arith.constant 47 : i32
        %add3A_2365 = arith.addi %mul3A_2363, %add3A_2364 : i32
        %get3A_2366 = arith.index_cast %add3A_2365 : i32 to index
        %get3A_2367 = arith.constant 0 : index
        %get3A_2368 = tpu.vector_load %arg14[%get3A_2366, %get3A_2367] {strides = array<i32>} : memref<1280x64xf32, #tpu.memory_space<vmem>>, vector<16xf32>,
        %get3A_2369 = arith.index_cast %add3A_2365 : i32 to index
        %get3A_2370 = arith.constant 16 : index
        %get3A_2371 = tpu.vector_load %arg14[%get3A_2369, %get3A_2370] {strides = array<i32>} : memref<1280x64xf32, #tpu.memory_space<vmem>>, vector<16xf32>,
        %get3A_2372 = arith.index_cast %add3A_2365 : i32 to index
        %get3A_2373 = arith.constant 32 : index
        %get3A_2374 = tpu.vector_load %arg14[%get3A_2372, %get3A_2373] {strides = array<i32>} : memref<1280x64xf32, #tpu.memory_space<vmem>>, vector<16xf32>,
        %get3A_2375 = arith.index_cast %add3A_2365 : i32 to index
        %get3A_2376 = arith.constant 48 : index
        %get3A_2377 = tpu.vector_load %arg14[%get3A_2375, %get3A_2376] {strides = array<i32>} : memref<1280x64xf32, #tpu.memory_space<vmem>>, vector<16xf32>,
        %mul3A_2378 = arith.mulf %get3A_285, %get3A_2368 : vector<16xf32>
        %mul3A_2379 = arith.mulf %get3A_290, %get3A_2371 : vector<16xf32>
        %add3A_2380 = arith.addf %mul3A_2378, %mul3A_2379 : vector<16xf32>
        %mul3A_2381 = arith.mulf %get3A_295, %get3A_2374 : vector<16xf32>
        %mul3A_2382 = arith.mulf %get3A_300, %get3A_2377 : vector<16xf32>
        %add3A_2383 = arith.addf %mul3A_2381, %mul3A_2382 : vector<16xf32>
        %add3A_2384 = arith.addf %add3A_2380, %add3A_2383 : vector<16xf32>
        %reduce_sum3A_2385 = arith.constant true
        %reduce_sum3A_2386 = vector.broadcast %reduce_sum3A_2385 : i1 to vector<16xi1>
        %reduce_sum3A_2387 = tpu.scan <sum>, %add3A_2384 masked %reduce_sum3A_2386 : vector<16xf32>, vector<16xi1> -> vector<16xf32>
        %reduce_sum3A_2388 = vector.extract %reduce_sum3A_2387[15] : f32 from vector<16xf32>
        %broadcast_in_dim3A_2389 = vector.broadcast %reduce_sum3A_2388 : f32 to vector<16xf32>
        %select_n3A_2390 = arith.select %eq3A_2361, %broadcast_in_dim3A_2389, %select_n3A_2358 : vector<16xi1>, vector<16xf32>
        %add3A_2391 = arith.addi %mul3A_19, %mul3A_241 : i32
        %mul3A_2392 = arith.constant 20 : i32
        %mul3A_2393 = arith.muli %add3A_2391, %mul3A_2392 : i32
        %add3A_2394 = arith.constant 32 : i32
        %add3A_2395 = arith.addi %mul3A_2393, %add3A_2394 : i32
        %swap3A_2396 = arith.index_cast %add3A_2395 : i32 to index
        %swap3A_2397 = tpu.vector_load %arg16[%swap3A_2396] {strides = array<i32>} : memref<10240xf32, #tpu.memory_space<vmem>>, vector<16xf32>,
        tpu.vector_store %arg16[%swap3A_2396], %select_n3A_2390 {strides = array<i32>} : memref<10240xf32, #tpu.memory_space<vmem>>, vector<16xf32>,
        %broadcast_in_dim3A_2398 = arith.constant 0.000000e+00 : f32
        %broadcast_in_dim3A_2399 = vector.broadcast %broadcast_in_dim3A_2398 : f32 to vector<16xf32>
        %eq3A_2400 = arith.constant 0 : i32
        %eq3A_2401 = vector.broadcast %eq3A_2400 : i32 to vector<16xi32>
        %eq3A_2402 = arith.cmpi eq, %iota3A, %eq3A_2401 : vector<16xi32>
        %mul3A_2403 = arith.constant 20 : i32
        %mul3A_2404 = arith.muli %mul3A_241, %mul3A_2403 : i32
        %add3A_2405 = arith.constant 48 : i32
        %add3A_2406 = arith.addi %mul3A_2404, %add3A_2405 : i32
        %get3A_2407 = arith.index_cast %add3A_2406 : i32 to index
        %get3A_2408 = arith.constant 0 : index
        %get3A_2409 = tpu.vector_load %arg14[%get3A_2407, %get3A_2408] {strides = array<i32>} : memref<1280x64xf32, #tpu.memory_space<vmem>>, vector<16xf32>,
        %get3A_2410 = arith.index_cast %add3A_2406 : i32 to index
        %get3A_2411 = arith.constant 16 : index
        %get3A_2412 = tpu.vector_load %arg14[%get3A_2410, %get3A_2411] {strides = array<i32>} : memref<1280x64xf32, #tpu.memory_space<vmem>>, vector<16xf32>,
        %get3A_2413 = arith.index_cast %add3A_2406 : i32 to index
        %get3A_2414 = arith.constant 32 : index
        %get3A_2415 = tpu.vector_load %arg14[%get3A_2413, %get3A_2414] {strides = array<i32>} : memref<1280x64xf32, #tpu.memory_space<vmem>>, vector<16xf32>,
        %get3A_2416 = arith.index_cast %add3A_2406 : i32 to index
        %get3A_2417 = arith.constant 48 : index
        %get3A_2418 = tpu.vector_load %arg14[%get3A_2416, %get3A_2417] {strides = array<i32>} : memref<1280x64xf32, #tpu.memory_space<vmem>>, vector<16xf32>,
        %mul3A_2419 = arith.mulf %get3A_285, %get3A_2409 : vector<16xf32>
        %mul3A_2420 = arith.mulf %get3A_290, %get3A_2412 : vector<16xf32>
        %add3A_2421 = arith.addf %mul3A_2419, %mul3A_2420 : vector<16xf32>
        %mul3A_2422 = arith.mulf %get3A_295, %get3A_2415 : vector<16xf32>
        %mul3A_2423 = arith.mulf %get3A_300, %get3A_2418 : vector<16xf32>
        %add3A_2424 = arith.addf %mul3A_2422, %mul3A_2423 : vector<16xf32>
        %add3A_2425 = arith.addf %add3A_2421, %add3A_2424 : vector<16xf32>
        %reduce_sum3A_2426 = arith.constant true
        %reduce_sum3A_2427 = vector.broadcast %reduce_sum3A_2426 : i1 to vector<16xi1>
        %reduce_sum3A_2428 = tpu.scan <sum>, %add3A_2425 masked %reduce_sum3A_2427 : vector<16xf32>, vector<16xi1> -> vector<16xf32>
        %reduce_sum3A_2429 = vector.extract %reduce_sum3A_2428[15] : f32 from vector<16xf32>
        %broadcast_in_dim3A_2430 = vector.broadcast %reduce_sum3A_2429 : f32 to vector<16xf32>
        %select_n3A_2431 = arith.select %eq3A_2402, %broadcast_in_dim3A_2430, %broadcast_in_dim3A_2399 : vector<16xi1>, vector<16xf32>
        %eq3A_2432 = arith.constant 1 : i32
        %eq3A_2433 = vector.broadcast %eq3A_2432 : i32 to vector<16xi32>
        %eq3A_2434 = arith.cmpi eq, %iota3A, %eq3A_2433 : vector<16xi32>
        %mul3A_2435 = arith.constant 20 : i32
        %mul3A_2436 = arith.muli %mul3A_241, %mul3A_2435 : i32
        %add3A_2437 = arith.constant 49 : i32
        %add3A_2438 = arith.addi %mul3A_2436, %add3A_2437 : i32
        %get3A_2439 = arith.index_cast %add3A_2438 : i32 to index
        %get3A_2440 = arith.constant 0 : index
        %get3A_2441 = tpu.vector_load %arg14[%get3A_2439, %get3A_2440] {strides = array<i32>} : memref<1280x64xf32, #tpu.memory_space<vmem>>, vector<16xf32>,
        %get3A_2442 = arith.index_cast %add3A_2438 : i32 to index
        %get3A_2443 = arith.constant 16 : index
        %get3A_2444 = tpu.vector_load %arg14[%get3A_2442, %get3A_2443] {strides = array<i32>} : memref<1280x64xf32, #tpu.memory_space<vmem>>, vector<16xf32>,
        %get3A_2445 = arith.index_cast %add3A_2438 : i32 to index
        %get3A_2446 = arith.constant 32 : index
        %get3A_2447 = tpu.vector_load %arg14[%get3A_2445, %get3A_2446] {strides = array<i32>} : memref<1280x64xf32, #tpu.memory_space<vmem>>, vector<16xf32>,
        %get3A_2448 = arith.index_cast %add3A_2438 : i32 to index
        %get3A_2449 = arith.constant 48 : index
        %get3A_2450 = tpu.vector_load %arg14[%get3A_2448, %get3A_2449] {strides = array<i32>} : memref<1280x64xf32, #tpu.memory_space<vmem>>, vector<16xf32>,
        %mul3A_2451 = arith.mulf %get3A_285, %get3A_2441 : vector<16xf32>
        %mul3A_2452 = arith.mulf %get3A_290, %get3A_2444 : vector<16xf32>
        %add3A_2453 = arith.addf %mul3A_2451, %mul3A_2452 : vector<16xf32>
        %mul3A_2454 = arith.mulf %get3A_295, %get3A_2447 : vector<16xf32>
        %mul3A_2455 = arith.mulf %get3A_300, %get3A_2450 : vector<16xf32>
        %add3A_2456 = arith.addf %mul3A_2454, %mul3A_2455 : vector<16xf32>
        %add3A_2457 = arith.addf %add3A_2453, %add3A_2456 : vector<16xf32>
        %reduce_sum3A_2458 = arith.constant true
        %reduce_sum3A_2459 = vector.broadcast %reduce_sum3A_2458 : i1 to vector<16xi1>
        %reduce_sum3A_2460 = tpu.scan <sum>, %add3A_2457 masked %reduce_sum3A_2459 : vector<16xf32>, vector<16xi1> -> vector<16xf32>
        %reduce_sum3A_2461 = vector.extract %reduce_sum3A_2460[15] : f32 from vector<16xf32>
        %broadcast_in_dim3A_2462 = vector.broadcast %reduce_sum3A_2461 : f32 to vector<16xf32>
        %select_n3A_2463 = arith.select %eq3A_2434, %broadcast_in_dim3A_2462, %select_n3A_2431 : vector<16xi1>, vector<16xf32>
        %eq3A_2464 = arith.constant 2 : i32
        %eq3A_2465 = vector.broadcast %eq3A_2464 : i32 to vector<16xi32>
        %eq3A_2466 = arith.cmpi eq, %iota3A, %eq3A_2465 : vector<16xi32>
        %mul3A_2467 = arith.constant 20 : i32
        %mul3A_2468 = arith.muli %mul3A_241, %mul3A_2467 : i32
        %add3A_2469 = arith.constant 50 : i32
        %add3A_2470 = arith.addi %mul3A_2468, %add3A_2469 : i32
        %get3A_2471 = arith.index_cast %add3A_2470 : i32 to index
        %get3A_2472 = arith.constant 0 : index
        %get3A_2473 = tpu.vector_load %arg14[%get3A_2471, %get3A_2472] {strides = array<i32>} : memref<1280x64xf32, #tpu.memory_space<vmem>>, vector<16xf32>,
        %get3A_2474 = arith.index_cast %add3A_2470 : i32 to index
        %get3A_2475 = arith.constant 16 : index
        %get3A_2476 = tpu.vector_load %arg14[%get3A_2474, %get3A_2475] {strides = array<i32>} : memref<1280x64xf32, #tpu.memory_space<vmem>>, vector<16xf32>,
        %get3A_2477 = arith.index_cast %add3A_2470 : i32 to index
        %get3A_2478 = arith.constant 32 : index
        %get3A_2479 = tpu.vector_load %arg14[%get3A_2477, %get3A_2478] {strides = array<i32>} : memref<1280x64xf32, #tpu.memory_space<vmem>>, vector<16xf32>,
        %get3A_2480 = arith.index_cast %add3A_2470 : i32 to index
        %get3A_2481 = arith.constant 48 : index
        %get3A_2482 = tpu.vector_load %arg14[%get3A_2480, %get3A_2481] {strides = array<i32>} : memref<1280x64xf32, #tpu.memory_space<vmem>>, vector<16xf32>,
        %mul3A_2483 = arith.mulf %get3A_285, %get3A_2473 : vector<16xf32>
        %mul3A_2484 = arith.mulf %get3A_290, %get3A_2476 : vector<16xf32>
        %add3A_2485 = arith.addf %mul3A_2483, %mul3A_2484 : vector<16xf32>
        %mul3A_2486 = arith.mulf %get3A_295, %get3A_2479 : vector<16xf32>
        %mul3A_2487 = arith.mulf %get3A_300, %get3A_2482 : vector<16xf32>
        %add3A_2488 = arith.addf %mul3A_2486, %mul3A_2487 : vector<16xf32>
        %add3A_2489 = arith.addf %add3A_2485, %add3A_2488 : vector<16xf32>
        %reduce_sum3A_2490 = arith.constant true
        %reduce_sum3A_2491 = vector.broadcast %reduce_sum3A_2490 : i1 to vector<16xi1>
        %reduce_sum3A_2492 = tpu.scan <sum>, %add3A_2489 masked %reduce_sum3A_2491 : vector<16xf32>, vector<16xi1> -> vector<16xf32>
        %reduce_sum3A_2493 = vector.extract %reduce_sum3A_2492[15] : f32 from vector<16xf32>
        %broadcast_in_dim3A_2494 = vector.broadcast %reduce_sum3A_2493 : f32 to vector<16xf32>
        %select_n3A_2495 = arith.select %eq3A_2466, %broadcast_in_dim3A_2494, %select_n3A_2463 : vector<16xi1>, vector<16xf32>
        %eq3A_2496 = arith.constant 3 : i32
        %eq3A_2497 = vector.broadcast %eq3A_2496 : i32 to vector<16xi32>
        %eq3A_2498 = arith.cmpi eq, %iota3A, %eq3A_2497 : vector<16xi32>
        %mul3A_2499 = arith.constant 20 : i32
        %mul3A_2500 = arith.muli %mul3A_241, %mul3A_2499 : i32
        %add3A_2501 = arith.constant 51 : i32
        %add3A_2502 = arith.addi %mul3A_2500, %add3A_2501 : i32
        %get3A_2503 = arith.index_cast %add3A_2502 : i32 to index
        %get3A_2504 = arith.constant 0 : index
        %get3A_2505 = tpu.vector_load %arg14[%get3A_2503, %get3A_2504] {strides = array<i32>} : memref<1280x64xf32, #tpu.memory_space<vmem>>, vector<16xf32>,
        %get3A_2506 = arith.index_cast %add3A_2502 : i32 to index
        %get3A_2507 = arith.constant 16 : index
        %get3A_2508 = tpu.vector_load %arg14[%get3A_2506, %get3A_2507] {strides = array<i32>} : memref<1280x64xf32, #tpu.memory_space<vmem>>, vector<16xf32>,
        %get3A_2509 = arith.index_cast %add3A_2502 : i32 to index
        %get3A_2510 = arith.constant 32 : index
        %get3A_2511 = tpu.vector_load %arg14[%get3A_2509, %get3A_2510] {strides = array<i32>} : memref<1280x64xf32, #tpu.memory_space<vmem>>, vector<16xf32>,
        %get3A_2512 = arith.index_cast %add3A_2502 : i32 to index
        %get3A_2513 = arith.constant 48 : index
        %get3A_2514 = tpu.vector_load %arg14[%get3A_2512, %get3A_2513] {strides = array<i32>} : memref<1280x64xf32, #tpu.memory_space<vmem>>, vector<16xf32>,
        %mul3A_2515 = arith.mulf %get3A_285, %get3A_2505 : vector<16xf32>
        %mul3A_2516 = arith.mulf %get3A_290, %get3A_2508 : vector<16xf32>
        %add3A_2517 = arith.addf %mul3A_2515, %mul3A_2516 : vector<16xf32>
        %mul3A_2518 = arith.mulf %get3A_295, %get3A_2511 : vector<16xf32>
        %mul3A_2519 = arith.mulf %get3A_300, %get3A_2514 : vector<16xf32>
        %add3A_2520 = arith.addf %mul3A_2518, %mul3A_2519 : vector<16xf32>
        %add3A_2521 = arith.addf %add3A_2517, %add3A_2520 : vector<16xf32>
        %reduce_sum3A_2522 = arith.constant true
        %reduce_sum3A_2523 = vector.broadcast %reduce_sum3A_2522 : i1 to vector<16xi1>
        %reduce_sum3A_2524 = tpu.scan <sum>, %add3A_2521 masked %reduce_sum3A_2523 : vector<16xf32>, vector<16xi1> -> vector<16xf32>
        %reduce_sum3A_2525 = vector.extract %reduce_sum3A_2524[15] : f32 from vector<16xf32>
        %broadcast_in_dim3A_2526 = vector.broadcast %reduce_sum3A_2525 : f32 to vector<16xf32>
        %select_n3A_2527 = arith.select %eq3A_2498, %broadcast_in_dim3A_2526, %select_n3A_2495 : vector<16xi1>, vector<16xf32>
        %eq3A_2528 = arith.constant 4 : i32
        %eq3A_2529 = vector.broadcast %eq3A_2528 : i32 to vector<16xi32>
        %eq3A_2530 = arith.cmpi eq, %iota3A, %eq3A_2529 : vector<16xi32>
        %mul3A_2531 = arith.constant 20 : i32
        %mul3A_2532 = arith.muli %mul3A_241, %mul3A_2531 : i32
        %add3A_2533 = arith.constant 52 : i32
        %add3A_2534 = arith.addi %mul3A_2532, %add3A_2533 : i32
        %get3A_2535 = arith.index_cast %add3A_2534 : i32 to index
        %get3A_2536 = arith.constant 0 : index
        %get3A_2537 = tpu.vector_load %arg14[%get3A_2535, %get3A_2536] {strides = array<i32>} : memref<1280x64xf32, #tpu.memory_space<vmem>>, vector<16xf32>,
        %get3A_2538 = arith.index_cast %add3A_2534 : i32 to index
        %get3A_2539 = arith.constant 16 : index
        %get3A_2540 = tpu.vector_load %arg14[%get3A_2538, %get3A_2539] {strides = array<i32>} : memref<1280x64xf32, #tpu.memory_space<vmem>>, vector<16xf32>,
        %get3A_2541 = arith.index_cast %add3A_2534 : i32 to index
        %get3A_2542 = arith.constant 32 : index
        %get3A_2543 = tpu.vector_load %arg14[%get3A_2541, %get3A_2542] {strides = array<i32>} : memref<1280x64xf32, #tpu.memory_space<vmem>>, vector<16xf32>,
        %get3A_2544 = arith.index_cast %add3A_2534 : i32 to index
        %get3A_2545 = arith.constant 48 : index
        %get3A_2546 = tpu.vector_load %arg14[%get3A_2544, %get3A_2545] {strides = array<i32>} : memref<1280x64xf32, #tpu.memory_space<vmem>>, vector<16xf32>,
        %mul3A_2547 = arith.mulf %get3A_285, %get3A_2537 : vector<16xf32>
        %mul3A_2548 = arith.mulf %get3A_290, %get3A_2540 : vector<16xf32>
        %add3A_2549 = arith.addf %mul3A_2547, %mul3A_2548 : vector<16xf32>
        %mul3A_2550 = arith.mulf %get3A_295, %get3A_2543 : vector<16xf32>
        %mul3A_2551 = arith.mulf %get3A_300, %get3A_2546 : vector<16xf32>
        %add3A_2552 = arith.addf %mul3A_2550, %mul3A_2551 : vector<16xf32>
        %add3A_2553 = arith.addf %add3A_2549, %add3A_2552 : vector<16xf32>
        %reduce_sum3A_2554 = arith.constant true
        %reduce_sum3A_2555 = vector.broadcast %reduce_sum3A_2554 : i1 to vector<16xi1>
        %reduce_sum3A_2556 = tpu.scan <sum>, %add3A_2553 masked %reduce_sum3A_2555 : vector<16xf32>, vector<16xi1> -> vector<16xf32>
        %reduce_sum3A_2557 = vector.extract %reduce_sum3A_2556[15] : f32 from vector<16xf32>
        %broadcast_in_dim3A_2558 = vector.broadcast %reduce_sum3A_2557 : f32 to vector<16xf32>
        %select_n3A_2559 = arith.select %eq3A_2530, %broadcast_in_dim3A_2558, %select_n3A_2527 : vector<16xi1>, vector<16xf32>
        %eq3A_2560 = arith.constant 5 : i32
        %eq3A_2561 = vector.broadcast %eq3A_2560 : i32 to vector<16xi32>
        %eq3A_2562 = arith.cmpi eq, %iota3A, %eq3A_2561 : vector<16xi32>
        %mul3A_2563 = arith.constant 20 : i32
        %mul3A_2564 = arith.muli %mul3A_241, %mul3A_2563 : i32
        %add3A_2565 = arith.constant 53 : i32
        %add3A_2566 = arith.addi %mul3A_2564, %add3A_2565 : i32
        %get3A_2567 = arith.index_cast %add3A_2566 : i32 to index
        %get3A_2568 = arith.constant 0 : index
        %get3A_2569 = tpu.vector_load %arg14[%get3A_2567, %get3A_2568] {strides = array<i32>} : memref<1280x64xf32, #tpu.memory_space<vmem>>, vector<16xf32>,
        %get3A_2570 = arith.index_cast %add3A_2566 : i32 to index
        %get3A_2571 = arith.constant 16 : index
        %get3A_2572 = tpu.vector_load %arg14[%get3A_2570, %get3A_2571] {strides = array<i32>} : memref<1280x64xf32, #tpu.memory_space<vmem>>, vector<16xf32>,
        %get3A_2573 = arith.index_cast %add3A_2566 : i32 to index
        %get3A_2574 = arith.constant 32 : index
        %get3A_2575 = tpu.vector_load %arg14[%get3A_2573, %get3A_2574] {strides = array<i32>} : memref<1280x64xf32, #tpu.memory_space<vmem>>, vector<16xf32>,
        %get3A_2576 = arith.index_cast %add3A_2566 : i32 to index
        %get3A_2577 = arith.constant 48 : index
        %get3A_2578 = tpu.vector_load %arg14[%get3A_2576, %get3A_2577] {strides = array<i32>} : memref<1280x64xf32, #tpu.memory_space<vmem>>, vector<16xf32>,
        %mul3A_2579 = arith.mulf %get3A_285, %get3A_2569 : vector<16xf32>
        %mul3A_2580 = arith.mulf %get3A_290, %get3A_2572 : vector<16xf32>
        %add3A_2581 = arith.addf %mul3A_2579, %mul3A_2580 : vector<16xf32>
        %mul3A_2582 = arith.mulf %get3A_295, %get3A_2575 : vector<16xf32>
        %mul3A_2583 = arith.mulf %get3A_300, %get3A_2578 : vector<16xf32>
        %add3A_2584 = arith.addf %mul3A_2582, %mul3A_2583 : vector<16xf32>
        %add3A_2585 = arith.addf %add3A_2581, %add3A_2584 : vector<16xf32>
        %reduce_sum3A_2586 = arith.constant true
        %reduce_sum3A_2587 = vector.broadcast %reduce_sum3A_2586 : i1 to vector<16xi1>
        %reduce_sum3A_2588 = tpu.scan <sum>, %add3A_2585 masked %reduce_sum3A_2587 : vector<16xf32>, vector<16xi1> -> vector<16xf32>
        %reduce_sum3A_2589 = vector.extract %reduce_sum3A_2588[15] : f32 from vector<16xf32>
        %broadcast_in_dim3A_2590 = vector.broadcast %reduce_sum3A_2589 : f32 to vector<16xf32>
        %select_n3A_2591 = arith.select %eq3A_2562, %broadcast_in_dim3A_2590, %select_n3A_2559 : vector<16xi1>, vector<16xf32>
        %eq3A_2592 = arith.constant 6 : i32
        %eq3A_2593 = vector.broadcast %eq3A_2592 : i32 to vector<16xi32>
        %eq3A_2594 = arith.cmpi eq, %iota3A, %eq3A_2593 : vector<16xi32>
        %mul3A_2595 = arith.constant 20 : i32
        %mul3A_2596 = arith.muli %mul3A_241, %mul3A_2595 : i32
        %add3A_2597 = arith.constant 54 : i32
        %add3A_2598 = arith.addi %mul3A_2596, %add3A_2597 : i32
        %get3A_2599 = arith.index_cast %add3A_2598 : i32 to index
        %get3A_2600 = arith.constant 0 : index
        %get3A_2601 = tpu.vector_load %arg14[%get3A_2599, %get3A_2600] {strides = array<i32>} : memref<1280x64xf32, #tpu.memory_space<vmem>>, vector<16xf32>,
        %get3A_2602 = arith.index_cast %add3A_2598 : i32 to index
        %get3A_2603 = arith.constant 16 : index
        %get3A_2604 = tpu.vector_load %arg14[%get3A_2602, %get3A_2603] {strides = array<i32>} : memref<1280x64xf32, #tpu.memory_space<vmem>>, vector<16xf32>,
        %get3A_2605 = arith.index_cast %add3A_2598 : i32 to index
        %get3A_2606 = arith.constant 32 : index
        %get3A_2607 = tpu.vector_load %arg14[%get3A_2605, %get3A_2606] {strides = array<i32>} : memref<1280x64xf32, #tpu.memory_space<vmem>>, vector<16xf32>,
        %get3A_2608 = arith.index_cast %add3A_2598 : i32 to index
        %get3A_2609 = arith.constant 48 : index
        %get3A_2610 = tpu.vector_load %arg14[%get3A_2608, %get3A_2609] {strides = array<i32>} : memref<1280x64xf32, #tpu.memory_space<vmem>>, vector<16xf32>,
        %mul3A_2611 = arith.mulf %get3A_285, %get3A_2601 : vector<16xf32>
        %mul3A_2612 = arith.mulf %get3A_290, %get3A_2604 : vector<16xf32>
        %add3A_2613 = arith.addf %mul3A_2611, %mul3A_2612 : vector<16xf32>
        %mul3A_2614 = arith.mulf %get3A_295, %get3A_2607 : vector<16xf32>
        %mul3A_2615 = arith.mulf %get3A_300, %get3A_2610 : vector<16xf32>
        %add3A_2616 = arith.addf %mul3A_2614, %mul3A_2615 : vector<16xf32>
        %add3A_2617 = arith.addf %add3A_2613, %add3A_2616 : vector<16xf32>
        %reduce_sum3A_2618 = arith.constant true
        %reduce_sum3A_2619 = vector.broadcast %reduce_sum3A_2618 : i1 to vector<16xi1>
        %reduce_sum3A_2620 = tpu.scan <sum>, %add3A_2617 masked %reduce_sum3A_2619 : vector<16xf32>, vector<16xi1> -> vector<16xf32>
        %reduce_sum3A_2621 = vector.extract %reduce_sum3A_2620[15] : f32 from vector<16xf32>
        %broadcast_in_dim3A_2622 = vector.broadcast %reduce_sum3A_2621 : f32 to vector<16xf32>
        %select_n3A_2623 = arith.select %eq3A_2594, %broadcast_in_dim3A_2622, %select_n3A_2591 : vector<16xi1>, vector<16xf32>
        %eq3A_2624 = arith.constant 7 : i32
        %eq3A_2625 = vector.broadcast %eq3A_2624 : i32 to vector<16xi32>
        %eq3A_2626 = arith.cmpi eq, %iota3A, %eq3A_2625 : vector<16xi32>
        %mul3A_2627 = arith.constant 20 : i32
        %mul3A_2628 = arith.muli %mul3A_241, %mul3A_2627 : i32
        %add3A_2629 = arith.constant 55 : i32
        %add3A_2630 = arith.addi %mul3A_2628, %add3A_2629 : i32
        %get3A_2631 = arith.index_cast %add3A_2630 : i32 to index
        %get3A_2632 = arith.constant 0 : index
        %get3A_2633 = tpu.vector_load %arg14[%get3A_2631, %get3A_2632] {strides = array<i32>} : memref<1280x64xf32, #tpu.memory_space<vmem>>, vector<16xf32>,
        %get3A_2634 = arith.index_cast %add3A_2630 : i32 to index
        %get3A_2635 = arith.constant 16 : index
        %get3A_2636 = tpu.vector_load %arg14[%get3A_2634, %get3A_2635] {strides = array<i32>} : memref<1280x64xf32, #tpu.memory_space<vmem>>, vector<16xf32>,
        %get3A_2637 = arith.index_cast %add3A_2630 : i32 to index
        %get3A_2638 = arith.constant 32 : index
        %get3A_2639 = tpu.vector_load %arg14[%get3A_2637, %get3A_2638] {strides = array<i32>} : memref<1280x64xf32, #tpu.memory_space<vmem>>, vector<16xf32>,
        %get3A_2640 = arith.index_cast %add3A_2630 : i32 to index
        %get3A_2641 = arith.constant 48 : index
        %get3A_2642 = tpu.vector_load %arg14[%get3A_2640, %get3A_2641] {strides = array<i32>} : memref<1280x64xf32, #tpu.memory_space<vmem>>, vector<16xf32>,
        %mul3A_2643 = arith.mulf %get3A_285, %get3A_2633 : vector<16xf32>
        %mul3A_2644 = arith.mulf %get3A_290, %get3A_2636 : vector<16xf32>
        %add3A_2645 = arith.addf %mul3A_2643, %mul3A_2644 : vector<16xf32>
        %mul3A_2646 = arith.mulf %get3A_295, %get3A_2639 : vector<16xf32>
        %mul3A_2647 = arith.mulf %get3A_300, %get3A_2642 : vector<16xf32>
        %add3A_2648 = arith.addf %mul3A_2646, %mul3A_2647 : vector<16xf32>
        %add3A_2649 = arith.addf %add3A_2645, %add3A_2648 : vector<16xf32>
        %reduce_sum3A_2650 = arith.constant true
        %reduce_sum3A_2651 = vector.broadcast %reduce_sum3A_2650 : i1 to vector<16xi1>
        %reduce_sum3A_2652 = tpu.scan <sum>, %add3A_2649 masked %reduce_sum3A_2651 : vector<16xf32>, vector<16xi1> -> vector<16xf32>
        %reduce_sum3A_2653 = vector.extract %reduce_sum3A_2652[15] : f32 from vector<16xf32>
        %broadcast_in_dim3A_2654 = vector.broadcast %reduce_sum3A_2653 : f32 to vector<16xf32>
        %select_n3A_2655 = arith.select %eq3A_2626, %broadcast_in_dim3A_2654, %select_n3A_2623 : vector<16xi1>, vector<16xf32>
        %eq3A_2656 = arith.constant 8 : i32
        %eq3A_2657 = vector.broadcast %eq3A_2656 : i32 to vector<16xi32>
        %eq3A_2658 = arith.cmpi eq, %iota3A, %eq3A_2657 : vector<16xi32>
        %mul3A_2659 = arith.constant 20 : i32
        %mul3A_2660 = arith.muli %mul3A_241, %mul3A_2659 : i32
        %add3A_2661 = arith.constant 56 : i32
        %add3A_2662 = arith.addi %mul3A_2660, %add3A_2661 : i32
        %get3A_2663 = arith.index_cast %add3A_2662 : i32 to index
        %get3A_2664 = arith.constant 0 : index
        %get3A_2665 = tpu.vector_load %arg14[%get3A_2663, %get3A_2664] {strides = array<i32>} : memref<1280x64xf32, #tpu.memory_space<vmem>>, vector<16xf32>,
        %get3A_2666 = arith.index_cast %add3A_2662 : i32 to index
        %get3A_2667 = arith.constant 16 : index
        %get3A_2668 = tpu.vector_load %arg14[%get3A_2666, %get3A_2667] {strides = array<i32>} : memref<1280x64xf32, #tpu.memory_space<vmem>>, vector<16xf32>,
        %get3A_2669 = arith.index_cast %add3A_2662 : i32 to index
        %get3A_2670 = arith.constant 32 : index
        %get3A_2671 = tpu.vector_load %arg14[%get3A_2669, %get3A_2670] {strides = array<i32>} : memref<1280x64xf32, #tpu.memory_space<vmem>>, vector<16xf32>,
        %get3A_2672 = arith.index_cast %add3A_2662 : i32 to index
        %get3A_2673 = arith.constant 48 : index
        %get3A_2674 = tpu.vector_load %arg14[%get3A_2672, %get3A_2673] {strides = array<i32>} : memref<1280x64xf32, #tpu.memory_space<vmem>>, vector<16xf32>,
        %mul3A_2675 = arith.mulf %get3A_285, %get3A_2665 : vector<16xf32>
        %mul3A_2676 = arith.mulf %get3A_290, %get3A_2668 : vector<16xf32>
        %add3A_2677 = arith.addf %mul3A_2675, %mul3A_2676 : vector<16xf32>
        %mul3A_2678 = arith.mulf %get3A_295, %get3A_2671 : vector<16xf32>
        %mul3A_2679 = arith.mulf %get3A_300, %get3A_2674 : vector<16xf32>
        %add3A_2680 = arith.addf %mul3A_2678, %mul3A_2679 : vector<16xf32>
        %add3A_2681 = arith.addf %add3A_2677, %add3A_2680 : vector<16xf32>
        %reduce_sum3A_2682 = arith.constant true
        %reduce_sum3A_2683 = vector.broadcast %reduce_sum3A_2682 : i1 to vector<16xi1>
        %reduce_sum3A_2684 = tpu.scan <sum>, %add3A_2681 masked %reduce_sum3A_2683 : vector<16xf32>, vector<16xi1> -> vector<16xf32>
        %reduce_sum3A_2685 = vector.extract %reduce_sum3A_2684[15] : f32 from vector<16xf32>
        %broadcast_in_dim3A_2686 = vector.broadcast %reduce_sum3A_2685 : f32 to vector<16xf32>
        %select_n3A_2687 = arith.select %eq3A_2658, %broadcast_in_dim3A_2686, %select_n3A_2655 : vector<16xi1>, vector<16xf32>
        %eq3A_2688 = arith.constant 9 : i32
        %eq3A_2689 = vector.broadcast %eq3A_2688 : i32 to vector<16xi32>
        %eq3A_2690 = arith.cmpi eq, %iota3A, %eq3A_2689 : vector<16xi32>
        %mul3A_2691 = arith.constant 20 : i32
        %mul3A_2692 = arith.muli %mul3A_241, %mul3A_2691 : i32
        %add3A_2693 = arith.constant 57 : i32
        %add3A_2694 = arith.addi %mul3A_2692, %add3A_2693 : i32
        %get3A_2695 = arith.index_cast %add3A_2694 : i32 to index
        %get3A_2696 = arith.constant 0 : index
        %get3A_2697 = tpu.vector_load %arg14[%get3A_2695, %get3A_2696] {strides = array<i32>} : memref<1280x64xf32, #tpu.memory_space<vmem>>, vector<16xf32>,
        %get3A_2698 = arith.index_cast %add3A_2694 : i32 to index
        %get3A_2699 = arith.constant 16 : index
        %get3A_2700 = tpu.vector_load %arg14[%get3A_2698, %get3A_2699] {strides = array<i32>} : memref<1280x64xf32, #tpu.memory_space<vmem>>, vector<16xf32>,
        %get3A_2701 = arith.index_cast %add3A_2694 : i32 to index
        %get3A_2702 = arith.constant 32 : index
        %get3A_2703 = tpu.vector_load %arg14[%get3A_2701, %get3A_2702] {strides = array<i32>} : memref<1280x64xf32, #tpu.memory_space<vmem>>, vector<16xf32>,
        %get3A_2704 = arith.index_cast %add3A_2694 : i32 to index
        %get3A_2705 = arith.constant 48 : index
        %get3A_2706 = tpu.vector_load %arg14[%get3A_2704, %get3A_2705] {strides = array<i32>} : memref<1280x64xf32, #tpu.memory_space<vmem>>, vector<16xf32>,
        %mul3A_2707 = arith.mulf %get3A_285, %get3A_2697 : vector<16xf32>
        %mul3A_2708 = arith.mulf %get3A_290, %get3A_2700 : vector<16xf32>
        %add3A_2709 = arith.addf %mul3A_2707, %mul3A_2708 : vector<16xf32>
        %mul3A_2710 = arith.mulf %get3A_295, %get3A_2703 : vector<16xf32>
        %mul3A_2711 = arith.mulf %get3A_300, %get3A_2706 : vector<16xf32>
        %add3A_2712 = arith.addf %mul3A_2710, %mul3A_2711 : vector<16xf32>
        %add3A_2713 = arith.addf %add3A_2709, %add3A_2712 : vector<16xf32>
        %reduce_sum3A_2714 = arith.constant true
        %reduce_sum3A_2715 = vector.broadcast %reduce_sum3A_2714 : i1 to vector<16xi1>
        %reduce_sum3A_2716 = tpu.scan <sum>, %add3A_2713 masked %reduce_sum3A_2715 : vector<16xf32>, vector<16xi1> -> vector<16xf32>
        %reduce_sum3A_2717 = vector.extract %reduce_sum3A_2716[15] : f32 from vector<16xf32>
        %broadcast_in_dim3A_2718 = vector.broadcast %reduce_sum3A_2717 : f32 to vector<16xf32>
        %select_n3A_2719 = arith.select %eq3A_2690, %broadcast_in_dim3A_2718, %select_n3A_2687 : vector<16xi1>, vector<16xf32>
        %eq3A_2720 = arith.constant 10 : i32
        %eq3A_2721 = vector.broadcast %eq3A_2720 : i32 to vector<16xi32>
        %eq3A_2722 = arith.cmpi eq, %iota3A, %eq3A_2721 : vector<16xi32>
        %mul3A_2723 = arith.constant 20 : i32
        %mul3A_2724 = arith.muli %mul3A_241, %mul3A_2723 : i32
        %add3A_2725 = arith.constant 58 : i32
        %add3A_2726 = arith.addi %mul3A_2724, %add3A_2725 : i32
        %get3A_2727 = arith.index_cast %add3A_2726 : i32 to index
        %get3A_2728 = arith.constant 0 : index
        %get3A_2729 = tpu.vector_load %arg14[%get3A_2727, %get3A_2728] {strides = array<i32>} : memref<1280x64xf32, #tpu.memory_space<vmem>>, vector<16xf32>,
        %get3A_2730 = arith.index_cast %add3A_2726 : i32 to index
        %get3A_2731 = arith.constant 16 : index
        %get3A_2732 = tpu.vector_load %arg14[%get3A_2730, %get3A_2731] {strides = array<i32>} : memref<1280x64xf32, #tpu.memory_space<vmem>>, vector<16xf32>,
        %get3A_2733 = arith.index_cast %add3A_2726 : i32 to index
        %get3A_2734 = arith.constant 32 : index
        %get3A_2735 = tpu.vector_load %arg14[%get3A_2733, %get3A_2734] {strides = array<i32>} : memref<1280x64xf32, #tpu.memory_space<vmem>>, vector<16xf32>,
        %get3A_2736 = arith.index_cast %add3A_2726 : i32 to index
        %get3A_2737 = arith.constant 48 : index
        %get3A_2738 = tpu.vector_load %arg14[%get3A_2736, %get3A_2737] {strides = array<i32>} : memref<1280x64xf32, #tpu.memory_space<vmem>>, vector<16xf32>,
        %mul3A_2739 = arith.mulf %get3A_285, %get3A_2729 : vector<16xf32>
        %mul3A_2740 = arith.mulf %get3A_290, %get3A_2732 : vector<16xf32>
        %add3A_2741 = arith.addf %mul3A_2739, %mul3A_2740 : vector<16xf32>
        %mul3A_2742 = arith.mulf %get3A_295, %get3A_2735 : vector<16xf32>
        %mul3A_2743 = arith.mulf %get3A_300, %get3A_2738 : vector<16xf32>
        %add3A_2744 = arith.addf %mul3A_2742, %mul3A_2743 : vector<16xf32>
        %add3A_2745 = arith.addf %add3A_2741, %add3A_2744 : vector<16xf32>
        %reduce_sum3A_2746 = arith.constant true
        %reduce_sum3A_2747 = vector.broadcast %reduce_sum3A_2746 : i1 to vector<16xi1>
        %reduce_sum3A_2748 = tpu.scan <sum>, %add3A_2745 masked %reduce_sum3A_2747 : vector<16xf32>, vector<16xi1> -> vector<16xf32>
        %reduce_sum3A_2749 = vector.extract %reduce_sum3A_2748[15] : f32 from vector<16xf32>
        %broadcast_in_dim3A_2750 = vector.broadcast %reduce_sum3A_2749 : f32 to vector<16xf32>
        %select_n3A_2751 = arith.select %eq3A_2722, %broadcast_in_dim3A_2750, %select_n3A_2719 : vector<16xi1>, vector<16xf32>
        %eq3A_2752 = arith.constant 11 : i32
        %eq3A_2753 = vector.broadcast %eq3A_2752 : i32 to vector<16xi32>
        %eq3A_2754 = arith.cmpi eq, %iota3A, %eq3A_2753 : vector<16xi32>
        %mul3A_2755 = arith.constant 20 : i32
        %mul3A_2756 = arith.muli %mul3A_241, %mul3A_2755 : i32
        %add3A_2757 = arith.constant 59 : i32
        %add3A_2758 = arith.addi %mul3A_2756, %add3A_2757 : i32
        %get3A_2759 = arith.index_cast %add3A_2758 : i32 to index
        %get3A_2760 = arith.constant 0 : index
        %get3A_2761 = tpu.vector_load %arg14[%get3A_2759, %get3A_2760] {strides = array<i32>} : memref<1280x64xf32, #tpu.memory_space<vmem>>, vector<16xf32>,
        %get3A_2762 = arith.index_cast %add3A_2758 : i32 to index
        %get3A_2763 = arith.constant 16 : index
        %get3A_2764 = tpu.vector_load %arg14[%get3A_2762, %get3A_2763] {strides = array<i32>} : memref<1280x64xf32, #tpu.memory_space<vmem>>, vector<16xf32>,
        %get3A_2765 = arith.index_cast %add3A_2758 : i32 to index
        %get3A_2766 = arith.constant 32 : index
        %get3A_2767 = tpu.vector_load %arg14[%get3A_2765, %get3A_2766] {strides = array<i32>} : memref<1280x64xf32, #tpu.memory_space<vmem>>, vector<16xf32>,
        %get3A_2768 = arith.index_cast %add3A_2758 : i32 to index
        %get3A_2769 = arith.constant 48 : index
        %get3A_2770 = tpu.vector_load %arg14[%get3A_2768, %get3A_2769] {strides = array<i32>} : memref<1280x64xf32, #tpu.memory_space<vmem>>, vector<16xf32>,
        %mul3A_2771 = arith.mulf %get3A_285, %get3A_2761 : vector<16xf32>
        %mul3A_2772 = arith.mulf %get3A_290, %get3A_2764 : vector<16xf32>
        %add3A_2773 = arith.addf %mul3A_2771, %mul3A_2772 : vector<16xf32>
        %mul3A_2774 = arith.mulf %get3A_295, %get3A_2767 : vector<16xf32>
        %mul3A_2775 = arith.mulf %get3A_300, %get3A_2770 : vector<16xf32>
        %add3A_2776 = arith.addf %mul3A_2774, %mul3A_2775 : vector<16xf32>
        %add3A_2777 = arith.addf %add3A_2773, %add3A_2776 : vector<16xf32>
        %reduce_sum3A_2778 = arith.constant true
        %reduce_sum3A_2779 = vector.broadcast %reduce_sum3A_2778 : i1 to vector<16xi1>
        %reduce_sum3A_2780 = tpu.scan <sum>, %add3A_2777 masked %reduce_sum3A_2779 : vector<16xf32>, vector<16xi1> -> vector<16xf32>
        %reduce_sum3A_2781 = vector.extract %reduce_sum3A_2780[15] : f32 from vector<16xf32>
        %broadcast_in_dim3A_2782 = vector.broadcast %reduce_sum3A_2781 : f32 to vector<16xf32>
        %select_n3A_2783 = arith.select %eq3A_2754, %broadcast_in_dim3A_2782, %select_n3A_2751 : vector<16xi1>, vector<16xf32>
        %eq3A_2784 = arith.constant 12 : i32
        %eq3A_2785 = vector.broadcast %eq3A_2784 : i32 to vector<16xi32>
        %eq3A_2786 = arith.cmpi eq, %iota3A, %eq3A_2785 : vector<16xi32>
        %mul3A_2787 = arith.constant 20 : i32
        %mul3A_2788 = arith.muli %mul3A_241, %mul3A_2787 : i32
        %add3A_2789 = arith.constant 60 : i32
        %add3A_2790 = arith.addi %mul3A_2788, %add3A_2789 : i32
        %get3A_2791 = arith.index_cast %add3A_2790 : i32 to index
        %get3A_2792 = arith.constant 0 : index
        %get3A_2793 = tpu.vector_load %arg14[%get3A_2791, %get3A_2792] {strides = array<i32>} : memref<1280x64xf32, #tpu.memory_space<vmem>>, vector<16xf32>,
        %get3A_2794 = arith.index_cast %add3A_2790 : i32 to index
        %get3A_2795 = arith.constant 16 : index
        %get3A_2796 = tpu.vector_load %arg14[%get3A_2794, %get3A_2795] {strides = array<i32>} : memref<1280x64xf32, #tpu.memory_space<vmem>>, vector<16xf32>,
        %get3A_2797 = arith.index_cast %add3A_2790 : i32 to index
        %get3A_2798 = arith.constant 32 : index
        %get3A_2799 = tpu.vector_load %arg14[%get3A_2797, %get3A_2798] {strides = array<i32>} : memref<1280x64xf32, #tpu.memory_space<vmem>>, vector<16xf32>,
        %get3A_2800 = arith.index_cast %add3A_2790 : i32 to index
        %get3A_2801 = arith.constant 48 : index
        %get3A_2802 = tpu.vector_load %arg14[%get3A_2800, %get3A_2801] {strides = array<i32>} : memref<1280x64xf32, #tpu.memory_space<vmem>>, vector<16xf32>,
        %mul3A_2803 = arith.mulf %get3A_305, %get3A_2793 : vector<16xf32>
        %mul3A_2804 = arith.mulf %get3A_310, %get3A_2796 : vector<16xf32>
        %add3A_2805 = arith.addf %mul3A_2803, %mul3A_2804 : vector<16xf32>
        %mul3A_2806 = arith.mulf %get3A_315, %get3A_2799 : vector<16xf32>
        %mul3A_2807 = arith.mulf %get3A_320, %get3A_2802 : vector<16xf32>
        %add3A_2808 = arith.addf %mul3A_2806, %mul3A_2807 : vector<16xf32>
        %add3A_2809 = arith.addf %add3A_2805, %add3A_2808 : vector<16xf32>
        %reduce_sum3A_2810 = arith.constant true
        %reduce_sum3A_2811 = vector.broadcast %reduce_sum3A_2810 : i1 to vector<16xi1>
        %reduce_sum3A_2812 = tpu.scan <sum>, %add3A_2809 masked %reduce_sum3A_2811 : vector<16xf32>, vector<16xi1> -> vector<16xf32>
        %reduce_sum3A_2813 = vector.extract %reduce_sum3A_2812[15] : f32 from vector<16xf32>
        %broadcast_in_dim3A_2814 = vector.broadcast %reduce_sum3A_2813 : f32 to vector<16xf32>
        %select_n3A_2815 = arith.select %eq3A_2786, %broadcast_in_dim3A_2814, %select_n3A_2783 : vector<16xi1>, vector<16xf32>
        %eq3A_2816 = arith.constant 13 : i32
        %eq3A_2817 = vector.broadcast %eq3A_2816 : i32 to vector<16xi32>
        %eq3A_2818 = arith.cmpi eq, %iota3A, %eq3A_2817 : vector<16xi32>
        %mul3A_2819 = arith.constant 20 : i32
        %mul3A_2820 = arith.muli %mul3A_241, %mul3A_2819 : i32
        %add3A_2821 = arith.constant 61 : i32
        %add3A_2822 = arith.addi %mul3A_2820, %add3A_2821 : i32
        %get3A_2823 = arith.index_cast %add3A_2822 : i32 to index
        %get3A_2824 = arith.constant 0 : index
        %get3A_2825 = tpu.vector_load %arg14[%get3A_2823, %get3A_2824] {strides = array<i32>} : memref<1280x64xf32, #tpu.memory_space<vmem>>, vector<16xf32>,
        %get3A_2826 = arith.index_cast %add3A_2822 : i32 to index
        %get3A_2827 = arith.constant 16 : index
        %get3A_2828 = tpu.vector_load %arg14[%get3A_2826, %get3A_2827] {strides = array<i32>} : memref<1280x64xf32, #tpu.memory_space<vmem>>, vector<16xf32>,
        %get3A_2829 = arith.index_cast %add3A_2822 : i32 to index
        %get3A_2830 = arith.constant 32 : index
        %get3A_2831 = tpu.vector_load %arg14[%get3A_2829, %get3A_2830] {strides = array<i32>} : memref<1280x64xf32, #tpu.memory_space<vmem>>, vector<16xf32>,
        %get3A_2832 = arith.index_cast %add3A_2822 : i32 to index
        %get3A_2833 = arith.constant 48 : index
        %get3A_2834 = tpu.vector_load %arg14[%get3A_2832, %get3A_2833] {strides = array<i32>} : memref<1280x64xf32, #tpu.memory_space<vmem>>, vector<16xf32>,
        %mul3A_2835 = arith.mulf %get3A_305, %get3A_2825 : vector<16xf32>
        %mul3A_2836 = arith.mulf %get3A_310, %get3A_2828 : vector<16xf32>
        %add3A_2837 = arith.addf %mul3A_2835, %mul3A_2836 : vector<16xf32>
        %mul3A_2838 = arith.mulf %get3A_315, %get3A_2831 : vector<16xf32>
        %mul3A_2839 = arith.mulf %get3A_320, %get3A_2834 : vector<16xf32>
        %add3A_2840 = arith.addf %mul3A_2838, %mul3A_2839 : vector<16xf32>
        %add3A_2841 = arith.addf %add3A_2837, %add3A_2840 : vector<16xf32>
        %reduce_sum3A_2842 = arith.constant true
        %reduce_sum3A_2843 = vector.broadcast %reduce_sum3A_2842 : i1 to vector<16xi1>
        %reduce_sum3A_2844 = tpu.scan <sum>, %add3A_2841 masked %reduce_sum3A_2843 : vector<16xf32>, vector<16xi1> -> vector<16xf32>
        %reduce_sum3A_2845 = vector.extract %reduce_sum3A_2844[15] : f32 from vector<16xf32>
        %broadcast_in_dim3A_2846 = vector.broadcast %reduce_sum3A_2845 : f32 to vector<16xf32>
        %select_n3A_2847 = arith.select %eq3A_2818, %broadcast_in_dim3A_2846, %select_n3A_2815 : vector<16xi1>, vector<16xf32>
        %eq3A_2848 = arith.constant 14 : i32
        %eq3A_2849 = vector.broadcast %eq3A_2848 : i32 to vector<16xi32>
        %eq3A_2850 = arith.cmpi eq, %iota3A, %eq3A_2849 : vector<16xi32>
        %mul3A_2851 = arith.constant 20 : i32
        %mul3A_2852 = arith.muli %mul3A_241, %mul3A_2851 : i32
        %add3A_2853 = arith.constant 62 : i32
        %add3A_2854 = arith.addi %mul3A_2852, %add3A_2853 : i32
        %get3A_2855 = arith.index_cast %add3A_2854 : i32 to index
        %get3A_2856 = arith.constant 0 : index
        %get3A_2857 = tpu.vector_load %arg14[%get3A_2855, %get3A_2856] {strides = array<i32>} : memref<1280x64xf32, #tpu.memory_space<vmem>>, vector<16xf32>,
        %get3A_2858 = arith.index_cast %add3A_2854 : i32 to index
        %get3A_2859 = arith.constant 16 : index
        %get3A_2860 = tpu.vector_load %arg14[%get3A_2858, %get3A_2859] {strides = array<i32>} : memref<1280x64xf32, #tpu.memory_space<vmem>>, vector<16xf32>,
        %get3A_2861 = arith.index_cast %add3A_2854 : i32 to index
        %get3A_2862 = arith.constant 32 : index
        %get3A_2863 = tpu.vector_load %arg14[%get3A_2861, %get3A_2862] {strides = array<i32>} : memref<1280x64xf32, #tpu.memory_space<vmem>>, vector<16xf32>,
        %get3A_2864 = arith.index_cast %add3A_2854 : i32 to index
        %get3A_2865 = arith.constant 48 : index
        %get3A_2866 = tpu.vector_load %arg14[%get3A_2864, %get3A_2865] {strides = array<i32>} : memref<1280x64xf32, #tpu.memory_space<vmem>>, vector<16xf32>,
        %mul3A_2867 = arith.mulf %get3A_305, %get3A_2857 : vector<16xf32>
        %mul3A_2868 = arith.mulf %get3A_310, %get3A_2860 : vector<16xf32>
        %add3A_2869 = arith.addf %mul3A_2867, %mul3A_2868 : vector<16xf32>
        %mul3A_2870 = arith.mulf %get3A_315, %get3A_2863 : vector<16xf32>
        %mul3A_2871 = arith.mulf %get3A_320, %get3A_2866 : vector<16xf32>
        %add3A_2872 = arith.addf %mul3A_2870, %mul3A_2871 : vector<16xf32>
        %add3A_2873 = arith.addf %add3A_2869, %add3A_2872 : vector<16xf32>
        %reduce_sum3A_2874 = arith.constant true
        %reduce_sum3A_2875 = vector.broadcast %reduce_sum3A_2874 : i1 to vector<16xi1>
        %reduce_sum3A_2876 = tpu.scan <sum>, %add3A_2873 masked %reduce_sum3A_2875 : vector<16xf32>, vector<16xi1> -> vector<16xf32>
        %reduce_sum3A_2877 = vector.extract %reduce_sum3A_2876[15] : f32 from vector<16xf32>
        %broadcast_in_dim3A_2878 = vector.broadcast %reduce_sum3A_2877 : f32 to vector<16xf32>
        %select_n3A_2879 = arith.select %eq3A_2850, %broadcast_in_dim3A_2878, %select_n3A_2847 : vector<16xi1>, vector<16xf32>
        %eq3A_2880 = arith.constant 15 : i32
        %eq3A_2881 = vector.broadcast %eq3A_2880 : i32 to vector<16xi32>
        %eq3A_2882 = arith.cmpi eq, %iota3A, %eq3A_2881 : vector<16xi32>
        %mul3A_2883 = arith.constant 20 : i32
        %mul3A_2884 = arith.muli %mul3A_241, %mul3A_2883 : i32
        %add3A_2885 = arith.constant 63 : i32
        %add3A_2886 = arith.addi %mul3A_2884, %add3A_2885 : i32
        %get3A_2887 = arith.index_cast %add3A_2886 : i32 to index
        %get3A_2888 = arith.constant 0 : index
        %get3A_2889 = tpu.vector_load %arg14[%get3A_2887, %get3A_2888] {strides = array<i32>} : memref<1280x64xf32, #tpu.memory_space<vmem>>, vector<16xf32>,
        %get3A_2890 = arith.index_cast %add3A_2886 : i32 to index
        %get3A_2891 = arith.constant 16 : index
        %get3A_2892 = tpu.vector_load %arg14[%get3A_2890, %get3A_2891] {strides = array<i32>} : memref<1280x64xf32, #tpu.memory_space<vmem>>, vector<16xf32>,
        %get3A_2893 = arith.index_cast %add3A_2886 : i32 to index
        %get3A_2894 = arith.constant 32 : index
        %get3A_2895 = tpu.vector_load %arg14[%get3A_2893, %get3A_2894] {strides = array<i32>} : memref<1280x64xf32, #tpu.memory_space<vmem>>, vector<16xf32>,
        %get3A_2896 = arith.index_cast %add3A_2886 : i32 to index
        %get3A_2897 = arith.constant 48 : index
        %get3A_2898 = tpu.vector_load %arg14[%get3A_2896, %get3A_2897] {strides = array<i32>} : memref<1280x64xf32, #tpu.memory_space<vmem>>, vector<16xf32>,
        %mul3A_2899 = arith.mulf %get3A_305, %get3A_2889 : vector<16xf32>
        %mul3A_2900 = arith.mulf %get3A_310, %get3A_2892 : vector<16xf32>
        %add3A_2901 = arith.addf %mul3A_2899, %mul3A_2900 : vector<16xf32>
        %mul3A_2902 = arith.mulf %get3A_315, %get3A_2895 : vector<16xf32>
        %mul3A_2903 = arith.mulf %get3A_320, %get3A_2898 : vector<16xf32>
        %add3A_2904 = arith.addf %mul3A_2902, %mul3A_2903 : vector<16xf32>
        %add3A_2905 = arith.addf %add3A_2901, %add3A_2904 : vector<16xf32>
        %reduce_sum3A_2906 = arith.constant true
        %reduce_sum3A_2907 = vector.broadcast %reduce_sum3A_2906 : i1 to vector<16xi1>
        %reduce_sum3A_2908 = tpu.scan <sum>, %add3A_2905 masked %reduce_sum3A_2907 : vector<16xf32>, vector<16xi1> -> vector<16xf32>
        %reduce_sum3A_2909 = vector.extract %reduce_sum3A_2908[15] : f32 from vector<16xf32>
        %broadcast_in_dim3A_2910 = vector.broadcast %reduce_sum3A_2909 : f32 to vector<16xf32>
        %select_n3A_2911 = arith.select %eq3A_2882, %broadcast_in_dim3A_2910, %select_n3A_2879 : vector<16xi1>, vector<16xf32>
        %add3A_2912 = arith.addi %mul3A_19, %mul3A_241 : i32
        %mul3A_2913 = arith.constant 20 : i32
        %mul3A_2914 = arith.muli %add3A_2912, %mul3A_2913 : i32
        %add3A_2915 = arith.constant 48 : i32
        %add3A_2916 = arith.addi %mul3A_2914, %add3A_2915 : i32
        %swap3A_2917 = arith.index_cast %add3A_2916 : i32 to index
        %swap3A_2918 = tpu.vector_load %arg16[%swap3A_2917] {strides = array<i32>} : memref<10240xf32, #tpu.memory_space<vmem>>, vector<16xf32>,
        tpu.vector_store %arg16[%swap3A_2917], %select_n3A_2911 {strides = array<i32>} : memref<10240xf32, #tpu.memory_space<vmem>>, vector<16xf32>,
        %broadcast_in_dim3A_2919 = arith.constant 0.000000e+00 : f32
        %broadcast_in_dim3A_2920 = vector.broadcast %broadcast_in_dim3A_2919 : f32 to vector<16xf32>
        %eq3A_2921 = arith.constant 0 : i32
        %eq3A_2922 = vector.broadcast %eq3A_2921 : i32 to vector<16xi32>
        %eq3A_2923 = arith.cmpi eq, %iota3A, %eq3A_2922 : vector<16xi32>
        %mul3A_2924 = arith.constant 20 : i32
        %mul3A_2925 = arith.muli %mul3A_241, %mul3A_2924 : i32
        %add3A_2926 = arith.constant 64 : i32
        %add3A_2927 = arith.addi %mul3A_2925, %add3A_2926 : i32
        %get3A_2928 = arith.index_cast %add3A_2927 : i32 to index
        %get3A_2929 = arith.constant 0 : index
        %get3A_2930 = tpu.vector_load %arg14[%get3A_2928, %get3A_2929] {strides = array<i32>} : memref<1280x64xf32, #tpu.memory_space<vmem>>, vector<16xf32>,
        %get3A_2931 = arith.index_cast %add3A_2927 : i32 to index
        %get3A_2932 = arith.constant 16 : index
        %get3A_2933 = tpu.vector_load %arg14[%get3A_2931, %get3A_2932] {strides = array<i32>} : memref<1280x64xf32, #tpu.memory_space<vmem>>, vector<16xf32>,
        %get3A_2934 = arith.index_cast %add3A_2927 : i32 to index
        %get3A_2935 = arith.constant 32 : index
        %get3A_2936 = tpu.vector_load %arg14[%get3A_2934, %get3A_2935] {strides = array<i32>} : memref<1280x64xf32, #tpu.memory_space<vmem>>, vector<16xf32>,
        %get3A_2937 = arith.index_cast %add3A_2927 : i32 to index
        %get3A_2938 = arith.constant 48 : index
        %get3A_2939 = tpu.vector_load %arg14[%get3A_2937, %get3A_2938] {strides = array<i32>} : memref<1280x64xf32, #tpu.memory_space<vmem>>, vector<16xf32>,
        %mul3A_2940 = arith.mulf %get3A_305, %get3A_2930 : vector<16xf32>
        %mul3A_2941 = arith.mulf %get3A_310, %get3A_2933 : vector<16xf32>
        %add3A_2942 = arith.addf %mul3A_2940, %mul3A_2941 : vector<16xf32>
        %mul3A_2943 = arith.mulf %get3A_315, %get3A_2936 : vector<16xf32>
        %mul3A_2944 = arith.mulf %get3A_320, %get3A_2939 : vector<16xf32>
        %add3A_2945 = arith.addf %mul3A_2943, %mul3A_2944 : vector<16xf32>
        %add3A_2946 = arith.addf %add3A_2942, %add3A_2945 : vector<16xf32>
        %reduce_sum3A_2947 = arith.constant true
        %reduce_sum3A_2948 = vector.broadcast %reduce_sum3A_2947 : i1 to vector<16xi1>
        %reduce_sum3A_2949 = tpu.scan <sum>, %add3A_2946 masked %reduce_sum3A_2948 : vector<16xf32>, vector<16xi1> -> vector<16xf32>
        %reduce_sum3A_2950 = vector.extract %reduce_sum3A_2949[15] : f32 from vector<16xf32>
        %broadcast_in_dim3A_2951 = vector.broadcast %reduce_sum3A_2950 : f32 to vector<16xf32>
        %select_n3A_2952 = arith.select %eq3A_2923, %broadcast_in_dim3A_2951, %broadcast_in_dim3A_2920 : vector<16xi1>, vector<16xf32>
        %eq3A_2953 = arith.constant 1 : i32
        %eq3A_2954 = vector.broadcast %eq3A_2953 : i32 to vector<16xi32>
        %eq3A_2955 = arith.cmpi eq, %iota3A, %eq3A_2954 : vector<16xi32>
        %mul3A_2956 = arith.constant 20 : i32
        %mul3A_2957 = arith.muli %mul3A_241, %mul3A_2956 : i32
        %add3A_2958 = arith.constant 65 : i32
        %add3A_2959 = arith.addi %mul3A_2957, %add3A_2958 : i32
        %get3A_2960 = arith.index_cast %add3A_2959 : i32 to index
        %get3A_2961 = arith.constant 0 : index
        %get3A_2962 = tpu.vector_load %arg14[%get3A_2960, %get3A_2961] {strides = array<i32>} : memref<1280x64xf32, #tpu.memory_space<vmem>>, vector<16xf32>,
        %get3A_2963 = arith.index_cast %add3A_2959 : i32 to index
        %get3A_2964 = arith.constant 16 : index
        %get3A_2965 = tpu.vector_load %arg14[%get3A_2963, %get3A_2964] {strides = array<i32>} : memref<1280x64xf32, #tpu.memory_space<vmem>>, vector<16xf32>,
        %get3A_2966 = arith.index_cast %add3A_2959 : i32 to index
        %get3A_2967 = arith.constant 32 : index
        %get3A_2968 = tpu.vector_load %arg14[%get3A_2966, %get3A_2967] {strides = array<i32>} : memref<1280x64xf32, #tpu.memory_space<vmem>>, vector<16xf32>,
        %get3A_2969 = arith.index_cast %add3A_2959 : i32 to index
        %get3A_2970 = arith.constant 48 : index
        %get3A_2971 = tpu.vector_load %arg14[%get3A_2969, %get3A_2970] {strides = array<i32>} : memref<1280x64xf32, #tpu.memory_space<vmem>>, vector<16xf32>,
        %mul3A_2972 = arith.mulf %get3A_305, %get3A_2962 : vector<16xf32>
        %mul3A_2973 = arith.mulf %get3A_310, %get3A_2965 : vector<16xf32>
        %add3A_2974 = arith.addf %mul3A_2972, %mul3A_2973 : vector<16xf32>
        %mul3A_2975 = arith.mulf %get3A_315, %get3A_2968 : vector<16xf32>
        %mul3A_2976 = arith.mulf %get3A_320, %get3A_2971 : vector<16xf32>
        %add3A_2977 = arith.addf %mul3A_2975, %mul3A_2976 : vector<16xf32>
        %add3A_2978 = arith.addf %add3A_2974, %add3A_2977 : vector<16xf32>
        %reduce_sum3A_2979 = arith.constant true
        %reduce_sum3A_2980 = vector.broadcast %reduce_sum3A_2979 : i1 to vector<16xi1>
        %reduce_sum3A_2981 = tpu.scan <sum>, %add3A_2978 masked %reduce_sum3A_2980 : vector<16xf32>, vector<16xi1> -> vector<16xf32>
        %reduce_sum3A_2982 = vector.extract %reduce_sum3A_2981[15] : f32 from vector<16xf32>
        %broadcast_in_dim3A_2983 = vector.broadcast %reduce_sum3A_2982 : f32 to vector<16xf32>
        %select_n3A_2984 = arith.select %eq3A_2955, %broadcast_in_dim3A_2983, %select_n3A_2952 : vector<16xi1>, vector<16xf32>
        %eq3A_2985 = arith.constant 2 : i32
        %eq3A_2986 = vector.broadcast %eq3A_2985 : i32 to vector<16xi32>
        %eq3A_2987 = arith.cmpi eq, %iota3A, %eq3A_2986 : vector<16xi32>
        %mul3A_2988 = arith.constant 20 : i32
        %mul3A_2989 = arith.muli %mul3A_241, %mul3A_2988 : i32
        %add3A_2990 = arith.constant 66 : i32
        %add3A_2991 = arith.addi %mul3A_2989, %add3A_2990 : i32
        %get3A_2992 = arith.index_cast %add3A_2991 : i32 to index
        %get3A_2993 = arith.constant 0 : index
        %get3A_2994 = tpu.vector_load %arg14[%get3A_2992, %get3A_2993] {strides = array<i32>} : memref<1280x64xf32, #tpu.memory_space<vmem>>, vector<16xf32>,
        %get3A_2995 = arith.index_cast %add3A_2991 : i32 to index
        %get3A_2996 = arith.constant 16 : index
        %get3A_2997 = tpu.vector_load %arg14[%get3A_2995, %get3A_2996] {strides = array<i32>} : memref<1280x64xf32, #tpu.memory_space<vmem>>, vector<16xf32>,
        %get3A_2998 = arith.index_cast %add3A_2991 : i32 to index
        %get3A_2999 = arith.constant 32 : index
        %get3A_3000 = tpu.vector_load %arg14[%get3A_2998, %get3A_2999] {strides = array<i32>} : memref<1280x64xf32, #tpu.memory_space<vmem>>, vector<16xf32>,
        %get3A_3001 = arith.index_cast %add3A_2991 : i32 to index
        %get3A_3002 = arith.constant 48 : index
        %get3A_3003 = tpu.vector_load %arg14[%get3A_3001, %get3A_3002] {strides = array<i32>} : memref<1280x64xf32, #tpu.memory_space<vmem>>, vector<16xf32>,
        %mul3A_3004 = arith.mulf %get3A_305, %get3A_2994 : vector<16xf32>
        %mul3A_3005 = arith.mulf %get3A_310, %get3A_2997 : vector<16xf32>
        %add3A_3006 = arith.addf %mul3A_3004, %mul3A_3005 : vector<16xf32>
        %mul3A_3007 = arith.mulf %get3A_315, %get3A_3000 : vector<16xf32>
        %mul3A_3008 = arith.mulf %get3A_320, %get3A_3003 : vector<16xf32>
        %add3A_3009 = arith.addf %mul3A_3007, %mul3A_3008 : vector<16xf32>
        %add3A_3010 = arith.addf %add3A_3006, %add3A_3009 : vector<16xf32>
        %reduce_sum3A_3011 = arith.constant true
        %reduce_sum3A_3012 = vector.broadcast %reduce_sum3A_3011 : i1 to vector<16xi1>
        %reduce_sum3A_3013 = tpu.scan <sum>, %add3A_3010 masked %reduce_sum3A_3012 : vector<16xf32>, vector<16xi1> -> vector<16xf32>
        %reduce_sum3A_3014 = vector.extract %reduce_sum3A_3013[15] : f32 from vector<16xf32>
        %broadcast_in_dim3A_3015 = vector.broadcast %reduce_sum3A_3014 : f32 to vector<16xf32>
        %select_n3A_3016 = arith.select %eq3A_2987, %broadcast_in_dim3A_3015, %select_n3A_2984 : vector<16xi1>, vector<16xf32>
        %eq3A_3017 = arith.constant 3 : i32
        %eq3A_3018 = vector.broadcast %eq3A_3017 : i32 to vector<16xi32>
        %eq3A_3019 = arith.cmpi eq, %iota3A, %eq3A_3018 : vector<16xi32>
        %mul3A_3020 = arith.constant 20 : i32
        %mul3A_3021 = arith.muli %mul3A_241, %mul3A_3020 : i32
        %add3A_3022 = arith.constant 67 : i32
        %add3A_3023 = arith.addi %mul3A_3021, %add3A_3022 : i32
        %get3A_3024 = arith.index_cast %add3A_3023 : i32 to index
        %get3A_3025 = arith.constant 0 : index
        %get3A_3026 = tpu.vector_load %arg14[%get3A_3024, %get3A_3025] {strides = array<i32>} : memref<1280x64xf32, #tpu.memory_space<vmem>>, vector<16xf32>,
        %get3A_3027 = arith.index_cast %add3A_3023 : i32 to index
        %get3A_3028 = arith.constant 16 : index
        %get3A_3029 = tpu.vector_load %arg14[%get3A_3027, %get3A_3028] {strides = array<i32>} : memref<1280x64xf32, #tpu.memory_space<vmem>>, vector<16xf32>,
        %get3A_3030 = arith.index_cast %add3A_3023 : i32 to index
        %get3A_3031 = arith.constant 32 : index
        %get3A_3032 = tpu.vector_load %arg14[%get3A_3030, %get3A_3031] {strides = array<i32>} : memref<1280x64xf32, #tpu.memory_space<vmem>>, vector<16xf32>,
        %get3A_3033 = arith.index_cast %add3A_3023 : i32 to index
        %get3A_3034 = arith.constant 48 : index
        %get3A_3035 = tpu.vector_load %arg14[%get3A_3033, %get3A_3034] {strides = array<i32>} : memref<1280x64xf32, #tpu.memory_space<vmem>>, vector<16xf32>,
        %mul3A_3036 = arith.mulf %get3A_305, %get3A_3026 : vector<16xf32>
        %mul3A_3037 = arith.mulf %get3A_310, %get3A_3029 : vector<16xf32>
        %add3A_3038 = arith.addf %mul3A_3036, %mul3A_3037 : vector<16xf32>
        %mul3A_3039 = arith.mulf %get3A_315, %get3A_3032 : vector<16xf32>
        %mul3A_3040 = arith.mulf %get3A_320, %get3A_3035 : vector<16xf32>
        %add3A_3041 = arith.addf %mul3A_3039, %mul3A_3040 : vector<16xf32>
        %add3A_3042 = arith.addf %add3A_3038, %add3A_3041 : vector<16xf32>
        %reduce_sum3A_3043 = arith.constant true
        %reduce_sum3A_3044 = vector.broadcast %reduce_sum3A_3043 : i1 to vector<16xi1>
        %reduce_sum3A_3045 = tpu.scan <sum>, %add3A_3042 masked %reduce_sum3A_3044 : vector<16xf32>, vector<16xi1> -> vector<16xf32>
        %reduce_sum3A_3046 = vector.extract %reduce_sum3A_3045[15] : f32 from vector<16xf32>
        %broadcast_in_dim3A_3047 = vector.broadcast %reduce_sum3A_3046 : f32 to vector<16xf32>
        %select_n3A_3048 = arith.select %eq3A_3019, %broadcast_in_dim3A_3047, %select_n3A_3016 : vector<16xi1>, vector<16xf32>
        %eq3A_3049 = arith.constant 4 : i32
        %eq3A_3050 = vector.broadcast %eq3A_3049 : i32 to vector<16xi32>
        %eq3A_3051 = arith.cmpi eq, %iota3A, %eq3A_3050 : vector<16xi32>
        %mul3A_3052 = arith.constant 20 : i32
        %mul3A_3053 = arith.muli %mul3A_241, %mul3A_3052 : i32
        %add3A_3054 = arith.constant 68 : i32
        %add3A_3055 = arith.addi %mul3A_3053, %add3A_3054 : i32
        %get3A_3056 = arith.index_cast %add3A_3055 : i32 to index
        %get3A_3057 = arith.constant 0 : index
        %get3A_3058 = tpu.vector_load %arg14[%get3A_3056, %get3A_3057] {strides = array<i32>} : memref<1280x64xf32, #tpu.memory_space<vmem>>, vector<16xf32>,
        %get3A_3059 = arith.index_cast %add3A_3055 : i32 to index
        %get3A_3060 = arith.constant 16 : index
        %get3A_3061 = tpu.vector_load %arg14[%get3A_3059, %get3A_3060] {strides = array<i32>} : memref<1280x64xf32, #tpu.memory_space<vmem>>, vector<16xf32>,
        %get3A_3062 = arith.index_cast %add3A_3055 : i32 to index
        %get3A_3063 = arith.constant 32 : index
        %get3A_3064 = tpu.vector_load %arg14[%get3A_3062, %get3A_3063] {strides = array<i32>} : memref<1280x64xf32, #tpu.memory_space<vmem>>, vector<16xf32>,
        %get3A_3065 = arith.index_cast %add3A_3055 : i32 to index
        %get3A_3066 = arith.constant 48 : index
        %get3A_3067 = tpu.vector_load %arg14[%get3A_3065, %get3A_3066] {strides = array<i32>} : memref<1280x64xf32, #tpu.memory_space<vmem>>, vector<16xf32>,
        %mul3A_3068 = arith.mulf %get3A_305, %get3A_3058 : vector<16xf32>
        %mul3A_3069 = arith.mulf %get3A_310, %get3A_3061 : vector<16xf32>
        %add3A_3070 = arith.addf %mul3A_3068, %mul3A_3069 : vector<16xf32>
        %mul3A_3071 = arith.mulf %get3A_315, %get3A_3064 : vector<16xf32>
        %mul3A_3072 = arith.mulf %get3A_320, %get3A_3067 : vector<16xf32>
        %add3A_3073 = arith.addf %mul3A_3071, %mul3A_3072 : vector<16xf32>
        %add3A_3074 = arith.addf %add3A_3070, %add3A_3073 : vector<16xf32>
        %reduce_sum3A_3075 = arith.constant true
        %reduce_sum3A_3076 = vector.broadcast %reduce_sum3A_3075 : i1 to vector<16xi1>
        %reduce_sum3A_3077 = tpu.scan <sum>, %add3A_3074 masked %reduce_sum3A_3076 : vector<16xf32>, vector<16xi1> -> vector<16xf32>
        %reduce_sum3A_3078 = vector.extract %reduce_sum3A_3077[15] : f32 from vector<16xf32>
        %broadcast_in_dim3A_3079 = vector.broadcast %reduce_sum3A_3078 : f32 to vector<16xf32>
        %select_n3A_3080 = arith.select %eq3A_3051, %broadcast_in_dim3A_3079, %select_n3A_3048 : vector<16xi1>, vector<16xf32>
        %eq3A_3081 = arith.constant 5 : i32
        %eq3A_3082 = vector.broadcast %eq3A_3081 : i32 to vector<16xi32>
        %eq3A_3083 = arith.cmpi eq, %iota3A, %eq3A_3082 : vector<16xi32>
        %mul3A_3084 = arith.constant 20 : i32
        %mul3A_3085 = arith.muli %mul3A_241, %mul3A_3084 : i32
        %add3A_3086 = arith.constant 69 : i32
        %add3A_3087 = arith.addi %mul3A_3085, %add3A_3086 : i32
        %get3A_3088 = arith.index_cast %add3A_3087 : i32 to index
        %get3A_3089 = arith.constant 0 : index
        %get3A_3090 = tpu.vector_load %arg14[%get3A_3088, %get3A_3089] {strides = array<i32>} : memref<1280x64xf32, #tpu.memory_space<vmem>>, vector<16xf32>,
        %get3A_3091 = arith.index_cast %add3A_3087 : i32 to index
        %get3A_3092 = arith.constant 16 : index
        %get3A_3093 = tpu.vector_load %arg14[%get3A_3091, %get3A_3092] {strides = array<i32>} : memref<1280x64xf32, #tpu.memory_space<vmem>>, vector<16xf32>,
        %get3A_3094 = arith.index_cast %add3A_3087 : i32 to index
        %get3A_3095 = arith.constant 32 : index
        %get3A_3096 = tpu.vector_load %arg14[%get3A_3094, %get3A_3095] {strides = array<i32>} : memref<1280x64xf32, #tpu.memory_space<vmem>>, vector<16xf32>,
        %get3A_3097 = arith.index_cast %add3A_3087 : i32 to index
        %get3A_3098 = arith.constant 48 : index
        %get3A_3099 = tpu.vector_load %arg14[%get3A_3097, %get3A_3098] {strides = array<i32>} : memref<1280x64xf32, #tpu.memory_space<vmem>>, vector<16xf32>,
        %mul3A_3100 = arith.mulf %get3A_305, %get3A_3090 : vector<16xf32>
        %mul3A_3101 = arith.mulf %get3A_310, %get3A_3093 : vector<16xf32>
        %add3A_3102 = arith.addf %mul3A_3100, %mul3A_3101 : vector<16xf32>
        %mul3A_3103 = arith.mulf %get3A_315, %get3A_3096 : vector<16xf32>
        %mul3A_3104 = arith.mulf %get3A_320, %get3A_3099 : vector<16xf32>
        %add3A_3105 = arith.addf %mul3A_3103, %mul3A_3104 : vector<16xf32>
        %add3A_3106 = arith.addf %add3A_3102, %add3A_3105 : vector<16xf32>
        %reduce_sum3A_3107 = arith.constant true
        %reduce_sum3A_3108 = vector.broadcast %reduce_sum3A_3107 : i1 to vector<16xi1>
        %reduce_sum3A_3109 = tpu.scan <sum>, %add3A_3106 masked %reduce_sum3A_3108 : vector<16xf32>, vector<16xi1> -> vector<16xf32>
        %reduce_sum3A_3110 = vector.extract %reduce_sum3A_3109[15] : f32 from vector<16xf32>
        %broadcast_in_dim3A_3111 = vector.broadcast %reduce_sum3A_3110 : f32 to vector<16xf32>
        %select_n3A_3112 = arith.select %eq3A_3083, %broadcast_in_dim3A_3111, %select_n3A_3080 : vector<16xi1>, vector<16xf32>
        %eq3A_3113 = arith.constant 6 : i32
        %eq3A_3114 = vector.broadcast %eq3A_3113 : i32 to vector<16xi32>
        %eq3A_3115 = arith.cmpi eq, %iota3A, %eq3A_3114 : vector<16xi32>
        %mul3A_3116 = arith.constant 20 : i32
        %mul3A_3117 = arith.muli %mul3A_241, %mul3A_3116 : i32
        %add3A_3118 = arith.constant 70 : i32
        %add3A_3119 = arith.addi %mul3A_3117, %add3A_3118 : i32
        %get3A_3120 = arith.index_cast %add3A_3119 : i32 to index
        %get3A_3121 = arith.constant 0 : index
        %get3A_3122 = tpu.vector_load %arg14[%get3A_3120, %get3A_3121] {strides = array<i32>} : memref<1280x64xf32, #tpu.memory_space<vmem>>, vector<16xf32>,
        %get3A_3123 = arith.index_cast %add3A_3119 : i32 to index
        %get3A_3124 = arith.constant 16 : index
        %get3A_3125 = tpu.vector_load %arg14[%get3A_3123, %get3A_3124] {strides = array<i32>} : memref<1280x64xf32, #tpu.memory_space<vmem>>, vector<16xf32>,
        %get3A_3126 = arith.index_cast %add3A_3119 : i32 to index
        %get3A_3127 = arith.constant 32 : index
        %get3A_3128 = tpu.vector_load %arg14[%get3A_3126, %get3A_3127] {strides = array<i32>} : memref<1280x64xf32, #tpu.memory_space<vmem>>, vector<16xf32>,
        %get3A_3129 = arith.index_cast %add3A_3119 : i32 to index
        %get3A_3130 = arith.constant 48 : index
        %get3A_3131 = tpu.vector_load %arg14[%get3A_3129, %get3A_3130] {strides = array<i32>} : memref<1280x64xf32, #tpu.memory_space<vmem>>, vector<16xf32>,
        %mul3A_3132 = arith.mulf %get3A_305, %get3A_3122 : vector<16xf32>
        %mul3A_3133 = arith.mulf %get3A_310, %get3A_3125 : vector<16xf32>
        %add3A_3134 = arith.addf %mul3A_3132, %mul3A_3133 : vector<16xf32>
        %mul3A_3135 = arith.mulf %get3A_315, %get3A_3128 : vector<16xf32>
        %mul3A_3136 = arith.mulf %get3A_320, %get3A_3131 : vector<16xf32>
        %add3A_3137 = arith.addf %mul3A_3135, %mul3A_3136 : vector<16xf32>
        %add3A_3138 = arith.addf %add3A_3134, %add3A_3137 : vector<16xf32>
        %reduce_sum3A_3139 = arith.constant true
        %reduce_sum3A_3140 = vector.broadcast %reduce_sum3A_3139 : i1 to vector<16xi1>
        %reduce_sum3A_3141 = tpu.scan <sum>, %add3A_3138 masked %reduce_sum3A_3140 : vector<16xf32>, vector<16xi1> -> vector<16xf32>
        %reduce_sum3A_3142 = vector.extract %reduce_sum3A_3141[15] : f32 from vector<16xf32>
        %broadcast_in_dim3A_3143 = vector.broadcast %reduce_sum3A_3142 : f32 to vector<16xf32>
        %select_n3A_3144 = arith.select %eq3A_3115, %broadcast_in_dim3A_3143, %select_n3A_3112 : vector<16xi1>, vector<16xf32>
        %eq3A_3145 = arith.constant 7 : i32
        %eq3A_3146 = vector.broadcast %eq3A_3145 : i32 to vector<16xi32>
        %eq3A_3147 = arith.cmpi eq, %iota3A, %eq3A_3146 : vector<16xi32>
        %mul3A_3148 = arith.constant 20 : i32
        %mul3A_3149 = arith.muli %mul3A_241, %mul3A_3148 : i32
        %add3A_3150 = arith.constant 71 : i32
        %add3A_3151 = arith.addi %mul3A_3149, %add3A_3150 : i32
        %get3A_3152 = arith.index_cast %add3A_3151 : i32 to index
        %get3A_3153 = arith.constant 0 : index
        %get3A_3154 = tpu.vector_load %arg14[%get3A_3152, %get3A_3153] {strides = array<i32>} : memref<1280x64xf32, #tpu.memory_space<vmem>>, vector<16xf32>,
        %get3A_3155 = arith.index_cast %add3A_3151 : i32 to index
        %get3A_3156 = arith.constant 16 : index
        %get3A_3157 = tpu.vector_load %arg14[%get3A_3155, %get3A_3156] {strides = array<i32>} : memref<1280x64xf32, #tpu.memory_space<vmem>>, vector<16xf32>,
        %get3A_3158 = arith.index_cast %add3A_3151 : i32 to index
        %get3A_3159 = arith.constant 32 : index
        %get3A_3160 = tpu.vector_load %arg14[%get3A_3158, %get3A_3159] {strides = array<i32>} : memref<1280x64xf32, #tpu.memory_space<vmem>>, vector<16xf32>,
        %get3A_3161 = arith.index_cast %add3A_3151 : i32 to index
        %get3A_3162 = arith.constant 48 : index
        %get3A_3163 = tpu.vector_load %arg14[%get3A_3161, %get3A_3162] {strides = array<i32>} : memref<1280x64xf32, #tpu.memory_space<vmem>>, vector<16xf32>,
        %mul3A_3164 = arith.mulf %get3A_305, %get3A_3154 : vector<16xf32>
        %mul3A_3165 = arith.mulf %get3A_310, %get3A_3157 : vector<16xf32>
        %add3A_3166 = arith.addf %mul3A_3164, %mul3A_3165 : vector<16xf32>
        %mul3A_3167 = arith.mulf %get3A_315, %get3A_3160 : vector<16xf32>
        %mul3A_3168 = arith.mulf %get3A_320, %get3A_3163 : vector<16xf32>
        %add3A_3169 = arith.addf %mul3A_3167, %mul3A_3168 : vector<16xf32>
        %add3A_3170 = arith.addf %add3A_3166, %add3A_3169 : vector<16xf32>
        %reduce_sum3A_3171 = arith.constant true
        %reduce_sum3A_3172 = vector.broadcast %reduce_sum3A_3171 : i1 to vector<16xi1>
        %reduce_sum3A_3173 = tpu.scan <sum>, %add3A_3170 masked %reduce_sum3A_3172 : vector<16xf32>, vector<16xi1> -> vector<16xf32>
        %reduce_sum3A_3174 = vector.extract %reduce_sum3A_3173[15] : f32 from vector<16xf32>
        %broadcast_in_dim3A_3175 = vector.broadcast %reduce_sum3A_3174 : f32 to vector<16xf32>
        %select_n3A_3176 = arith.select %eq3A_3147, %broadcast_in_dim3A_3175, %select_n3A_3144 : vector<16xi1>, vector<16xf32>
        %eq3A_3177 = arith.constant 8 : i32
        %eq3A_3178 = vector.broadcast %eq3A_3177 : i32 to vector<16xi32>
        %eq3A_3179 = arith.cmpi eq, %iota3A, %eq3A_3178 : vector<16xi32>
        %mul3A_3180 = arith.constant 20 : i32
        %mul3A_3181 = arith.muli %mul3A_241, %mul3A_3180 : i32
        %add3A_3182 = arith.constant 72 : i32
        %add3A_3183 = arith.addi %mul3A_3181, %add3A_3182 : i32
        %get3A_3184 = arith.index_cast %add3A_3183 : i32 to index
        %get3A_3185 = arith.constant 0 : index
        %get3A_3186 = tpu.vector_load %arg14[%get3A_3184, %get3A_3185] {strides = array<i32>} : memref<1280x64xf32, #tpu.memory_space<vmem>>, vector<16xf32>,
        %get3A_3187 = arith.index_cast %add3A_3183 : i32 to index
        %get3A_3188 = arith.constant 16 : index
        %get3A_3189 = tpu.vector_load %arg14[%get3A_3187, %get3A_3188] {strides = array<i32>} : memref<1280x64xf32, #tpu.memory_space<vmem>>, vector<16xf32>,
        %get3A_3190 = arith.index_cast %add3A_3183 : i32 to index
        %get3A_3191 = arith.constant 32 : index
        %get3A_3192 = tpu.vector_load %arg14[%get3A_3190, %get3A_3191] {strides = array<i32>} : memref<1280x64xf32, #tpu.memory_space<vmem>>, vector<16xf32>,
        %get3A_3193 = arith.index_cast %add3A_3183 : i32 to index
        %get3A_3194 = arith.constant 48 : index
        %get3A_3195 = tpu.vector_load %arg14[%get3A_3193, %get3A_3194] {strides = array<i32>} : memref<1280x64xf32, #tpu.memory_space<vmem>>, vector<16xf32>,
        %mul3A_3196 = arith.mulf %get3A_305, %get3A_3186 : vector<16xf32>
        %mul3A_3197 = arith.mulf %get3A_310, %get3A_3189 : vector<16xf32>
        %add3A_3198 = arith.addf %mul3A_3196, %mul3A_3197 : vector<16xf32>
        %mul3A_3199 = arith.mulf %get3A_315, %get3A_3192 : vector<16xf32>
        %mul3A_3200 = arith.mulf %get3A_320, %get3A_3195 : vector<16xf32>
        %add3A_3201 = arith.addf %mul3A_3199, %mul3A_3200 : vector<16xf32>
        %add3A_3202 = arith.addf %add3A_3198, %add3A_3201 : vector<16xf32>
        %reduce_sum3A_3203 = arith.constant true
        %reduce_sum3A_3204 = vector.broadcast %reduce_sum3A_3203 : i1 to vector<16xi1>
        %reduce_sum3A_3205 = tpu.scan <sum>, %add3A_3202 masked %reduce_sum3A_3204 : vector<16xf32>, vector<16xi1> -> vector<16xf32>
        %reduce_sum3A_3206 = vector.extract %reduce_sum3A_3205[15] : f32 from vector<16xf32>
        %broadcast_in_dim3A_3207 = vector.broadcast %reduce_sum3A_3206 : f32 to vector<16xf32>
        %select_n3A_3208 = arith.select %eq3A_3179, %broadcast_in_dim3A_3207, %select_n3A_3176 : vector<16xi1>, vector<16xf32>
        %eq3A_3209 = arith.constant 9 : i32
        %eq3A_3210 = vector.broadcast %eq3A_3209 : i32 to vector<16xi32>
        %eq3A_3211 = arith.cmpi eq, %iota3A, %eq3A_3210 : vector<16xi32>
        %mul3A_3212 = arith.constant 20 : i32
        %mul3A_3213 = arith.muli %mul3A_241, %mul3A_3212 : i32
        %add3A_3214 = arith.constant 73 : i32
        %add3A_3215 = arith.addi %mul3A_3213, %add3A_3214 : i32
        %get3A_3216 = arith.index_cast %add3A_3215 : i32 to index
        %get3A_3217 = arith.constant 0 : index
        %get3A_3218 = tpu.vector_load %arg14[%get3A_3216, %get3A_3217] {strides = array<i32>} : memref<1280x64xf32, #tpu.memory_space<vmem>>, vector<16xf32>,
        %get3A_3219 = arith.index_cast %add3A_3215 : i32 to index
        %get3A_3220 = arith.constant 16 : index
        %get3A_3221 = tpu.vector_load %arg14[%get3A_3219, %get3A_3220] {strides = array<i32>} : memref<1280x64xf32, #tpu.memory_space<vmem>>, vector<16xf32>,
        %get3A_3222 = arith.index_cast %add3A_3215 : i32 to index
        %get3A_3223 = arith.constant 32 : index
        %get3A_3224 = tpu.vector_load %arg14[%get3A_3222, %get3A_3223] {strides = array<i32>} : memref<1280x64xf32, #tpu.memory_space<vmem>>, vector<16xf32>,
        %get3A_3225 = arith.index_cast %add3A_3215 : i32 to index
        %get3A_3226 = arith.constant 48 : index
        %get3A_3227 = tpu.vector_load %arg14[%get3A_3225, %get3A_3226] {strides = array<i32>} : memref<1280x64xf32, #tpu.memory_space<vmem>>, vector<16xf32>,
        %mul3A_3228 = arith.mulf %get3A_305, %get3A_3218 : vector<16xf32>
        %mul3A_3229 = arith.mulf %get3A_310, %get3A_3221 : vector<16xf32>
        %add3A_3230 = arith.addf %mul3A_3228, %mul3A_3229 : vector<16xf32>
        %mul3A_3231 = arith.mulf %get3A_315, %get3A_3224 : vector<16xf32>
        %mul3A_3232 = arith.mulf %get3A_320, %get3A_3227 : vector<16xf32>
        %add3A_3233 = arith.addf %mul3A_3231, %mul3A_3232 : vector<16xf32>
        %add3A_3234 = arith.addf %add3A_3230, %add3A_3233 : vector<16xf32>
        %reduce_sum3A_3235 = arith.constant true
        %reduce_sum3A_3236 = vector.broadcast %reduce_sum3A_3235 : i1 to vector<16xi1>
        %reduce_sum3A_3237 = tpu.scan <sum>, %add3A_3234 masked %reduce_sum3A_3236 : vector<16xf32>, vector<16xi1> -> vector<16xf32>
        %reduce_sum3A_3238 = vector.extract %reduce_sum3A_3237[15] : f32 from vector<16xf32>
        %broadcast_in_dim3A_3239 = vector.broadcast %reduce_sum3A_3238 : f32 to vector<16xf32>
        %select_n3A_3240 = arith.select %eq3A_3211, %broadcast_in_dim3A_3239, %select_n3A_3208 : vector<16xi1>, vector<16xf32>
        %eq3A_3241 = arith.constant 10 : i32
        %eq3A_3242 = vector.broadcast %eq3A_3241 : i32 to vector<16xi32>
        %eq3A_3243 = arith.cmpi eq, %iota3A, %eq3A_3242 : vector<16xi32>
        %mul3A_3244 = arith.constant 20 : i32
        %mul3A_3245 = arith.muli %mul3A_241, %mul3A_3244 : i32
        %add3A_3246 = arith.constant 74 : i32
        %add3A_3247 = arith.addi %mul3A_3245, %add3A_3246 : i32
        %get3A_3248 = arith.index_cast %add3A_3247 : i32 to index
        %get3A_3249 = arith.constant 0 : index
        %get3A_3250 = tpu.vector_load %arg14[%get3A_3248, %get3A_3249] {strides = array<i32>} : memref<1280x64xf32, #tpu.memory_space<vmem>>, vector<16xf32>,
        %get3A_3251 = arith.index_cast %add3A_3247 : i32 to index
        %get3A_3252 = arith.constant 16 : index
        %get3A_3253 = tpu.vector_load %arg14[%get3A_3251, %get3A_3252] {strides = array<i32>} : memref<1280x64xf32, #tpu.memory_space<vmem>>, vector<16xf32>,
        %get3A_3254 = arith.index_cast %add3A_3247 : i32 to index
        %get3A_3255 = arith.constant 32 : index
        %get3A_3256 = tpu.vector_load %arg14[%get3A_3254, %get3A_3255] {strides = array<i32>} : memref<1280x64xf32, #tpu.memory_space<vmem>>, vector<16xf32>,
        %get3A_3257 = arith.index_cast %add3A_3247 : i32 to index
        %get3A_3258 = arith.constant 48 : index
        %get3A_3259 = tpu.vector_load %arg14[%get3A_3257, %get3A_3258] {strides = array<i32>} : memref<1280x64xf32, #tpu.memory_space<vmem>>, vector<16xf32>,
        %mul3A_3260 = arith.mulf %get3A_305, %get3A_3250 : vector<16xf32>
        %mul3A_3261 = arith.mulf %get3A_310, %get3A_3253 : vector<16xf32>
        %add3A_3262 = arith.addf %mul3A_3260, %mul3A_3261 : vector<16xf32>
        %mul3A_3263 = arith.mulf %get3A_315, %get3A_3256 : vector<16xf32>
        %mul3A_3264 = arith.mulf %get3A_320, %get3A_3259 : vector<16xf32>
        %add3A_3265 = arith.addf %mul3A_3263, %mul3A_3264 : vector<16xf32>
        %add3A_3266 = arith.addf %add3A_3262, %add3A_3265 : vector<16xf32>
        %reduce_sum3A_3267 = arith.constant true
        %reduce_sum3A_3268 = vector.broadcast %reduce_sum3A_3267 : i1 to vector<16xi1>
        %reduce_sum3A_3269 = tpu.scan <sum>, %add3A_3266 masked %reduce_sum3A_3268 : vector<16xf32>, vector<16xi1> -> vector<16xf32>
        %reduce_sum3A_3270 = vector.extract %reduce_sum3A_3269[15] : f32 from vector<16xf32>
        %broadcast_in_dim3A_3271 = vector.broadcast %reduce_sum3A_3270 : f32 to vector<16xf32>
        %select_n3A_3272 = arith.select %eq3A_3243, %broadcast_in_dim3A_3271, %select_n3A_3240 : vector<16xi1>, vector<16xf32>
        %eq3A_3273 = arith.constant 11 : i32
        %eq3A_3274 = vector.broadcast %eq3A_3273 : i32 to vector<16xi32>
        %eq3A_3275 = arith.cmpi eq, %iota3A, %eq3A_3274 : vector<16xi32>
        %mul3A_3276 = arith.constant 20 : i32
        %mul3A_3277 = arith.muli %mul3A_241, %mul3A_3276 : i32
        %add3A_3278 = arith.constant 75 : i32
        %add3A_3279 = arith.addi %mul3A_3277, %add3A_3278 : i32
        %get3A_3280 = arith.index_cast %add3A_3279 : i32 to index
        %get3A_3281 = arith.constant 0 : index
        %get3A_3282 = tpu.vector_load %arg14[%get3A_3280, %get3A_3281] {strides = array<i32>} : memref<1280x64xf32, #tpu.memory_space<vmem>>, vector<16xf32>,
        %get3A_3283 = arith.index_cast %add3A_3279 : i32 to index
        %get3A_3284 = arith.constant 16 : index
        %get3A_3285 = tpu.vector_load %arg14[%get3A_3283, %get3A_3284] {strides = array<i32>} : memref<1280x64xf32, #tpu.memory_space<vmem>>, vector<16xf32>,
        %get3A_3286 = arith.index_cast %add3A_3279 : i32 to index
        %get3A_3287 = arith.constant 32 : index
        %get3A_3288 = tpu.vector_load %arg14[%get3A_3286, %get3A_3287] {strides = array<i32>} : memref<1280x64xf32, #tpu.memory_space<vmem>>, vector<16xf32>,
        %get3A_3289 = arith.index_cast %add3A_3279 : i32 to index
        %get3A_3290 = arith.constant 48 : index
        %get3A_3291 = tpu.vector_load %arg14[%get3A_3289, %get3A_3290] {strides = array<i32>} : memref<1280x64xf32, #tpu.memory_space<vmem>>, vector<16xf32>,
        %mul3A_3292 = arith.mulf %get3A_305, %get3A_3282 : vector<16xf32>
        %mul3A_3293 = arith.mulf %get3A_310, %get3A_3285 : vector<16xf32>
        %add3A_3294 = arith.addf %mul3A_3292, %mul3A_3293 : vector<16xf32>
        %mul3A_3295 = arith.mulf %get3A_315, %get3A_3288 : vector<16xf32>
        %mul3A_3296 = arith.mulf %get3A_320, %get3A_3291 : vector<16xf32>
        %add3A_3297 = arith.addf %mul3A_3295, %mul3A_3296 : vector<16xf32>
        %add3A_3298 = arith.addf %add3A_3294, %add3A_3297 : vector<16xf32>
        %reduce_sum3A_3299 = arith.constant true
        %reduce_sum3A_3300 = vector.broadcast %reduce_sum3A_3299 : i1 to vector<16xi1>
        %reduce_sum3A_3301 = tpu.scan <sum>, %add3A_3298 masked %reduce_sum3A_3300 : vector<16xf32>, vector<16xi1> -> vector<16xf32>
        %reduce_sum3A_3302 = vector.extract %reduce_sum3A_3301[15] : f32 from vector<16xf32>
        %broadcast_in_dim3A_3303 = vector.broadcast %reduce_sum3A_3302 : f32 to vector<16xf32>
        %select_n3A_3304 = arith.select %eq3A_3275, %broadcast_in_dim3A_3303, %select_n3A_3272 : vector<16xi1>, vector<16xf32>
        %eq3A_3305 = arith.constant 12 : i32
        %eq3A_3306 = vector.broadcast %eq3A_3305 : i32 to vector<16xi32>
        %eq3A_3307 = arith.cmpi eq, %iota3A, %eq3A_3306 : vector<16xi32>
        %mul3A_3308 = arith.constant 20 : i32
        %mul3A_3309 = arith.muli %mul3A_241, %mul3A_3308 : i32
        %add3A_3310 = arith.constant 76 : i32
        %add3A_3311 = arith.addi %mul3A_3309, %add3A_3310 : i32
        %get3A_3312 = arith.index_cast %add3A_3311 : i32 to index
        %get3A_3313 = arith.constant 0 : index
        %get3A_3314 = tpu.vector_load %arg14[%get3A_3312, %get3A_3313] {strides = array<i32>} : memref<1280x64xf32, #tpu.memory_space<vmem>>, vector<16xf32>,
        %get3A_3315 = arith.index_cast %add3A_3311 : i32 to index
        %get3A_3316 = arith.constant 16 : index
        %get3A_3317 = tpu.vector_load %arg14[%get3A_3315, %get3A_3316] {strides = array<i32>} : memref<1280x64xf32, #tpu.memory_space<vmem>>, vector<16xf32>,
        %get3A_3318 = arith.index_cast %add3A_3311 : i32 to index
        %get3A_3319 = arith.constant 32 : index
        %get3A_3320 = tpu.vector_load %arg14[%get3A_3318, %get3A_3319] {strides = array<i32>} : memref<1280x64xf32, #tpu.memory_space<vmem>>, vector<16xf32>,
        %get3A_3321 = arith.index_cast %add3A_3311 : i32 to index
        %get3A_3322 = arith.constant 48 : index
        %get3A_3323 = tpu.vector_load %arg14[%get3A_3321, %get3A_3322] {strides = array<i32>} : memref<1280x64xf32, #tpu.memory_space<vmem>>, vector<16xf32>,
        %mul3A_3324 = arith.mulf %get3A_305, %get3A_3314 : vector<16xf32>
        %mul3A_3325 = arith.mulf %get3A_310, %get3A_3317 : vector<16xf32>
        %add3A_3326 = arith.addf %mul3A_3324, %mul3A_3325 : vector<16xf32>
        %mul3A_3327 = arith.mulf %get3A_315, %get3A_3320 : vector<16xf32>
        %mul3A_3328 = arith.mulf %get3A_320, %get3A_3323 : vector<16xf32>
        %add3A_3329 = arith.addf %mul3A_3327, %mul3A_3328 : vector<16xf32>
        %add3A_3330 = arith.addf %add3A_3326, %add3A_3329 : vector<16xf32>
        %reduce_sum3A_3331 = arith.constant true
        %reduce_sum3A_3332 = vector.broadcast %reduce_sum3A_3331 : i1 to vector<16xi1>
        %reduce_sum3A_3333 = tpu.scan <sum>, %add3A_3330 masked %reduce_sum3A_3332 : vector<16xf32>, vector<16xi1> -> vector<16xf32>
        %reduce_sum3A_3334 = vector.extract %reduce_sum3A_3333[15] : f32 from vector<16xf32>
        %broadcast_in_dim3A_3335 = vector.broadcast %reduce_sum3A_3334 : f32 to vector<16xf32>
        %select_n3A_3336 = arith.select %eq3A_3307, %broadcast_in_dim3A_3335, %select_n3A_3304 : vector<16xi1>, vector<16xf32>
        %eq3A_3337 = arith.constant 13 : i32
        %eq3A_3338 = vector.broadcast %eq3A_3337 : i32 to vector<16xi32>
        %eq3A_3339 = arith.cmpi eq, %iota3A, %eq3A_3338 : vector<16xi32>
        %mul3A_3340 = arith.constant 20 : i32
        %mul3A_3341 = arith.muli %mul3A_241, %mul3A_3340 : i32
        %add3A_3342 = arith.constant 77 : i32
        %add3A_3343 = arith.addi %mul3A_3341, %add3A_3342 : i32
        %get3A_3344 = arith.index_cast %add3A_3343 : i32 to index
        %get3A_3345 = arith.constant 0 : index
        %get3A_3346 = tpu.vector_load %arg14[%get3A_3344, %get3A_3345] {strides = array<i32>} : memref<1280x64xf32, #tpu.memory_space<vmem>>, vector<16xf32>,
        %get3A_3347 = arith.index_cast %add3A_3343 : i32 to index
        %get3A_3348 = arith.constant 16 : index
        %get3A_3349 = tpu.vector_load %arg14[%get3A_3347, %get3A_3348] {strides = array<i32>} : memref<1280x64xf32, #tpu.memory_space<vmem>>, vector<16xf32>,
        %get3A_3350 = arith.index_cast %add3A_3343 : i32 to index
        %get3A_3351 = arith.constant 32 : index
        %get3A_3352 = tpu.vector_load %arg14[%get3A_3350, %get3A_3351] {strides = array<i32>} : memref<1280x64xf32, #tpu.memory_space<vmem>>, vector<16xf32>,
        %get3A_3353 = arith.index_cast %add3A_3343 : i32 to index
        %get3A_3354 = arith.constant 48 : index
        %get3A_3355 = tpu.vector_load %arg14[%get3A_3353, %get3A_3354] {strides = array<i32>} : memref<1280x64xf32, #tpu.memory_space<vmem>>, vector<16xf32>,
        %mul3A_3356 = arith.mulf %get3A_305, %get3A_3346 : vector<16xf32>
        %mul3A_3357 = arith.mulf %get3A_310, %get3A_3349 : vector<16xf32>
        %add3A_3358 = arith.addf %mul3A_3356, %mul3A_3357 : vector<16xf32>
        %mul3A_3359 = arith.mulf %get3A_315, %get3A_3352 : vector<16xf32>
        %mul3A_3360 = arith.mulf %get3A_320, %get3A_3355 : vector<16xf32>
        %add3A_3361 = arith.addf %mul3A_3359, %mul3A_3360 : vector<16xf32>
        %add3A_3362 = arith.addf %add3A_3358, %add3A_3361 : vector<16xf32>
        %reduce_sum3A_3363 = arith.constant true
        %reduce_sum3A_3364 = vector.broadcast %reduce_sum3A_3363 : i1 to vector<16xi1>
        %reduce_sum3A_3365 = tpu.scan <sum>, %add3A_3362 masked %reduce_sum3A_3364 : vector<16xf32>, vector<16xi1> -> vector<16xf32>
        %reduce_sum3A_3366 = vector.extract %reduce_sum3A_3365[15] : f32 from vector<16xf32>
        %broadcast_in_dim3A_3367 = vector.broadcast %reduce_sum3A_3366 : f32 to vector<16xf32>
        %select_n3A_3368 = arith.select %eq3A_3339, %broadcast_in_dim3A_3367, %select_n3A_3336 : vector<16xi1>, vector<16xf32>
        %eq3A_3369 = arith.constant 14 : i32
        %eq3A_3370 = vector.broadcast %eq3A_3369 : i32 to vector<16xi32>
        %eq3A_3371 = arith.cmpi eq, %iota3A, %eq3A_3370 : vector<16xi32>
        %mul3A_3372 = arith.constant 20 : i32
        %mul3A_3373 = arith.muli %mul3A_241, %mul3A_3372 : i32
        %add3A_3374 = arith.constant 78 : i32
        %add3A_3375 = arith.addi %mul3A_3373, %add3A_3374 : i32
        %get3A_3376 = arith.index_cast %add3A_3375 : i32 to index
        %get3A_3377 = arith.constant 0 : index
        %get3A_3378 = tpu.vector_load %arg14[%get3A_3376, %get3A_3377] {strides = array<i32>} : memref<1280x64xf32, #tpu.memory_space<vmem>>, vector<16xf32>,
        %get3A_3379 = arith.index_cast %add3A_3375 : i32 to index
        %get3A_3380 = arith.constant 16 : index
        %get3A_3381 = tpu.vector_load %arg14[%get3A_3379, %get3A_3380] {strides = array<i32>} : memref<1280x64xf32, #tpu.memory_space<vmem>>, vector<16xf32>,
        %get3A_3382 = arith.index_cast %add3A_3375 : i32 to index
        %get3A_3383 = arith.constant 32 : index
        %get3A_3384 = tpu.vector_load %arg14[%get3A_3382, %get3A_3383] {strides = array<i32>} : memref<1280x64xf32, #tpu.memory_space<vmem>>, vector<16xf32>,
        %get3A_3385 = arith.index_cast %add3A_3375 : i32 to index
        %get3A_3386 = arith.constant 48 : index
        %get3A_3387 = tpu.vector_load %arg14[%get3A_3385, %get3A_3386] {strides = array<i32>} : memref<1280x64xf32, #tpu.memory_space<vmem>>, vector<16xf32>,
        %mul3A_3388 = arith.mulf %get3A_305, %get3A_3378 : vector<16xf32>
        %mul3A_3389 = arith.mulf %get3A_310, %get3A_3381 : vector<16xf32>
        %add3A_3390 = arith.addf %mul3A_3388, %mul3A_3389 : vector<16xf32>
        %mul3A_3391 = arith.mulf %get3A_315, %get3A_3384 : vector<16xf32>
        %mul3A_3392 = arith.mulf %get3A_320, %get3A_3387 : vector<16xf32>
        %add3A_3393 = arith.addf %mul3A_3391, %mul3A_3392 : vector<16xf32>
        %add3A_3394 = arith.addf %add3A_3390, %add3A_3393 : vector<16xf32>
        %reduce_sum3A_3395 = arith.constant true
        %reduce_sum3A_3396 = vector.broadcast %reduce_sum3A_3395 : i1 to vector<16xi1>
        %reduce_sum3A_3397 = tpu.scan <sum>, %add3A_3394 masked %reduce_sum3A_3396 : vector<16xf32>, vector<16xi1> -> vector<16xf32>
        %reduce_sum3A_3398 = vector.extract %reduce_sum3A_3397[15] : f32 from vector<16xf32>
        %broadcast_in_dim3A_3399 = vector.broadcast %reduce_sum3A_3398 : f32 to vector<16xf32>
        %select_n3A_3400 = arith.select %eq3A_3371, %broadcast_in_dim3A_3399, %select_n3A_3368 : vector<16xi1>, vector<16xf32>
        %eq3A_3401 = arith.constant 15 : i32
        %eq3A_3402 = vector.broadcast %eq3A_3401 : i32 to vector<16xi32>
        %eq3A_3403 = arith.cmpi eq, %iota3A, %eq3A_3402 : vector<16xi32>
        %mul3A_3404 = arith.constant 20 : i32
        %mul3A_3405 = arith.muli %mul3A_241, %mul3A_3404 : i32
        %add3A_3406 = arith.constant 79 : i32
        %add3A_3407 = arith.addi %mul3A_3405, %add3A_3406 : i32
        %get3A_3408 = arith.index_cast %add3A_3407 : i32 to index
        %get3A_3409 = arith.constant 0 : index
        %get3A_3410 = tpu.vector_load %arg14[%get3A_3408, %get3A_3409] {strides = array<i32>} : memref<1280x64xf32, #tpu.memory_space<vmem>>, vector<16xf32>,
        %get3A_3411 = arith.index_cast %add3A_3407 : i32 to index
        %get3A_3412 = arith.constant 16 : index
        %get3A_3413 = tpu.vector_load %arg14[%get3A_3411, %get3A_3412] {strides = array<i32>} : memref<1280x64xf32, #tpu.memory_space<vmem>>, vector<16xf32>,
        %get3A_3414 = arith.index_cast %add3A_3407 : i32 to index
        %get3A_3415 = arith.constant 32 : index
        %get3A_3416 = tpu.vector_load %arg14[%get3A_3414, %get3A_3415] {strides = array<i32>} : memref<1280x64xf32, #tpu.memory_space<vmem>>, vector<16xf32>,
        %get3A_3417 = arith.index_cast %add3A_3407 : i32 to index
        %get3A_3418 = arith.constant 48 : index
        %get3A_3419 = tpu.vector_load %arg14[%get3A_3417, %get3A_3418] {strides = array<i32>} : memref<1280x64xf32, #tpu.memory_space<vmem>>, vector<16xf32>,
        %mul3A_3420 = arith.mulf %get3A_305, %get3A_3410 : vector<16xf32>
        %mul3A_3421 = arith.mulf %get3A_310, %get3A_3413 : vector<16xf32>
        %add3A_3422 = arith.addf %mul3A_3420, %mul3A_3421 : vector<16xf32>
        %mul3A_3423 = arith.mulf %get3A_315, %get3A_3416 : vector<16xf32>
        %mul3A_3424 = arith.mulf %get3A_320, %get3A_3419 : vector<16xf32>
        %add3A_3425 = arith.addf %mul3A_3423, %mul3A_3424 : vector<16xf32>
        %add3A_3426 = arith.addf %add3A_3422, %add3A_3425 : vector<16xf32>
        %reduce_sum3A_3427 = arith.constant true
        %reduce_sum3A_3428 = vector.broadcast %reduce_sum3A_3427 : i1 to vector<16xi1>
        %reduce_sum3A_3429 = tpu.scan <sum>, %add3A_3426 masked %reduce_sum3A_3428 : vector<16xf32>, vector<16xi1> -> vector<16xf32>
        %reduce_sum3A_3430 = vector.extract %reduce_sum3A_3429[15] : f32 from vector<16xf32>
        %broadcast_in_dim3A_3431 = vector.broadcast %reduce_sum3A_3430 : f32 to vector<16xf32>
        %select_n3A_3432 = arith.select %eq3A_3403, %broadcast_in_dim3A_3431, %select_n3A_3400 : vector<16xi1>, vector<16xf32>
        %add3A_3433 = arith.addi %mul3A_19, %mul3A_241 : i32
        %mul3A_3434 = arith.constant 20 : i32
        %mul3A_3435 = arith.muli %add3A_3433, %mul3A_3434 : i32
        %add3A_3436 = arith.constant 64 : i32
        %add3A_3437 = arith.addi %mul3A_3435, %add3A_3436 : i32
        %swap3A_3438 = arith.index_cast %add3A_3437 : i32 to index
        %swap3A_3439 = tpu.vector_load %arg16[%swap3A_3438] {strides = array<i32>} : memref<10240xf32, #tpu.memory_space<vmem>>, vector<16xf32>,
        tpu.vector_store %arg16[%swap3A_3438], %select_n3A_3432 {strides = array<i32>} : memref<10240xf32, #tpu.memory_space<vmem>>, vector<16xf32>,
        %scan3A_3440 = arith.constant 0 : i32
        scf.yield %scan3A_3440 : i32
      }
      %scan3A_236 = arith.constant 16 : i32
      %scan3A_237 = arith.constant 0 : i32
      scf.yield %scan3A_237 : i32
    }
    %scan3A_8 = arith.constant 8 : i32
    %mul3A_9 = arith.constant 4 : i32
    %mul3A_10 = arith.muli %mul3A_2, %mul3A_9 : i32
    "tpu.region"() ({
      %run_scoped3A = tpu.sem_alloc : memref<!tpu.dma_semaphore, #tpu.memory_space<semaphore_mem>>
      %dma_start3A = tpu.memref_slice %arg7[%mul3A_10] : memref<65536xf32, #tpu.memory_space<hbm>> -> memref<2048xf32, #tpu.memory_space<hbm>>
      %dma_start3A_13 = tpu.memref_slice %arg7[%mul3A_10] : memref<65536xf32, #tpu.memory_space<hbm>> -> memref<2048xf32, #tpu.memory_space<hbm>>
      tpu.enqueue_dma source(%arg15 : memref<2048xf32, #tpu.memory_space<vmem>>) target(%dma_start3A_13 : memref<2048xf32, #tpu.memory_space<hbm>>) target_semaphore(%run_scoped3A : memref<!tpu.dma_semaphore, #tpu.memory_space<semaphore_mem>>)
      %dma_wait3A = tpu.memref_slice %arg7[%mul3A_10] : memref<65536xf32, #tpu.memory_space<hbm>> -> memref<2048xf32, #tpu.memory_space<hbm>>
      %dma_wait3A_14 = tpu.memref_slice %arg7[%mul3A_10] : memref<65536xf32, #tpu.memory_space<hbm>> -> memref<2048xf32, #tpu.memory_space<hbm>>
      tpu.wait_dma2 semaphore(%run_scoped3A : memref<!tpu.dma_semaphore, #tpu.memory_space<semaphore_mem>>) src(%arg15 : memref<2048xf32, #tpu.memory_space<vmem>>) dst(%dma_wait3A_14 : memref<2048xf32, #tpu.memory_space<hbm>>)
      tpu.yield
    }) : () -> ()
    %mul3A_11 = arith.constant 20 : i32
    %mul3A_12 = arith.muli %mul3A_2, %mul3A_11 : i32
    "tpu.region"() ({
      %run_scoped3A = tpu.sem_alloc : memref<!tpu.dma_semaphore, #tpu.memory_space<semaphore_mem>>
      %dma_start3A = tpu.memref_slice %arg8[%mul3A_12] : memref<327680xf32, #tpu.memory_space<hbm>> -> memref<10240xf32, #tpu.memory_space<hbm>>
      %dma_start3A_13 = tpu.memref_slice %arg8[%mul3A_12] : memref<327680xf32, #tpu.memory_space<hbm>> -> memref<10240xf32, #tpu.memory_space<hbm>>
      tpu.enqueue_dma source(%arg16 : memref<10240xf32, #tpu.memory_space<vmem>>) target(%dma_start3A_13 : memref<10240xf32, #tpu.memory_space<hbm>>) target_semaphore(%run_scoped3A : memref<!tpu.dma_semaphore, #tpu.memory_space<semaphore_mem>>)
      %dma_wait3A = tpu.memref_slice %arg8[%mul3A_12] : memref<327680xf32, #tpu.memory_space<hbm>> -> memref<10240xf32, #tpu.memory_space<hbm>>
      %dma_wait3A_14 = tpu.memref_slice %arg8[%mul3A_12] : memref<327680xf32, #tpu.memory_space<hbm>> -> memref<10240xf32, #tpu.memory_space<hbm>>
      tpu.wait_dma2 semaphore(%run_scoped3A : memref<!tpu.dma_semaphore, #tpu.memory_space<semaphore_mem>>) src(%arg16 : memref<10240xf32, #tpu.memory_space<vmem>>) dst(%dma_wait3A_14 : memref<10240xf32, #tpu.memory_space<hbm>>)
      tpu.yield
    }) : () -> ()
    return
  }
}

</mosaic_0001>

<sc_bundles>
// kernel: _sc_call.3.cloned.1.call-start
scs
__scs_entry_jumppad:
0x0: {  	(pc) =	sbr.rel $0x88, $3  }
0x1: {  	(tag) =	ssettag $0x0;
	lr =	simm.s32 $0x1  }
0x2: {  	[smem:$0x3F9C] =	sst lr;
	_ =	strace $0xD0000000  }
0x3: {  	_ = 	snop  }
0x4: {  	_ = 	snop  }
0x5: {  	_ = 	snop  }
0x6: {  	_ = 	snop  }
0x7: {  	_ = 	snop  }
__scs_overlays_trampoline_lowered:
0x8: {  	[smem:$0x3FAB] =	sst s0  }
0x9: {  	[smem:$0x3FAC] =	sst s1  }
0xa: {  	[smem:$0x3FAD] =	sst s2  }
0xb: {  	[smem:$0x3FAE] =	sst s3  }
0xc: {  	[smem:$0x3FAF] =	sst s4  }
0xd: {  	[smem:$0x3FB0] =	sst s5  }
0xe: {  	[smem:$0x3FB1] =	sst s6  }
0xf: {  	[smem:$0x3FB2] =	sst s7  }
0x10: {  	[smem:$0x3FB3] =	sst s8  }
0x11: {  	[smem:$0x3FB4] =	sst s9;
	s0 =	simm.s32 @!p0 $0x0  }
0x12: {  	s1 =	sld [smem:$0x3F9A];
	s0 =	simm.s32 @p0 $0x1  }
0x13: {  	[smem:$0x3FB5] =	sst s0;
	s0 =	simm.s32 @!p1 $0x0  }
0x14: {  	s2 =	sld [smem:$0x3F99];
	s0 =	simm.s32 @p1 $0x1  }
0x15: {  	[smem:$0x3FB6] =	sst s0;
	s0 =	simm.s32 @!p2 $0x0  }
0x16: {  	s3 =	sld [smem:$0x3FDB];
	s0 =	simm.s32 @p2 $0x1  }
0x17: {  	s4 =	simm.s32 $0x1BF5;
	[smem:$0x3FB8] =	sst s0  }
0x18: {  	s0 =	sld [smem:$0x3F9B];
	_ =	swait.ge [sflag:s4], $0x0  }
0x19: {  	s7 =	sld [smem:$0x3F9C]  }
0x1a: {  	s8 =	sadd.s32 $0xFFFFE003, lr  }
0x1b: {  	s9 =	sadd.s32 $0xFFFFFEF7, lr;
	s5 =	simm.s32 $0xFFFFFFFF;
	p2 =	slt.u32 s8, $0xFFFFF086  }
0x1c: {  	p1 =	slt.u32 s9, $0xF7A;
	s5 =	simm.s32 @!p2 $0x0  }
0x1d: {  	s5 =	simm.s32 @p1 $0x1;
	p0 =	seq.s32 s7, s2  }
0x1e: {  	s7 =	smul.u32 @!p0 $0xF7A, s2;
	p2 =	seq.s32 @!p0 s5, $0x0  }
0x1f: {  	s9 =	smul.u32 $0xF7A, s1;
	s8 =	simm.s32 @!p0 $0x1BF5;
	p2 =	por !p2, p0  }
0x20: {  	[sflag:s8] =	ssyncset.s32 @!p0 $0xFFFFF086;
	s6 =	sadd.s32 @!p0 s3, s7;
	s7 =	simm.s32 @!p0 $0x108  }
0x21: {  	s3 =	sadd.s32 s3, s9;
	s6 =	sadd.s32 @!p0 $0x88, s6;
	s7 =	simm.s32 @p2 $0x1082  }
0x22: {  	[simem:s7], [sflag:s8] =	dma.local @!p0 [hbm:s6], $0xF7A  }
0x23: {  	s9 =	sor.u32 $0xD0000000, s2;
	s6 =	simm.s32 $0x108;
	_ =	swait.ge @!p0 [sflag:s8], $0x0  }
0x24: {  	s3 =	sadd.s32 $0x88, s3;
	s6 =	simm.s32 @!p1 $0x1082;
	[sflag:s4] =	ssyncset.s32 $0xFFFFF086  }
0x25: {  	[simem:s6], [sflag:s4] =	dma.local [hbm:s3], $0xF7A  }
0x26: {  	[smem:$0x3F9C] =	sst s1;
	(tag) =	ssettag s2;
	_ =	strace s9  }
0x27: {  	s1 =	sld [smem:$0x3FAC]  }
0x28: {  	s2 =	sld [smem:$0x3FAD]  }
0x29: {  	s4 =	sld [smem:$0x3FAF]  }
0x2a: {  	p0 =	seq.s32 s5, $0x0;
	s5 =	sld [smem:$0x3FB0]  }
0x2b: {  	s6 =	sld [smem:$0x3FB1]  }
0x2c: {  	s7 =	sld [smem:$0x3FB2]  }
0x2d: {  	s3 =	simm.s32 $0x108;
	s8 =	sld [smem:$0x3FB3]  }
0x2e: {  	s3 =	simm.s32 @!p0 $0x1082;
	s9 =	sld [smem:$0x3FB4]  }
0x2f: {  	lr =	sadd.s32 s0, s3;
	s0 =	sld [smem:$0x3FAB]  }
0x30: {  	s3 =	sld [smem:$0x3FAE]  }
0x31: {  	[smem:$0x3FB7] =	sst s10  }
0x32: {  	s10 =	sld [smem:$0x3FB5];
	_ =	sdelay $0x3  }
0x33: {  	p0 =	seq.s32 s10, $0x1;
	s10 =	sld [smem:$0x3FB7];
	_ =	sdelay $0x3  }
0x34: {  	[smem:$0x3FB7] =	sst s10  }
0x35: {  	s10 =	sld [smem:$0x3FB6];
	_ =	sdelay $0x3  }
0x36: {  	p1 =	seq.s32 s10, $0x1;
	s10 =	sld [smem:$0x3FB7];
	_ =	sdelay $0x3  }
0x37: {  	[smem:$0x3FB7] =	sst s10  }
0x38: {  	s10 =	sld [smem:$0x3FB8]  }
0x39: {  	_ = 	snop;
	(pc) =	sbr.ind lr, $3  }
0x3a: {  	_ = 	snop  }
0x3b: {  	_ = 	snop  }
0x3c: {  	p2 =	seq.s32 s10, $0x1;
	s10 =	sld [smem:$0x3FB7]  }
0x3d: {  	_ =	shalt  }
0x3e: {  	_ =	shalt  }
0x3f: {  	_ =	shalt  }
0x40: {  	_ =	shalt  }
0x41: {  	_ =	shalt  }
0x42: {  	_ =	shalt  }
0x43: {  	_ =	shalt  }
0x44: {  	_ =	shalt  }
0x45: {  	_ =	shalt  }
0x46: {  	_ =	shalt  }
0x47: {  	_ =	shalt  }
0x48: {  	_ =	shalt  }
0x49: {  	_ =	shalt  }
0x4a: {  	_ =	shalt  }
0x4b: {  	_ =	shalt  }
0x4c: {  	_ =	shalt  }
0x4d: {  	_ =	shalt  }
0x4e: {  	_ =	shalt  }
0x4f: {  	_ =	shalt  }
0x50: {  	_ =	shalt  }
0x51: {  	_ =	shalt  }
0x52: {  	_ =	shalt  }
0x53: {  	_ =	shalt  }
0x54: {  	_ =	shalt  }
0x55: {  	_ =	shalt  }
0x56: {  	_ =	shalt  }
0x57: {  	_ =	shalt  }
0x58: {  	_ =	shalt  }
0x59: {  	_ =	shalt  }
0x5a: {  	_ =	shalt  }
0x5b: {  	_ =	shalt  }
0x5c: {  	_ =	shalt  }
0x5d: {  	_ =	shalt  }
0x5e: {  	_ =	shalt  }
0x5f: {  	_ =	shalt  }
0x60: {  	_ =	shalt  }
0x61: {  	_ =	shalt  }
0x62: {  	_ =	shalt  }
0x63: {  	_ =	shalt  }
0x64: {  	_ =	shalt  }
0x65: {  	_ =	shalt  }
0x66: {  	_ =	shalt  }
0x67: {  	_ =	shalt  }
0x68: {  	_ =	shalt  }
0x69: {  	_ =	shalt  }
0x6a: {  	_ =	shalt  }
0x6b: {  	_ =	shalt  }
0x6c: {  	_ =	shalt  }
0x6d: {  	_ =	shalt  }
0x6e: {  	_ =	shalt  }
0x6f: {  	_ =	shalt  }
0x70: {  	_ =	shalt  }
0x71: {  	_ =	shalt  }
0x72: {  	_ =	shalt  }
0x73: {  	_ =	shalt  }
0x74: {  	_ =	shalt  }
0x75: {  	_ =	shalt  }
0x76: {  	_ =	shalt  }
0x77: {  	_ =	shalt  }
0x78: {  	_ =	shalt  }
0x79: {  	_ =	shalt  }
0x7a: {  	_ =	shalt  }
0x7b: {  	_ =	shalt  }
0x7c: {  	_ =	shalt  }
0x7d: {  	_ =	shalt  }
0x7e: {  	_ =	shalt  }
0x7f: {  	_ =	shalt  }
0x80: {  	_ =	shalt  }
0x81: {  	_ =	shalt  }
0x82: {  	_ =	shalt  }
0x83: {  	_ =	shalt  }
0x84: {  	_ =	shalt  }
0x85: {  	_ =	shalt  }
0x86: {  	_ =	shalt  }
0x87: {  	_ =	shalt  }
.Lfunc_end0:
.L_simem_size_0:
called_computation_lowered:
.L_overlay_start_0:
0x88: {  	s2 =	sld [smem:$0x3FD9]  }
0x89: {  	s3 =	sld [smem:$0x3FFE];
	_ =	sdelay $0x1  }
0x8a: {  	s1 =	srdreg.scid  }
0x8b: {  	s0 =	sand.u32 $0x1, s1  }
0x8c: {  	s14 =	sshll.u32 s0, $0xA;
	s2 =	sadd.s32 s3, s2  }
0x8d: {  	s2 =	sadd.s32 s2, s14  }
0x8e: {  	[smem:$0x3FC3] =	sst s2  }
0x8f: {  	_ = 	snop  }
0x90: {  	s2 =	sld [smem:$0x3FD0]  }
0x91: {  	s15 =	sld [smem:$0x3FC9]  }
0x92: {  	s4 =	sld [smem:$0x3FC8]  }
0x93: {  	s6 =	simm.s32 $0xA;
	s7 =	simm.s32 $0x10;
	s5 =	sld [smem:$0x3FC7]  }
0x94: {  	[smem:s7], [sflag:s6] =	dma.local [hbm:s2], $0x1  }
0x95: {  	_ =	swait.eq [sflag:s6], $0x1  }
0x96: {  	[sflag:s6] =	ssyncset.done $0x0  }
0x97: {  	s16 =	sld [smem:$0x10];
	[sflag:s6] =	ssyncadd.s32 $0xFFFFFFFF  }
0x98: {  	s17 =	sld [smem:$0x11];
	(tm) =	ssettm $0x1  }
0x99: {  	s18 =	sld [smem:$0x3FFB];
	_ =	sdelay $0x3  }
0x9a: {  	_ =	strace s18  }
0x9b: {  	s7 =	sld [smem:$0x3FFC];
	_ =	sdelay $0x3  }
0x9c: {  	_ =	strace s7  }
0x9d: {  	s7 =	sld [smem:$0x3FFD];
	_ =	sdelay $0x3  }
0x9e: {  	_ =	strace s7  }
0x9f: {  	_ =	strace $0x8FFFFFFF  }
0xa0: {  	s19 =	sld [smem:$0x3FDB];
	_ =	sdelay $0x1  }
0xa1: {  	s8 =	simm.s32 $_scs_section_size  }
0xa2: {  	s9 =	simm.s32 $_size__tile_overlayer_lowered;
	s10 =	simm.s32 $_tile_overlayer_lowered  }
0xa3: {  	s22 =	simm.s32 $0x1BFF;
	s21 =	sshll.u32 s10, $0x1;
	s7 =	sadd.s32 s8, s19  }
0xa4: {  	s11 =	simm.s32 $0x0;
	s20 =	sshll.u32 s9, $0x1;
	s9 =	sadd.s32 s21, s7  }
0xa5: {  	[timem:s11], [sflag:s22] =	dma.local [hbm:s9], s20  }
0xa6: {  	_ =	swait.ge [sflag:s22], s20  }
0xa7: {  	s8 =	ssub.s32 $0x0, s20;
	[sflag:s22] =	ssyncset.done $0x0  }
0xa8: {  	[sflag:s22] =	ssyncadd.s32 s8;
	_ =	sdelay $0x1  }
0xa9: {  	s23 =	simm.s32 $0x1B8B  }
0xaa: {  	_ =	swait.ge [sflag:s23], $0x1  }
0xab: {  	[sflag:s23] =	ssyncset.done $0x0  }
0xac: {  	s25 =	simm.s32 $0x1B8E;
	s24 =	sld [smem:$0x3FFE];
	[sflag:s23] =	ssyncadd.s32 $0xFFFFFFFF  }
0xad: {  	s26 =	simm.s32 $execute0_lowered;
	[smem:$0x3FD2] =	sst s25  }
0xae: {  	s9 =	sshll.u32 s26, $0x1;
	_ =	strace $0x80000046;
	[dreg:$0x1] =	wrdreg $0xFFFFFFFF  }
0xaf: {  	s28 =	simm.s32 $_size_execute0_lowered;
	s7 =	sadd.s32 s7, s9;
	[dreg:$0x0] =	wrdreg $0x0  }
0xb0: {  	s9 =	sshll.u32 s28, $0x1;
	[dreg:$0x2] =	wrdreg s7  }
0xb1: {  	[dreg:$0x3] =	wrdreg s9  }
0xb2: {  	[dreg:$0x4] =	wrdreg $0xC0  }
0xb3: {  	_ =	task [dreg:s11], $0x5FFFF  }
0xb4: {  	[dreg:$0x1] =	wrdreg $0xFFFFFFFF  }
0xb5: {  	[dreg:$0x0] =	wrdreg $0x60  }
0xb6: {  	[dreg:$0x2] =	wrdreg s15  }
0xb7: {  	[dreg:$0x3] =	wrdreg s4  }
0xb8: {  	[dreg:$0x4] =	wrdreg s5  }
0xb9: {  	[dreg:$0x5] =	wrdreg s24  }
0xba: {  	[dreg:$0x6] =	wrdreg s16  }
0xbb: {  	[dreg:$0x7] =	wrdreg s17  }
0xbc: {  	[dreg:$0x8] =	wrdreg $0x9  }
0xbd: {  	_ =	task.clear_ibuf [dreg:s11], $0x9FFFF;
	_ =	strace $0x90000046  }
0xbe: {  	s29 =	simm.s32 $0x9;
	_ =	strace $0x80000048  }
0xbf: {  	_ =	swait.ge [sflag:s29], $0x1  }
0xc0: {  	[sflag:s29] =	ssyncadd.s32 $0xFFFFFFFF  }
0xc1: {  	_ =	strace $0x90000048  }
0xc2: {  	_ =	sfence  }
0xc3: {  	s30 =	sld [smem:$0x0];
	_ =	sdelay $0x2  }
0xc4: {  	s31 =	sshll.u32 s1, $0xD;
	s1 =	sshrl.u32 s1, $0x2  }
0xc5: {  	s3 =	sand.u32 $0x4000, s31;
	s1 =	sadd.s32 s1, s30  }
0xc6: {  	s0 =	sor.u32 s3, s0;
	s1 =	sshll.u32 s1, $0x11  }
0xc7: {  	s0 =	sor.u32 s1, s0  }
0xc8: {  	s0 =	sadd.s32 $0x8F2B, s0  }
0xc9: {  	[sflag:s0] =	ssyncadd.remote.s32 $0x1  }
0xca: {  	_ =	sfence.sel $0xFFFF  }
0xcb: {  	[dreg:$0x0] =	wrdreg $0xFFFFFFFF;
	(pc) =	sbr.abs _section_cstart, $3  }
0xcc: {  	[dreg:$0x1] =	wrdreg $0xFFFFFFFF  }
0xcd: {  	_ =	task.clear_ibuf [dreg:s11], $0x2FFFF;
	_ =	strace $0x9FFFFFFF  }
0xce: {  	(tm) =	ssettm $0x7FFFFFFF  }
0xcf: {  	_ =	shalt  }
tec
execute0_lowered:
.L_overlay_start_1:
0x0: {  	(tag) =	ssettag $0x1  }
0x1: {  	s0 =	rddreg [dreg:$0x3]  }
0x2: {  	s1 =	rddreg [dreg:$0x4]  }
0x3: {  	s2 =	rddreg [dreg:$0x5]  }
0x4: {  	s3 =	simm.s32 $0x0;
	s23 =	srdreg.scid;
	s4 =	stileid.u32  }
0x5: {  	s12 =	simm.s32 $0x2;
	s13 =	simm.s32 $0x40;
	s14 =	simm.s32 $0x140  }
0x6: {  	s16 =	simm.s32 $0x80;
	s22 =	simm.s32 $0x7640;
	s28 =	simm.s32 $0x340  }
0x7: {  	s29 =	simm.s32 $0xD640;
	s30 =	simm.s32 $0x3C0;
	s31 =	simm.s32 $0xF640  }
0x8: {  	s10 =	simm.s32 $0x540;
	s11 =	simm.s32 $0x15640;
	s17 =	simm.s32 $0x0  }
0x9: {  	[smem:$0x7FF] =	sst s3;
	s6 =	sadd.s32 $0xF42C00, s0;
	s3 =	sand.u32 $0x1, s23  }
0xa: {  	s4 =	sshll.u32 s4, $0x1;
	s7 =	sadd.s32 $0x16E3E00, s0;
	s23 =	simm.s32 $0x240  }
0xb: {  	_ =	strace $0x80000047;
	s24 =	ssub.s32 $0x2, s3;
	s3 =	sor.u32 s3, s4  }
0xc: {  	s4 =	simm.s32 $0x11640;
	s25 =	sshrl.u32 s24, $0x1;
	s5 =	sshll.u32 s3, $0x8  }
0xd: {  	s9 =	smul.u32 $0x500, s3;
	s8 =	sshll.u32 s3, $0x9;
	s3 =	simm.s32 $0x1  }
0xe: {  	vm0 =	vmmov $0x1;
	vm1 =	vmmov $0x3;
	vm2 =	vmmov $0x7;
	s0 =	ssub.s32 s24, s25;
	s1 =	sadd.s32 s1, s5;
	s24 =	simm.s32 $0x9640  }
0xf: {  	vm3 =	vmmov $0xf;
	vm4 =	vmmov $0x1f;
	vm5 =	vmmov $0x3f;
	s25 =	simm.s32 $0x2C0;
	s5 =	simm.s32 $0x4C0;
	[dreg:$0x7] =	wrdreg s1  }
0x10: {  	vm6 =	vmmov $0x7f;
	vm7 =	vmmov $0xff;
	vm8 =	vmmov $0x1ff;
	s26 =	sadd.s32 s2, s9;
	s0 =	smax.u32 s0, $0x1;
	s9 =	simm.s32 $0x13640  }
0x11: {  	vm9 =	vmmov $0x3ff;
	vm10 =	vmmov $0x7ff;
	vm11 =	vmmov $0xfff;
	s1 =	simm.s32 $0x5C0;
	s2 =	simm.s32 $0x17640;
	[dreg:$0x8] =	wrdreg s26  }
0x12: {  	vm12 =	vmmov $0x1fff;
	vm13 =	vmmov $0x3fff;
	vm14 =	vmmov $0x7fff;
	[dreg:$0x9] =	wrdreg s0;
	s26 =	simm.s32 $0xB640;
	s0 =	simm.s32 $0x440  }
.LBB2_1:
0x13: {  	[dreg:$0xa] =	wrdreg s17;
	s15 =	simm.s32 $0x0  }
.LBB2_2:
0x14: {  	s17 =	sshll.u32 s15, $0x6  }
0x15: {  	s19 =	sadd.s32 s8, s17  }
0x16: {  	s20 =	rddreg [dreg:$0x0];
	s18 =	sshrl.u32 s19, $0x3  }
0x17: {  	s20 =	sadd.s32 s20, s18;
	s18 =	simm.s32 $0x0  }
0x18: {  	[tilespmem:s18], [sflag:$0x2] =	stream.linear.gather [hbm4b:s20+s18], $0x40, $0x38;
	[tilespmem:$0x1C640] =	vst v63  }
0x19: {  	_ =	swait.ge [sflag:s12], $0x40  }
0x1a: {  	[sflag:s12] =	ssyncset.done $0x0  }
0x1b: {  	[sflag:s12] =	ssyncadd.s32 $0xFFFFFFC0  }
0x1c: {  	s20 =	sshrl.u32 s19, $0x1;
	s21 =	rddreg [dreg:$0x1]  }
0x1d: {  	s20 =	sadd.s32 s21, s20  }
0x1e: {  	[tilespmem:s13], [sflag:$0x2] =	stream.linear.gather [hbm4b:s20+s18], $0x100, $0x38;
	[tilespmem:$0x1C640] =	vst v63  }
0x1f: {  	_ =	swait.ge [sflag:s12], $0x100  }
0x20: {  	s19 =	smul.u32 $0x14, s19;
	[sflag:s12] =	ssyncset.done $0x0  }
0x21: {  	[sflag:s12] =	ssyncadd.s32 $0xFFFFFF00  }
0x22: {  	s19 =	sshrl.u32 s19, $0x3;
	s21 =	rddreg [dreg:$0x2]  }
0x23: {  	s19 =	sadd.s32 s21, s19  }
0x24: {  	[tilespmem:s14], [sflag:$0x2] =	stream.linear.gather [hbm4b:s19+s18], $0x500, $0x38;
	[tilespmem:$0x1C640] =	vst v63  }
0x25: {  	_ =	swait.ge [sflag:s12], $0x500  }
0x26: {  	[sflag:s12] =	ssyncset.done $0x0  }
0x27: {  	s20 =	simm.s32 $0x640;
	[sflag:s12] =	ssyncadd.s32 $0xFFFFFB00  }
0x28: {  	[tilespmem:s20], [sflag:$0x1] =	stream.indirect.gather [hbm4b:s6+s13], $0x40, s18, s13, $0xb8;
	[tilespmem:$0x1C640] =	vst v63  }
0x29: {  	s21 =	simm.s32 $0x1640  }
0x2a: {  	[tilespmem:s21], [sflag:$0x1] =	stream.indirect.gather [hbm4b:s7+s16], $0x40, s13, s16, $0xb8;
	[tilespmem:$0x1C640] =	vst v63  }
0x2b: {  	s20 =	simm.s32 $0xC0;
	s21 =	simm.s32 $0x3640  }
0x2c: {  	[tilespmem:s21], [sflag:$0x1] =	stream.indirect.gather [hbm4b:s7+s16], $0x40, s20, s16, $0xb8;
	[tilespmem:$0x1C640] =	vst v63  }
0x2d: {  	s20 =	simm.s32 $0x5640  }
0x2e: {  	[tilespmem:s20], [sflag:$0x1] =	stream.indirect.gather [hbm4b:s7+s16], $0x40, s14, s16, $0xb8;
	[tilespmem:$0x1C640] =	vst v63  }
0x2f: {  	s21 =	simm.s32 $0x1C0  }
0x30: {  	[tilespmem:s22], [sflag:$0x1] =	stream.indirect.gather [hbm4b:s7+s16], $0x40, s21, s16, $0xb8;
	[tilespmem:$0x1C640] =	vst v63  }
0x31: {  	_ = 	snop  }
0x32: {  	[tilespmem:s24], [sflag:$0x1] =	stream.indirect.gather [hbm4b:s7+s16], $0x40, s23, s16, $0xb8;
	[tilespmem:$0x1C640] =	vst v63  }
0x33: {  	_ = 	snop  }
0x34: {  	[tilespmem:s26], [sflag:$0x1] =	stream.indirect.gather [hbm4b:s7+s16], $0x40, s25, s16, $0xb8;
	[tilespmem:$0x1C640] =	vst v63  }
0x35: {  	_ = 	snop  }
0x36: {  	[tilespmem:s29], [sflag:$0x1] =	stream.indirect.gather [hbm4b:s7+s16], $0x40, s28, s16, $0xb8;
	[tilespmem:$0x1C640] =	vst v63  }
0x37: {  	_ = 	snop  }
0x38: {  	[tilespmem:s31], [sflag:$0x1] =	stream.indirect.gather [hbm4b:s7+s16], $0x40, s30, s16, $0xb8;
	[tilespmem:$0x1C640] =	vst v63  }
0x39: {  	_ = 	snop  }
0x3a: {  	[tilespmem:s4], [sflag:$0x1] =	stream.indirect.gather [hbm4b:s7+s16], $0x40, s0, s16, $0xb8;
	[tilespmem:$0x1C640] =	vst v63  }
0x3b: {  	_ = 	snop  }
0x3c: {  	[tilespmem:s9], [sflag:$0x1] =	stream.indirect.gather [hbm4b:s7+s16], $0x40, s5, s16, $0xb8;
	[tilespmem:$0x1C640] =	vst v63  }
0x3d: {  	_ = 	snop  }
0x3e: {  	[tilespmem:s11], [sflag:$0x1] =	stream.indirect.gather [hbm4b:s7+s16], $0x40, s10, s16, $0xb8;
	[tilespmem:$0x1C640] =	vst v63  }
0x3f: {  	_ = 	snop  }
0x40: {  	[tilespmem:s2], [sflag:$0x1] =	stream.indirect.gather [hbm4b:s7+s16], $0x40, s1, s16, $0xb8;
	[tilespmem:$0x1C640] =	vst v63  }
0x41: {  	_ =	swait.ge [sflag:s3], $0x1000  }
0x42: {  	[sflag:s3] =	ssyncset.done $0x0  }
0x43: {  	[sflag:s3] =	ssyncadd.s32 $0xFFFFF000  }
0x44: {  	_ =	swait.ge [sflag:s3], $0x2000  }
0x45: {  	[sflag:s3] =	ssyncset.done $0x0  }
0x46: {  	[sflag:s3] =	ssyncadd.s32 $0xFFFFE000  }
0x47: {  	_ =	swait.ge [sflag:s3], $0x2000  }
0x48: {  	[sflag:s3] =	ssyncset.done $0x0  }
0x49: {  	[sflag:s3] =	ssyncadd.s32 $0xFFFFE000  }
0x4a: {  	_ =	swait.ge [sflag:s3], $0x2000  }
0x4b: {  	[sflag:s3] =	ssyncset.done $0x0  }
0x4c: {  	[sflag:s3] =	ssyncadd.s32 $0xFFFFE000  }
0x4d: {  	_ =	swait.ge [sflag:s3], $0x2000  }
0x4e: {  	[sflag:s3] =	ssyncset.done $0x0  }
0x4f: {  	[sflag:s3] =	ssyncadd.s32 $0xFFFFE000  }
0x50: {  	_ =	swait.ge [sflag:s3], $0x2000  }
0x51: {  	[sflag:s3] =	ssyncset.done $0x0  }
0x52: {  	[sflag:s3] =	ssyncadd.s32 $0xFFFFE000  }
0x53: {  	_ =	swait.ge [sflag:s3], $0x2000  }
0x54: {  	[sflag:s3] =	ssyncset.done $0x0  }
0x55: {  	[sflag:s3] =	ssyncadd.s32 $0xFFFFE000  }
0x56: {  	_ =	swait.ge [sflag:s3], $0x2000  }
0x57: {  	[sflag:s3] =	ssyncset.done $0x0  }
0x58: {  	[sflag:s3] =	ssyncadd.s32 $0xFFFFE000  }
0x59: {  	_ =	swait.ge [sflag:s3], $0x2000  }
0x5a: {  	[sflag:s3] =	ssyncset.done $0x0  }
0x5b: {  	[sflag:s3] =	ssyncadd.s32 $0xFFFFE000  }
0x5c: {  	_ =	swait.ge [sflag:s3], $0x2000  }
0x5d: {  	[sflag:s3] =	ssyncset.done $0x0  }
0x5e: {  	[sflag:s3] =	ssyncadd.s32 $0xFFFFE000  }
0x5f: {  	_ =	swait.ge [sflag:s3], $0x2000  }
0x60: {  	[sflag:s3] =	ssyncset.done $0x0  }
0x61: {  	[sflag:s3] =	ssyncadd.s32 $0xFFFFE000  }
0x62: {  	_ =	swait.ge [sflag:s3], $0x2000  }
0x63: {  	[sflag:s3] =	ssyncset.done $0x0  }
0x64: {  	[sflag:s3] =	ssyncadd.s32 $0xFFFFE000  }
0x65: {  	_ =	swait.ge [sflag:s3], $0x2000  }
0x66: {  	[sflag:s3] =	ssyncset.done $0x0  }
0x67: {  	[sflag:s3] =	ssyncadd.s32 $0xFFFFE000  }
.LBB2_3:
0x68: {  	s19 =	sshll.u32 s18, $0xA  }
0x69: {  	s20 =	sshra.s32 s19, $0x2  }
0x6a: {  	v14 =	vld [tilespmem:s20+$0x640]  }
0x6b: {  	v15 =	vld [tilespmem:s20+$0x650]  }
0x6c: {  	v12 =	vld [tilespmem:s20+$0x660]  }
0x6d: {  	v13 =	vld [tilespmem:s20+$0x670]  }
0x6e: {  	v10 =	vld [tilespmem:s20+$0x680]  }
0x6f: {  	v11 =	vld [tilespmem:s20+$0x690]  }
0x70: {  	v8 =	vld [tilespmem:s20+$0x6A0]  }
0x71: {  	v9 =	vld [tilespmem:s20+$0x6B0]  }
0x72: {  	v6 =	vld [tilespmem:s20+$0x6C0]  }
0x73: {  	v7 =	vld [tilespmem:s20+$0x6D0]  }
0x74: {  	v4 =	vld [tilespmem:s20+$0x6E0]  }
0x75: {  	v5 =	vld [tilespmem:s20+$0x6F0]  }
0x76: {  	v2 =	vld [tilespmem:s20+$0x700]  }
0x77: {  	v3 =	vld [tilespmem:s20+$0x710]  }
0x78: {  	v0 =	vld [tilespmem:s20+$0x720]  }
0x79: {  	s19 =	sand.u32 $0x3FFFFC00, s19;
	v1 =	vld [tilespmem:s20+$0x730]  }
0x7a: {  	v16 =	vld [tilespmem:s19+$0x1640]  }
0x7b: {  	v17 =	vld [tilespmem:s19+$0x1650]  }
0x7c: {  	v18 =	vld [tilespmem:s19+$0x1660]  }
0x7d: {  	v19 =	vld [tilespmem:s19+$0x1670]  }
0x7e: {  	v20 =	vld [tilespmem:s19+$0x1680]  }
0x7f: {  	v21 =	vld [tilespmem:s19+$0x1690]  }
0x80: {  	v22 =	vld [tilespmem:s19+$0x16A0]  }
0x81: {  	v23 =	vld [tilespmem:s19+$0x16B0]  }
0x82: {  	v24 =	vld [tilespmem:s19+$0x16C0]  }
0x83: {  	v25 =	vld [tilespmem:s19+$0x16D0]  }
0x84: {  	v26 =	vld [tilespmem:s19+$0x16E0]  }
0x85: {  	v27 =	vld [tilespmem:s19+$0x16F0]  }
0x86: {  	v28 =	vld [tilespmem:s19+$0x1700]  }
0x87: {  	v29 =	vld [tilespmem:s19+$0x1710]  }
0x88: {  	v30 =	vld [tilespmem:s19+$0x1720]  }
0x89: {  	v31 =	vld [tilespmem:s19+$0x1730]  }
0x8a: {  	v32 =	vld [tilespmem:s19+$0x1740]  }
0x8b: {  	v33 =	vld [tilespmem:s19+$0x1750]  }
0x8c: {  	v34 =	vld [tilespmem:s19+$0x1760]  }
0x8d: {  	v35 =	vld [tilespmem:s19+$0x1770]  }
0x8e: {  	v36 =	vld [tilespmem:s19+$0x1780]  }
0x8f: {  	v37 =	vld [tilespmem:s19+$0x1790]  }
0x90: {  	v38 =	vld [tilespmem:s19+$0x17A0]  }
0x91: {  	v39 =	vld [tilespmem:s19+$0x17B0]  }
0x92: {  	v40 =	vld [tilespmem:s19+$0x17C0]  }
0x93: {  	v41 =	vld [tilespmem:s19+$0x17D0];
	v16 =	vmul.f32 v16, v14  }
0x94: {  	v42 =	vld [tilespmem:s19+$0x17E0];
	v17 =	vmul.f32 v17, v15;
	v18 =	vmul.f32 v18, v12  }
0x95: {  	v43 =	vld [tilespmem:s19+$0x17F0];
	v19 =	vmul.f32 v19, v13;
	v52 =	vmul.f32 v20, v14  }
0x96: {  	v46 =	vld [tilespmem:s19+$0x1870];
	v53 =	vmul.f32 v21, v15;
	v54 =	vmul.f32 v22, v12  }
0x97: {  	v49 =	vld [tilespmem:s19+$0x1880];
	v55 =	vmul.f32 v23, v13;
	v56 =	vmul.f32 v24, v14  }
0x98: {  	v50 =	vld [tilespmem:s19+$0x1890];
	v57 =	vmul.f32 v25, v15;
	v58 =	vmul.f32 v26, v12  }
0x99: {  	v21 =	vld [tilespmem:s19+$0x1810];
	v59 =	vmul.f32 v27, v13;
	v60 =	vmul.f32 v28, v14  }
0x9a: {  	v23 =	vld [tilespmem:s19+$0x1820];
	v61 =	vmul.f32 v29, v15;
	v62 =	vmul.f32 v30, v12  }
0x9b: {  	v25 =	vld [tilespmem:s19+$0x1830];
	v63 =	vmul.f32 v31, v13;
	v44 =	vmul.f32 v32, v10  }
0x9c: {  	v27 =	vld [tilespmem:s19+$0x1840];
	v45 =	vmul.f32 v33, v11;
	v47 =	vmul.f32 v34, v8  }
0x9d: {  	v29 =	vld [tilespmem:s19+$0x1850];
	v48 =	vmul.f32 v35, v9;
	v33 =	vmul.f32 v46, v5;
	v16 =	vadd.f32 v17, v16  }
0x9e: {  	v31 =	vld [tilespmem:s19+$0x1860];
	v49 =	vmul.f32 v49, v6;
	v51 =	vadd.f32 v19, v18;
	v19 =	vadd.f32 v53, v52  }
0x9f: {  	v30 =	vld [tilespmem:s19+$0x18A0];
	v28 =	vmul.f32 v50, v7;
	v17 =	vadd.f32 v55, v54;
	v20 =	vadd.f32 v57, v56  }
0xa0: {  	v34 =	vld [tilespmem:s19+$0x18B0];
	v22 =	vadd.f32 v59, v58;
	v24 =	vadd.f32 v61, v60;
	v52 =	vmul.f32 v37, v11  }
0xa1: {  	v50 =	vld [tilespmem:s19+$0x1950];
	v26 =	vadd.f32 v63, v62;
	v53 =	vmul.f32 v38, v8;
	v54 =	vmul.f32 v39, v9  }
0xa2: {  	v18 =	vld [tilespmem:s19+$0x1800];
	v55 =	vmul.f32 v40, v10;
	v56 =	vmul.f32 v41, v11;
	v16 =	vadd.f32 v51, v16  }
0xa3: {  	v37 =	vld [tilespmem:s19+$0x18C0];
	v58 =	vmul.f32 v42, v8;
	v17 =	vadd.f32 v17, v19;
	v20 =	vadd.f32 v22, v20  }
0xa4: {  	v57 =	vld [tilespmem:s19+$0x18D0];
	v59 =	vmul.f32 v43, v9;
	v19 =	vadd.f32 v45, v44;
	v22 =	vadd.f32 v48, v47  }
0xa5: {  	v60 =	vld [tilespmem:s19+$0x18E0];
	v24 =	vadd.f32 v26, v24;
	v51 =	vmul.f32 v36, v10;
	v32 =	vadd.f32 v56, v55  }
0xa6: {  	v61 =	vld [tilespmem:s19+$0x18F0];
	v36 =	vadd.f32 v59, v58;
	v21 =	vmul.f32 v21, v11;
	v23 =	vmul.f32 v23, v8  }
0xa7: {  	v40 =	vld [tilespmem:s19+$0x1900];
	v55 =	vadd.f32 v28, v49;
	v25 =	vmul.f32 v25, v9;
	v62 =	vmul.f32 v27, v6  }
0xa8: {  	v42 =	vld [tilespmem:s19+$0x1910];
	v63 =	vmul.f32 v29, v7;
	v31 =	vmul.f32 v31, v4;
	v19 =	vadd.f32 v22, v19  }
0xa9: {  	v43 =	vld [tilespmem:s19+$0x1920];
	v26 =	vadd.f32 v52, v51;
	v22 =	vadd.f32 v54, v53;
	v52 =	vmul.f32 v30, v4  }
0xaa: {  	v45 =	vld [tilespmem:s19+$0x1930];
	v32 =	vadd.f32 v36, v32;
	v53 =	vmul.f32 v34, v5;
	v18 =	vmul.f32 v18, v10  }
0xab: {  	v48 =	vld [tilespmem:s19+$0x1940];
	v44 =	vadd.f32 v25, v23;
	v56 =	vmul.f32 v37, v6;
	v57 =	vmul.f32 v57, v7  }
0xac: {  	v58 =	vld [tilespmem:s19+$0x1970];
	(xrf2) =	vadd.scan.msk.f32 $0xffff, v16;
	v46 =	vadd.f32 v63, v62;
	v60 =	vmul.f32 v60, v4;
	v61 =	vmul.f32 v61, v5  }
0xad: {  	v54 =	vld [tilespmem:s19+$0x1960];
	v47 =	vadd.f32 v33, v31;
	(xrf2) =	vadd.scan.msk.f32 $0xffff, v17;
	v62 =	vmul.f32 v40, v6;
	v63 =	vmul.f32 v42, v7  }
0xae: {  	v35 =	vmul.f32 v43, v4;
	v22 =	vadd.f32 v22, v26;
	(xrf2) =	vadd.scan.msk.f32 $0xffff, v20;
	v59 =	vadd.f32 v53, v52  }
0xaf: {  	v37 =	vmul.f32 v50, v3;
	v18 =	vadd.f32 v21, v18;
	v51 =	vadd.f32 v47, v46;
	(xrf2) =	vadd.scan.msk.f32 $0xffff, v24  }
0xb0: {  	v21 =	vadd.f32 v57, v56;
	v34 =	vadd.f32 v61, v60;
	v23 =	vmul.f32 v45, v5;
	(xrf2) =	vadd.scan.msk.f32 $0xffff, v19  }
0xb1: {  	v36 =	vmul.f32 v48, v2;
	v39 =	vmul.f32 v58, v1;
	v18 =	vadd.f32 v44, v18;
	(xrf2) =	vadd.scan.msk.f32 $0xffff, v22  }
0xb2: {  	v40 =	vadd.f32 v63, v62;
	v17 =	vadd.f32 v59, v55;
	v38 =	vmul.f32 v54, v0;
	(xrf2) =	vadd.scan.msk.f32 $0xffff, v32  }
0xb3: {  	v19 =	vadd.f32 v34, v21;
	v23 =	vadd.f32 v23, v35;
	(xrf2) =	vadd.scan.msk.f32 $0xffff, v18  }
0xb4: {  	v41 =	vadd.f32 v37, v36;
	v42 =	vadd.f32 v39, v38;
	(xrf2) =	vadd.scan.msk.f32 $0xffff, v51  }
0xb5: {  	v49 =	vld [tilespmem:s19+$0x19B0];
	v43 =	vadd.f32 v23, v40;
	(xrf2) =	vadd.scan.msk.f32 $0xffff, v17  }
0xb6: {  	v47 =	vld [tilespmem:s19+$0x19A0];
	v16 =	vadd.f32 v42, v41;
	v21, _, _ =	vpop (xrf2);
	(xrf2) =	vadd.scan.msk.f32 $0xffff, v19  }
0xb7: {  	v44 =	vld [tilespmem:s19+$0x1980];
	v46, _, _ =	vpop (xrf2);
	(xrf2) =	vadd.scan.msk.f32 $0xffff, v43  }
0xb8: {  	v45 =	vld [tilespmem:s19+$0x1990];
	v48, _, _ =	vpop (xrf2);
	(xrf2) =	vadd.scan.msk.f32 $0xffff, v16  }
0xb9: {  	v50, _, _ =	vpop (xrf2)  }
0xba: {  	v51, _, _ =	vpop (xrf2)  }
0xbb: {  	v52, _, _ =	vpop (xrf2)  }
0xbc: {  	v17 =	vmul.f32 v47, v0;
	v18 =	vmul.f32 v44, v2;
	v53, _, _ =	vpop (xrf2)  }
0xbd: {  	v19 =	vmul.f32 v45, v3;
	v16 =	vmul.f32 v49, v1;
	v54, _, _ =	vpop (xrf2)  }
0xbe: {  	v55, _, _ =	vpop (xrf2)  }
0xbf: {  	v18 =	vadd.f32 v19, v18;
	v16 =	vadd.f32 v16, v17;
	v56, _, _ =	vpop (xrf2)  }
0xc0: {  	v17, _, _ =	vpop (xrf2)  }
0xc1: {  	v16 =	vadd.f32 v16, v18;
	v19, _, _ =	vpop (xrf2)  }
0xc2: {  	v57, _, _ =	vpop (xrf2)  }
0xc3: {  	(xrf2) =	vadd.scan.msk.f32 $0xffff, v16  }
0xc4: {  	v16 =	vld [tilespmem:s19+$0x19C0]  }
0xc5: {  	v58 =	vld [tilespmem:s19+$0x19D0]  }
0xc6: {  	v59 =	vld [tilespmem:s19+$0x19E0]  }
0xc7: {  	v60 =	vld [tilespmem:s19+$0x19F0]  }
0xc8: {  	v61 =	vld [tilespmem:s19+$0x1A00]  }
0xc9: {  	v62 =	vld [tilespmem:s19+$0x1A10]  }
0xca: {  	v63 =	vld [tilespmem:s19+$0x1A20]  }
0xcb: {  	v40 =	vld [tilespmem:s19+$0x1A30]  }
0xcc: {  	v16 =	vmul.f32 v16, v2;
	v30 =	vmul.f32 v58, v3  }
0xcd: {  	v31 =	vmul.f32 v59, v0;
	v32 =	vmul.f32 v60, v1  }
0xce: {  	v42 =	vmul.f32 v61, v2  }
0xcf: {  	v43 =	vmul.f32 v62, v3;
	v16 =	vadd.f32 v30, v16;
	v41 =	vadd.f32 v32, v31  }
0xd0: {  	v44 =	vmul.f32 v63, v0;
	v45 =	vmul.f32 v40, v1  }
0xd1: {  	v21 =	vbroadcast v21, $0xF;
	v20 =	vbroadcast v46, $0xF;
	v16 =	vadd.f32 v41, v16  }
0xd2: {  	v22 =	vbroadcast v48, $0xF;
	v46 =	vadd.f32 v43, v42;
	v47 =	vadd.f32 v45, v44  }
0xd3: {  	v20 =	vsel vm0, v21, v20;
	v48 =	vbroadcast v50, $0xF;
	(xrf2) =	vadd.scan.msk.f32 $0xffff, v16  }
0xd4: {  	v49 =	vsel vm1, v20, v22;
	v50 =	vbroadcast v51, $0xF;
	v51 =	vadd.f32 v47, v46  }
0xd5: {  	v52 =	vbroadcast v52, $0xF;
	v16 =	vsel vm2, v49, v48  }
0xd6: {  	v53 =	vbroadcast v53, $0xF;
	v16 =	vsel vm3, v16, v50;
	(xrf2) =	vadd.scan.msk.f32 $0xffff, v51  }
0xd7: {  	v54 =	vbroadcast v54, $0xF;
	v16 =	vsel vm4, v16, v52  }
0xd8: {  	v55 =	vbroadcast v55, $0xF;
	v16 =	vsel vm5, v16, v53  }
0xd9: {  	v56 =	vbroadcast v56, $0xF;
	v16 =	vsel vm6, v16, v54  }
0xda: {  	v17 =	vbroadcast v17, $0xF;
	v16 =	vsel vm7, v16, v55  }
0xdb: {  	v19 =	vbroadcast v19, $0xF;
	v16 =	vsel vm8, v16, v56  }
0xdc: {  	v57 =	vbroadcast v57, $0xF;
	v58, _, _ =	vpop (xrf2);
	v16 =	vsel vm9, v16, v17  }
0xdd: {  	v18 =	vbroadcast v58, $0xF;
	v16 =	vsel vm10, v16, v19;
	v59, _, _ =	vpop (xrf2)  }
0xde: {  	s20 =	sshll.u32 s18, $0x2;
	v16 =	vsel vm11, v16, v57;
	v60 =	vbroadcast v59, $0xF  }
0xdf: {  	s20 =	sadd.s32 s17, s20;
	v16 =	vsel vm12, v16, v18  }
0xe0: {  	s21 =	smul.u32 $0x5000, s18;
	s19 =	sshll.u32 s20, $0x2;
	v61, _, _ =	vpop (xrf2);
	v16 =	vsel vm13, v16, v60  }
0xe1: {  	s19 =	sand.u32 $0x3FFFFFFC, s19;
	v16 =	vsel vm14, v16, v61  }
0xe2: {  	s21 =	sshra.s32 s21, $0x2;
	[tilespmem:s19+$0x19640] =	vst v16  }
0xe3: {  	v16 =	vld [tilespmem:s21+$0x5640]  }
0xe4: {  	v17 =	vld [tilespmem:s21+$0x5650]  }
0xe5: {  	v18 =	vld [tilespmem:s21+$0x5660]  }
0xe6: {  	v19 =	vld [tilespmem:s21+$0x5670]  }
0xe7: {  	v62 =	vld [tilespmem:s21+$0x5680]  }
0xe8: {  	v63 =	vld [tilespmem:s21+$0x5690]  }
0xe9: {  	v22 =	vld [tilespmem:s21+$0x56A0]  }
0xea: {  	v23 =	vld [tilespmem:s21+$0x56B0]  }
0xeb: {  	v48 =	vld [tilespmem:s21+$0x56C0]  }
0xec: {  	v49 =	vld [tilespmem:s21+$0x56D0]  }
0xed: {  	v50 =	vld [tilespmem:s21+$0x56E0]  }
0xee: {  	v51 =	vld [tilespmem:s21+$0x56F0]  }
0xef: {  	v52 =	vld [tilespmem:s21+$0x5700]  }
0xf0: {  	v53 =	vld [tilespmem:s21+$0x5710]  }
0xf1: {  	v54 =	vld [tilespmem:s21+$0x5720]  }
0xf2: {  	v55 =	vld [tilespmem:s21+$0x5730]  }
0xf3: {  	v56 =	vld [tilespmem:s21+$0x5740]  }
0xf4: {  	v57 =	vld [tilespmem:s21+$0x5750]  }
0xf5: {  	v58 =	vld [tilespmem:s21+$0x5760]  }
0xf6: {  	v59 =	vld [tilespmem:s21+$0x5770]  }
0xf7: {  	v60 =	vld [tilespmem:s21+$0x5780]  }
0xf8: {  	v61 =	vld [tilespmem:s21+$0x5790]  }
0xf9: {  	v38 =	vld [tilespmem:s21+$0x57A0]  }
0xfa: {  	v39 =	vld [tilespmem:s21+$0x57B0]  }
0xfb: {  	v40 =	vld [tilespmem:s21+$0x57C0]  }
0xfc: {  	v41 =	vld [tilespmem:s21+$0x57D0]  }
0xfd: {  	v42 =	vld [tilespmem:s21+$0x57E0]  }
0xfe: {  	v43 =	vld [tilespmem:s21+$0x57F0]  }
0xff: {  	v44 =	vld [tilespmem:s21+$0x5800];
	v16 =	vmul.f32 v16, v14  }
0x100: {  	v45 =	vld [tilespmem:s21+$0x5810];
	v17 =	vmul.f32 v17, v15;
	v18 =	vmul.f32 v18, v12  }
0x101: {  	v46 =	vld [tilespmem:s21+$0x5820];
	v19 =	vmul.f32 v19, v13;
	v62 =	vmul.f32 v62, v14  }
0x102: {  	v21 =	vld [tilespmem:s21+$0x5840];
	v63 =	vmul.f32 v63, v15;
	v22 =	vmul.f32 v22, v12  }
0x103: {  	v47 =	vld [tilespmem:s21+$0x5850];
	v23 =	vmul.f32 v23, v13;
	v48 =	vmul.f32 v48, v14  }
0x104: {  	v25 =	vld [tilespmem:s21+$0x5860];
	v49 =	vmul.f32 v49, v15;
	v50 =	vmul.f32 v50, v12  }
0x105: {  	v27 =	vld [tilespmem:s21+$0x5870];
	v51 =	vmul.f32 v51, v13;
	v52 =	vmul.f32 v52, v14  }
0x106: {  	v28 =	vld [tilespmem:s21+$0x5890];
	v53 =	vmul.f32 v53, v15;
	v54 =	vmul.f32 v54, v12  }
0x107: {  	v30 =	vld [tilespmem:s21+$0x58A0];
	v55 =	vmul.f32 v55, v13;
	v56 =	vmul.f32 v56, v14  }
0x108: {  	v32 =	vld [tilespmem:s21+$0x58B0];
	v57 =	vmul.f32 v57, v15;
	v58 =	vmul.f32 v58, v12  }
0x109: {  	v29 =	vld [tilespmem:s21+$0x58D0];
	v59 =	vmul.f32 v59, v13;
	v60 =	vmul.f32 v60, v14  }
0x10a: {  	v34 =	vld [tilespmem:s21+$0x58C0];
	v61 =	vmul.f32 v61, v15;
	v21 =	vmul.f32 v21, v14  }
0x10b: {  	v35 =	vld [tilespmem:s21+$0x58E0];
	v25 =	vmul.f32 v25, v12;
	v27 =	vmul.f32 v27, v13  }
0x10c: {  	v37 =	vld [tilespmem:s21+$0x58F0];
	v30 =	vmul.f32 v30, v12;
	v16 =	vadd.f32 v17, v16;
	v18 =	vadd.f32 v19, v18  }
0x10d: {  	v36 =	vld [tilespmem:s21+$0x5920];
	v32 =	vmul.f32 v32, v13;
	v19 =	vadd.f32 v63, v62;
	v22 =	vadd.f32 v23, v22  }
0x10e: {  	v29 =	vmul.f32 v29, v15;
	v17 =	vld [tilespmem:s21+$0x5830];
	v20 =	vadd.f32 v51, v50;
	v24 =	vadd.f32 v53, v52  }
0x10f: {  	v23 =	vld [tilespmem:s21+$0x5880];
	v26 =	vadd.f32 v59, v58;
	v62 =	vmul.f32 v38, v12;
	v63 =	vmul.f32 v39, v13  }
0x110: {  	v50 =	vld [tilespmem:s21+$0x5900];
	v31 =	vadd.f32 v61, v60;
	v51 =	vmul.f32 v42, v12;
	v25 =	vadd.f32 v27, v25  }
0x111: {  	v52 =	vmul.f32 v43, v13;
	v53 =	vld [tilespmem:s21+$0x5910];
	v30 =	vadd.f32 v32, v30;
	v16 =	vadd.f32 v18, v16  }
0x112: {  	v58 =	vld [tilespmem:s21+$0x5940];
	v59 =	vmul.f32 v47, v15;
	v18 =	vadd.f32 v49, v48;
	v19 =	vadd.f32 v22, v19  }
0x113: {  	v60 =	vld [tilespmem:s21+$0x5950];
	v22 =	vadd.f32 v55, v54;
	v48 =	vmul.f32 v40, v14;
	v49 =	vmul.f32 v41, v15  }
0x114: {  	v61 =	vld [tilespmem:s21+$0x5960];
	v33 =	vadd.f32 v52, v51;
	v54 =	vmul.f32 v44, v14;
	v55 =	vmul.f32 v45, v15  }
0x115: {  	v47 =	vld [tilespmem:s21+$0x59B0];
	v21 =	vadd.f32 v59, v21;
	v45 =	vmul.f32 v35, v12;
	v18 =	vadd.f32 v20, v18  }
0x116: {  	v39 =	vld [tilespmem:s21+$0x5A10];
	v20 =	vadd.f32 v57, v56;
	v22 =	vadd.f32 v22, v24;
	v57 =	vmul.f32 v46, v12  }
0x117: {  	v52 =	vld [tilespmem:s21+$0x59D0];
	v24 =	vadd.f32 v63, v62;
	v62 =	vmul.f32 v28, v15;
	v63 =	vmul.f32 v34, v14  }
0x118: {  	v59 =	vld [tilespmem:s21+$0x59F0];
	v38 =	vadd.f32 v55, v54;
	v46 =	vmul.f32 v37, v13;
	v54 =	vmul.f32 v36, v12  }
0x119: {  	v56 =	vld [tilespmem:s21+$0x5930];
	v21 =	vadd.f32 v25, v21;
	v17 =	vmul.f32 v17, v13;
	v23 =	vmul.f32 v23, v14  }
0x11a: {  	v28 =	vld [tilespmem:s21+$0x5980];
	(xrf2) =	vadd.scan.msk.f32 $0xffff, v16;
	v50 =	vmul.f32 v50, v14;
	v51 =	vmul.f32 v53, v15;
	v20 =	vadd.f32 v26, v20  }
0x11b: {  	v34 =	vld [tilespmem:s21+$0x59A0];
	(xrf2) =	vadd.scan.msk.f32 $0xffff, v19;
	v61 =	vmul.f32 v61, v12;
	v26 =	vadd.f32 v49, v48;
	v24 =	vadd.f32 v24, v31  }
0x11c: {  	v31 =	vld [tilespmem:s21+$0x5970];
	v25 =	vadd.f32 v29, v63;
	v49 =	vadd.f32 v46, v45;
	v45 =	vmul.f32 v47, v13  }
0x11d: {  	v48 =	vld [tilespmem:s21+$0x59C0];
	(xrf2) =	vadd.scan.msk.f32 $0xffff, v18;
	v17 =	vadd.f32 v17, v57;
	v23 =	vadd.f32 v62, v23;
	v57 =	vmul.f32 v58, v14  }
0x11e: {  	v58 =	vmul.f32 v60, v15;
	(xrf2) =	vadd.scan.msk.f32 $0xffff, v22;
	v60 =	vadd.f32 v51, v50;
	v26 =	vadd.f32 v33, v26;
	v33 =	vld [tilespmem:s21+$0x5990]  }
0x11f: {  	v16 =	vadd.f32 v49, v25;
	(xrf2) =	vadd.scan.msk.f32 $0xffff, v20;
	v49 =	vmul.f32 v52, v15;
	v55 =	vmul.f32 v56, v13;
	v56 =	vld [tilespmem:s21+$0x59E0]  }
0x120: {  	v43 =	vld [tilespmem:s21+$0x5A20];
	v52 =	vmul.f32 v59, v13;
	v17 =	vadd.f32 v17, v38;
	v53 =	vadd.f32 v30, v23;
	(xrf2) =	vadd.scan.msk.f32 $0xffff, v24  }
0x121: {  	v46 =	vld [tilespmem:s21+$0x5A30];
	v18 =	vadd.f32 v58, v57;
	v41 =	vmul.f32 v28, v14;
	(xrf2) =	vadd.scan.msk.f32 $0xffff, v26;
	v31 =	vmul.f32 v31, v13  }
0x122: {  	v62 =	vld [tilespmem:s21+$0x5A00];
	v44 =	vmul.f32 v34, v12;
	v23 =	vmul.f32 v39, v15;
	v63 =	vadd.f32 v55, v54;
	(xrf2) =	vadd.scan.msk.f32 $0xffff, v17  }
0x123: {  	v48 =	vmul.f32 v48, v14;
	(xrf2) =	vadd.scan.msk.f32 $0xffff, v21;
	v40 =	vadd.f32 v31, v61;
	v42 =	vmul.f32 v33, v15  }
0x124: {  	v20 =	vadd.f32 v63, v60;
	(xrf2) =	vadd.scan.msk.f32 $0xffff, v53;
	v53 =	vadd.f32 v45, v44;
	v51 =	vmul.f32 v56, v12;
	v54, _, _ =	vpop (xrf2)  }
0x125: {  	v58 =	vmul.f32 v43, v12;
	v47 =	vadd.f32 v40, v18;
	v50 =	vadd.f32 v42, v41;
	v57, _, _ =	vpop (xrf2)  }
0x126: {  	(xrf2) =	vadd.scan.msk.f32 $0xffff, v16;
	v18 =	vadd.f32 v49, v48;
	v55 =	vadd.f32 v52, v51;
	v25 =	vbroadcast v57, $0xF  }
0x127: {  	v59 =	vmul.f32 v46, v13;
	v56 =	vmul.f32 v62, v14;
	(xrf2) =	vadd.scan.msk.f32 $0xffff, v20;
	v19 =	vadd.f32 v53, v50  }
0x128: {  	v22 =	vbroadcast v54, $0xF;
	v60, _, _ =	vpop (xrf2);
	(xrf2) =	vadd.scan.msk.f32 $0xffff, v47;
	v16 =	vadd.f32 v55, v18  }
0x129: {  	v20 =	vadd.f32 v59, v58;
	v63 =	vadd.f32 v23, v56;
	v61 =	vbroadcast v60, $0xF;
	v62, _, _ =	vpop (xrf2);
	(xrf2) =	vadd.scan.msk.f32 $0xffff, v19  }
0x12a: {  	v24 =	vsel vm0, v22, v25;
	v18 =	vbroadcast v62, $0xF;
	v25, _, _ =	vpop (xrf2);
	(xrf2) =	vadd.scan.msk.f32 $0xffff, v16  }
0x12b: {  	v26 =	vsel vm1, v24, v61;
	v19 =	vadd.f32 v20, v63;
	v27 =	vbroadcast v25, $0xF;
	v28, _, _ =	vpop (xrf2)  }
0x12c: {  	v16 =	vsel vm2, v26, v18;
	v29 =	vbroadcast v28, $0xF;
	v30, _, _ =	vpop (xrf2)  }
0x12d: {  	(xrf2) =	vadd.scan.msk.f32 $0xffff, v19;
	v16 =	vsel vm3, v16, v27;
	v31 =	vbroadcast v30, $0xF;
	v32, _, _ =	vpop (xrf2)  }
0x12e: {  	v16 =	vsel vm4, v16, v29;
	v33 =	vbroadcast v32, $0xF;
	v34, _, _ =	vpop (xrf2)  }
0x12f: {  	v16 =	vsel vm5, v16, v31;
	v35 =	vbroadcast v34, $0xF;
	v36, _, _ =	vpop (xrf2)  }
0x130: {  	v16 =	vsel vm6, v16, v33;
	v37 =	vbroadcast v36, $0xF;
	v38, _, _ =	vpop (xrf2)  }
0x131: {  	v16 =	vsel vm7, v16, v35;
	v39 =	vbroadcast v38, $0xF;
	v40, _, _ =	vpop (xrf2)  }
0x132: {  	v16 =	vsel vm8, v16, v37;
	v41 =	vbroadcast v40, $0xF;
	v42, _, _ =	vpop (xrf2)  }
0x133: {  	v16 =	vsel vm9, v16, v39;
	v43 =	vbroadcast v42, $0xF;
	v44, _, _ =	vpop (xrf2)  }
0x134: {  	v16 =	vsel vm10, v16, v41;
	v45 =	vbroadcast v44, $0xF;
	v46, _, _ =	vpop (xrf2)  }
0x135: {  	v16 =	vsel vm11, v16, v43;
	v47 =	vbroadcast v46, $0xF  }
0x136: {  	s20 =	smul.u32 $0x50, s20;
	v16 =	vsel vm12, v16, v45  }
0x137: {  	v48, _, _ =	vpop (xrf2);
	v16 =	vsel vm13, v16, v47  }
0x138: {  	s20 =	sshra.s32 s20, $0x2;
	v16 =	vsel vm14, v16, v48  }
0x139: {  	[tilespmem:s20+$0x19E40] =	vst v16  }
0x13a: {  	v16 =	vld [tilespmem:s21+$0x5A40]  }
0x13b: {  	v17 =	vld [tilespmem:s21+$0x5A50]  }
0x13c: {  	v18 =	vld [tilespmem:s21+$0x5A60]  }
0x13d: {  	v19 =	vld [tilespmem:s21+$0x5A70]  }
0x13e: {  	v49 =	vld [tilespmem:s21+$0x5A80]  }
0x13f: {  	v50 =	vld [tilespmem:s21+$0x5A90]  }
0x140: {  	v22 =	vld [tilespmem:s21+$0x5AA0]  }
0x141: {  	v23 =	vld [tilespmem:s21+$0x5AB0]  }
0x142: {  	v51 =	vld [tilespmem:s21+$0x5AC0]  }
0x143: {  	v52 =	vld [tilespmem:s21+$0x5AD0]  }
0x144: {  	v53 =	vld [tilespmem:s21+$0x5AE0]  }
0x145: {  	v54 =	vld [tilespmem:s21+$0x5AF0]  }
0x146: {  	v28 =	vld [tilespmem:s21+$0x5B00]  }
0x147: {  	v29 =	vld [tilespmem:s21+$0x5B10]  }
0x148: {  	v55 =	vld [tilespmem:s21+$0x5B20]  }
0x149: {  	v56 =	vld [tilespmem:s21+$0x5B30]  }
0x14a: {  	v57 =	vld [tilespmem:s21+$0x5B40]  }
0x14b: {  	v58 =	vld [tilespmem:s21+$0x5B50]  }
0x14c: {  	v59 =	vld [tilespmem:s21+$0x5B60]  }
0x14d: {  	v60 =	vld [tilespmem:s21+$0x5B70]  }
0x14e: {  	v61 =	vld [tilespmem:s21+$0x5B80]  }
0x14f: {  	v62 =	vld [tilespmem:s21+$0x5B90]  }
0x150: {  	v63 =	vld [tilespmem:s21+$0x5BA0]  }
0x151: {  	v48 =	vld [tilespmem:s21+$0x5BB0]  }
0x152: {  	v40 =	vld [tilespmem:s21+$0x5BC0]  }
0x153: {  	v41 =	vld [tilespmem:s21+$0x5BD0]  }
0x154: {  	v42 =	vld [tilespmem:s21+$0x5BE0]  }
0x155: {  	v43 =	vld [tilespmem:s21+$0x5BF0]  }
0x156: {  	v44 =	vld [tilespmem:s21+$0x5C00]  }
0x157: {  	v45 =	vld [tilespmem:s21+$0x5C10];
	v16 =	vmul.f32 v16, v14;
	v17 =	vmul.f32 v17, v15  }
0x158: {  	v46 =	vld [tilespmem:s21+$0x5C20];
	v18 =	vmul.f32 v18, v12;
	v19 =	vmul.f32 v19, v13  }
0x159: {  	v21 =	vld [tilespmem:s21+$0x5C40];
	v49 =	vmul.f32 v49, v14;
	v50 =	vmul.f32 v50, v15  }
0x15a: {  	v47 =	vld [tilespmem:s21+$0x5C50];
	v22 =	vmul.f32 v22, v12;
	v23 =	vmul.f32 v23, v13  }
0x15b: {  	v25 =	vld [tilespmem:s21+$0x5C60];
	v51 =	vmul.f32 v51, v14;
	v52 =	vmul.f32 v52, v15  }
0x15c: {  	v27 =	vld [tilespmem:s21+$0x5C70];
	v53 =	vmul.f32 v53, v12;
	v54 =	vmul.f32 v54, v13  }
0x15d: {  	v24 =	vld [tilespmem:s21+$0x5C90];
	v14 =	vmul.f32 v28, v14;
	v15 =	vmul.f32 v29, v15  }
0x15e: {  	v30 =	vld [tilespmem:s21+$0x5CC0];
	v12 =	vmul.f32 v55, v12;
	v13 =	vmul.f32 v56, v13  }
0x15f: {  	v31 =	vld [tilespmem:s21+$0x5CE0];
	v55 =	vmul.f32 v57, v10;
	v56 =	vmul.f32 v58, v11  }
0x160: {  	v36 =	vld [tilespmem:s21+$0x5E10];
	v57 =	vmul.f32 v59, v8;
	v58 =	vmul.f32 v60, v9  }
0x161: {  	v28 =	vld [tilespmem:s21+$0x5CB0];
	v60 =	vmul.f32 v61, v10;
	v61 =	vmul.f32 v62, v11  }
0x162: {  	v62 =	vmul.f32 v63, v8;
	v63 =	vmul.f32 v48, v9;
	v48 =	vld [tilespmem:s21+$0x5CF0]  }
0x163: {  	v21 =	vmul.f32 v21, v10;
	v16 =	vadd.f32 v17, v16;
	v17 =	vld [tilespmem:s21+$0x5C30];
	v18 =	vadd.f32 v19, v18  }
0x164: {  	v25 =	vmul.f32 v25, v8;
	v19 =	vadd.f32 v50, v49;
	v22 =	vadd.f32 v23, v22;
	v23 =	vld [tilespmem:s21+$0x5C80]  }
0x165: {  	v27 =	vmul.f32 v27, v9;
	v20 =	vadd.f32 v54, v53;
	v14 =	vadd.f32 v15, v14;
	v54 =	vld [tilespmem:s21+$0x5D10]  }
0x166: {  	v24 =	vmul.f32 v24, v11;
	v12 =	vadd.f32 v13, v12;
	v59 =	vadd.f32 v56, v55;
	v55 =	vld [tilespmem:s21+$0x5D20]  }
0x167: {  	v15 =	vadd.f32 v58, v57;
	v49 =	vmul.f32 v40, v10;
	v50 =	vmul.f32 v41, v11;
	v58 =	vld [tilespmem:s21+$0x5D30]  }
0x168: {  	v26 =	vadd.f32 v61, v60;
	v53 =	vmul.f32 v43, v9;
	v56 =	vmul.f32 v44, v10;
	v60 =	vld [tilespmem:s21+$0x5D40]  }
0x169: {  	v57 =	vmul.f32 v45, v11;
	v41 =	vld [tilespmem:s21+$0x5D70];
	v25 =	vadd.f32 v27, v25;
	v16 =	vadd.f32 v18, v16  }
0x16a: {  	v61 =	vmul.f32 v47, v11;
	v43 =	vld [tilespmem:s21+$0x5D90];
	v18 =	vadd.f32 v52, v51;
	v19 =	vadd.f32 v22, v19  }
0x16b: {  	v44 =	vmul.f32 v30, v10;
	v45 =	vld [tilespmem:s21+$0x5DA0];
	v12 =	vadd.f32 v12, v14;
	v13 =	vadd.f32 v15, v59  }
0x16c: {  	v22 =	vld [tilespmem:s21+$0x5CA0];
	v52 =	vmul.f32 v42, v8;
	v14 =	vadd.f32 v63, v62;
	v15 =	vadd.f32 v50, v49  }
0x16d: {  	v51 =	vld [tilespmem:s21+$0x5D00];
	v59 =	vmul.f32 v46, v8;
	v34 =	vadd.f32 v57, v56;
	v46 =	vmul.f32 v31, v8  }
0x16e: {  	v62 =	vld [tilespmem:s21+$0x5D50];
	v21 =	vadd.f32 v61, v21;
	v28 =	vmul.f32 v28, v9;
	v47 =	vmul.f32 v48, v9  }
0x16f: {  	v63 =	vld [tilespmem:s21+$0x5D60];
	v18 =	vadd.f32 v20, v18;
	v29 =	vadd.f32 v53, v52;
	v17 =	vmul.f32 v17, v9  }
0x170: {  	v42 =	vld [tilespmem:s21+$0x5D80];
	v14 =	vadd.f32 v14, v26;
	v23 =	vmul.f32 v23, v10;
	v52 =	vmul.f32 v54, v11  }
0x171: {  	v57 =	vld [tilespmem:s21+$0x5DE0];
	v21 =	vadd.f32 v25, v21;
	v55 =	vmul.f32 v55, v8;
	v56 =	vmul.f32 v58, v9  }
0x172: {  	v20 =	vld [tilespmem:s21+$0x5CD0];
	v50 =	vadd.f32 v47, v46;
	v58 =	vmul.f32 v60, v10;
	v26 =	vmul.f32 v41, v9  }
0x173: {  	v48 =	vld [tilespmem:s21+$0x5DB0];
	(xrf2) =	vadd.scan.msk.f32 $0xffff, v16;
	v39 =	vmul.f32 v43, v11;
	v41 =	vmul.f32 v45, v8;
	v15 =	vadd.f32 v29, v15  }
0x174: {  	v53 =	vld [tilespmem:s21+$0x5DD0];
	(xrf2) =	vadd.scan.msk.f32 $0xffff, v19;
	v17 =	vadd.f32 v17, v59;
	v22 =	vmul.f32 v22, v8;
	v51 =	vmul.f32 v51, v10  }
0x175: {  	v60 =	vld [tilespmem:s21+$0x5DF0];
	(xrf2) =	vadd.scan.msk.f32 $0xffff, v18;
	v23 =	vadd.f32 v24, v23;
	v59 =	vmul.f32 v62, v11;
	v62 =	vmul.f32 v63, v8  }
0x176: {  	v49 =	vld [tilespmem:s21+$0x5DC0];
	(xrf2) =	vadd.scan.msk.f32 $0xffff, v12;
	v35 =	vadd.f32 v56, v55;
	v38 =	vmul.f32 v42, v10;
	v47 =	vmul.f32 v57, v8  }
0x177: {  	v40 =	vld [tilespmem:s21+$0x5E20];
	(xrf2) =	vadd.scan.msk.f32 $0xffff, v13;
	v17 =	vadd.f32 v17, v34;
	v20 =	vmul.f32 v20, v11;
	v22 =	vadd.f32 v28, v22  }
0x178: {  	v43 =	vld [tilespmem:s21+$0x5E30];
	v42 =	vmul.f32 v48, v9;
	v61 =	vadd.f32 v52, v51;
	v18 =	vadd.f32 v59, v58;
	(xrf2) =	vadd.scan.msk.f32 $0xffff, v14  }
0x179: {  	v63 =	vld [tilespmem:s21+$0x5E00];
	v37 =	vadd.f32 v26, v62;
	v45 =	vmul.f32 v53, v11;
	(xrf2) =	vadd.scan.msk.f32 $0xffff, v15;
	v20 =	vadd.f32 v20, v44  }
0x17a: {  	v46 =	vadd.f32 v39, v38;
	v48 =	vmul.f32 v60, v9;
	v54 =	vadd.f32 v22, v23;
	(xrf2) =	vadd.scan.msk.f32 $0xffff, v17  }
0x17b: {  	v13 =	vadd.f32 v42, v41;
	v44 =	vmul.f32 v49, v10;
	(xrf2) =	vadd.scan.msk.f32 $0xffff, v21;
	v16 =	vadd.f32 v50, v20  }
0x17c: {  	v56 =	vmul.f32 v40, v8;
	v12 =	vadd.f32 v35, v61;
	v14 =	vadd.f32 v37, v18;
	(xrf2) =	vadd.scan.msk.f32 $0xffff, v54  }
0x17d: {  	v53 =	vmul.f32 v36, v11;
	v51 =	vadd.f32 v48, v47;
	v49 =	vadd.f32 v45, v44;
	v50, _, _ =	vpop (xrf2);
	(xrf2) =	vadd.scan.msk.f32 $0xffff, v16  }
0x17e: {  	v57 =	vmul.f32 v43, v9;
	v52 =	vmul.f32 v63, v10;
	v55 =	vadd.f32 v13, v46;
	v54, _, _ =	vpop (xrf2);
	(xrf2) =	vadd.scan.msk.f32 $0xffff, v12  }
0x17f: {  	v17 =	vbroadcast v50, $0xF;
	v59 =	vadd.f32 v51, v49;
	v20 =	vbroadcast v54, $0xF;
	v58, _, _ =	vpop (xrf2);
	(xrf2) =	vadd.scan.msk.f32 $0xffff, v14  }
0x180: {  	v13 =	vadd.f32 v57, v56;
	v62 =	vadd.f32 v53, v52;
	v60 =	vbroadcast v58, $0xF;
	v61, _, _ =	vpop (xrf2);
	(xrf2) =	vadd.scan.msk.f32 $0xffff, v55  }
0x181: {  	v17 =	vsel vm0, v17, v20;
	v16 =	vbroadcast v61, $0xF;
	v63, _, _ =	vpop (xrf2);
	(xrf2) =	vadd.scan.msk.f32 $0xffff, v59  }
0x182: {  	v12 =	vadd.f32 v13, v62;
	v20 =	vsel vm1, v17, v60;
	v21 =	vbroadcast v63, $0xF;
	v22, _, _ =	vpop (xrf2)  }
0x183: {  	v23 =	vsel vm2, v20, v16;
	v24 =	vbroadcast v22, $0xF;
	v25, _, _ =	vpop (xrf2)  }
0x184: {  	v13 =	vsel vm3, v23, v21;
	v26 =	vbroadcast v25, $0xF;
	v27, _, _ =	vpop (xrf2);
	(xrf2) =	vadd.scan.msk.f32 $0xffff, v12  }
0x185: {  	v28 =	vsel vm4, v13, v24;
	v29 =	vbroadcast v27, $0xF;
	v30, _, _ =	vpop (xrf2)  }
0x186: {  	v12 =	vsel vm5, v28, v26;
	v14 =	vbroadcast v30, $0xF;
	v31, _, _ =	vpop (xrf2)  }
0x187: {  	v12 =	vsel vm6, v12, v29;
	v32 =	vbroadcast v31, $0xF;
	v33, _, _ =	vpop (xrf2)  }
0x188: {  	v12 =	vsel vm7, v12, v14;
	v34 =	vbroadcast v33, $0xF;
	v35, _, _ =	vpop (xrf2)  }
0x189: {  	v12 =	vsel vm8, v12, v32;
	v36 =	vbroadcast v35, $0xF;
	v37, _, _ =	vpop (xrf2)  }
0x18a: {  	v12 =	vsel vm9, v12, v34;
	v38 =	vbroadcast v37, $0xF;
	v39, _, _ =	vpop (xrf2)  }
0x18b: {  	v12 =	vsel vm10, v12, v36;
	v40 =	vbroadcast v39, $0xF;
	v41, _, _ =	vpop (xrf2)  }
0x18c: {  	v12 =	vsel vm11, v12, v38;
	v42 =	vbroadcast v41, $0xF  }
0x18d: {  	v12 =	vsel vm12, v12, v40  }
0x18e: {  	v43, _, _ =	vpop (xrf2);
	v12 =	vsel vm13, v12, v42  }
0x18f: {  	v12 =	vsel vm14, v12, v43  }
0x190: {  	[tilespmem:s20+$0x19E50] =	vst v12  }
0x191: {  	v12 =	vld [tilespmem:s21+$0x5E40]  }
0x192: {  	v13 =	vld [tilespmem:s21+$0x5E50]  }
0x193: {  	v14 =	vld [tilespmem:s21+$0x5E60]  }
0x194: {  	v44 =	vld [tilespmem:s21+$0x5E70]  }
0x195: {  	v58 =	vld [tilespmem:s21+$0x5E80]  }
0x196: {  	v59 =	vld [tilespmem:s21+$0x5E90]  }
0x197: {  	v18 =	vld [tilespmem:s21+$0x5EA0]  }
0x198: {  	v19 =	vld [tilespmem:s21+$0x5EB0]  }
0x199: {  	v60 =	vld [tilespmem:s21+$0x5EC0]  }
0x19a: {  	v61 =	vld [tilespmem:s21+$0x5ED0]  }
0x19b: {  	v62 =	vld [tilespmem:s21+$0x5EE0]  }
0x19c: {  	v63 =	vld [tilespmem:s21+$0x5EF0]  }
0x19d: {  	v45 =	vld [tilespmem:s21+$0x5F00]  }
0x19e: {  	v46 =	vld [tilespmem:s21+$0x5F10]  }
0x19f: {  	v47 =	vld [tilespmem:s21+$0x5F20]  }
0x1a0: {  	v48 =	vld [tilespmem:s21+$0x5F30]  }
0x1a1: {  	v49 =	vld [tilespmem:s21+$0x5F40]  }
0x1a2: {  	v50 =	vld [tilespmem:s21+$0x5F50]  }
0x1a3: {  	v51 =	vld [tilespmem:s21+$0x5F60]  }
0x1a4: {  	v52 =	vld [tilespmem:s21+$0x5F70]  }
0x1a5: {  	v53 =	vld [tilespmem:s21+$0x5F80]  }
0x1a6: {  	v54 =	vld [tilespmem:s21+$0x5F90]  }
0x1a7: {  	v55 =	vld [tilespmem:s21+$0x5FA0]  }
0x1a8: {  	v56 =	vld [tilespmem:s21+$0x5FB0]  }
0x1a9: {  	v57 =	vld [tilespmem:s21+$0x5FC0]  }
0x1aa: {  	v37 =	vld [tilespmem:s21+$0x5FD0]  }
0x1ab: {  	v38 =	vld [tilespmem:s21+$0x5FE0]  }
0x1ac: {  	v39 =	vld [tilespmem:s21+$0x5FF0]  }
0x1ad: {  	v40 =	vld [tilespmem:s21+$0x6000];
	v12 =	vmul.f32 v12, v10  }
0x1ae: {  	v41 =	vld [tilespmem:s21+$0x6010];
	v13 =	vmul.f32 v13, v11;
	v14 =	vmul.f32 v14, v8  }
0x1af: {  	v42 =	vld [tilespmem:s21+$0x6020];
	v15 =	vmul.f32 v44, v9;
	v58 =	vmul.f32 v58, v10  }
0x1b0: {  	v17 =	vld [tilespmem:s21+$0x6040];
	v59 =	vmul.f32 v59, v11;
	v18 =	vmul.f32 v18, v8  }
0x1b1: {  	v43 =	vld [tilespmem:s21+$0x6050];
	v19 =	vmul.f32 v19, v9;
	v60 =	vmul.f32 v60, v10  }
0x1b2: {  	v21 =	vld [tilespmem:s21+$0x6060];
	v61 =	vmul.f32 v61, v11;
	v62 =	vmul.f32 v62, v8  }
0x1b3: {  	v23 =	vld [tilespmem:s21+$0x6070];
	v63 =	vmul.f32 v63, v9;
	v44 =	vmul.f32 v45, v10  }
0x1b4: {  	v24 =	vld [tilespmem:s21+$0x6090];
	v45 =	vmul.f32 v46, v11;
	v46 =	vmul.f32 v47, v8  }
0x1b5: {  	v26 =	vld [tilespmem:s21+$0x60A0];
	v47 =	vmul.f32 v48, v9;
	v48 =	vmul.f32 v49, v10  }
0x1b6: {  	v28 =	vld [tilespmem:s21+$0x60B0];
	v49 =	vmul.f32 v50, v11;
	v50 =	vmul.f32 v51, v8  }
0x1b7: {  	v30 =	vld [tilespmem:s21+$0x60C0];
	v51 =	vmul.f32 v52, v9;
	v52 =	vmul.f32 v53, v10  }
0x1b8: {  	v25 =	vld [tilespmem:s21+$0x60D0];
	v53 =	vmul.f32 v54, v11;
	v54 =	vmul.f32 v55, v8  }
0x1b9: {  	v31 =	vld [tilespmem:s21+$0x60E0];
	v55 =	vmul.f32 v56, v9;
	v57 =	vmul.f32 v57, v10  }
0x1ba: {  	v36 =	vld [tilespmem:s21+$0x61E0];
	v10 =	vmul.f32 v40, v10;
	v17 =	vmul.f32 v17, v6  }
0x1bb: {  	v56 =	vld [tilespmem:s21+$0x60F0];
	v40 =	vmul.f32 v43, v7;
	v12 =	vadd.f32 v13, v12;
	v14 =	vadd.f32 v15, v14  }
0x1bc: {  	v43 =	vmul.f32 v23, v5;
	v13 =	vld [tilespmem:s21+$0x6030];
	v15 =	vadd.f32 v59, v58;
	v18 =	vadd.f32 v19, v18  }
0x1bd: {  	v25 =	vmul.f32 v25, v7;
	v19 =	vld [tilespmem:s21+$0x6080];
	v16 =	vadd.f32 v63, v62;
	v20 =	vadd.f32 v45, v44  }
0x1be: {  	v22 =	vadd.f32 v51, v50;
	v58 =	vmul.f32 v37, v11;
	v59 =	vld [tilespmem:s21+$0x6100];
	v27 =	vadd.f32 v53, v52  }
0x1bf: {  	v62 =	vld [tilespmem:s21+$0x6110];
	v11 =	vmul.f32 v41, v11;
	v45 =	vadd.f32 v40, v17;
	v50 =	vmul.f32 v28, v5  }
0x1c0: {  	v63 =	vld [tilespmem:s21+$0x6120];
	v52 =	vmul.f32 v30, v6;
	v12 =	vadd.f32 v14, v12;
	v14 =	vadd.f32 v61, v60  }
0x1c1: {  	v41 =	vld [tilespmem:s21+$0x6150];
	v15 =	vadd.f32 v18, v15;
	v18 =	vadd.f32 v47, v46;
	v60 =	vmul.f32 v38, v8  }
0x1c2: {  	v44 =	vld [tilespmem:s21+$0x6160];
	v61 =	vmul.f32 v39, v9;
	v8 =	vmul.f32 v42, v8;
	v10 =	vadd.f32 v11, v10  }
0x1c3: {  	v51 =	vld [tilespmem:s21+$0x6190];
	v42 =	vmul.f32 v21, v4;
	v14 =	vadd.f32 v16, v14;
	v16 =	vadd.f32 v49, v48  }
0x1c4: {  	v53 =	vld [tilespmem:s21+$0x61A0];
	v47 =	vmul.f32 v24, v7;
	v18 =	vadd.f32 v18, v20;
	v20 =	vadd.f32 v55, v54  }
0x1c5: {  	v38 =	vld [tilespmem:s21+$0x6130];
	v29 =	vadd.f32 v61, v60;
	v49 =	vmul.f32 v26, v4;
	v54 =	vmul.f32 v31, v4  }
0x1c6: {  	v39 =	vld [tilespmem:s21+$0x6140];
	v11 =	vadd.f32 v43, v42;
	v55 =	vmul.f32 v56, v5;
	v9 =	vmul.f32 v13, v9  }
0x1c7: {  	v46 =	vld [tilespmem:s21+$0x6170];
	v19 =	vmul.f32 v19, v6;
	v59 =	vmul.f32 v59, v6;
	v16 =	vadd.f32 v22, v16  }
0x1c8: {  	v48 =	vld [tilespmem:s21+$0x6180];
	v60 =	vmul.f32 v62, v7;
	v22 =	vadd.f32 v58, v57;
	v20 =	vadd.f32 v20, v27  }
0x1c9: {  	v56 =	vld [tilespmem:s21+$0x61B0];
	v62 =	vmul.f32 v63, v4;
	v58 =	vadd.f32 v55, v54;
	v8 =	vadd.f32 v9, v8  }
0x1ca: {  	(xrf2) =	vadd.scan.msk.f32 $0xffff, v12;
	v61 =	vld [tilespmem:s21+$0x61D0];
	v55 =	vmul.f32 v36, v4;
	v9 =	vadd.f32 v11, v45;
	v19 =	vadd.f32 v47, v19  }
0x1cb: {  	v42 =	vld [tilespmem:s21+$0x6200];
	(xrf2) =	vadd.scan.msk.f32 $0xffff, v15;
	v11 =	vadd.f32 v25, v52;
	v63 =	vmul.f32 v38, v5;
	v37 =	vmul.f32 v39, v6  }
0x1cc: {  	v57 =	vld [tilespmem:s21+$0x61C0];
	(xrf2) =	vadd.scan.msk.f32 $0xffff, v14;
	v38 =	vmul.f32 v41, v7;
	v40 =	vadd.f32 v60, v59;
	v41 =	vmul.f32 v44, v4  }
0x1cd: {  	v39 =	vld [tilespmem:s21+$0x61F0];
	(xrf2) =	vadd.scan.msk.f32 $0xffff, v18;
	v17 =	vmul.f32 v46, v5;
	v22 =	vadd.f32 v29, v22;
	v8 =	vadd.f32 v8, v10  }
0x1ce: {  	v43 =	vld [tilespmem:s21+$0x6210];
	v46 =	vmul.f32 v51, v7;
	(xrf2) =	vadd.scan.msk.f32 $0xffff, v16;
	v10 =	vadd.f32 v50, v49;
	v11 =	vadd.f32 v58, v11  }
0x1cf: {  	v47 =	vld [tilespmem:s21+$0x6220];
	v15 =	vadd.f32 v63, v62;
	v12 =	vadd.f32 v38, v37;
	(xrf2) =	vadd.scan.msk.f32 $0xffff, v20;
	v45 =	vmul.f32 v48, v6  }
0x1d0: {  	v44 =	vadd.f32 v17, v41;
	v48 =	vmul.f32 v53, v4;
	v49 =	vmul.f32 v56, v5;
	v50 =	vld [tilespmem:s21+$0x6230];
	(xrf2) =	vadd.scan.msk.f32 $0xffff, v22  }
0x1d1: {  	v53 =	vmul.f32 v61, v7;
	v10 =	vadd.f32 v10, v19;
	v15 =	vadd.f32 v15, v40;
	(xrf2) =	vadd.scan.msk.f32 $0xffff, v8  }
0x1d2: {  	v51 =	vadd.f32 v44, v12;
	v52 =	vmul.f32 v57, v6;
	(xrf2) =	vadd.scan.msk.f32 $0xffff, v9;
	v14 =	vmul.f32 v39, v5  }
0x1d3: {  	v59 =	vmul.f32 v42, v6;
	v54 =	vadd.f32 v46, v45;
	v56 =	vadd.f32 v49, v48;
	(xrf2) =	vadd.scan.msk.f32 $0xffff, v10  }
0x1d4: {  	v13 =	vmul.f32 v43, v7;
	v12 =	vadd.f32 v53, v52;
	v57, _, _ =	vpop (xrf2);
	(xrf2) =	vadd.scan.msk.f32 $0xffff, v11;
	v58 =	vadd.f32 v14, v55  }
0x1d5: {  	v61 =	vmul.f32 v47, v4;
	v9 =	vadd.f32 v56, v54;
	v62 =	vmul.f32 v50, v5;
	v60, _, _ =	vpop (xrf2);
	(xrf2) =	vadd.scan.msk.f32 $0xffff, v15  }
0x1d6: {  	v16 =	vbroadcast v57, $0xF;
	v17 =	vbroadcast v60, $0xF;
	v63, _, _ =	vpop (xrf2);
	(xrf2) =	vadd.scan.msk.f32 $0xffff, v51;
	v20 =	vadd.f32 v58, v12  }
0x1d7: {  	v23 =	vadd.f32 v13, v59;
	v10 =	vadd.f32 v62, v61;
	v21 =	vbroadcast v63, $0xF;
	v22, _, _ =	vpop (xrf2);
	(xrf2) =	vadd.scan.msk.f32 $0xffff, v9  }
0x1d8: {  	v24 =	vsel vm0, v16, v17;
	v12 =	vbroadcast v22, $0xF;
	v25, _, _ =	vpop (xrf2);
	(xrf2) =	vadd.scan.msk.f32 $0xffff, v20  }
0x1d9: {  	v9 =	vadd.f32 v10, v23;
	v26 =	vsel vm1, v24, v21;
	v27 =	vbroadcast v25, $0xF;
	v28, _, _ =	vpop (xrf2)  }
0x1da: {  	v8 =	vsel vm2, v26, v12;
	v29 =	vbroadcast v28, $0xF;
	v30, _, _ =	vpop (xrf2)  }
0x1db: {  	(xrf2) =	vadd.scan.msk.f32 $0xffff, v9;
	v8 =	vsel vm3, v8, v27;
	v31 =	vbroadcast v30, $0xF;
	v32, _, _ =	vpop (xrf2)  }
0x1dc: {  	v8 =	vsel vm4, v8, v29;
	v33 =	vbroadcast v32, $0xF;
	v34, _, _ =	vpop (xrf2)  }
0x1dd: {  	v8 =	vsel vm5, v8, v31;
	v10 =	vbroadcast v34, $0xF;
	v35, _, _ =	vpop (xrf2)  }
0x1de: {  	v8 =	vsel vm6, v8, v33;
	v36 =	vbroadcast v35, $0xF;
	v37, _, _ =	vpop (xrf2)  }
0x1df: {  	v8 =	vsel vm7, v8, v10;
	v38 =	vbroadcast v37, $0xF;
	v39, _, _ =	vpop (xrf2)  }
0x1e0: {  	v8 =	vsel vm8, v8, v36;
	v40 =	vbroadcast v39, $0xF;
	v41, _, _ =	vpop (xrf2)  }
0x1e1: {  	v8 =	vsel vm9, v8, v38;
	v42 =	vbroadcast v41, $0xF;
	v43, _, _ =	vpop (xrf2)  }
0x1e2: {  	v8 =	vsel vm10, v8, v40;
	v44 =	vbroadcast v43, $0xF;
	v45, _, _ =	vpop (xrf2)  }
0x1e3: {  	v8 =	vsel vm11, v8, v42;
	v46 =	vbroadcast v45, $0xF  }
0x1e4: {  	v8 =	vsel vm12, v8, v44  }
0x1e5: {  	v47, _, _ =	vpop (xrf2);
	v8 =	vsel vm13, v8, v46  }
0x1e6: {  	v8 =	vsel vm14, v8, v47  }
0x1e7: {  	[tilespmem:s20+$0x19E60] =	vst v8  }
0x1e8: {  	v8 =	vld [tilespmem:s21+$0x6240]  }
0x1e9: {  	v9 =	vld [tilespmem:s21+$0x6250]  }
0x1ea: {  	v10 =	vld [tilespmem:s21+$0x6260]  }
0x1eb: {  	v48 =	vld [tilespmem:s21+$0x6270]  }
0x1ec: {  	v49 =	vld [tilespmem:s21+$0x6280]  }
0x1ed: {  	v40 =	vld [tilespmem:s21+$0x6290]  }
0x1ee: {  	v41 =	vld [tilespmem:s21+$0x62A0]  }
0x1ef: {  	v50 =	vld [tilespmem:s21+$0x62B0]  }
0x1f0: {  	v51 =	vld [tilespmem:s21+$0x62C0]  }
0x1f1: {  	v52 =	vld [tilespmem:s21+$0x62D0]  }
0x1f2: {  	v53 =	vld [tilespmem:s21+$0x62E0]  }
0x1f3: {  	v54 =	vld [tilespmem:s21+$0x62F0]  }
0x1f4: {  	v55 =	vld [tilespmem:s21+$0x6300]  }
0x1f5: {  	v56 =	vld [tilespmem:s21+$0x6310]  }
0x1f6: {  	v57 =	vld [tilespmem:s21+$0x6320]  }
0x1f7: {  	v58 =	vld [tilespmem:s21+$0x6330]  }
0x1f8: {  	v59 =	vld [tilespmem:s21+$0x6340]  }
0x1f9: {  	v60 =	vld [tilespmem:s21+$0x6350]  }
0x1fa: {  	v61 =	vld [tilespmem:s21+$0x6360]  }
0x1fb: {  	v62 =	vld [tilespmem:s21+$0x6370]  }
0x1fc: {  	v63 =	vld [tilespmem:s21+$0x6380]  }
0x1fd: {  	v42 =	vld [tilespmem:s21+$0x6390]  }
0x1fe: {  	v43 =	vld [tilespmem:s21+$0x63A0]  }
0x1ff: {  	v44 =	vld [tilespmem:s21+$0x63B0]  }
0x200: {  	v45 =	vld [tilespmem:s21+$0x63C0]  }
0x201: {  	v46 =	vld [tilespmem:s21+$0x63D0]  }
0x202: {  	v47 =	vld [tilespmem:s21+$0x63E0]  }
0x203: {  	v35 =	vld [tilespmem:s21+$0x63F0]  }
0x204: {  	v36 =	vld [tilespmem:s21+$0x6400];
	v8 =	vmul.f32 v8, v6;
	v9 =	vmul.f32 v9, v7  }
0x205: {  	v37 =	vld [tilespmem:s21+$0x6410];
	v10 =	vmul.f32 v10, v4;
	v11 =	vmul.f32 v48, v5  }
0x206: {  	v38 =	vld [tilespmem:s21+$0x6420];
	v48 =	vmul.f32 v49, v6;
	v49 =	vmul.f32 v40, v7  }
0x207: {  	v13 =	vld [tilespmem:s21+$0x6440];
	v14 =	vmul.f32 v41, v4;
	v15 =	vmul.f32 v50, v5  }
0x208: {  	v39 =	vld [tilespmem:s21+$0x6450];
	v50 =	vmul.f32 v51, v6;
	v51 =	vmul.f32 v52, v7  }
0x209: {  	v17 =	vld [tilespmem:s21+$0x6460];
	v52 =	vmul.f32 v53, v4;
	v53 =	vmul.f32 v54, v5  }
0x20a: {  	v19 =	vld [tilespmem:s21+$0x6470];
	v54 =	vmul.f32 v55, v6;
	v55 =	vmul.f32 v56, v7  }
0x20b: {  	v20 =	vld [tilespmem:s21+$0x6490];
	v56 =	vmul.f32 v57, v4;
	v57 =	vmul.f32 v58, v5  }
0x20c: {  	v22 =	vld [tilespmem:s21+$0x64A0];
	v58 =	vmul.f32 v59, v6;
	v59 =	vmul.f32 v60, v7  }
0x20d: {  	v24 =	vld [tilespmem:s21+$0x64B0];
	v60 =	vmul.f32 v61, v4;
	v61 =	vmul.f32 v62, v5  }
0x20e: {  	v26 =	vld [tilespmem:s21+$0x64C0];
	v62 =	vmul.f32 v63, v6;
	v63 =	vmul.f32 v42, v7  }
0x20f: {  	v21 =	vld [tilespmem:s21+$0x64D0];
	v41 =	vmul.f32 v43, v4;
	v42 =	vmul.f32 v44, v5  }
0x210: {  	v40 =	vld [tilespmem:s21+$0x64E0];
	v44 =	vmul.f32 v45, v6;
	v45 =	vmul.f32 v46, v7  }
0x211: {  	v43 =	vld [tilespmem:s21+$0x64F0];
	v47 =	vmul.f32 v47, v4;
	v13 =	vmul.f32 v13, v6  }
0x212: {  	v46 =	vld [tilespmem:s21+$0x6500];
	v17 =	vmul.f32 v17, v4;
	v19 =	vmul.f32 v19, v5  }
0x213: {  	v22 =	vmul.f32 v22, v4;
	v8 =	vadd.f32 v9, v8;
	v9 =	vld [tilespmem:s21+$0x6430];
	v10 =	vadd.f32 v11, v10  }
0x214: {  	v24 =	vmul.f32 v24, v5;
	v11 =	vadd.f32 v49, v48;
	v14 =	vadd.f32 v15, v14;
	v15 =	vld [tilespmem:s21+$0x6480]  }
0x215: {  	v21 =	vmul.f32 v21, v7;
	v12 =	vadd.f32 v53, v52;
	v16 =	vadd.f32 v55, v54;
	v49 =	vld [tilespmem:s21+$0x6510]  }
0x216: {  	v18 =	vadd.f32 v61, v60;
	v23 =	vadd.f32 v63, v62;
	v48 =	vmul.f32 v35, v5;
	v53 =	vld [tilespmem:s21+$0x6530]  }
0x217: {  	v52 =	vmul.f32 v37, v7;
	v55 =	vld [tilespmem:s21+$0x6540];
	v17 =	vadd.f32 v19, v17;
	v22 =	vadd.f32 v24, v22  }
0x218: {  	v54 =	vmul.f32 v38, v4;
	v61 =	vld [tilespmem:s21+$0x6580];
	v8 =	vadd.f32 v10, v8;
	v10 =	vadd.f32 v51, v50  }
0x219: {  	v60 =	vmul.f32 v20, v7;
	v62 =	vld [tilespmem:s21+$0x6590];
	v11 =	vadd.f32 v14, v11;
	v14 =	vadd.f32 v57, v56  }
0x21a: {  	v37 =	vld [tilespmem:s21+$0x65A0];
	v25 =	vadd.f32 v48, v47;
	v51 =	vmul.f32 v36, v6;
	v56 =	vmul.f32 v39, v7  }
0x21b: {  	v50 =	vld [tilespmem:s21+$0x6520];
	v38 =	vmul.f32 v40, v4;
	v10 =	vadd.f32 v12, v10;
	v12 =	vadd.f32 v59, v58  }
0x21c: {  	v57 =	vld [tilespmem:s21+$0x6550];
	v39 =	vmul.f32 v43, v5;
	v14 =	vadd.f32 v14, v16;
	v16 =	vadd.f32 v42, v41  }
0x21d: {  	v63 =	vmul.f32 v26, v6;
	v48 =	vld [tilespmem:s21+$0x65F0];
	v30 =	vadd.f32 v52, v51;
	v13 =	vadd.f32 v56, v13  }
0x21e: {  	v40 =	vld [tilespmem:s21+$0x65B0];
	v9 =	vmul.f32 v9, v5;
	v15 =	vmul.f32 v15, v6;
	v42 =	vadd.f32 v39, v38  }
0x21f: {  	v43 =	vld [tilespmem:s21+$0x65D0];
	v6 =	vmul.f32 v46, v6;
	v7 =	vmul.f32 v49, v7;
	v12 =	vadd.f32 v18, v12  }
0x220: {  	v58 =	vld [tilespmem:s21+$0x6560];
	v5 =	vmul.f32 v53, v5;
	v18 =	vadd.f32 v45, v44;
	v16 =	vadd.f32 v16, v23  }
0x221: {  	v59 =	vld [tilespmem:s21+$0x6570];
	(xrf2) =	vadd.scan.msk.f32 $0xffff, v8;
	v46 =	vmul.f32 v55, v2;
	v13 =	vadd.f32 v17, v13;
	v17 =	vadd.f32 v21, v63  }
0x222: {  	v41 =	vld [tilespmem:s21+$0x65C0];
	(xrf2) =	vadd.scan.msk.f32 $0xffff, v11;
	v55 =	vmul.f32 v62, v3;
	v9 =	vadd.f32 v9, v54;
	v15 =	vadd.f32 v60, v15  }
0x223: {  	v51 =	vld [tilespmem:s21+$0x6600];
	(xrf2) =	vadd.scan.msk.f32 $0xffff, v10;
	v4 =	vmul.f32 v50, v4;
	v47 =	vmul.f32 v57, v3;
	v6 =	vadd.f32 v7, v6  }
0x224: {  	v45 =	vld [tilespmem:s21+$0x65E0];
	(xrf2) =	vadd.scan.msk.f32 $0xffff, v14;
	v54 =	vmul.f32 v61, v2;
	v57 =	vmul.f32 v37, v0;
	v18 =	vadd.f32 v25, v18  }
0x225: {  	v56 =	vld [tilespmem:s21+$0x6620];
	v63 =	vmul.f32 v48, v1;
	v8 =	vadd.f32 v42, v17;
	(xrf2) =	vadd.scan.msk.f32 $0xffff, v12;
	v9 =	vadd.f32 v9, v30  }
0x226: {  	v53 =	vld [tilespmem:s21+$0x6610];
	v44 =	vadd.f32 v22, v15;
	v49 =	vmul.f32 v58, v0;
	v50 =	vmul.f32 v59, v1;
	(xrf2) =	vadd.scan.msk.f32 $0xffff, v16  }
0x227: {  	v61 =	vmul.f32 v43, v3;
	v4 =	vadd.f32 v5, v4;
	v52 =	vadd.f32 v47, v46;
	v59 =	vld [tilespmem:s21+$0x6630];
	(xrf2) =	vadd.scan.msk.f32 $0xffff, v18  }
0x228: {  	v58 =	vmul.f32 v40, v1;
	v60 =	vmul.f32 v41, v2;
	v7 =	vadd.f32 v50, v49;
	(xrf2) =	vadd.scan.msk.f32 $0xffff, v9  }
0x229: {  	v12 =	vadd.f32 v55, v54;
	v4 =	vadd.f32 v4, v6;
	v62 =	vmul.f32 v45, v0;
	(xrf2) =	vadd.scan.msk.f32 $0xffff, v13  }
0x22a: {  	v21 =	vmul.f32 v51, v2;
	v6 =	vadd.f32 v58, v57;
	v5 =	vadd.f32 v7, v52;
	(xrf2) =	vadd.scan.msk.f32 $0xffff, v44  }
0x22b: {  	v24 =	vmul.f32 v56, v0;
	v7 =	vadd.f32 v61, v60;
	v20 =	vadd.f32 v63, v62;
	v19, _, _ =	vpop (xrf2);
	(xrf2) =	vadd.scan.msk.f32 $0xffff, v8  }
0x22c: {  	v10 =	vmul.f32 v53, v3;
	v23 =	vadd.f32 v6, v12;
	v25 =	vmul.f32 v59, v1;
	v22, _, _ =	vpop (xrf2);
	(xrf2) =	vadd.scan.msk.f32 $0xffff, v4  }
0x22d: {  	v9 =	vbroadcast v19, $0xF;
	v27 =	vadd.f32 v20, v7;
	v13 =	vbroadcast v22, $0xF;
	v26, _, _ =	vpop (xrf2);
	(xrf2) =	vadd.scan.msk.f32 $0xffff, v5  }
0x22e: {  	v30 =	vadd.f32 v10, v21;
	v6 =	vadd.f32 v25, v24;
	v28 =	vbroadcast v26, $0xF;
	v29, _, _ =	vpop (xrf2);
	(xrf2) =	vadd.scan.msk.f32 $0xffff, v23  }
0x22f: {  	v9 =	vsel vm0, v9, v13;
	v8 =	vbroadcast v29, $0xF;
	v31, _, _ =	vpop (xrf2);
	(xrf2) =	vadd.scan.msk.f32 $0xffff, v27  }
0x230: {  	v4 =	vadd.f32 v6, v30;
	v32 =	vsel vm1, v9, v28;
	v33 =	vbroadcast v31, $0xF;
	v34, _, _ =	vpop (xrf2)  }
0x231: {  	v5 =	vsel vm2, v32, v8;
	v35 =	vbroadcast v34, $0xF;
	v36, _, _ =	vpop (xrf2)  }
0x232: {  	v5 =	vsel vm3, v5, v33;
	v37 =	vbroadcast v36, $0xF;
	v38, _, _ =	vpop (xrf2);
	(xrf2) =	vadd.scan.msk.f32 $0xffff, v4  }
0x233: {  	v39 =	vsel vm4, v5, v35;
	v40 =	vbroadcast v38, $0xF;
	v41, _, _ =	vpop (xrf2)  }
0x234: {  	v4 =	vsel vm5, v39, v37;
	v6 =	vbroadcast v41, $0xF;
	v42, _, _ =	vpop (xrf2)  }
0x235: {  	v4 =	vsel vm6, v4, v40;
	v43 =	vbroadcast v42, $0xF;
	v44, _, _ =	vpop (xrf2)  }
0x236: {  	v4 =	vsel vm7, v4, v6;
	v45 =	vbroadcast v44, $0xF;
	v46, _, _ =	vpop (xrf2)  }
0x237: {  	v4 =	vsel vm8, v4, v43;
	v47 =	vbroadcast v46, $0xF;
	v48, _, _ =	vpop (xrf2)  }
0x238: {  	v4 =	vsel vm9, v4, v45;
	v49 =	vbroadcast v48, $0xF;
	v50, _, _ =	vpop (xrf2)  }
0x239: {  	v4 =	vsel vm10, v4, v47;
	v51 =	vbroadcast v50, $0xF;
	v52, _, _ =	vpop (xrf2)  }
0x23a: {  	v4 =	vsel vm11, v4, v49;
	v53 =	vbroadcast v52, $0xF  }
0x23b: {  	v4 =	vsel vm12, v4, v51  }
0x23c: {  	v4 =	vsel vm13, v4, v53;
	v54, _, _ =	vpop (xrf2)  }
0x23d: {  	v4 =	vsel vm14, v4, v54  }
0x23e: {  	[tilespmem:s20+$0x19E70] =	vst v4  }
0x23f: {  	v4 =	vld [tilespmem:s21+$0x6640]  }
0x240: {  	v55 =	vld [tilespmem:s21+$0x6650]  }
0x241: {  	v56 =	vld [tilespmem:s21+$0x6660]  }
0x242: {  	v57 =	vld [tilespmem:s21+$0x6670]  }
0x243: {  	v58 =	vld [tilespmem:s21+$0x6680]  }
0x244: {  	v59 =	vld [tilespmem:s21+$0x6690]  }
0x245: {  	v60 =	vld [tilespmem:s21+$0x66A0]  }
0x246: {  	v61 =	vld [tilespmem:s21+$0x66B0]  }
0x247: {  	v62 =	vld [tilespmem:s21+$0x66C0]  }
0x248: {  	v63 =	vld [tilespmem:s21+$0x66D0]  }
0x249: {  	v36 =	vld [tilespmem:s21+$0x66E0]  }
0x24a: {  	v37 =	vld [tilespmem:s21+$0x66F0]  }
0x24b: {  	v38 =	vld [tilespmem:s21+$0x6700]  }
0x24c: {  	v39 =	vld [tilespmem:s21+$0x6710]  }
0x24d: {  	v40 =	vld [tilespmem:s21+$0x6720]  }
0x24e: {  	v41 =	vld [tilespmem:s21+$0x6730]  }
0x24f: {  	v42 =	vld [tilespmem:s21+$0x6740]  }
0x250: {  	v43 =	vld [tilespmem:s21+$0x6750]  }
0x251: {  	v44 =	vld [tilespmem:s21+$0x6760]  }
0x252: {  	v45 =	vld [tilespmem:s21+$0x6770]  }
0x253: {  	v46 =	vld [tilespmem:s21+$0x6780]  }
0x254: {  	v47 =	vld [tilespmem:s21+$0x6790]  }
0x255: {  	v48 =	vld [tilespmem:s21+$0x67A0]  }
0x256: {  	v49 =	vld [tilespmem:s21+$0x67B0]  }
0x257: {  	v50 =	vld [tilespmem:s21+$0x67C0]  }
0x258: {  	v51 =	vld [tilespmem:s21+$0x67D0]  }
0x259: {  	v52 =	vld [tilespmem:s21+$0x67E0]  }
0x25a: {  	v53 =	vld [tilespmem:s21+$0x67F0]  }
0x25b: {  	v32 =	vld [tilespmem:s21+$0x6800];
	v4 =	vmul.f32 v4, v2  }
0x25c: {  	v33 =	vld [tilespmem:s21+$0x6810];
	v5 =	vmul.f32 v55, v3;
	v6 =	vmul.f32 v56, v0  }
0x25d: {  	v34 =	vld [tilespmem:s21+$0x6820];
	v7 =	vmul.f32 v57, v1;
	v54 =	vmul.f32 v58, v2  }
0x25e: {  	v9 =	vld [tilespmem:s21+$0x6840];
	v55 =	vmul.f32 v59, v3;
	v10 =	vmul.f32 v60, v0  }
0x25f: {  	v35 =	vld [tilespmem:s21+$0x6850];
	v11 =	vmul.f32 v61, v1;
	v56 =	vmul.f32 v62, v2  }
0x260: {  	v13 =	vld [tilespmem:s21+$0x6860];
	v57 =	vmul.f32 v63, v3;
	v58 =	vmul.f32 v36, v0  }
0x261: {  	v15 =	vld [tilespmem:s21+$0x6870];
	v59 =	vmul.f32 v37, v1;
	v60 =	vmul.f32 v38, v2  }
0x262: {  	v16 =	vld [tilespmem:s21+$0x6890];
	v61 =	vmul.f32 v39, v3;
	v62 =	vmul.f32 v40, v0  }
0x263: {  	v18 =	vld [tilespmem:s21+$0x68A0];
	v63 =	vmul.f32 v41, v1;
	v36 =	vmul.f32 v42, v2  }
0x264: {  	v22 =	vld [tilespmem:s21+$0x6A30];
	v37 =	vmul.f32 v43, v3;
	v39 =	vmul.f32 v44, v0  }
0x265: {  	v38 =	vld [tilespmem:s21+$0x68B0];
	v40 =	vmul.f32 v45, v1;
	v43 =	vmul.f32 v46, v2  }
0x266: {  	v41 =	vld [tilespmem:s21+$0x68C0];
	v44 =	vmul.f32 v47, v3;
	v46 =	vmul.f32 v48, v0  }
0x267: {  	v42 =	vld [tilespmem:s21+$0x68D0];
	v47 =	vmul.f32 v49, v1;
	v49 =	vmul.f32 v50, v2  }
0x268: {  	v45 =	vld [tilespmem:s21+$0x68E0];
	v50 =	vmul.f32 v51, v3;
	v52 =	vmul.f32 v52, v0  }
0x269: {  	v48 =	vld [tilespmem:s21+$0x68F0];
	v53 =	vmul.f32 v53, v1;
	v9 =	vmul.f32 v9, v2;
	v4 =	vadd.f32 v5, v4  }
0x26a: {  	v51 =	vld [tilespmem:s21+$0x6900];
	v13 =	vmul.f32 v13, v0;
	v6 =	vadd.f32 v7, v6;
	v7 =	vadd.f32 v55, v54  }
0x26b: {  	v15 =	vmul.f32 v15, v1;
	v5 =	vld [tilespmem:s21+$0x6830];
	v10 =	vadd.f32 v11, v10;
	v8 =	vadd.f32 v59, v58  }
0x26c: {  	v18 =	vmul.f32 v18, v0;
	v11 =	vld [tilespmem:s21+$0x6880];
	v12 =	vadd.f32 v61, v60;
	v14 =	vadd.f32 v40, v39  }
0x26d: {  	v19 =	vadd.f32 v44, v43;
	v54 =	vld [tilespmem:s21+$0x6910];
	v21 =	vadd.f32 v53, v52;
	v59 =	vmul.f32 v34, v0  }
0x26e: {  	v55 =	vld [tilespmem:s21+$0x6920];
	v61 =	vmul.f32 v35, v3;
	v13 =	vadd.f32 v15, v13;
	v4 =	vadd.f32 v6, v4  }
0x26f: {  	v58 =	vld [tilespmem:s21+$0x6930];
	v34 =	vmul.f32 v16, v3;
	v6 =	vadd.f32 v57, v56;
	v7 =	vadd.f32 v10, v7  }
0x270: {  	v60 =	vld [tilespmem:s21+$0x6940];
	v10 =	vadd.f32 v63, v62;
	v56 =	vmul.f32 v32, v2;
	v57 =	vmul.f32 v33, v3  }
0x271: {  	v35 =	vld [tilespmem:s21+$0x6980];
	v9 =	vadd.f32 v61, v9;
	v20 =	vmul.f32 v38, v1;
	v17 =	vmul.f32 v42, v3  }
0x272: {  	v53 =	vld [tilespmem:s21+$0x69F0];
	v39 =	vmul.f32 v45, v0;
	v40 =	vmul.f32 v48, v1;
	v6 =	vadd.f32 v8, v6  }
0x273: {  	v62 =	vld [tilespmem:s21+$0x6950];
	v44 =	vmul.f32 v51, v2;
	v8 =	vadd.f32 v37, v36;
	v10 =	vadd.f32 v10, v12  }
0x274: {  	v63 =	vld [tilespmem:s21+$0x6960];
	v12 =	vadd.f32 v47, v46;
	v26 =	vadd.f32 v57, v56;
	v37 =	vmul.f32 v41, v2  }
0x275: {  	v33 =	vld [tilespmem:s21+$0x6970];
	v9 =	vadd.f32 v13, v9;
	v5 =	vmul.f32 v5, v1;
	v11 =	vmul.f32 v11, v2  }
0x276: {  	v38 =	vld [tilespmem:s21+$0x69A0];
	v18 =	vadd.f32 v20, v18;
	v45 =	vmul.f32 v54, v3;
	v48 =	vmul.f32 v55, v0  }
0x277: {  	v42 =	vld [tilespmem:s21+$0x69C0];
	v43 =	vadd.f32 v40, v39;
	v51 =	vmul.f32 v60, v2;
	v60 =	vmul.f32 v35, v2  }
0x278: {  	v36 =	vld [tilespmem:s21+$0x6990];
	(xrf2) =	vadd.scan.msk.f32 $0xffff, v4;
	v31 =	vmul.f32 v53, v1;
	v8 =	vadd.f32 v14, v8;
	v14 =	vadd.f32 v50, v49  }
0x279: {  	v41 =	vld [tilespmem:s21+$0x69B0];
	(xrf2) =	vadd.scan.msk.f32 $0xffff, v7;
	v12 =	vadd.f32 v12, v19;
	v13 =	vadd.f32 v17, v37;
	v49 =	vmul.f32 v58, v1  }
0x27a: {  	v46 =	vld [tilespmem:s21+$0x69D0];
	(xrf2) =	vadd.scan.msk.f32 $0xffff, v6;
	v5 =	vadd.f32 v5, v59;
	v11 =	vadd.f32 v34, v11;
	v52 =	vmul.f32 v62, v3  }
0x27b: {  	v50 =	vld [tilespmem:s21+$0x69E0];
	(xrf2) =	vadd.scan.msk.f32 $0xffff, v10;
	v54 =	vadd.f32 v45, v44;
	v55 =	vmul.f32 v63, v0;
	v14 =	vadd.f32 v21, v14  }
0x27c: {  	v56 =	vld [tilespmem:s21+$0x6A00];
	v19 =	vmul.f32 v33, v1;
	v4 =	vadd.f32 v43, v13;
	(xrf2) =	vadd.scan.msk.f32 $0xffff, v8;
	v57 =	vadd.f32 v49, v48  }
0x27d: {  	v58 =	vld [tilespmem:s21+$0x6A10];
	v63 =	vmul.f32 v38, v0;
	v27 =	vmul.f32 v42, v2;
	v5 =	vadd.f32 v5, v26;
	(xrf2) =	vadd.scan.msk.f32 $0xffff, v12  }
0x27e: {  	v62 =	vld [tilespmem:s21+$0x6A20];
	v6 =	vadd.f32 v52, v51;
	v59 =	vadd.f32 v19, v55;
	v61 =	vmul.f32 v36, v3;
	(xrf2) =	vadd.scan.msk.f32 $0xffff, v14  }
0x27f: {  	v47 =	vadd.f32 v18, v11;
	v21 =	vmul.f32 v41, v1;
	v28 =	vmul.f32 v46, v3;
	(xrf2) =	vadd.scan.msk.f32 $0xffff, v5  }
0x280: {  	v8 =	vadd.f32 v57, v54;
	v25 =	vadd.f32 v59, v6;
	v30 =	vmul.f32 v50, v0;
	(xrf2) =	vadd.scan.msk.f32 $0xffff, v9  }
0x281: {  	v2 =	vmul.f32 v56, v2;
	v29 =	vadd.f32 v61, v60;
	v32 =	vadd.f32 v21, v63;
	(xrf2) =	vadd.scan.msk.f32 $0xffff, v47  }
0x282: {  	v1 =	vmul.f32 v22, v1;
	v6 =	vadd.f32 v28, v27;
	v34 =	vadd.f32 v31, v30;
	v33, _, _ =	vpop (xrf2);
	(xrf2) =	vadd.scan.msk.f32 $0xffff, v4  }
0x283: {  	v3 =	vmul.f32 v58, v3;
	v0 =	vmul.f32 v62, v0;
	v7 =	vadd.f32 v32, v29;
	v35, _, _ =	vpop (xrf2);
	(xrf2) =	vadd.scan.msk.f32 $0xffff, v8  }
0x284: {  	v36 =	vbroadcast v33, $0xF;
	v4 =	vadd.f32 v34, v6;
	v37 =	vbroadcast v35, $0xF;
	v38, _, _ =	vpop (xrf2);
	(xrf2) =	vadd.scan.msk.f32 $0xffff, v25  }
0x285: {  	v2 =	vadd.f32 v3, v2;
	v0 =	vadd.f32 v1, v0;
	v39 =	vbroadcast v38, $0xF;
	v40, _, _ =	vpop (xrf2);
	(xrf2) =	vadd.scan.msk.f32 $0xffff, v7  }
0x286: {  	v41 =	vsel vm0, v36, v37;
	v42 =	vbroadcast v40, $0xF;
	v43, _, _ =	vpop (xrf2);
	(xrf2) =	vadd.scan.msk.f32 $0xffff, v4  }
0x287: {  	v0 =	vadd.f32 v0, v2;
	v44, _, _ =	vpop (xrf2);
	v1 =	vsel vm1, v41, v39;
	v45 =	vbroadcast v43, $0xF  }
0x288: {  	v46, _, _ =	vpop (xrf2);
	v1 =	vsel vm2, v1, v42;
	v47 =	vbroadcast v44, $0xF  }
0x289: {  	(xrf2) =	vadd.scan.msk.f32 $0xffff, v0;
	v1 =	vsel vm3, v1, v45;
	v2 =	vbroadcast v46, $0xF;
	v48, _, _ =	vpop (xrf2)  }
0x28a: {  	v49, _, _ =	vpop (xrf2);
	v1 =	vsel vm4, v1, v47;
	v50 =	vbroadcast v48, $0xF  }
0x28b: {  	v51, _, _ =	vpop (xrf2);
	v1 =	vsel vm5, v1, v2;
	v0 =	vbroadcast v49, $0xF  }
0x28c: {  	v52, _, _ =	vpop (xrf2);
	v1 =	vsel vm6, v1, v50;
	v53 =	vbroadcast v51, $0xF  }
0x28d: {  	v54, _, _ =	vpop (xrf2);
	v0 =	vsel vm7, v1, v0;
	v55 =	vbroadcast v52, $0xF  }
0x28e: {  	v56, _, _ =	vpop (xrf2);
	v0 =	vsel vm8, v0, v53;
	v57 =	vbroadcast v54, $0xF  }
0x28f: {  	v58, _, _ =	vpop (xrf2);
	v0 =	vsel vm9, v0, v55;
	v59 =	vbroadcast v56, $0xF  }
0x290: {  	p0 =	sne.s32 s18, $0xF;
	v60, _, _ =	vpop (xrf2);
	v0 =	vsel vm10, v0, v57;
	v61 =	vbroadcast v58, $0xF  }
.Ltmp0:
0x291: {  	v0 =	vsel vm11, v0, v59;
	v62 =	vbroadcast v60, $0xF;
	(pc) =	sbr.rel @p0 .LBB2_3-.Ltmp0, $4  }
0x292: {  	v0 =	vsel vm12, v0, v61  }
0x293: {  	v63, _, _ =	vpop (xrf2);
	v0 =	vsel vm13, v0, v62  }
0x294: {  	v0 =	vsel vm14, v0, v63  }
0x295: {  	s18 =	sadd.s32 $0x1, s18;
	[tilespmem:s20+$0x19E80] =	vst v0  }
0x296: {  	s15 =	sadd.s32 $0x1, s15  }
0x297: {  	p0 =	sne.s32 s15, $0x8  }
.Ltmp1:
0x298: {  	_ = 	snop;
	(pc) =	sbr.rel @p0 .LBB2_2-.Ltmp1, $1  }
0x299: {  	_ =	sdelay $0x3  }
0x29a: {  	s15 =	simm.s32 $0x0;
	s17 =	rddreg [dreg:$0x7];
	s18 =	simm.s32 $0x19640  }
0x29b: {  	[hbm4b:s17+s15] =	stream.linear.scatter [tilespmem:s18], [sflag:$0x2], $0x800, $0x38;
	[tilespmem:$0x1C640] =	vst v63  }
0x29c: {  	_ =	swait.ge [sflag:s12], $0x800  }
0x29d: {  	[sflag:s12] =	ssyncset.done $0x0  }
0x29e: {  	s19 =	simm.s32 $0x19E40;
	s18 =	rddreg [dreg:$0x8];
	[sflag:s12] =	ssyncadd.s32 $0xFFFFF800  }
0x29f: {  	[hbm4b:s18+s15] =	stream.linear.scatter [tilespmem:s19], [sflag:$0x2], $0x2800, $0x38;
	[tilespmem:$0x1C640] =	vst v63  }
0x2a0: {  	_ =	swait.ge [sflag:s12], $0x2800  }
0x2a1: {  	s20 =	rddreg [dreg:$0xa]  }
0x2a2: {  	s21 =	rddreg [dreg:$0x9];
	s17 =	sadd.s32 $0x1, s20  }
0x2a3: {  	p0 =	sne.s32 s17, s21  }
.Ltmp2:
0x2a4: {  	_ = 	snop;
	(pc) =	sbr.rel @p0 .LBB2_1-.Ltmp2, $3  }
0x2a5: {  	_ =	sdelay $0x1  }
0x2a6: {  	[sflag:s12] =	ssyncset.done $0x0  }
0x2a7: {  	[sflag:s12] =	ssyncadd.s32 $0xFFFFD800  }
0x2a8: {  	_ =	sfence.sel $0x180000  }
0x2a9: {  	[bflag:$0x0] =	sbarrier.arrive $0xFFFF  }
0x2aa: {  	_ =	strace $0x90000047  }
0x2ab: {  	s0 =	stileid.u32;
	[bflag:$0x2] =	sbarrier.arrive $0xFFFF  }
0x2ac: {  	p0 =	sne.s32 s0, $0x0;
	s0 =	rddreg [dreg:$0x6]  }
0x2ad: {  	s0 =	sadd.s32 @!p0 $0x100000, s0  }
0x2ae: {  	[sflag:s0] =	ssyncadd.tile.s32 @!p0 $0x1;
	_ =	shalt  }
.Lfunc_end2:
_tile_overlayer_lowered:
.L_overlay_start_2:
0x2af: {  	(tag) =	ssettag $0x2  }
0x2b0: {  	s0 =	rddreg [dreg:$0x0];
	s2 =	stileid.u32  }
0x2b1: {  	s1 =	rddreg [dreg:$0x1];
	p0 =	sne.s32 s2, $0x0  }
0x2b2: {  	s3 =	rddreg [dreg:$0x2];
	[bflag:$0x3] =	sbarrier.arrive $0xFFFF;
	s2 =	simm.s32 @!p0 $0x1C02  }
0x2b3: {  	[timem:s3], [sflag:s2] =	dma.local @!p0 [hbm:s0], s1  }
0x2b4: {  	s0 =	simm.s32 @!p0 $0x2  }
0x2b5: {  	_ =	swait.ge @!p0 [sflag:s0], s1  }
0x2b6: {  	s1 =	ssub.s32 @!p0 $0x0, s1;
	[sflag:s0] =	ssyncset.done @!p0 $0x0  }
0x2b7: {  	[sflag:s0] =	ssyncadd.s32 @!p0 s1  }
0x2b8: {  	[bflag:$0x3] =	sbarrier.arrive $0xFFFF  }
0x2b9: {  	_ =	shalt  }

</sc_bundles>
